<compile_context>
chip_gen: v7x
topology: tpu7x:2x2x1
jax: 0.10.2.dev20260603
libtpu: 0.0.44.dev20260713+nightly
codegen_flags: <defaults>
</compile_context>

<pallas_src>
import jax
import jax.numpy as jnp
from jax import lax
from jax.experimental import pallas as pl
from jax.experimental.pallas import tpu as pltpu
from jax.experimental.pallas import tpu_sc as plsc

_S = 512
_L = 16
_W = 144
_G = 128


def _sc_body(aug_hbm, xt_hbm, yt_hbm, zt_hbm, bprep_hbm,
             pooled_hbm, flag_hbm,
             xv, yv, zv, bx, idx_build, idx1d, fbuf0, fbuf1, obuf0, obuf1,
             flags_v, gsem, osem):
  B, N = xt_hbm.shape
  boxes_per_w = 16
  n_chunks = N // _L
  zero_row = B * N

  wid = lax.axis_index("s") * 2 + lax.axis_index("c")
  b = wid // 8
  m_base = (wid % 8) * boxes_per_w

  pltpu.sync_copy(xt_hbm.at[b], xv)
  pltpu.sync_copy(yt_hbm.at[b], yv)
  pltpu.sync_copy(zt_hbm.at[b], zv)
  pltpu.sync_copy(bprep_hbm.at[pl.ds(wid * boxes_per_w, boxes_per_w)], bx)

  lane = lax.iota(jnp.int32, _L)

  def one_box(j, carry):
    m = m_base + j
    brow = bx[j, :]
    cx = brow[0]
    cy = brow[1]
    czc = brow[2]
    dx2 = brow[3]
    dy2 = brow[4]
    dz2 = brow[5]
    cosa = brow[6]
    sina = brow[7]

    def in_box(i):
      x = xv[pl.ds(i * _L, _L)]
      y = yv[pl.ds(i * _L, _L)]
      z = zv[pl.ds(i * _L, _L)]
      z_ok = jnp.abs(z - czc) <= dz2
      sx = x - cx
      sy = y - cy
      local_x = sx * cosa + sy * (-sina)
      local_y = sx * sina + sy * cosa
      return (z_ok & (local_x > -dx2) & (local_x < dx2)
              & (local_y > -dy2) & (local_y < dy2))

    def cnt_body(i, counts):
      return counts + in_box(i).astype(jnp.int32)

    counts = lax.fori_loop(0, n_chunks, cnt_body,
                           jnp.zeros((_L,), jnp.int32), unroll=4)
    incl = jnp.cumsum(counts)
    cnt = incl[_L - 1]
    ex = incl - counts
    lanebase = lane * n_chunks + b * N

    def wr_body(i, ptrs):
      mask = in_box(i)
      wr = mask & (ptrs < _S)
      plsc.store_scatter(idx_build, (ptrs,), lanebase + i, mask=wr)
      return ptrs + mask.astype(jnp.int32)

    lax.fori_loop(0, n_chunks, wr_body, ex, unroll=4)

    empty = cnt == 0
    flags_v[...] = jnp.where(lane == j, empty.astype(jnp.int32), flags_v[...])

    denom = jnp.maximum(cnt, 1)
    for cch in range(_S // _L):
      pos = (lane + cch * _L) % denom
      vals = plsc.load_gather(idx_build, (pos,))
      vals = jnp.where(empty, zero_row, vals)
      idx1d[pl.ds(cch * _L, _L)] = vals

    tail_mask = lane < 3
    fbufs = (fbuf0, fbuf1)
    obufs = (obuf0, obuf1)
    nch = _S // _G
    gathers = [None] * nch
    outcps = [None] * nch

    def start_gather(g):
      gathers[g] = pltpu.async_copy(
          aug_hbm.at[idx1d.at[pl.ds(g * _G, _G)]], fbufs[g % 2], gsem)

    start_gather(0)
    for g in range(nch):
      fbuf = fbufs[g % 2]
      obuf = obufs[g % 2]
      if g >= 2:
        outcps[g - 2].wait()
      gathers[g].wait()
      if g + 1 < nch:
        start_gather(g + 1)

      def repack(r, carry2):
        rr = lane * 0 + r
        for k in range(8):
          v = fbuf[r, pl.ds(k * _L, _L)]
          plsc.store_scatter(obuf, (rr, lane + k * _L), v)
        v = fbuf[r, pl.ds(8 * _L, _L)]
        cols = jnp.minimum(lane + 8 * _L, 130)
        plsc.store_scatter(obuf, (rr, cols), v, mask=tail_mask)
        return carry2

      lax.fori_loop(0, _G, repack, 0)
      outcps[g] = pltpu.async_copy(
          obuf, pooled_hbm.at[b, m, pl.ds(g * _G, _G)], osem)
    outcps[nch - 2].wait()
    outcps[nch - 1].wait()
    return carry

  lax.fori_loop(0, boxes_per_w, one_box, 0)
  pltpu.sync_copy(flags_v, flag_hbm.at[b, pl.ds(m_base, boxes_per_w)])


@jax.jit
def kernel(points, point_features, boxes3d):
  B, N, _ = points.shape
  M = boxes3d.shape[1]
  C = point_features.shape[2]

  pad = jnp.zeros((B, N, _W - 3 - C), jnp.float32)
  aug = jnp.concatenate([points, point_features, pad], axis=-1)
  aug = aug.reshape(B * N, _W)
  aug = jnp.concatenate([aug, jnp.zeros((1, _W), jnp.float32)], axis=0)

  def stripes(a):
    return a.reshape(B, _L, N // _L).transpose(0, 2, 1).reshape(B, N)

  xt = stripes(points[:, :, 0])
  yt = stripes(points[:, :, 1])
  zt = stripes(points[:, :, 2])

  cx = boxes3d[:, :, 0]
  cy = boxes3d[:, :, 1]
  dz = boxes3d[:, :, 5]
  czc = boxes3d[:, :, 2] + dz / 2.0
  dx2 = boxes3d[:, :, 3] / 2.0
  dy2 = boxes3d[:, :, 4] / 2.0
  dz2 = dz / 2.0
  rz = boxes3d[:, :, 6]
  cosa = jnp.cos(-rz)
  sina = jnp.sin(-rz)
  zeros = jnp.zeros_like(cx)
  bprep = jnp.stack([cx, cy, czc, dx2, dy2, dz2, cosa, sina] + [zeros] * 8,
                    axis=-1).reshape(B * M, 16)

  mesh = plsc.VectorSubcoreMesh(core_axis_name="c", subcore_axis_name="s")
  run = pl.kernel(
      _sc_body,
      compiler_params=pltpu.CompilerParams(
          needs_layout_passes=False, use_tc_tiling_on_sc=False),
      out_type=[
          jax.ShapeDtypeStruct((B, M, _S, 3 + C), jnp.float32),
          jax.ShapeDtypeStruct((B, M), jnp.int32),
      ],
      mesh=mesh,
      scratch_types=[
          pltpu.VMEM((N,), jnp.float32),
          pltpu.VMEM((N,), jnp.float32),
          pltpu.VMEM((N,), jnp.float32),
          pltpu.VMEM((16, 16), jnp.float32),
          pltpu.VMEM((_S + 2 * _L,), jnp.int32),
          pltpu.VMEM((_S,), jnp.int32),
          pltpu.VMEM((_G, _W), jnp.float32),
          pltpu.VMEM((_G, _W), jnp.float32),
          pltpu.VMEM((_G, 131), jnp.float32),
          pltpu.VMEM((_G, 131), jnp.float32),
          pltpu.VMEM((_L,), jnp.int32),
          pltpu.SemaphoreType.DMA,
          pltpu.SemaphoreType.DMA,
      ],
  )
  pooled, flag = run(aug, xt, yt, zt, bprep)
  return pooled, flag

# --- scband reference (transcript-rebuilt; emitter-appended) ---
"""Pipeline reference for scband-ro-ipoint-pool3d-23845658427905 (READ-ONLY COPY).

The authoritative reference and input builder live on the scoring server;
editing this copy changes nothing except your own understanding.
"""

import jax, jax.numpy as jnp
import numpy as np

NUM_SAMPLED_POINTS = 512


def setup_inputs(seed: int = 0):
    key = jax.random.key(seed)
    k1, k2, k3 = jax.random.split(key, 3)
    B, N, C, M = 4, 16384, 128, 128
    points = jax.random.normal(k1, (B, N, 3), dtype=jnp.float32)
    point_features = jax.random.normal(k2, (B, N, C), dtype=jnp.float32)
    boxes3d = jax.random.uniform(k3, (B, M, 7), dtype=jnp.float32)
    return {"points": points, "point_features": point_features, "boxes3d": boxes3d}


def _roipoint_pool3d(points, point_features, boxes3d, num_sampled_points):
    # points: (B, N, 3), point_features: (B, N, C), boxes3d: (B, M, 7)
    # box layout: (cx, cy, cz, dx, dy, dz, rz), cz at box bottom center (LiDAR coords)
    B, N, _ = points.shape
    M = boxes3d.shape[1]
    C = point_features.shape[2]
    x = points[:, None, :, 0]  # (B,1,N)
    y = points[:, None, :, 1]
    z = points[:, None, :, 2]
    cx = boxes3d[:, :, None, 0]  # (B,M,1)
    cy = boxes3d[:, :, None, 1]
    dz = boxes3d[:, :, None, 5]
    cz = boxes3d[:, :, None, 2] + dz / 2.0  # shift to geometric center
    dx = boxes3d[:, :, None, 3]
    dy = boxes3d[:, :, None, 4]
    rz = boxes3d[:, :, None, 6]
    z_ok = jnp.abs(z - cz) <= dz / 2.0
    cosa = jnp.cos(-rz)
    sina = jnp.sin(-rz)
    sx = x - cx
    sy = y - cy
    local_x = sx * cosa + sy * (-sina)
    local_y = sx * sina + sy * cosa
    mask = (z_ok & (local_x > -dx / 2.0) & (local_x < dx / 2.0)
            & (local_y > -dy / 2.0) & (local_y < dy / 2.0))  # (B,M,N)
    cnt = mask.sum(axis=-1)  # (B,M)
    # stable argsort puts in-box point indices first, in ascending point order
    order = jnp.argsort(jnp.logical_not(mask).astype(jnp.int32), axis=-1)
    first = order[:, :, :num_sampled_points]  # (B,M,S)
    ar = jnp.arange(num_sampled_points)[None, None, :]
    cnt_safe = jnp.maximum(cnt, 1)[:, :, None]
    # CUDA kernel: take first cnt in-box points, then cyclically duplicate to fill S
    pos = jnp.where(ar < cnt_safe, ar, ar % cnt_safe)
    idx = jnp.take_along_axis(first, pos, axis=-1)  # (B,M,S)
    pts_g = jnp.take_along_axis(points[:, None, :, :], idx[..., None], axis=2)  # (B,M,S,3)
    feat_g = jnp.take_along_axis(point_features[:, None, :, :], idx[..., None], axis=2)  # (B,M,S,C)
    pooled = jnp.concatenate([pts_g, feat_g], axis=-1)  # (B,M,S,3+C)
    nonempty = (cnt > 0).astype(pooled.dtype)[:, :, None, None]
    pooled = pooled * nonempty  # empty boxes stay zero, as in the CUDA kernel
    pooled_empty_flag = (cnt == 0).astype(jnp.int32)  # (B,M)
    return pooled, pooled_empty_flag


def reference(points, point_features, boxes3d):
    return _roipoint_pool3d(points, point_features, boxes3d, NUM_SAMPLED_POINTS)

if __name__ == "__main__":
    import jax
    _d = setup_inputs()
    print(jax.jit(kernel)(*tuple(_d.values())))

</pallas_src>

<mosaic_0001>
#map = affine_map<(d0, d1) -> (0, 0)>
#map1 = affine_map<(d0, d1) -> (0, 0, 0, 0)>
module attributes {stable_mosaic.version = 14 : i64} {
  func.func @_sc_body(%arg0: i32, %arg1: i32, %arg2: memref<65537x144xf32, #tpu.memory_space<hbm>>, %arg3: memref<4x16384xf32, #tpu.memory_space<hbm>>, %arg4: memref<4x16384xf32, #tpu.memory_space<hbm>>, %arg5: memref<4x16384xf32, #tpu.memory_space<hbm>>, %arg6: memref<512x16xf32, #tpu.memory_space<hbm>>, %arg7: memref<4x128x512x131xf32, #tpu.memory_space<hbm>>, %arg8: memref<4x128xi32, #tpu.memory_space<hbm>>, %arg9: memref<16384xf32, #tpu.memory_space<vmem>>, %arg10: memref<16384xf32, #tpu.memory_space<vmem>>, %arg11: memref<16384xf32, #tpu.memory_space<vmem>>, %arg12: memref<16x16xf32, #tpu.memory_space<vmem>>, %arg13: memref<544xi32, #tpu.memory_space<vmem>>, %arg14: memref<512xi32, #tpu.memory_space<vmem>>, %arg15: memref<128x144xf32, #tpu.memory_space<vmem>>, %arg16: memref<128x144xf32, #tpu.memory_space<vmem>>, %arg17: memref<128x131xf32, #tpu.memory_space<vmem>>, %arg18: memref<128x131xf32, #tpu.memory_space<vmem>>, %arg19: memref<16xi32, #tpu.memory_space<vmem>>, %arg20: memref<!tpu.dma_semaphore, #tpu.memory_space<semaphore_mem>>, %arg21: memref<!tpu.dma_semaphore, #tpu.memory_space<semaphore_mem>>) attributes {dimension_semantics = [#tpu.dimension_semantics<core_parallel>, #tpu.dimension_semantics<subcore_parallel>], iteration_bounds = array<i64: 2, 16>, scalar_prefetch = 0 : i64, scratch_operands = 13 : i64, tpu.core_type = #tpu.core_type<sc_vector_subcore>, window_params = [{transform_indices = #map}, {transform_indices = #map}, {transform_indices = #map}, {transform_indices = #map}, {transform_indices = #map}, {transform_indices = #map1}, {transform_indices = #map}]} {
    %mul3A = arith.constant 2 : i32
    %mul3A_0 = arith.muli %arg1, %mul3A : i32
    %add3A = arith.addi %mul3A_0, %arg0 : i32
    %jit3A = arith.constant 8 : i32
    %div3A = arith.divsi %add3A, %jit3A : i32
    %sign3A = arith.constant 0 : i32
    %sign3A_1 = arith.cmpi sgt, %add3A, %sign3A : i32
    %sign3A_2 = arith.extui %sign3A_1 : i1 to i32
    %sign3A_3 = arith.constant 0 : i32
    %sign3A_4 = arith.cmpi slt, %add3A, %sign3A_3 : i32
    %sign3A_5 = arith.extui %sign3A_4 : i1 to i32
    %sign3A_6 = arith.subi %sign3A_2, %sign3A_5 : i32
    %sign3A_7 = arith.constant 0 : i32
    %sign3A_8 = arith.cmpi sgt, %jit3A, %sign3A_7 : i32
    %sign3A_9 = arith.extui %sign3A_8 : i1 to i32
    %sign3A_10 = arith.constant 0 : i32
    %sign3A_11 = arith.cmpi slt, %jit3A, %sign3A_10 : i32
    %sign3A_12 = arith.extui %sign3A_11 : i1 to i32
    %sign3A_13 = arith.subi %sign3A_9, %sign3A_12 : i32
    %ne3A = arith.cmpi ne, %sign3A_6, %sign3A_13 : i32
    %rem3A = arith.remsi %add3A, %jit3A : i32
    %ne3A_14 = arith.constant 0 : i32
    %ne3A_15 = arith.cmpi ne, %rem3A, %ne3A_14 : i32
    %and3A = arith.andi %ne3A, %ne3A_15 : i1
    %sub3A = arith.constant 1 : i32
    %sub3A_16 = arith.subi %div3A, %sub3A : i32
    %select_n3A = arith.select %and3A, %sub3A_16, %div3A : i32
    %jit3A_17 = arith.constant 8 : i32
    %eq3A = arith.constant 0 : i32
    %eq3A_18 = arith.cmpi eq, %jit3A_17, %eq3A : i32
    %jit3A_19 = arith.constant 1 : i32
    %select_n3A_20 = arith.select %eq3A_18, %jit3A_19, %jit3A_17 : i32
    %rem3A_21 = arith.remsi %add3A, %select_n3A_20 : i32
    %ne3A_22 = arith.constant 0 : i32
    %ne3A_23 = arith.cmpi ne, %rem3A_21, %ne3A_22 : i32
    %lt3A = arith.constant 0 : i32
    %lt3A_24 = arith.cmpi slt, %rem3A_21, %lt3A : i32
    %lt3A_25 = arith.constant 0 : i32
    %lt3A_26 = arith.cmpi slt, %select_n3A_20, %lt3A_25 : i32
    %ne3A_27 = arith.xori %lt3A_24, %lt3A_26 : i1
    %and3A_28 = arith.andi %ne3A_27, %ne3A_23 : i1
    %add3A_29 = arith.addi %rem3A_21, %select_n3A_20 : i32
    %select_n3A_30 = arith.select %and3A_28, %add3A_29, %rem3A_21 : i32
    %mul3A_31 = arith.constant 16 : i32
    %mul3A_32 = arith.muli %select_n3A_30, %mul3A_31 : i32
    "tpu.region"() ({
      %run_scoped3A = tpu.sem_alloc : memref<!tpu.dma_semaphore, #tpu.memory_space<semaphore_mem>>
      %dma_start3A = arith.constant 0 : i32
      %dma_start3A_40 = tpu.memref_slice %arg3[%select_n3A, %dma_start3A] : memref<4x16384xf32, #tpu.memory_space<hbm>> -> memref<1x16384xf32, #tpu.memory_space<hbm>>
      %dma_start3A_41 = tpu.memref_squeeze %dma_start3A_40 : memref<1x16384xf32, #tpu.memory_space<hbm>> -> memref<16384xf32, #tpu.memory_space<hbm>>
      %dma_start3A_42 = arith.constant 0 : i32
      %dma_start3A_43 = tpu.memref_slice %arg3[%select_n3A, %dma_start3A_42] : memref<4x16384xf32, #tpu.memory_space<hbm>> -> memref<1x16384xf32, #tpu.memory_space<hbm>>
      %dma_start3A_44 = tpu.memref_squeeze %dma_start3A_43 : memref<1x16384xf32, #tpu.memory_space<hbm>> -> memref<16384xf32, #tpu.memory_space<hbm>>
      tpu.enqueue_dma source(%dma_start3A_44 : memref<16384xf32, #tpu.memory_space<hbm>>) target(%arg9 : memref<16384xf32, #tpu.memory_space<vmem>>) target_semaphore(%run_scoped3A : memref<!tpu.dma_semaphore, #tpu.memory_space<semaphore_mem>>)
      %dma_wait3A = arith.constant 0 : i32
      %dma_wait3A_45 = tpu.memref_slice %arg3[%select_n3A, %dma_wait3A] : memref<4x16384xf32, #tpu.memory_space<hbm>> -> memref<1x16384xf32, #tpu.memory_space<hbm>>
      %dma_wait3A_46 = tpu.memref_squeeze %dma_wait3A_45 : memref<1x16384xf32, #tpu.memory_space<hbm>> -> memref<16384xf32, #tpu.memory_space<hbm>>
      %dma_wait3A_47 = arith.constant 0 : i32
      %dma_wait3A_48 = tpu.memref_slice %arg3[%select_n3A, %dma_wait3A_47] : memref<4x16384xf32, #tpu.memory_space<hbm>> -> memref<1x16384xf32, #tpu.memory_space<hbm>>
      %dma_wait3A_49 = tpu.memref_squeeze %dma_wait3A_48 : memref<1x16384xf32, #tpu.memory_space<hbm>> -> memref<16384xf32, #tpu.memory_space<hbm>>
      tpu.wait_dma2 semaphore(%run_scoped3A : memref<!tpu.dma_semaphore, #tpu.memory_space<semaphore_mem>>) src(%dma_wait3A_49 : memref<16384xf32, #tpu.memory_space<hbm>>) dst(%arg9 : memref<16384xf32, #tpu.memory_space<vmem>>)
      tpu.yield
    }) : () -> ()
    "tpu.region"() ({
      %run_scoped3A = tpu.sem_alloc : memref<!tpu.dma_semaphore, #tpu.memory_space<semaphore_mem>>
      %dma_start3A = arith.constant 0 : i32
      %dma_start3A_40 = tpu.memref_slice %arg4[%select_n3A, %dma_start3A] : memref<4x16384xf32, #tpu.memory_space<hbm>> -> memref<1x16384xf32, #tpu.memory_space<hbm>>
      %dma_start3A_41 = tpu.memref_squeeze %dma_start3A_40 : memref<1x16384xf32, #tpu.memory_space<hbm>> -> memref<16384xf32, #tpu.memory_space<hbm>>
      %dma_start3A_42 = arith.constant 0 : i32
      %dma_start3A_43 = tpu.memref_slice %arg4[%select_n3A, %dma_start3A_42] : memref<4x16384xf32, #tpu.memory_space<hbm>> -> memref<1x16384xf32, #tpu.memory_space<hbm>>
      %dma_start3A_44 = tpu.memref_squeeze %dma_start3A_43 : memref<1x16384xf32, #tpu.memory_space<hbm>> -> memref<16384xf32, #tpu.memory_space<hbm>>
      tpu.enqueue_dma source(%dma_start3A_44 : memref<16384xf32, #tpu.memory_space<hbm>>) target(%arg10 : memref<16384xf32, #tpu.memory_space<vmem>>) target_semaphore(%run_scoped3A : memref<!tpu.dma_semaphore, #tpu.memory_space<semaphore_mem>>)
      %dma_wait3A = arith.constant 0 : i32
      %dma_wait3A_45 = tpu.memref_slice %arg4[%select_n3A, %dma_wait3A] : memref<4x16384xf32, #tpu.memory_space<hbm>> -> memref<1x16384xf32, #tpu.memory_space<hbm>>
      %dma_wait3A_46 = tpu.memref_squeeze %dma_wait3A_45 : memref<1x16384xf32, #tpu.memory_space<hbm>> -> memref<16384xf32, #tpu.memory_space<hbm>>
      %dma_wait3A_47 = arith.constant 0 : i32
      %dma_wait3A_48 = tpu.memref_slice %arg4[%select_n3A, %dma_wait3A_47] : memref<4x16384xf32, #tpu.memory_space<hbm>> -> memref<1x16384xf32, #tpu.memory_space<hbm>>
      %dma_wait3A_49 = tpu.memref_squeeze %dma_wait3A_48 : memref<1x16384xf32, #tpu.memory_space<hbm>> -> memref<16384xf32, #tpu.memory_space<hbm>>
      tpu.wait_dma2 semaphore(%run_scoped3A : memref<!tpu.dma_semaphore, #tpu.memory_space<semaphore_mem>>) src(%dma_wait3A_49 : memref<16384xf32, #tpu.memory_space<hbm>>) dst(%arg10 : memref<16384xf32, #tpu.memory_space<vmem>>)
      tpu.yield
    }) : () -> ()
    "tpu.region"() ({
      %run_scoped3A = tpu.sem_alloc : memref<!tpu.dma_semaphore, #tpu.memory_space<semaphore_mem>>
      %dma_start3A = arith.constant 0 : i32
      %dma_start3A_40 = tpu.memref_slice %arg5[%select_n3A, %dma_start3A] : memref<4x16384xf32, #tpu.memory_space<hbm>> -> memref<1x16384xf32, #tpu.memory_space<hbm>>
      %dma_start3A_41 = tpu.memref_squeeze %dma_start3A_40 : memref<1x16384xf32, #tpu.memory_space<hbm>> -> memref<16384xf32, #tpu.memory_space<hbm>>
      %dma_start3A_42 = arith.constant 0 : i32
      %dma_start3A_43 = tpu.memref_slice %arg5[%select_n3A, %dma_start3A_42] : memref<4x16384xf32, #tpu.memory_space<hbm>> -> memref<1x16384xf32, #tpu.memory_space<hbm>>
      %dma_start3A_44 = tpu.memref_squeeze %dma_start3A_43 : memref<1x16384xf32, #tpu.memory_space<hbm>> -> memref<16384xf32, #tpu.memory_space<hbm>>
      tpu.enqueue_dma source(%dma_start3A_44 : memref<16384xf32, #tpu.memory_space<hbm>>) target(%arg11 : memref<16384xf32, #tpu.memory_space<vmem>>) target_semaphore(%run_scoped3A : memref<!tpu.dma_semaphore, #tpu.memory_space<semaphore_mem>>)
      %dma_wait3A = arith.constant 0 : i32
      %dma_wait3A_45 = tpu.memref_slice %arg5[%select_n3A, %dma_wait3A] : memref<4x16384xf32, #tpu.memory_space<hbm>> -> memref<1x16384xf32, #tpu.memory_space<hbm>>
      %dma_wait3A_46 = tpu.memref_squeeze %dma_wait3A_45 : memref<1x16384xf32, #tpu.memory_space<hbm>> -> memref<16384xf32, #tpu.memory_space<hbm>>
      %dma_wait3A_47 = arith.constant 0 : i32
      %dma_wait3A_48 = tpu.memref_slice %arg5[%select_n3A, %dma_wait3A_47] : memref<4x16384xf32, #tpu.memory_space<hbm>> -> memref<1x16384xf32, #tpu.memory_space<hbm>>
      %dma_wait3A_49 = tpu.memref_squeeze %dma_wait3A_48 : memref<1x16384xf32, #tpu.memory_space<hbm>> -> memref<16384xf32, #tpu.memory_space<hbm>>
      tpu.wait_dma2 semaphore(%run_scoped3A : memref<!tpu.dma_semaphore, #tpu.memory_space<semaphore_mem>>) src(%dma_wait3A_49 : memref<16384xf32, #tpu.memory_space<hbm>>) dst(%arg11 : memref<16384xf32, #tpu.memory_space<vmem>>)
      tpu.yield
    }) : () -> ()
    %mul3A_33 = arith.constant 16 : i32
    %mul3A_34 = arith.muli %add3A, %mul3A_33 : i32
    "tpu.region"() ({
      %run_scoped3A = tpu.sem_alloc : memref<!tpu.dma_semaphore, #tpu.memory_space<semaphore_mem>>
      %dma_start3A = arith.constant 0 : i32
      %dma_start3A_40 = tpu.memref_slice %arg6[%mul3A_34, %dma_start3A] : memref<512x16xf32, #tpu.memory_space<hbm>> -> memref<16x16xf32, #tpu.memory_space<hbm>>
      %dma_start3A_41 = arith.constant 0 : i32
      %dma_start3A_42 = tpu.memref_slice %arg6[%mul3A_34, %dma_start3A_41] : memref<512x16xf32, #tpu.memory_space<hbm>> -> memref<16x16xf32, #tpu.memory_space<hbm>>
      tpu.enqueue_dma source(%dma_start3A_42 : memref<16x16xf32, #tpu.memory_space<hbm>>) target(%arg12 : memref<16x16xf32, #tpu.memory_space<vmem>>) target_semaphore(%run_scoped3A : memref<!tpu.dma_semaphore, #tpu.memory_space<semaphore_mem>>)
      %dma_wait3A = arith.constant 0 : i32
      %dma_wait3A_43 = tpu.memref_slice %arg6[%mul3A_34, %dma_wait3A] : memref<512x16xf32, #tpu.memory_space<hbm>> -> memref<16x16xf32, #tpu.memory_space<hbm>>
      %dma_wait3A_44 = arith.constant 0 : i32
      %dma_wait3A_45 = tpu.memref_slice %arg6[%mul3A_34, %dma_wait3A_44] : memref<512x16xf32, #tpu.memory_space<hbm>> -> memref<16x16xf32, #tpu.memory_space<hbm>>
      tpu.wait_dma2 semaphore(%run_scoped3A : memref<!tpu.dma_semaphore, #tpu.memory_space<semaphore_mem>>) src(%dma_wait3A_45 : memref<16x16xf32, #tpu.memory_space<hbm>>) dst(%arg12 : memref<16x16xf32, #tpu.memory_space<vmem>>)
      tpu.yield
    }) : () -> ()
    %iota3A = tpu.iota {dimensions = array<i32: 0>} : vector<16xi32>
    %scan3A = arith.constant 0 : i32
    %scan3A_35 = arith.constant 0 : i32
    %scan3A_36 = arith.constant 16 : i32
    %scan3A_37 = arith.addi %scan3A_35, %scan3A_36 : i32
    %scan3A_38 = arith.constant 1 : i32
    scf.for %scan3A_40 = %scan3A_35 to %scan3A_37 step %scan3A_38  : i32 {
      %add3A_41 = arith.addi %mul3A_32, %scan3A_40 : i32
      %get3A = arith.index_cast %scan3A_40 : i32 to index
      %get3A_42 = arith.constant 0 : index
      %get3A_43 = tpu.vector_load %arg12[%get3A, %get3A_42] {strides = array<i32>} : memref<16x16xf32, #tpu.memory_space<vmem>>, vector<16xf32>,
      %slice3A = vector.extract_strided_slice %get3A_43 {offsets = [0], sizes = [1], strides = [1]} : vector<16xf32> to vector<1xf32>
      %squeeze3A = vector.extract %slice3A[0] : f32 from vector<1xf32>
      %slice3A_44 = vector.extract_strided_slice %get3A_43 {offsets = [1], sizes = [1], strides = [1]} : vector<16xf32> to vector<1xf32>
      %squeeze3A_45 = vector.extract %slice3A_44[0] : f32 from vector<1xf32>
      %slice3A_46 = vector.extract_strided_slice %get3A_43 {offsets = [2], sizes = [1], strides = [1]} : vector<16xf32> to vector<1xf32>
      %squeeze3A_47 = vector.extract %slice3A_46[0] : f32 from vector<1xf32>
      %slice3A_48 = vector.extract_strided_slice %get3A_43 {offsets = [3], sizes = [1], strides = [1]} : vector<16xf32> to vector<1xf32>
      %squeeze3A_49 = vector.extract %slice3A_48[0] : f32 from vector<1xf32>
      %slice3A_50 = vector.extract_strided_slice %get3A_43 {offsets = [4], sizes = [1], strides = [1]} : vector<16xf32> to vector<1xf32>
      %squeeze3A_51 = vector.extract %slice3A_50[0] : f32 from vector<1xf32>
      %slice3A_52 = vector.extract_strided_slice %get3A_43 {offsets = [5], sizes = [1], strides = [1]} : vector<16xf32> to vector<1xf32>
      %squeeze3A_53 = vector.extract %slice3A_52[0] : f32 from vector<1xf32>
      %slice3A_54 = vector.extract_strided_slice %get3A_43 {offsets = [6], sizes = [1], strides = [1]} : vector<16xf32> to vector<1xf32>
      %squeeze3A_55 = vector.extract %slice3A_54[0] : f32 from vector<1xf32>
      %slice3A_56 = vector.extract_strided_slice %get3A_43 {offsets = [7], sizes = [1], strides = [1]} : vector<16xf32> to vector<1xf32>
      %squeeze3A_57 = vector.extract %slice3A_56[0] : f32 from vector<1xf32>
      %broadcast_in_dim3A = arith.constant 0 : i32
      %broadcast_in_dim3A_58 = vector.broadcast %broadcast_in_dim3A : i32 to vector<16xi32>
      %scan3A_59 = arith.constant 0 : i32
      %scan3A_60 = arith.constant 1024 : i32
      %scan3A_61 = arith.addi %scan3A_59, %scan3A_60 : i32
      %scan3A_62 = arith.constant 4 : i32
      %scan3A_63 = scf.for %scan3A_1181 = %scan3A_59 to %scan3A_61 step %scan3A_62 iter_args(%scan3A_1182 = %broadcast_in_dim3A_58) -> (vector<16xi32>)  : i32 {
        %mul3A_1183 = arith.constant 16 : i32
        %mul3A_1184 = arith.muli %scan3A_1181, %mul3A_1183 : i32
        %get3A_1185 = arith.index_cast %mul3A_1184 : i32 to index
        %get3A_1186 = tpu.vector_load %arg9[%get3A_1185] {strides = array<i32>} : memref<16384xf32, #tpu.memory_space<vmem>>, vector<16xf32>,
        %mul3A_1187 = arith.constant 16 : i32
        %mul3A_1188 = arith.muli %scan3A_1181, %mul3A_1187 : i32
        %get3A_1189 = arith.index_cast %mul3A_1188 : i32 to index
        %get3A_1190 = tpu.vector_load %arg10[%get3A_1189] {strides = array<i32>} : memref<16384xf32, #tpu.memory_space<vmem>>, vector<16xf32>,
        %mul3A_1191 = arith.constant 16 : i32
        %mul3A_1192 = arith.muli %scan3A_1181, %mul3A_1191 : i32
        %get3A_1193 = arith.index_cast %mul3A_1192 : i32 to index
        %get3A_1194 = tpu.vector_load %arg11[%get3A_1193] {strides = array<i32>} : memref<16384xf32, #tpu.memory_space<vmem>>, vector<16xf32>,
        %sub3A_1195 = vector.broadcast %squeeze3A_47 : f32 to vector<16xf32>
        %sub3A_1196 = arith.subf %get3A_1194, %sub3A_1195 : vector<16xf32>
        %abs3A = math.absf %sub3A_1196 : vector<16xf32>
        %le3A = vector.broadcast %squeeze3A_53 : f32 to vector<16xf32>
        %le3A_1197 = arith.cmpf ole, %abs3A, %le3A : vector<16xf32>
        %sub3A_1198 = vector.broadcast %squeeze3A : f32 to vector<16xf32>
        %sub3A_1199 = arith.subf %get3A_1186, %sub3A_1198 : vector<16xf32>
        %sub3A_1200 = vector.broadcast %squeeze3A_45 : f32 to vector<16xf32>
        %sub3A_1201 = arith.subf %get3A_1190, %sub3A_1200 : vector<16xf32>
        %mul3A_1202 = vector.broadcast %squeeze3A_55 : f32 to vector<16xf32>
        %mul3A_1203 = arith.mulf %sub3A_1199, %mul3A_1202 : vector<16xf32>
        %neg3A = arith.constant 0.000000e+00 : f32
        %neg3A_1204 = arith.subf %neg3A, %squeeze3A_57 : f32
        %mul3A_1205 = vector.broadcast %neg3A_1204 : f32 to vector<16xf32>
        %mul3A_1206 = arith.mulf %sub3A_1201, %mul3A_1205 : vector<16xf32>
        %add3A_1207 = arith.addf %mul3A_1203, %mul3A_1206 : vector<16xf32>
        %mul3A_1208 = vector.broadcast %squeeze3A_57 : f32 to vector<16xf32>
        %mul3A_1209 = arith.mulf %sub3A_1199, %mul3A_1208 : vector<16xf32>
        %mul3A_1210 = vector.broadcast %squeeze3A_55 : f32 to vector<16xf32>
        %mul3A_1211 = arith.mulf %sub3A_1201, %mul3A_1210 : vector<16xf32>
        %add3A_1212 = arith.addf %mul3A_1209, %mul3A_1211 : vector<16xf32>
        %neg3A_1213 = arith.constant 0.000000e+00 : f32
        %neg3A_1214 = arith.subf %neg3A_1213, %squeeze3A_49 : f32
        %gt3A = vector.broadcast %neg3A_1214 : f32 to vector<16xf32>
        %gt3A_1215 = arith.cmpf ogt, %add3A_1207, %gt3A : vector<16xf32>
        %and3A_1216 = arith.andi %le3A_1197, %gt3A_1215 : vector<16xi1>
        %lt3A_1217 = vector.broadcast %squeeze3A_49 : f32 to vector<16xf32>
        %lt3A_1218 = arith.cmpf olt, %add3A_1207, %lt3A_1217 : vector<16xf32>
        %and3A_1219 = arith.andi %and3A_1216, %lt3A_1218 : vector<16xi1>
        %neg3A_1220 = arith.constant 0.000000e+00 : f32
        %neg3A_1221 = arith.subf %neg3A_1220, %squeeze3A_51 : f32
        %gt3A_1222 = vector.broadcast %neg3A_1221 : f32 to vector<16xf32>
        %gt3A_1223 = arith.cmpf ogt, %add3A_1212, %gt3A_1222 : vector<16xf32>
        %and3A_1224 = arith.andi %and3A_1219, %gt3A_1223 : vector<16xi1>
        %lt3A_1225 = vector.broadcast %squeeze3A_51 : f32 to vector<16xf32>
        %lt3A_1226 = arith.cmpf olt, %add3A_1212, %lt3A_1225 : vector<16xf32>
        %and3A_1227 = arith.andi %and3A_1224, %lt3A_1226 : vector<16xi1>
        %convert_element_type3A_1228 = arith.extui %and3A_1227 : vector<16xi1> to vector<16xi32>
        %add3A_1229 = arith.addi %scan3A_1182, %convert_element_type3A_1228 : vector<16xi32>
        %scan3A_1230 = arith.constant 1 : i32
        %scan3A_1231 = arith.addi %scan3A_1181, %scan3A_1230 : i32
        %mul3A_1232 = arith.constant 16 : i32
        %mul3A_1233 = arith.muli %scan3A_1231, %mul3A_1232 : i32
        %get3A_1234 = arith.index_cast %mul3A_1233 : i32 to index
        %get3A_1235 = tpu.vector_load %arg9[%get3A_1234] {strides = array<i32>} : memref<16384xf32, #tpu.memory_space<vmem>>, vector<16xf32>,
        %mul3A_1236 = arith.constant 16 : i32
        %mul3A_1237 = arith.muli %scan3A_1231, %mul3A_1236 : i32
        %get3A_1238 = arith.index_cast %mul3A_1237 : i32 to index
        %get3A_1239 = tpu.vector_load %arg10[%get3A_1238] {strides = array<i32>} : memref<16384xf32, #tpu.memory_space<vmem>>, vector<16xf32>,
        %mul3A_1240 = arith.constant 16 : i32
        %mul3A_1241 = arith.muli %scan3A_1231, %mul3A_1240 : i32
        %get3A_1242 = arith.index_cast %mul3A_1241 : i32 to index
        %get3A_1243 = tpu.vector_load %arg11[%get3A_1242] {strides = array<i32>} : memref<16384xf32, #tpu.memory_space<vmem>>, vector<16xf32>,
        %sub3A_1244 = vector.broadcast %squeeze3A_47 : f32 to vector<16xf32>
        %sub3A_1245 = arith.subf %get3A_1243, %sub3A_1244 : vector<16xf32>
        %abs3A_1246 = math.absf %sub3A_1245 : vector<16xf32>
        %le3A_1247 = vector.broadcast %squeeze3A_53 : f32 to vector<16xf32>
        %le3A_1248 = arith.cmpf ole, %abs3A_1246, %le3A_1247 : vector<16xf32>
        %sub3A_1249 = vector.broadcast %squeeze3A : f32 to vector<16xf32>
        %sub3A_1250 = arith.subf %get3A_1235, %sub3A_1249 : vector<16xf32>
        %sub3A_1251 = vector.broadcast %squeeze3A_45 : f32 to vector<16xf32>
        %sub3A_1252 = arith.subf %get3A_1239, %sub3A_1251 : vector<16xf32>
        %mul3A_1253 = vector.broadcast %squeeze3A_55 : f32 to vector<16xf32>
        %mul3A_1254 = arith.mulf %sub3A_1250, %mul3A_1253 : vector<16xf32>
        %neg3A_1255 = arith.constant 0.000000e+00 : f32
        %neg3A_1256 = arith.subf %neg3A_1255, %squeeze3A_57 : f32
        %mul3A_1257 = vector.broadcast %neg3A_1256 : f32 to vector<16xf32>
        %mul3A_1258 = arith.mulf %sub3A_1252, %mul3A_1257 : vector<16xf32>
        %add3A_1259 = arith.addf %mul3A_1254, %mul3A_1258 : vector<16xf32>
        %mul3A_1260 = vector.broadcast %squeeze3A_57 : f32 to vector<16xf32>
        %mul3A_1261 = arith.mulf %sub3A_1250, %mul3A_1260 : vector<16xf32>
        %mul3A_1262 = vector.broadcast %squeeze3A_55 : f32 to vector<16xf32>
        %mul3A_1263 = arith.mulf %sub3A_1252, %mul3A_1262 : vector<16xf32>
        %add3A_1264 = arith.addf %mul3A_1261, %mul3A_1263 : vector<16xf32>
        %neg3A_1265 = arith.constant 0.000000e+00 : f32
        %neg3A_1266 = arith.subf %neg3A_1265, %squeeze3A_49 : f32
        %gt3A_1267 = vector.broadcast %neg3A_1266 : f32 to vector<16xf32>
        %gt3A_1268 = arith.cmpf ogt, %add3A_1259, %gt3A_1267 : vector<16xf32>
        %and3A_1269 = arith.andi %le3A_1248, %gt3A_1268 : vector<16xi1>
        %lt3A_1270 = vector.broadcast %squeeze3A_49 : f32 to vector<16xf32>
        %lt3A_1271 = arith.cmpf olt, %add3A_1259, %lt3A_1270 : vector<16xf32>
        %and3A_1272 = arith.andi %and3A_1269, %lt3A_1271 : vector<16xi1>
        %neg3A_1273 = arith.constant 0.000000e+00 : f32
        %neg3A_1274 = arith.subf %neg3A_1273, %squeeze3A_51 : f32
        %gt3A_1275 = vector.broadcast %neg3A_1274 : f32 to vector<16xf32>
        %gt3A_1276 = arith.cmpf ogt, %add3A_1264, %gt3A_1275 : vector<16xf32>
        %and3A_1277 = arith.andi %and3A_1272, %gt3A_1276 : vector<16xi1>
        %lt3A_1278 = vector.broadcast %squeeze3A_51 : f32 to vector<16xf32>
        %lt3A_1279 = arith.cmpf olt, %add3A_1264, %lt3A_1278 : vector<16xf32>
        %and3A_1280 = arith.andi %and3A_1277, %lt3A_1279 : vector<16xi1>
        %convert_element_type3A_1281 = arith.extui %and3A_1280 : vector<16xi1> to vector<16xi32>
        %add3A_1282 = arith.addi %add3A_1229, %convert_element_type3A_1281 : vector<16xi32>
        %scan3A_1283 = arith.constant 2 : i32
        %scan3A_1284 = arith.addi %scan3A_1181, %scan3A_1283 : i32
        %mul3A_1285 = arith.constant 16 : i32
        %mul3A_1286 = arith.muli %scan3A_1284, %mul3A_1285 : i32
        %get3A_1287 = arith.index_cast %mul3A_1286 : i32 to index
        %get3A_1288 = tpu.vector_load %arg9[%get3A_1287] {strides = array<i32>} : memref<16384xf32, #tpu.memory_space<vmem>>, vector<16xf32>,
        %mul3A_1289 = arith.constant 16 : i32
        %mul3A_1290 = arith.muli %scan3A_1284, %mul3A_1289 : i32
        %get3A_1291 = arith.index_cast %mul3A_1290 : i32 to index
        %get3A_1292 = tpu.vector_load %arg10[%get3A_1291] {strides = array<i32>} : memref<16384xf32, #tpu.memory_space<vmem>>, vector<16xf32>,
        %mul3A_1293 = arith.constant 16 : i32
        %mul3A_1294 = arith.muli %scan3A_1284, %mul3A_1293 : i32
        %get3A_1295 = arith.index_cast %mul3A_1294 : i32 to index
        %get3A_1296 = tpu.vector_load %arg11[%get3A_1295] {strides = array<i32>} : memref<16384xf32, #tpu.memory_space<vmem>>, vector<16xf32>,
        %sub3A_1297 = vector.broadcast %squeeze3A_47 : f32 to vector<16xf32>
        %sub3A_1298 = arith.subf %get3A_1296, %sub3A_1297 : vector<16xf32>
        %abs3A_1299 = math.absf %sub3A_1298 : vector<16xf32>
        %le3A_1300 = vector.broadcast %squeeze3A_53 : f32 to vector<16xf32>
        %le3A_1301 = arith.cmpf ole, %abs3A_1299, %le3A_1300 : vector<16xf32>
        %sub3A_1302 = vector.broadcast %squeeze3A : f32 to vector<16xf32>
        %sub3A_1303 = arith.subf %get3A_1288, %sub3A_1302 : vector<16xf32>
        %sub3A_1304 = vector.broadcast %squeeze3A_45 : f32 to vector<16xf32>
        %sub3A_1305 = arith.subf %get3A_1292, %sub3A_1304 : vector<16xf32>
        %mul3A_1306 = vector.broadcast %squeeze3A_55 : f32 to vector<16xf32>
        %mul3A_1307 = arith.mulf %sub3A_1303, %mul3A_1306 : vector<16xf32>
        %neg3A_1308 = arith.constant 0.000000e+00 : f32
        %neg3A_1309 = arith.subf %neg3A_1308, %squeeze3A_57 : f32
        %mul3A_1310 = vector.broadcast %neg3A_1309 : f32 to vector<16xf32>
        %mul3A_1311 = arith.mulf %sub3A_1305, %mul3A_1310 : vector<16xf32>
        %add3A_1312 = arith.addf %mul3A_1307, %mul3A_1311 : vector<16xf32>
        %mul3A_1313 = vector.broadcast %squeeze3A_57 : f32 to vector<16xf32>
        %mul3A_1314 = arith.mulf %sub3A_1303, %mul3A_1313 : vector<16xf32>
        %mul3A_1315 = vector.broadcast %squeeze3A_55 : f32 to vector<16xf32>
        %mul3A_1316 = arith.mulf %sub3A_1305, %mul3A_1315 : vector<16xf32>
        %add3A_1317 = arith.addf %mul3A_1314, %mul3A_1316 : vector<16xf32>
        %neg3A_1318 = arith.constant 0.000000e+00 : f32
        %neg3A_1319 = arith.subf %neg3A_1318, %squeeze3A_49 : f32
        %gt3A_1320 = vector.broadcast %neg3A_1319 : f32 to vector<16xf32>
        %gt3A_1321 = arith.cmpf ogt, %add3A_1312, %gt3A_1320 : vector<16xf32>
        %and3A_1322 = arith.andi %le3A_1301, %gt3A_1321 : vector<16xi1>
        %lt3A_1323 = vector.broadcast %squeeze3A_49 : f32 to vector<16xf32>
        %lt3A_1324 = arith.cmpf olt, %add3A_1312, %lt3A_1323 : vector<16xf32>
        %and3A_1325 = arith.andi %and3A_1322, %lt3A_1324 : vector<16xi1>
        %neg3A_1326 = arith.constant 0.000000e+00 : f32
        %neg3A_1327 = arith.subf %neg3A_1326, %squeeze3A_51 : f32
        %gt3A_1328 = vector.broadcast %neg3A_1327 : f32 to vector<16xf32>
        %gt3A_1329 = arith.cmpf ogt, %add3A_1317, %gt3A_1328 : vector<16xf32>
        %and3A_1330 = arith.andi %and3A_1325, %gt3A_1329 : vector<16xi1>
        %lt3A_1331 = vector.broadcast %squeeze3A_51 : f32 to vector<16xf32>
        %lt3A_1332 = arith.cmpf olt, %add3A_1317, %lt3A_1331 : vector<16xf32>
        %and3A_1333 = arith.andi %and3A_1330, %lt3A_1332 : vector<16xi1>
        %convert_element_type3A_1334 = arith.extui %and3A_1333 : vector<16xi1> to vector<16xi32>
        %add3A_1335 = arith.addi %add3A_1282, %convert_element_type3A_1334 : vector<16xi32>
        %scan3A_1336 = arith.constant 3 : i32
        %scan3A_1337 = arith.addi %scan3A_1181, %scan3A_1336 : i32
        %mul3A_1338 = arith.constant 16 : i32
        %mul3A_1339 = arith.muli %scan3A_1337, %mul3A_1338 : i32
        %get3A_1340 = arith.index_cast %mul3A_1339 : i32 to index
        %get3A_1341 = tpu.vector_load %arg9[%get3A_1340] {strides = array<i32>} : memref<16384xf32, #tpu.memory_space<vmem>>, vector<16xf32>,
        %mul3A_1342 = arith.constant 16 : i32
        %mul3A_1343 = arith.muli %scan3A_1337, %mul3A_1342 : i32
        %get3A_1344 = arith.index_cast %mul3A_1343 : i32 to index
        %get3A_1345 = tpu.vector_load %arg10[%get3A_1344] {strides = array<i32>} : memref<16384xf32, #tpu.memory_space<vmem>>, vector<16xf32>,
        %mul3A_1346 = arith.constant 16 : i32
        %mul3A_1347 = arith.muli %scan3A_1337, %mul3A_1346 : i32
        %get3A_1348 = arith.index_cast %mul3A_1347 : i32 to index
        %get3A_1349 = tpu.vector_load %arg11[%get3A_1348] {strides = array<i32>} : memref<16384xf32, #tpu.memory_space<vmem>>, vector<16xf32>,
        %sub3A_1350 = vector.broadcast %squeeze3A_47 : f32 to vector<16xf32>
        %sub3A_1351 = arith.subf %get3A_1349, %sub3A_1350 : vector<16xf32>
        %abs3A_1352 = math.absf %sub3A_1351 : vector<16xf32>
        %le3A_1353 = vector.broadcast %squeeze3A_53 : f32 to vector<16xf32>
        %le3A_1354 = arith.cmpf ole, %abs3A_1352, %le3A_1353 : vector<16xf32>
        %sub3A_1355 = vector.broadcast %squeeze3A : f32 to vector<16xf32>
        %sub3A_1356 = arith.subf %get3A_1341, %sub3A_1355 : vector<16xf32>
        %sub3A_1357 = vector.broadcast %squeeze3A_45 : f32 to vector<16xf32>
        %sub3A_1358 = arith.subf %get3A_1345, %sub3A_1357 : vector<16xf32>
        %mul3A_1359 = vector.broadcast %squeeze3A_55 : f32 to vector<16xf32>
        %mul3A_1360 = arith.mulf %sub3A_1356, %mul3A_1359 : vector<16xf32>
        %neg3A_1361 = arith.constant 0.000000e+00 : f32
        %neg3A_1362 = arith.subf %neg3A_1361, %squeeze3A_57 : f32
        %mul3A_1363 = vector.broadcast %neg3A_1362 : f32 to vector<16xf32>
        %mul3A_1364 = arith.mulf %sub3A_1358, %mul3A_1363 : vector<16xf32>
        %add3A_1365 = arith.addf %mul3A_1360, %mul3A_1364 : vector<16xf32>
        %mul3A_1366 = vector.broadcast %squeeze3A_57 : f32 to vector<16xf32>
        %mul3A_1367 = arith.mulf %sub3A_1356, %mul3A_1366 : vector<16xf32>
        %mul3A_1368 = vector.broadcast %squeeze3A_55 : f32 to vector<16xf32>
        %mul3A_1369 = arith.mulf %sub3A_1358, %mul3A_1368 : vector<16xf32>
        %add3A_1370 = arith.addf %mul3A_1367, %mul3A_1369 : vector<16xf32>
        %neg3A_1371 = arith.constant 0.000000e+00 : f32
        %neg3A_1372 = arith.subf %neg3A_1371, %squeeze3A_49 : f32
        %gt3A_1373 = vector.broadcast %neg3A_1372 : f32 to vector<16xf32>
        %gt3A_1374 = arith.cmpf ogt, %add3A_1365, %gt3A_1373 : vector<16xf32>
        %and3A_1375 = arith.andi %le3A_1354, %gt3A_1374 : vector<16xi1>
        %lt3A_1376 = vector.broadcast %squeeze3A_49 : f32 to vector<16xf32>
        %lt3A_1377 = arith.cmpf olt, %add3A_1365, %lt3A_1376 : vector<16xf32>
        %and3A_1378 = arith.andi %and3A_1375, %lt3A_1377 : vector<16xi1>
        %neg3A_1379 = arith.constant 0.000000e+00 : f32
        %neg3A_1380 = arith.subf %neg3A_1379, %squeeze3A_51 : f32
        %gt3A_1381 = vector.broadcast %neg3A_1380 : f32 to vector<16xf32>
        %gt3A_1382 = arith.cmpf ogt, %add3A_1370, %gt3A_1381 : vector<16xf32>
        %and3A_1383 = arith.andi %and3A_1378, %gt3A_1382 : vector<16xi1>
        %lt3A_1384 = vector.broadcast %squeeze3A_51 : f32 to vector<16xf32>
        %lt3A_1385 = arith.cmpf olt, %add3A_1370, %lt3A_1384 : vector<16xf32>
        %and3A_1386 = arith.andi %and3A_1383, %lt3A_1385 : vector<16xi1>
        %convert_element_type3A_1387 = arith.extui %and3A_1386 : vector<16xi1> to vector<16xi32>
        %add3A_1388 = arith.addi %add3A_1335, %convert_element_type3A_1387 : vector<16xi32>
        scf.yield %add3A_1388 : vector<16xi32>
      }
      %scan3A_64 = arith.constant 1024 : i32
      %cumsum3A = arith.constant true
      %cumsum3A_65 = vector.broadcast %cumsum3A : i1 to vector<16xi1>
      %cumsum3A_66 = tpu.scan <sum>, %scan3A_63 masked %cumsum3A_65 : vector<16xi32>, vector<16xi1> -> vector<16xi32>
      %slice3A_67 = vector.extract_strided_slice %cumsum3A_66 {offsets = [15], sizes = [1], strides = [1]} : vector<16xi32> to vector<1xi32>
      %squeeze3A_68 = vector.extract %slice3A_67[0] : i32 from vector<1xi32>
      %sub3A_69 = arith.subi %cumsum3A_66, %scan3A_63 : vector<16xi32>
      %mul3A_70 = arith.constant 1024 : i32
      %mul3A_71 = vector.broadcast %mul3A_70 : i32 to vector<16xi32>
      %mul3A_72 = arith.muli %iota3A, %mul3A_71 : vector<16xi32>
      %mul3A_73 = arith.constant 16384 : i32
      %mul3A_74 = arith.muli %select_n3A, %mul3A_73 : i32
      %add3A_75 = vector.broadcast %mul3A_74 : i32 to vector<16xi32>
      %add3A_76 = arith.addi %mul3A_72, %add3A_75 : vector<16xi32>
      %scan3A_77 = arith.constant 0 : i32
      %scan3A_78 = arith.constant 1024 : i32
      %scan3A_79 = arith.addi %scan3A_77, %scan3A_78 : i32
      %scan3A_80 = arith.constant 4 : i32
      %scan3A_81 = scf.for %scan3A_1181 = %scan3A_77 to %scan3A_79 step %scan3A_80 iter_args(%scan3A_1182 = %sub3A_69) -> (vector<16xi32>)  : i32 {
        %mul3A_1183 = arith.constant 16 : i32
        %mul3A_1184 = arith.muli %scan3A_1181, %mul3A_1183 : i32
        %get3A_1185 = arith.index_cast %mul3A_1184 : i32 to index
        %get3A_1186 = tpu.vector_load %arg9[%get3A_1185] {strides = array<i32>} : memref<16384xf32, #tpu.memory_space<vmem>>, vector<16xf32>,
        %mul3A_1187 = arith.constant 16 : i32
        %mul3A_1188 = arith.muli %scan3A_1181, %mul3A_1187 : i32
        %get3A_1189 = arith.index_cast %mul3A_1188 : i32 to index
        %get3A_1190 = tpu.vector_load %arg10[%get3A_1189] {strides = array<i32>} : memref<16384xf32, #tpu.memory_space<vmem>>, vector<16xf32>,
        %mul3A_1191 = arith.constant 16 : i32
        %mul3A_1192 = arith.muli %scan3A_1181, %mul3A_1191 : i32
        %get3A_1193 = arith.index_cast %mul3A_1192 : i32 to index
        %get3A_1194 = tpu.vector_load %arg11[%get3A_1193] {strides = array<i32>} : memref<16384xf32, #tpu.memory_space<vmem>>, vector<16xf32>,
        %sub3A_1195 = vector.broadcast %squeeze3A_47 : f32 to vector<16xf32>
        %sub3A_1196 = arith.subf %get3A_1194, %sub3A_1195 : vector<16xf32>
        %abs3A = math.absf %sub3A_1196 : vector<16xf32>
        %le3A = vector.broadcast %squeeze3A_53 : f32 to vector<16xf32>
        %le3A_1197 = arith.cmpf ole, %abs3A, %le3A : vector<16xf32>
        %sub3A_1198 = vector.broadcast %squeeze3A : f32 to vector<16xf32>
        %sub3A_1199 = arith.subf %get3A_1186, %sub3A_1198 : vector<16xf32>
        %sub3A_1200 = vector.broadcast %squeeze3A_45 : f32 to vector<16xf32>
        %sub3A_1201 = arith.subf %get3A_1190, %sub3A_1200 : vector<16xf32>
        %mul3A_1202 = vector.broadcast %squeeze3A_55 : f32 to vector<16xf32>
        %mul3A_1203 = arith.mulf %sub3A_1199, %mul3A_1202 : vector<16xf32>
        %neg3A = arith.constant 0.000000e+00 : f32
        %neg3A_1204 = arith.subf %neg3A, %squeeze3A_57 : f32
        %mul3A_1205 = vector.broadcast %neg3A_1204 : f32 to vector<16xf32>
        %mul3A_1206 = arith.mulf %sub3A_1201, %mul3A_1205 : vector<16xf32>
        %add3A_1207 = arith.addf %mul3A_1203, %mul3A_1206 : vector<16xf32>
        %mul3A_1208 = vector.broadcast %squeeze3A_57 : f32 to vector<16xf32>
        %mul3A_1209 = arith.mulf %sub3A_1199, %mul3A_1208 : vector<16xf32>
        %mul3A_1210 = vector.broadcast %squeeze3A_55 : f32 to vector<16xf32>
        %mul3A_1211 = arith.mulf %sub3A_1201, %mul3A_1210 : vector<16xf32>
        %add3A_1212 = arith.addf %mul3A_1209, %mul3A_1211 : vector<16xf32>
        %neg3A_1213 = arith.constant 0.000000e+00 : f32
        %neg3A_1214 = arith.subf %neg3A_1213, %squeeze3A_49 : f32
        %gt3A = vector.broadcast %neg3A_1214 : f32 to vector<16xf32>
        %gt3A_1215 = arith.cmpf ogt, %add3A_1207, %gt3A : vector<16xf32>
        %and3A_1216 = arith.andi %le3A_1197, %gt3A_1215 : vector<16xi1>
        %lt3A_1217 = vector.broadcast %squeeze3A_49 : f32 to vector<16xf32>
        %lt3A_1218 = arith.cmpf olt, %add3A_1207, %lt3A_1217 : vector<16xf32>
        %and3A_1219 = arith.andi %and3A_1216, %lt3A_1218 : vector<16xi1>
        %neg3A_1220 = arith.constant 0.000000e+00 : f32
        %neg3A_1221 = arith.subf %neg3A_1220, %squeeze3A_51 : f32
        %gt3A_1222 = vector.broadcast %neg3A_1221 : f32 to vector<16xf32>
        %gt3A_1223 = arith.cmpf ogt, %add3A_1212, %gt3A_1222 : vector<16xf32>
        %and3A_1224 = arith.andi %and3A_1219, %gt3A_1223 : vector<16xi1>
        %lt3A_1225 = vector.broadcast %squeeze3A_51 : f32 to vector<16xf32>
        %lt3A_1226 = arith.cmpf olt, %add3A_1212, %lt3A_1225 : vector<16xf32>
        %and3A_1227 = arith.andi %and3A_1224, %lt3A_1226 : vector<16xi1>
        %lt3A_1228 = arith.constant 512 : i32
        %lt3A_1229 = vector.broadcast %lt3A_1228 : i32 to vector<16xi32>
        %lt3A_1230 = arith.cmpi slt, %scan3A_1182, %lt3A_1229 : vector<16xi32>
        %and3A_1231 = arith.andi %and3A_1227, %lt3A_1230 : vector<16xi1>
        %add3A_1232 = vector.broadcast %scan3A_1181 : i32 to vector<16xi32>
        %add3A_1233 = arith.addi %add3A_76, %add3A_1232 : vector<16xi32>
        tpu.vector_store_idx %arg13[%scan3A_1182], %add3A_1233 masked %and3A_1231 : memref<544xi32, #tpu.memory_space<vmem>>[vector<16xi32>], vector<16xi32>, vector<16xi1>
        %convert_element_type3A_1234 = arith.extui %and3A_1227 : vector<16xi1> to vector<16xi32>
        %add3A_1235 = arith.addi %scan3A_1182, %convert_element_type3A_1234 : vector<16xi32>
        %scan3A_1236 = arith.constant 1 : i32
        %scan3A_1237 = arith.addi %scan3A_1181, %scan3A_1236 : i32
        %mul3A_1238 = arith.constant 16 : i32
        %mul3A_1239 = arith.muli %scan3A_1237, %mul3A_1238 : i32
        %get3A_1240 = arith.index_cast %mul3A_1239 : i32 to index
        %get3A_1241 = tpu.vector_load %arg9[%get3A_1240] {strides = array<i32>} : memref<16384xf32, #tpu.memory_space<vmem>>, vector<16xf32>,
        %mul3A_1242 = arith.constant 16 : i32
        %mul3A_1243 = arith.muli %scan3A_1237, %mul3A_1242 : i32
        %get3A_1244 = arith.index_cast %mul3A_1243 : i32 to index
        %get3A_1245 = tpu.vector_load %arg10[%get3A_1244] {strides = array<i32>} : memref<16384xf32, #tpu.memory_space<vmem>>, vector<16xf32>,
        %mul3A_1246 = arith.constant 16 : i32
        %mul3A_1247 = arith.muli %scan3A_1237, %mul3A_1246 : i32
        %get3A_1248 = arith.index_cast %mul3A_1247 : i32 to index
        %get3A_1249 = tpu.vector_load %arg11[%get3A_1248] {strides = array<i32>} : memref<16384xf32, #tpu.memory_space<vmem>>, vector<16xf32>,
        %sub3A_1250 = vector.broadcast %squeeze3A_47 : f32 to vector<16xf32>
        %sub3A_1251 = arith.subf %get3A_1249, %sub3A_1250 : vector<16xf32>
        %abs3A_1252 = math.absf %sub3A_1251 : vector<16xf32>
        %le3A_1253 = vector.broadcast %squeeze3A_53 : f32 to vector<16xf32>
        %le3A_1254 = arith.cmpf ole, %abs3A_1252, %le3A_1253 : vector<16xf32>
        %sub3A_1255 = vector.broadcast %squeeze3A : f32 to vector<16xf32>
        %sub3A_1256 = arith.subf %get3A_1241, %sub3A_1255 : vector<16xf32>
        %sub3A_1257 = vector.broadcast %squeeze3A_45 : f32 to vector<16xf32>
        %sub3A_1258 = arith.subf %get3A_1245, %sub3A_1257 : vector<16xf32>
        %mul3A_1259 = vector.broadcast %squeeze3A_55 : f32 to vector<16xf32>
        %mul3A_1260 = arith.mulf %sub3A_1256, %mul3A_1259 : vector<16xf32>
        %neg3A_1261 = arith.constant 0.000000e+00 : f32
        %neg3A_1262 = arith.subf %neg3A_1261, %squeeze3A_57 : f32
        %mul3A_1263 = vector.broadcast %neg3A_1262 : f32 to vector<16xf32>
        %mul3A_1264 = arith.mulf %sub3A_1258, %mul3A_1263 : vector<16xf32>
        %add3A_1265 = arith.addf %mul3A_1260, %mul3A_1264 : vector<16xf32>
        %mul3A_1266 = vector.broadcast %squeeze3A_57 : f32 to vector<16xf32>
        %mul3A_1267 = arith.mulf %sub3A_1256, %mul3A_1266 : vector<16xf32>
        %mul3A_1268 = vector.broadcast %squeeze3A_55 : f32 to vector<16xf32>
        %mul3A_1269 = arith.mulf %sub3A_1258, %mul3A_1268 : vector<16xf32>
        %add3A_1270 = arith.addf %mul3A_1267, %mul3A_1269 : vector<16xf32>
        %neg3A_1271 = arith.constant 0.000000e+00 : f32
        %neg3A_1272 = arith.subf %neg3A_1271, %squeeze3A_49 : f32
        %gt3A_1273 = vector.broadcast %neg3A_1272 : f32 to vector<16xf32>
        %gt3A_1274 = arith.cmpf ogt, %add3A_1265, %gt3A_1273 : vector<16xf32>
        %and3A_1275 = arith.andi %le3A_1254, %gt3A_1274 : vector<16xi1>
        %lt3A_1276 = vector.broadcast %squeeze3A_49 : f32 to vector<16xf32>
        %lt3A_1277 = arith.cmpf olt, %add3A_1265, %lt3A_1276 : vector<16xf32>
        %and3A_1278 = arith.andi %and3A_1275, %lt3A_1277 : vector<16xi1>
        %neg3A_1279 = arith.constant 0.000000e+00 : f32
        %neg3A_1280 = arith.subf %neg3A_1279, %squeeze3A_51 : f32
        %gt3A_1281 = vector.broadcast %neg3A_1280 : f32 to vector<16xf32>
        %gt3A_1282 = arith.cmpf ogt, %add3A_1270, %gt3A_1281 : vector<16xf32>
        %and3A_1283 = arith.andi %and3A_1278, %gt3A_1282 : vector<16xi1>
        %lt3A_1284 = vector.broadcast %squeeze3A_51 : f32 to vector<16xf32>
        %lt3A_1285 = arith.cmpf olt, %add3A_1270, %lt3A_1284 : vector<16xf32>
        %and3A_1286 = arith.andi %and3A_1283, %lt3A_1285 : vector<16xi1>
        %lt3A_1287 = arith.constant 512 : i32
        %lt3A_1288 = vector.broadcast %lt3A_1287 : i32 to vector<16xi32>
        %lt3A_1289 = arith.cmpi slt, %add3A_1235, %lt3A_1288 : vector<16xi32>
        %and3A_1290 = arith.andi %and3A_1286, %lt3A_1289 : vector<16xi1>
        %add3A_1291 = vector.broadcast %scan3A_1237 : i32 to vector<16xi32>
        %add3A_1292 = arith.addi %add3A_76, %add3A_1291 : vector<16xi32>
        tpu.vector_store_idx %arg13[%add3A_1235], %add3A_1292 masked %and3A_1290 : memref<544xi32, #tpu.memory_space<vmem>>[vector<16xi32>], vector<16xi32>, vector<16xi1>
        %convert_element_type3A_1293 = arith.extui %and3A_1286 : vector<16xi1> to vector<16xi32>
        %add3A_1294 = arith.addi %add3A_1235, %convert_element_type3A_1293 : vector<16xi32>
        %scan3A_1295 = arith.constant 2 : i32
        %scan3A_1296 = arith.addi %scan3A_1181, %scan3A_1295 : i32
        %mul3A_1297 = arith.constant 16 : i32
        %mul3A_1298 = arith.muli %scan3A_1296, %mul3A_1297 : i32
        %get3A_1299 = arith.index_cast %mul3A_1298 : i32 to index
        %get3A_1300 = tpu.vector_load %arg9[%get3A_1299] {strides = array<i32>} : memref<16384xf32, #tpu.memory_space<vmem>>, vector<16xf32>,
        %mul3A_1301 = arith.constant 16 : i32
        %mul3A_1302 = arith.muli %scan3A_1296, %mul3A_1301 : i32
        %get3A_1303 = arith.index_cast %mul3A_1302 : i32 to index
        %get3A_1304 = tpu.vector_load %arg10[%get3A_1303] {strides = array<i32>} : memref<16384xf32, #tpu.memory_space<vmem>>, vector<16xf32>,
        %mul3A_1305 = arith.constant 16 : i32
        %mul3A_1306 = arith.muli %scan3A_1296, %mul3A_1305 : i32
        %get3A_1307 = arith.index_cast %mul3A_1306 : i32 to index
        %get3A_1308 = tpu.vector_load %arg11[%get3A_1307] {strides = array<i32>} : memref<16384xf32, #tpu.memory_space<vmem>>, vector<16xf32>,
        %sub3A_1309 = vector.broadcast %squeeze3A_47 : f32 to vector<16xf32>
        %sub3A_1310 = arith.subf %get3A_1308, %sub3A_1309 : vector<16xf32>
        %abs3A_1311 = math.absf %sub3A_1310 : vector<16xf32>
        %le3A_1312 = vector.broadcast %squeeze3A_53 : f32 to vector<16xf32>
        %le3A_1313 = arith.cmpf ole, %abs3A_1311, %le3A_1312 : vector<16xf32>
        %sub3A_1314 = vector.broadcast %squeeze3A : f32 to vector<16xf32>
        %sub3A_1315 = arith.subf %get3A_1300, %sub3A_1314 : vector<16xf32>
        %sub3A_1316 = vector.broadcast %squeeze3A_45 : f32 to vector<16xf32>
        %sub3A_1317 = arith.subf %get3A_1304, %sub3A_1316 : vector<16xf32>
        %mul3A_1318 = vector.broadcast %squeeze3A_55 : f32 to vector<16xf32>
        %mul3A_1319 = arith.mulf %sub3A_1315, %mul3A_1318 : vector<16xf32>
        %neg3A_1320 = arith.constant 0.000000e+00 : f32
        %neg3A_1321 = arith.subf %neg3A_1320, %squeeze3A_57 : f32
        %mul3A_1322 = vector.broadcast %neg3A_1321 : f32 to vector<16xf32>
        %mul3A_1323 = arith.mulf %sub3A_1317, %mul3A_1322 : vector<16xf32>
        %add3A_1324 = arith.addf %mul3A_1319, %mul3A_1323 : vector<16xf32>
        %mul3A_1325 = vector.broadcast %squeeze3A_57 : f32 to vector<16xf32>
        %mul3A_1326 = arith.mulf %sub3A_1315, %mul3A_1325 : vector<16xf32>
        %mul3A_1327 = vector.broadcast %squeeze3A_55 : f32 to vector<16xf32>
        %mul3A_1328 = arith.mulf %sub3A_1317, %mul3A_1327 : vector<16xf32>
        %add3A_1329 = arith.addf %mul3A_1326, %mul3A_1328 : vector<16xf32>
        %neg3A_1330 = arith.constant 0.000000e+00 : f32
        %neg3A_1331 = arith.subf %neg3A_1330, %squeeze3A_49 : f32
        %gt3A_1332 = vector.broadcast %neg3A_1331 : f32 to vector<16xf32>
        %gt3A_1333 = arith.cmpf ogt, %add3A_1324, %gt3A_1332 : vector<16xf32>
        %and3A_1334 = arith.andi %le3A_1313, %gt3A_1333 : vector<16xi1>
        %lt3A_1335 = vector.broadcast %squeeze3A_49 : f32 to vector<16xf32>
        %lt3A_1336 = arith.cmpf olt, %add3A_1324, %lt3A_1335 : vector<16xf32>
        %and3A_1337 = arith.andi %and3A_1334, %lt3A_1336 : vector<16xi1>
        %neg3A_1338 = arith.constant 0.000000e+00 : f32
        %neg3A_1339 = arith.subf %neg3A_1338, %squeeze3A_51 : f32
        %gt3A_1340 = vector.broadcast %neg3A_1339 : f32 to vector<16xf32>
        %gt3A_1341 = arith.cmpf ogt, %add3A_1329, %gt3A_1340 : vector<16xf32>
        %and3A_1342 = arith.andi %and3A_1337, %gt3A_1341 : vector<16xi1>
        %lt3A_1343 = vector.broadcast %squeeze3A_51 : f32 to vector<16xf32>
        %lt3A_1344 = arith.cmpf olt, %add3A_1329, %lt3A_1343 : vector<16xf32>
        %and3A_1345 = arith.andi %and3A_1342, %lt3A_1344 : vector<16xi1>
        %lt3A_1346 = arith.constant 512 : i32
        %lt3A_1347 = vector.broadcast %lt3A_1346 : i32 to vector<16xi32>
        %lt3A_1348 = arith.cmpi slt, %add3A_1294, %lt3A_1347 : vector<16xi32>
        %and3A_1349 = arith.andi %and3A_1345, %lt3A_1348 : vector<16xi1>
        %add3A_1350 = vector.broadcast %scan3A_1296 : i32 to vector<16xi32>
        %add3A_1351 = arith.addi %add3A_76, %add3A_1350 : vector<16xi32>
        tpu.vector_store_idx %arg13[%add3A_1294], %add3A_1351 masked %and3A_1349 : memref<544xi32, #tpu.memory_space<vmem>>[vector<16xi32>], vector<16xi32>, vector<16xi1>
        %convert_element_type3A_1352 = arith.extui %and3A_1345 : vector<16xi1> to vector<16xi32>
        %add3A_1353 = arith.addi %add3A_1294, %convert_element_type3A_1352 : vector<16xi32>
        %scan3A_1354 = arith.constant 3 : i32
        %scan3A_1355 = arith.addi %scan3A_1181, %scan3A_1354 : i32
        %mul3A_1356 = arith.constant 16 : i32
        %mul3A_1357 = arith.muli %scan3A_1355, %mul3A_1356 : i32
        %get3A_1358 = arith.index_cast %mul3A_1357 : i32 to index
        %get3A_1359 = tpu.vector_load %arg9[%get3A_1358] {strides = array<i32>} : memref<16384xf32, #tpu.memory_space<vmem>>, vector<16xf32>,
        %mul3A_1360 = arith.constant 16 : i32
        %mul3A_1361 = arith.muli %scan3A_1355, %mul3A_1360 : i32
        %get3A_1362 = arith.index_cast %mul3A_1361 : i32 to index
        %get3A_1363 = tpu.vector_load %arg10[%get3A_1362] {strides = array<i32>} : memref<16384xf32, #tpu.memory_space<vmem>>, vector<16xf32>,
        %mul3A_1364 = arith.constant 16 : i32
        %mul3A_1365 = arith.muli %scan3A_1355, %mul3A_1364 : i32
        %get3A_1366 = arith.index_cast %mul3A_1365 : i32 to index
        %get3A_1367 = tpu.vector_load %arg11[%get3A_1366] {strides = array<i32>} : memref<16384xf32, #tpu.memory_space<vmem>>, vector<16xf32>,
        %sub3A_1368 = vector.broadcast %squeeze3A_47 : f32 to vector<16xf32>
        %sub3A_1369 = arith.subf %get3A_1367, %sub3A_1368 : vector<16xf32>
        %abs3A_1370 = math.absf %sub3A_1369 : vector<16xf32>
        %le3A_1371 = vector.broadcast %squeeze3A_53 : f32 to vector<16xf32>
        %le3A_1372 = arith.cmpf ole, %abs3A_1370, %le3A_1371 : vector<16xf32>
        %sub3A_1373 = vector.broadcast %squeeze3A : f32 to vector<16xf32>
        %sub3A_1374 = arith.subf %get3A_1359, %sub3A_1373 : vector<16xf32>
        %sub3A_1375 = vector.broadcast %squeeze3A_45 : f32 to vector<16xf32>
        %sub3A_1376 = arith.subf %get3A_1363, %sub3A_1375 : vector<16xf32>
        %mul3A_1377 = vector.broadcast %squeeze3A_55 : f32 to vector<16xf32>
        %mul3A_1378 = arith.mulf %sub3A_1374, %mul3A_1377 : vector<16xf32>
        %neg3A_1379 = arith.constant 0.000000e+00 : f32
        %neg3A_1380 = arith.subf %neg3A_1379, %squeeze3A_57 : f32
        %mul3A_1381 = vector.broadcast %neg3A_1380 : f32 to vector<16xf32>
        %mul3A_1382 = arith.mulf %sub3A_1376, %mul3A_1381 : vector<16xf32>
        %add3A_1383 = arith.addf %mul3A_1378, %mul3A_1382 : vector<16xf32>
        %mul3A_1384 = vector.broadcast %squeeze3A_57 : f32 to vector<16xf32>
        %mul3A_1385 = arith.mulf %sub3A_1374, %mul3A_1384 : vector<16xf32>
        %mul3A_1386 = vector.broadcast %squeeze3A_55 : f32 to vector<16xf32>
        %mul3A_1387 = arith.mulf %sub3A_1376, %mul3A_1386 : vector<16xf32>
        %add3A_1388 = arith.addf %mul3A_1385, %mul3A_1387 : vector<16xf32>
        %neg3A_1389 = arith.constant 0.000000e+00 : f32
        %neg3A_1390 = arith.subf %neg3A_1389, %squeeze3A_49 : f32
        %gt3A_1391 = vector.broadcast %neg3A_1390 : f32 to vector<16xf32>
        %gt3A_1392 = arith.cmpf ogt, %add3A_1383, %gt3A_1391 : vector<16xf32>
        %and3A_1393 = arith.andi %le3A_1372, %gt3A_1392 : vector<16xi1>
        %lt3A_1394 = vector.broadcast %squeeze3A_49 : f32 to vector<16xf32>
        %lt3A_1395 = arith.cmpf olt, %add3A_1383, %lt3A_1394 : vector<16xf32>
        %and3A_1396 = arith.andi %and3A_1393, %lt3A_1395 : vector<16xi1>
        %neg3A_1397 = arith.constant 0.000000e+00 : f32
        %neg3A_1398 = arith.subf %neg3A_1397, %squeeze3A_51 : f32
        %gt3A_1399 = vector.broadcast %neg3A_1398 : f32 to vector<16xf32>
        %gt3A_1400 = arith.cmpf ogt, %add3A_1388, %gt3A_1399 : vector<16xf32>
        %and3A_1401 = arith.andi %and3A_1396, %gt3A_1400 : vector<16xi1>
        %lt3A_1402 = vector.broadcast %squeeze3A_51 : f32 to vector<16xf32>
        %lt3A_1403 = arith.cmpf olt, %add3A_1388, %lt3A_1402 : vector<16xf32>
        %and3A_1404 = arith.andi %and3A_1401, %lt3A_1403 : vector<16xi1>
        %lt3A_1405 = arith.constant 512 : i32
        %lt3A_1406 = vector.broadcast %lt3A_1405 : i32 to vector<16xi32>
        %lt3A_1407 = arith.cmpi slt, %add3A_1353, %lt3A_1406 : vector<16xi32>
        %and3A_1408 = arith.andi %and3A_1404, %lt3A_1407 : vector<16xi1>
        %add3A_1409 = vector.broadcast %scan3A_1355 : i32 to vector<16xi32>
        %add3A_1410 = arith.addi %add3A_76, %add3A_1409 : vector<16xi32>
        tpu.vector_store_idx %arg13[%add3A_1353], %add3A_1410 masked %and3A_1408 : memref<544xi32, #tpu.memory_space<vmem>>[vector<16xi32>], vector<16xi32>, vector<16xi1>
        %convert_element_type3A_1411 = arith.extui %and3A_1404 : vector<16xi1> to vector<16xi32>
        %add3A_1412 = arith.addi %add3A_1353, %convert_element_type3A_1411 : vector<16xi32>
        scf.yield %add3A_1412 : vector<16xi32>
      }
      %scan3A_82 = arith.constant 1024 : i32
      %eq3A_83 = arith.constant 0 : i32
      %eq3A_84 = arith.cmpi eq, %squeeze3A_68, %eq3A_83 : i32
      %eq3A_85 = vector.broadcast %scan3A_40 : i32 to vector<16xi32>
      %eq3A_86 = arith.cmpi eq, %iota3A, %eq3A_85 : vector<16xi32>
      %convert_element_type3A = arith.extui %eq3A_84 : i1 to i32
      %get3A_87 = arith.constant 0 : index
      %get3A_88 = tpu.vector_load %arg19[%get3A_87] {strides = array<i32>} : memref<16xi32, #tpu.memory_space<vmem>>, vector<16xi32>,
      %broadcast_in_dim3A_89 = vector.broadcast %convert_element_type3A : i32 to vector<16xi32>
      %select_n3A_90 = arith.select %eq3A_86, %broadcast_in_dim3A_89, %get3A_88 : vector<16xi1>, vector<16xi32>
      %swap3A = arith.constant 0 : index
      %swap3A_91 = tpu.vector_load %arg19[%swap3A] {strides = array<i32>} : memref<16xi32, #tpu.memory_space<vmem>>, vector<16xi32>,
      tpu.vector_store %arg19[%swap3A], %select_n3A_90 {strides = array<i32>} : memref<16xi32, #tpu.memory_space<vmem>>, vector<16xi32>,
      %max3A = arith.constant 1 : i32
      %max3A_92 = arith.maxsi %squeeze3A_68, %max3A : i32
      %add3A_93 = arith.constant 0 : i32
      %add3A_94 = vector.broadcast %add3A_93 : i32 to vector<16xi32>
      %add3A_95 = arith.addi %iota3A, %add3A_94 : vector<16xi32>
      %eq3A_96 = arith.constant 0 : i32
      %eq3A_97 = arith.cmpi eq, %max3A_92, %eq3A_96 : i32
      %jit3A_98 = arith.constant 1 : i32
      %select_n3A_99 = arith.select %eq3A_97, %jit3A_98, %max3A_92 : i32
      %rem3A_100 = vector.broadcast %select_n3A_99 : i32 to vector<16xi32>
      %rem3A_101 = arith.remsi %add3A_95, %rem3A_100 : vector<16xi32>
      %ne3A_102 = arith.constant 0 : i32
      %ne3A_103 = vector.broadcast %ne3A_102 : i32 to vector<16xi32>
      %ne3A_104 = arith.cmpi ne, %rem3A_101, %ne3A_103 : vector<16xi32>
      %lt3A_105 = arith.constant 0 : i32
      %lt3A_106 = vector.broadcast %lt3A_105 : i32 to vector<16xi32>
      %lt3A_107 = arith.cmpi slt, %rem3A_101, %lt3A_106 : vector<16xi32>
      %lt3A_108 = arith.constant 0 : i32
      %lt3A_109 = arith.cmpi slt, %select_n3A_99, %lt3A_108 : i32
      %ne3A_110 = vector.broadcast %lt3A_109 : i1 to vector<16xi1>
      %ne3A_111 = vector.broadcast %ne3A_110 : vector<16xi1> to vector<16xi1>
      %ne3A_112 = arith.xori %lt3A_107, %ne3A_111 : vector<16xi1>
      %and3A_113 = arith.andi %ne3A_112, %ne3A_104 : vector<16xi1>
      %add3A_114 = vector.broadcast %select_n3A_99 : i32 to vector<16xi32>
      %add3A_115 = arith.addi %rem3A_101, %add3A_114 : vector<16xi32>
      %select_n3A_116 = arith.select %and3A_113, %add3A_115, %rem3A_101 : vector<16xi1>, vector<16xi32>
      %gather3A = tpu.vector_load_idx %arg13[%select_n3A_116] : memref<544xi32, #tpu.memory_space<vmem>>[vector<16xi32>], vector<16xi32>,
      %jit3A_117 = arith.constant 65536 : i32
      %broadcast_in_dim3A_118 = vector.broadcast %jit3A_117 : i32 to vector<16xi32>
      %select_n3A_119 = arith.select %eq3A_84, %broadcast_in_dim3A_118, %gather3A : vector<16xi32>
      %swap3A_120 = arith.constant 0 : index
      %swap3A_121 = tpu.vector_load %arg14[%swap3A_120] {strides = array<i32>} : memref<512xi32, #tpu.memory_space<vmem>>, vector<16xi32>,
      tpu.vector_store %arg14[%swap3A_120], %select_n3A_119 {strides = array<i32>} : memref<512xi32, #tpu.memory_space<vmem>>, vector<16xi32>,
      %add3A_122 = arith.constant 16 : i32
      %add3A_123 = vector.broadcast %add3A_122 : i32 to vector<16xi32>
      %add3A_124 = arith.addi %iota3A, %add3A_123 : vector<16xi32>
      %eq3A_125 = arith.constant 0 : i32
      %eq3A_126 = arith.cmpi eq, %max3A_92, %eq3A_125 : i32
      %jit3A_127 = arith.constant 1 : i32
      %select_n3A_128 = arith.select %eq3A_126, %jit3A_127, %max3A_92 : i32
      %rem3A_129 = vector.broadcast %select_n3A_128 : i32 to vector<16xi32>
      %rem3A_130 = arith.remsi %add3A_124, %rem3A_129 : vector<16xi32>
      %ne3A_131 = arith.constant 0 : i32
      %ne3A_132 = vector.broadcast %ne3A_131 : i32 to vector<16xi32>
      %ne3A_133 = arith.cmpi ne, %rem3A_130, %ne3A_132 : vector<16xi32>
      %lt3A_134 = arith.constant 0 : i32
      %lt3A_135 = vector.broadcast %lt3A_134 : i32 to vector<16xi32>
      %lt3A_136 = arith.cmpi slt, %rem3A_130, %lt3A_135 : vector<16xi32>
      %lt3A_137 = arith.constant 0 : i32
      %lt3A_138 = arith.cmpi slt, %select_n3A_128, %lt3A_137 : i32
      %ne3A_139 = vector.broadcast %lt3A_138 : i1 to vector<16xi1>
      %ne3A_140 = vector.broadcast %ne3A_139 : vector<16xi1> to vector<16xi1>
      %ne3A_141 = arith.xori %lt3A_136, %ne3A_140 : vector<16xi1>
      %and3A_142 = arith.andi %ne3A_141, %ne3A_133 : vector<16xi1>
      %add3A_143 = vector.broadcast %select_n3A_128 : i32 to vector<16xi32>
      %add3A_144 = arith.addi %rem3A_130, %add3A_143 : vector<16xi32>
      %select_n3A_145 = arith.select %and3A_142, %add3A_144, %rem3A_130 : vector<16xi1>, vector<16xi32>
      %gather3A_146 = tpu.vector_load_idx %arg13[%select_n3A_145] : memref<544xi32, #tpu.memory_space<vmem>>[vector<16xi32>], vector<16xi32>,
      %jit3A_147 = arith.constant 65536 : i32
      %broadcast_in_dim3A_148 = vector.broadcast %jit3A_147 : i32 to vector<16xi32>
      %select_n3A_149 = arith.select %eq3A_84, %broadcast_in_dim3A_148, %gather3A_146 : vector<16xi32>
      %swap3A_150 = arith.constant 16 : index
      %swap3A_151 = tpu.vector_load %arg14[%swap3A_150] {strides = array<i32>} : memref<512xi32, #tpu.memory_space<vmem>>, vector<16xi32>,
      tpu.vector_store %arg14[%swap3A_150], %select_n3A_149 {strides = array<i32>} : memref<512xi32, #tpu.memory_space<vmem>>, vector<16xi32>,
      %add3A_152 = arith.constant 32 : i32
      %add3A_153 = vector.broadcast %add3A_152 : i32 to vector<16xi32>
      %add3A_154 = arith.addi %iota3A, %add3A_153 : vector<16xi32>
      %eq3A_155 = arith.constant 0 : i32
      %eq3A_156 = arith.cmpi eq, %max3A_92, %eq3A_155 : i32
      %jit3A_157 = arith.constant 1 : i32
      %select_n3A_158 = arith.select %eq3A_156, %jit3A_157, %max3A_92 : i32
      %rem3A_159 = vector.broadcast %select_n3A_158 : i32 to vector<16xi32>
      %rem3A_160 = arith.remsi %add3A_154, %rem3A_159 : vector<16xi32>
      %ne3A_161 = arith.constant 0 : i32
      %ne3A_162 = vector.broadcast %ne3A_161 : i32 to vector<16xi32>
      %ne3A_163 = arith.cmpi ne, %rem3A_160, %ne3A_162 : vector<16xi32>
      %lt3A_164 = arith.constant 0 : i32
      %lt3A_165 = vector.broadcast %lt3A_164 : i32 to vector<16xi32>
      %lt3A_166 = arith.cmpi slt, %rem3A_160, %lt3A_165 : vector<16xi32>
      %lt3A_167 = arith.constant 0 : i32
      %lt3A_168 = arith.cmpi slt, %select_n3A_158, %lt3A_167 : i32
      %ne3A_169 = vector.broadcast %lt3A_168 : i1 to vector<16xi1>
      %ne3A_170 = vector.broadcast %ne3A_169 : vector<16xi1> to vector<16xi1>
      %ne3A_171 = arith.xori %lt3A_166, %ne3A_170 : vector<16xi1>
      %and3A_172 = arith.andi %ne3A_171, %ne3A_163 : vector<16xi1>
      %add3A_173 = vector.broadcast %select_n3A_158 : i32 to vector<16xi32>
      %add3A_174 = arith.addi %rem3A_160, %add3A_173 : vector<16xi32>
      %select_n3A_175 = arith.select %and3A_172, %add3A_174, %rem3A_160 : vector<16xi1>, vector<16xi32>
      %gather3A_176 = tpu.vector_load_idx %arg13[%select_n3A_175] : memref<544xi32, #tpu.memory_space<vmem>>[vector<16xi32>], vector<16xi32>,
      %jit3A_177 = arith.constant 65536 : i32
      %broadcast_in_dim3A_178 = vector.broadcast %jit3A_177 : i32 to vector<16xi32>
      %select_n3A_179 = arith.select %eq3A_84, %broadcast_in_dim3A_178, %gather3A_176 : vector<16xi32>
      %swap3A_180 = arith.constant 32 : index
      %swap3A_181 = tpu.vector_load %arg14[%swap3A_180] {strides = array<i32>} : memref<512xi32, #tpu.memory_space<vmem>>, vector<16xi32>,
      tpu.vector_store %arg14[%swap3A_180], %select_n3A_179 {strides = array<i32>} : memref<512xi32, #tpu.memory_space<vmem>>, vector<16xi32>,
      %add3A_182 = arith.constant 48 : i32
      %add3A_183 = vector.broadcast %add3A_182 : i32 to vector<16xi32>
      %add3A_184 = arith.addi %iota3A, %add3A_183 : vector<16xi32>
      %eq3A_185 = arith.constant 0 : i32
      %eq3A_186 = arith.cmpi eq, %max3A_92, %eq3A_185 : i32
      %jit3A_187 = arith.constant 1 : i32
      %select_n3A_188 = arith.select %eq3A_186, %jit3A_187, %max3A_92 : i32
      %rem3A_189 = vector.broadcast %select_n3A_188 : i32 to vector<16xi32>
      %rem3A_190 = arith.remsi %add3A_184, %rem3A_189 : vector<16xi32>
      %ne3A_191 = arith.constant 0 : i32
      %ne3A_192 = vector.broadcast %ne3A_191 : i32 to vector<16xi32>
      %ne3A_193 = arith.cmpi ne, %rem3A_190, %ne3A_192 : vector<16xi32>
      %lt3A_194 = arith.constant 0 : i32
      %lt3A_195 = vector.broadcast %lt3A_194 : i32 to vector<16xi32>
      %lt3A_196 = arith.cmpi slt, %rem3A_190, %lt3A_195 : vector<16xi32>
      %lt3A_197 = arith.constant 0 : i32
      %lt3A_198 = arith.cmpi slt, %select_n3A_188, %lt3A_197 : i32
      %ne3A_199 = vector.broadcast %lt3A_198 : i1 to vector<16xi1>
      %ne3A_200 = vector.broadcast %ne3A_199 : vector<16xi1> to vector<16xi1>
      %ne3A_201 = arith.xori %lt3A_196, %ne3A_200 : vector<16xi1>
      %and3A_202 = arith.andi %ne3A_201, %ne3A_193 : vector<16xi1>
      %add3A_203 = vector.broadcast %select_n3A_188 : i32 to vector<16xi32>
      %add3A_204 = arith.addi %rem3A_190, %add3A_203 : vector<16xi32>
      %select_n3A_205 = arith.select %and3A_202, %add3A_204, %rem3A_190 : vector<16xi1>, vector<16xi32>
      %gather3A_206 = tpu.vector_load_idx %arg13[%select_n3A_205] : memref<544xi32, #tpu.memory_space<vmem>>[vector<16xi32>], vector<16xi32>,
      %jit3A_207 = arith.constant 65536 : i32
      %broadcast_in_dim3A_208 = vector.broadcast %jit3A_207 : i32 to vector<16xi32>
      %select_n3A_209 = arith.select %eq3A_84, %broadcast_in_dim3A_208, %gather3A_206 : vector<16xi32>
      %swap3A_210 = arith.constant 48 : index
      %swap3A_211 = tpu.vector_load %arg14[%swap3A_210] {strides = array<i32>} : memref<512xi32, #tpu.memory_space<vmem>>, vector<16xi32>,
      tpu.vector_store %arg14[%swap3A_210], %select_n3A_209 {strides = array<i32>} : memref<512xi32, #tpu.memory_space<vmem>>, vector<16xi32>,
      %add3A_212 = arith.constant 64 : i32
      %add3A_213 = vector.broadcast %add3A_212 : i32 to vector<16xi32>
      %add3A_214 = arith.addi %iota3A, %add3A_213 : vector<16xi32>
      %eq3A_215 = arith.constant 0 : i32
      %eq3A_216 = arith.cmpi eq, %max3A_92, %eq3A_215 : i32
      %jit3A_217 = arith.constant 1 : i32
      %select_n3A_218 = arith.select %eq3A_216, %jit3A_217, %max3A_92 : i32
      %rem3A_219 = vector.broadcast %select_n3A_218 : i32 to vector<16xi32>
      %rem3A_220 = arith.remsi %add3A_214, %rem3A_219 : vector<16xi32>
      %ne3A_221 = arith.constant 0 : i32
      %ne3A_222 = vector.broadcast %ne3A_221 : i32 to vector<16xi32>
      %ne3A_223 = arith.cmpi ne, %rem3A_220, %ne3A_222 : vector<16xi32>
      %lt3A_224 = arith.constant 0 : i32
      %lt3A_225 = vector.broadcast %lt3A_224 : i32 to vector<16xi32>
      %lt3A_226 = arith.cmpi slt, %rem3A_220, %lt3A_225 : vector<16xi32>
      %lt3A_227 = arith.constant 0 : i32
      %lt3A_228 = arith.cmpi slt, %select_n3A_218, %lt3A_227 : i32
      %ne3A_229 = vector.broadcast %lt3A_228 : i1 to vector<16xi1>
      %ne3A_230 = vector.broadcast %ne3A_229 : vector<16xi1> to vector<16xi1>
      %ne3A_231 = arith.xori %lt3A_226, %ne3A_230 : vector<16xi1>
      %and3A_232 = arith.andi %ne3A_231, %ne3A_223 : vector<16xi1>
      %add3A_233 = vector.broadcast %select_n3A_218 : i32 to vector<16xi32>
      %add3A_234 = arith.addi %rem3A_220, %add3A_233 : vector<16xi32>
      %select_n3A_235 = arith.select %and3A_232, %add3A_234, %rem3A_220 : vector<16xi1>, vector<16xi32>
      %gather3A_236 = tpu.vector_load_idx %arg13[%select_n3A_235] : memref<544xi32, #tpu.memory_space<vmem>>[vector<16xi32>], vector<16xi32>,
      %jit3A_237 = arith.constant 65536 : i32
      %broadcast_in_dim3A_238 = vector.broadcast %jit3A_237 : i32 to vector<16xi32>
      %select_n3A_239 = arith.select %eq3A_84, %broadcast_in_dim3A_238, %gather3A_236 : vector<16xi32>
      %swap3A_240 = arith.constant 64 : index
      %swap3A_241 = tpu.vector_load %arg14[%swap3A_240] {strides = array<i32>} : memref<512xi32, #tpu.memory_space<vmem>>, vector<16xi32>,
      tpu.vector_store %arg14[%swap3A_240], %select_n3A_239 {strides = array<i32>} : memref<512xi32, #tpu.memory_space<vmem>>, vector<16xi32>,
      %add3A_242 = arith.constant 80 : i32
      %add3A_243 = vector.broadcast %add3A_242 : i32 to vector<16xi32>
      %add3A_244 = arith.addi %iota3A, %add3A_243 : vector<16xi32>
      %eq3A_245 = arith.constant 0 : i32
      %eq3A_246 = arith.cmpi eq, %max3A_92, %eq3A_245 : i32
      %jit3A_247 = arith.constant 1 : i32
      %select_n3A_248 = arith.select %eq3A_246, %jit3A_247, %max3A_92 : i32
      %rem3A_249 = vector.broadcast %select_n3A_248 : i32 to vector<16xi32>
      %rem3A_250 = arith.remsi %add3A_244, %rem3A_249 : vector<16xi32>
      %ne3A_251 = arith.constant 0 : i32
      %ne3A_252 = vector.broadcast %ne3A_251 : i32 to vector<16xi32>
      %ne3A_253 = arith.cmpi ne, %rem3A_250, %ne3A_252 : vector<16xi32>
      %lt3A_254 = arith.constant 0 : i32
      %lt3A_255 = vector.broadcast %lt3A_254 : i32 to vector<16xi32>
      %lt3A_256 = arith.cmpi slt, %rem3A_250, %lt3A_255 : vector<16xi32>
      %lt3A_257 = arith.constant 0 : i32
      %lt3A_258 = arith.cmpi slt, %select_n3A_248, %lt3A_257 : i32
      %ne3A_259 = vector.broadcast %lt3A_258 : i1 to vector<16xi1>
      %ne3A_260 = vector.broadcast %ne3A_259 : vector<16xi1> to vector<16xi1>
      %ne3A_261 = arith.xori %lt3A_256, %ne3A_260 : vector<16xi1>
      %and3A_262 = arith.andi %ne3A_261, %ne3A_253 : vector<16xi1>
      %add3A_263 = vector.broadcast %select_n3A_248 : i32 to vector<16xi32>
      %add3A_264 = arith.addi %rem3A_250, %add3A_263 : vector<16xi32>
      %select_n3A_265 = arith.select %and3A_262, %add3A_264, %rem3A_250 : vector<16xi1>, vector<16xi32>
      %gather3A_266 = tpu.vector_load_idx %arg13[%select_n3A_265] : memref<544xi32, #tpu.memory_space<vmem>>[vector<16xi32>], vector<16xi32>,
      %jit3A_267 = arith.constant 65536 : i32
      %broadcast_in_dim3A_268 = vector.broadcast %jit3A_267 : i32 to vector<16xi32>
      %select_n3A_269 = arith.select %eq3A_84, %broadcast_in_dim3A_268, %gather3A_266 : vector<16xi32>
      %swap3A_270 = arith.constant 80 : index
      %swap3A_271 = tpu.vector_load %arg14[%swap3A_270] {strides = array<i32>} : memref<512xi32, #tpu.memory_space<vmem>>, vector<16xi32>,
      tpu.vector_store %arg14[%swap3A_270], %select_n3A_269 {strides = array<i32>} : memref<512xi32, #tpu.memory_space<vmem>>, vector<16xi32>,
      %add3A_272 = arith.constant 96 : i32
      %add3A_273 = vector.broadcast %add3A_272 : i32 to vector<16xi32>
      %add3A_274 = arith.addi %iota3A, %add3A_273 : vector<16xi32>
      %eq3A_275 = arith.constant 0 : i32
      %eq3A_276 = arith.cmpi eq, %max3A_92, %eq3A_275 : i32
      %jit3A_277 = arith.constant 1 : i32
      %select_n3A_278 = arith.select %eq3A_276, %jit3A_277, %max3A_92 : i32
      %rem3A_279 = vector.broadcast %select_n3A_278 : i32 to vector<16xi32>
      %rem3A_280 = arith.remsi %add3A_274, %rem3A_279 : vector<16xi32>
      %ne3A_281 = arith.constant 0 : i32
      %ne3A_282 = vector.broadcast %ne3A_281 : i32 to vector<16xi32>
      %ne3A_283 = arith.cmpi ne, %rem3A_280, %ne3A_282 : vector<16xi32>
      %lt3A_284 = arith.constant 0 : i32
      %lt3A_285 = vector.broadcast %lt3A_284 : i32 to vector<16xi32>
      %lt3A_286 = arith.cmpi slt, %rem3A_280, %lt3A_285 : vector<16xi32>
      %lt3A_287 = arith.constant 0 : i32
      %lt3A_288 = arith.cmpi slt, %select_n3A_278, %lt3A_287 : i32
      %ne3A_289 = vector.broadcast %lt3A_288 : i1 to vector<16xi1>
      %ne3A_290 = vector.broadcast %ne3A_289 : vector<16xi1> to vector<16xi1>
      %ne3A_291 = arith.xori %lt3A_286, %ne3A_290 : vector<16xi1>
      %and3A_292 = arith.andi %ne3A_291, %ne3A_283 : vector<16xi1>
      %add3A_293 = vector.broadcast %select_n3A_278 : i32 to vector<16xi32>
      %add3A_294 = arith.addi %rem3A_280, %add3A_293 : vector<16xi32>
      %select_n3A_295 = arith.select %and3A_292, %add3A_294, %rem3A_280 : vector<16xi1>, vector<16xi32>
      %gather3A_296 = tpu.vector_load_idx %arg13[%select_n3A_295] : memref<544xi32, #tpu.memory_space<vmem>>[vector<16xi32>], vector<16xi32>,
      %jit3A_297 = arith.constant 65536 : i32
      %broadcast_in_dim3A_298 = vector.broadcast %jit3A_297 : i32 to vector<16xi32>
      %select_n3A_299 = arith.select %eq3A_84, %broadcast_in_dim3A_298, %gather3A_296 : vector<16xi32>
      %swap3A_300 = arith.constant 96 : index
      %swap3A_301 = tpu.vector_load %arg14[%swap3A_300] {strides = array<i32>} : memref<512xi32, #tpu.memory_space<vmem>>, vector<16xi32>,
      tpu.vector_store %arg14[%swap3A_300], %select_n3A_299 {strides = array<i32>} : memref<512xi32, #tpu.memory_space<vmem>>, vector<16xi32>,
      %add3A_302 = arith.constant 112 : i32
      %add3A_303 = vector.broadcast %add3A_302 : i32 to vector<16xi32>
      %add3A_304 = arith.addi %iota3A, %add3A_303 : vector<16xi32>
      %eq3A_305 = arith.constant 0 : i32
      %eq3A_306 = arith.cmpi eq, %max3A_92, %eq3A_305 : i32
      %jit3A_307 = arith.constant 1 : i32
      %select_n3A_308 = arith.select %eq3A_306, %jit3A_307, %max3A_92 : i32
      %rem3A_309 = vector.broadcast %select_n3A_308 : i32 to vector<16xi32>
      %rem3A_310 = arith.remsi %add3A_304, %rem3A_309 : vector<16xi32>
      %ne3A_311 = arith.constant 0 : i32
      %ne3A_312 = vector.broadcast %ne3A_311 : i32 to vector<16xi32>
      %ne3A_313 = arith.cmpi ne, %rem3A_310, %ne3A_312 : vector<16xi32>
      %lt3A_314 = arith.constant 0 : i32
      %lt3A_315 = vector.broadcast %lt3A_314 : i32 to vector<16xi32>
      %lt3A_316 = arith.cmpi slt, %rem3A_310, %lt3A_315 : vector<16xi32>
      %lt3A_317 = arith.constant 0 : i32
      %lt3A_318 = arith.cmpi slt, %select_n3A_308, %lt3A_317 : i32
      %ne3A_319 = vector.broadcast %lt3A_318 : i1 to vector<16xi1>
      %ne3A_320 = vector.broadcast %ne3A_319 : vector<16xi1> to vector<16xi1>
      %ne3A_321 = arith.xori %lt3A_316, %ne3A_320 : vector<16xi1>
      %and3A_322 = arith.andi %ne3A_321, %ne3A_313 : vector<16xi1>
      %add3A_323 = vector.broadcast %select_n3A_308 : i32 to vector<16xi32>
      %add3A_324 = arith.addi %rem3A_310, %add3A_323 : vector<16xi32>
      %select_n3A_325 = arith.select %and3A_322, %add3A_324, %rem3A_310 : vector<16xi1>, vector<16xi32>
      %gather3A_326 = tpu.vector_load_idx %arg13[%select_n3A_325] : memref<544xi32, #tpu.memory_space<vmem>>[vector<16xi32>], vector<16xi32>,
      %jit3A_327 = arith.constant 65536 : i32
      %broadcast_in_dim3A_328 = vector.broadcast %jit3A_327 : i32 to vector<16xi32>
      %select_n3A_329 = arith.select %eq3A_84, %broadcast_in_dim3A_328, %gather3A_326 : vector<16xi32>
      %swap3A_330 = arith.constant 112 : index
      %swap3A_331 = tpu.vector_load %arg14[%swap3A_330] {strides = array<i32>} : memref<512xi32, #tpu.memory_space<vmem>>, vector<16xi32>,
      tpu.vector_store %arg14[%swap3A_330], %select_n3A_329 {strides = array<i32>} : memref<512xi32, #tpu.memory_space<vmem>>, vector<16xi32>,
      %add3A_332 = arith.constant 128 : i32
      %add3A_333 = vector.broadcast %add3A_332 : i32 to vector<16xi32>
      %add3A_334 = arith.addi %iota3A, %add3A_333 : vector<16xi32>
      %eq3A_335 = arith.constant 0 : i32
      %eq3A_336 = arith.cmpi eq, %max3A_92, %eq3A_335 : i32
      %jit3A_337 = arith.constant 1 : i32
      %select_n3A_338 = arith.select %eq3A_336, %jit3A_337, %max3A_92 : i32
      %rem3A_339 = vector.broadcast %select_n3A_338 : i32 to vector<16xi32>
      %rem3A_340 = arith.remsi %add3A_334, %rem3A_339 : vector<16xi32>
      %ne3A_341 = arith.constant 0 : i32
      %ne3A_342 = vector.broadcast %ne3A_341 : i32 to vector<16xi32>
      %ne3A_343 = arith.cmpi ne, %rem3A_340, %ne3A_342 : vector<16xi32>
      %lt3A_344 = arith.constant 0 : i32
      %lt3A_345 = vector.broadcast %lt3A_344 : i32 to vector<16xi32>
      %lt3A_346 = arith.cmpi slt, %rem3A_340, %lt3A_345 : vector<16xi32>
      %lt3A_347 = arith.constant 0 : i32
      %lt3A_348 = arith.cmpi slt, %select_n3A_338, %lt3A_347 : i32
      %ne3A_349 = vector.broadcast %lt3A_348 : i1 to vector<16xi1>
      %ne3A_350 = vector.broadcast %ne3A_349 : vector<16xi1> to vector<16xi1>
      %ne3A_351 = arith.xori %lt3A_346, %ne3A_350 : vector<16xi1>
      %and3A_352 = arith.andi %ne3A_351, %ne3A_343 : vector<16xi1>
      %add3A_353 = vector.broadcast %select_n3A_338 : i32 to vector<16xi32>
      %add3A_354 = arith.addi %rem3A_340, %add3A_353 : vector<16xi32>
      %select_n3A_355 = arith.select %and3A_352, %add3A_354, %rem3A_340 : vector<16xi1>, vector<16xi32>
      %gather3A_356 = tpu.vector_load_idx %arg13[%select_n3A_355] : memref<544xi32, #tpu.memory_space<vmem>>[vector<16xi32>], vector<16xi32>,
      %jit3A_357 = arith.constant 65536 : i32
      %broadcast_in_dim3A_358 = vector.broadcast %jit3A_357 : i32 to vector<16xi32>
      %select_n3A_359 = arith.select %eq3A_84, %broadcast_in_dim3A_358, %gather3A_356 : vector<16xi32>
      %swap3A_360 = arith.constant 128 : index
      %swap3A_361 = tpu.vector_load %arg14[%swap3A_360] {strides = array<i32>} : memref<512xi32, #tpu.memory_space<vmem>>, vector<16xi32>,
      tpu.vector_store %arg14[%swap3A_360], %select_n3A_359 {strides = array<i32>} : memref<512xi32, #tpu.memory_space<vmem>>, vector<16xi32>,
      %add3A_362 = arith.constant 144 : i32
      %add3A_363 = vector.broadcast %add3A_362 : i32 to vector<16xi32>
      %add3A_364 = arith.addi %iota3A, %add3A_363 : vector<16xi32>
      %eq3A_365 = arith.constant 0 : i32
      %eq3A_366 = arith.cmpi eq, %max3A_92, %eq3A_365 : i32
      %jit3A_367 = arith.constant 1 : i32
      %select_n3A_368 = arith.select %eq3A_366, %jit3A_367, %max3A_92 : i32
      %rem3A_369 = vector.broadcast %select_n3A_368 : i32 to vector<16xi32>
      %rem3A_370 = arith.remsi %add3A_364, %rem3A_369 : vector<16xi32>
      %ne3A_371 = arith.constant 0 : i32
      %ne3A_372 = vector.broadcast %ne3A_371 : i32 to vector<16xi32>
      %ne3A_373 = arith.cmpi ne, %rem3A_370, %ne3A_372 : vector<16xi32>
      %lt3A_374 = arith.constant 0 : i32
      %lt3A_375 = vector.broadcast %lt3A_374 : i32 to vector<16xi32>
      %lt3A_376 = arith.cmpi slt, %rem3A_370, %lt3A_375 : vector<16xi32>
      %lt3A_377 = arith.constant 0 : i32
      %lt3A_378 = arith.cmpi slt, %select_n3A_368, %lt3A_377 : i32
      %ne3A_379 = vector.broadcast %lt3A_378 : i1 to vector<16xi1>
      %ne3A_380 = vector.broadcast %ne3A_379 : vector<16xi1> to vector<16xi1>
      %ne3A_381 = arith.xori %lt3A_376, %ne3A_380 : vector<16xi1>
      %and3A_382 = arith.andi %ne3A_381, %ne3A_373 : vector<16xi1>
      %add3A_383 = vector.broadcast %select_n3A_368 : i32 to vector<16xi32>
      %add3A_384 = arith.addi %rem3A_370, %add3A_383 : vector<16xi32>
      %select_n3A_385 = arith.select %and3A_382, %add3A_384, %rem3A_370 : vector<16xi1>, vector<16xi32>
      %gather3A_386 = tpu.vector_load_idx %arg13[%select_n3A_385] : memref<544xi32, #tpu.memory_space<vmem>>[vector<16xi32>], vector<16xi32>,
      %jit3A_387 = arith.constant 65536 : i32
      %broadcast_in_dim3A_388 = vector.broadcast %jit3A_387 : i32 to vector<16xi32>
      %select_n3A_389 = arith.select %eq3A_84, %broadcast_in_dim3A_388, %gather3A_386 : vector<16xi32>
      %swap3A_390 = arith.constant 144 : index
      %swap3A_391 = tpu.vector_load %arg14[%swap3A_390] {strides = array<i32>} : memref<512xi32, #tpu.memory_space<vmem>>, vector<16xi32>,
      tpu.vector_store %arg14[%swap3A_390], %select_n3A_389 {strides = array<i32>} : memref<512xi32, #tpu.memory_space<vmem>>, vector<16xi32>,
      %add3A_392 = arith.constant 160 : i32
      %add3A_393 = vector.broadcast %add3A_392 : i32 to vector<16xi32>
      %add3A_394 = arith.addi %iota3A, %add3A_393 : vector<16xi32>
      %eq3A_395 = arith.constant 0 : i32
      %eq3A_396 = arith.cmpi eq, %max3A_92, %eq3A_395 : i32
      %jit3A_397 = arith.constant 1 : i32
      %select_n3A_398 = arith.select %eq3A_396, %jit3A_397, %max3A_92 : i32
      %rem3A_399 = vector.broadcast %select_n3A_398 : i32 to vector<16xi32>
      %rem3A_400 = arith.remsi %add3A_394, %rem3A_399 : vector<16xi32>
      %ne3A_401 = arith.constant 0 : i32
      %ne3A_402 = vector.broadcast %ne3A_401 : i32 to vector<16xi32>
      %ne3A_403 = arith.cmpi ne, %rem3A_400, %ne3A_402 : vector<16xi32>
      %lt3A_404 = arith.constant 0 : i32
      %lt3A_405 = vector.broadcast %lt3A_404 : i32 to vector<16xi32>
      %lt3A_406 = arith.cmpi slt, %rem3A_400, %lt3A_405 : vector<16xi32>
      %lt3A_407 = arith.constant 0 : i32
      %lt3A_408 = arith.cmpi slt, %select_n3A_398, %lt3A_407 : i32
      %ne3A_409 = vector.broadcast %lt3A_408 : i1 to vector<16xi1>
      %ne3A_410 = vector.broadcast %ne3A_409 : vector<16xi1> to vector<16xi1>
      %ne3A_411 = arith.xori %lt3A_406, %ne3A_410 : vector<16xi1>
      %and3A_412 = arith.andi %ne3A_411, %ne3A_403 : vector<16xi1>
      %add3A_413 = vector.broadcast %select_n3A_398 : i32 to vector<16xi32>
      %add3A_414 = arith.addi %rem3A_400, %add3A_413 : vector<16xi32>
      %select_n3A_415 = arith.select %and3A_412, %add3A_414, %rem3A_400 : vector<16xi1>, vector<16xi32>
      %gather3A_416 = tpu.vector_load_idx %arg13[%select_n3A_415] : memref<544xi32, #tpu.memory_space<vmem>>[vector<16xi32>], vector<16xi32>,
      %jit3A_417 = arith.constant 65536 : i32
      %broadcast_in_dim3A_418 = vector.broadcast %jit3A_417 : i32 to vector<16xi32>
      %select_n3A_419 = arith.select %eq3A_84, %broadcast_in_dim3A_418, %gather3A_416 : vector<16xi32>
      %swap3A_420 = arith.constant 160 : index
      %swap3A_421 = tpu.vector_load %arg14[%swap3A_420] {strides = array<i32>} : memref<512xi32, #tpu.memory_space<vmem>>, vector<16xi32>,
      tpu.vector_store %arg14[%swap3A_420], %select_n3A_419 {strides = array<i32>} : memref<512xi32, #tpu.memory_space<vmem>>, vector<16xi32>,
      %add3A_422 = arith.constant 176 : i32
      %add3A_423 = vector.broadcast %add3A_422 : i32 to vector<16xi32>
      %add3A_424 = arith.addi %iota3A, %add3A_423 : vector<16xi32>
      %eq3A_425 = arith.constant 0 : i32
      %eq3A_426 = arith.cmpi eq, %max3A_92, %eq3A_425 : i32
      %jit3A_427 = arith.constant 1 : i32
      %select_n3A_428 = arith.select %eq3A_426, %jit3A_427, %max3A_92 : i32
      %rem3A_429 = vector.broadcast %select_n3A_428 : i32 to vector<16xi32>
      %rem3A_430 = arith.remsi %add3A_424, %rem3A_429 : vector<16xi32>
      %ne3A_431 = arith.constant 0 : i32
      %ne3A_432 = vector.broadcast %ne3A_431 : i32 to vector<16xi32>
      %ne3A_433 = arith.cmpi ne, %rem3A_430, %ne3A_432 : vector<16xi32>
      %lt3A_434 = arith.constant 0 : i32
      %lt3A_435 = vector.broadcast %lt3A_434 : i32 to vector<16xi32>
      %lt3A_436 = arith.cmpi slt, %rem3A_430, %lt3A_435 : vector<16xi32>
      %lt3A_437 = arith.constant 0 : i32
      %lt3A_438 = arith.cmpi slt, %select_n3A_428, %lt3A_437 : i32
      %ne3A_439 = vector.broadcast %lt3A_438 : i1 to vector<16xi1>
      %ne3A_440 = vector.broadcast %ne3A_439 : vector<16xi1> to vector<16xi1>
      %ne3A_441 = arith.xori %lt3A_436, %ne3A_440 : vector<16xi1>
      %and3A_442 = arith.andi %ne3A_441, %ne3A_433 : vector<16xi1>
      %add3A_443 = vector.broadcast %select_n3A_428 : i32 to vector<16xi32>
      %add3A_444 = arith.addi %rem3A_430, %add3A_443 : vector<16xi32>
      %select_n3A_445 = arith.select %and3A_442, %add3A_444, %rem3A_430 : vector<16xi1>, vector<16xi32>
      %gather3A_446 = tpu.vector_load_idx %arg13[%select_n3A_445] : memref<544xi32, #tpu.memory_space<vmem>>[vector<16xi32>], vector<16xi32>,
      %jit3A_447 = arith.constant 65536 : i32
      %broadcast_in_dim3A_448 = vector.broadcast %jit3A_447 : i32 to vector<16xi32>
      %select_n3A_449 = arith.select %eq3A_84, %broadcast_in_dim3A_448, %gather3A_446 : vector<16xi32>
      %swap3A_450 = arith.constant 176 : index
      %swap3A_451 = tpu.vector_load %arg14[%swap3A_450] {strides = array<i32>} : memref<512xi32, #tpu.memory_space<vmem>>, vector<16xi32>,
      tpu.vector_store %arg14[%swap3A_450], %select_n3A_449 {strides = array<i32>} : memref<512xi32, #tpu.memory_space<vmem>>, vector<16xi32>,
      %add3A_452 = arith.constant 192 : i32
      %add3A_453 = vector.broadcast %add3A_452 : i32 to vector<16xi32>
      %add3A_454 = arith.addi %iota3A, %add3A_453 : vector<16xi32>
      %eq3A_455 = arith.constant 0 : i32
      %eq3A_456 = arith.cmpi eq, %max3A_92, %eq3A_455 : i32
      %jit3A_457 = arith.constant 1 : i32
      %select_n3A_458 = arith.select %eq3A_456, %jit3A_457, %max3A_92 : i32
      %rem3A_459 = vector.broadcast %select_n3A_458 : i32 to vector<16xi32>
      %rem3A_460 = arith.remsi %add3A_454, %rem3A_459 : vector<16xi32>
      %ne3A_461 = arith.constant 0 : i32
      %ne3A_462 = vector.broadcast %ne3A_461 : i32 to vector<16xi32>
      %ne3A_463 = arith.cmpi ne, %rem3A_460, %ne3A_462 : vector<16xi32>
      %lt3A_464 = arith.constant 0 : i32
      %lt3A_465 = vector.broadcast %lt3A_464 : i32 to vector<16xi32>
      %lt3A_466 = arith.cmpi slt, %rem3A_460, %lt3A_465 : vector<16xi32>
      %lt3A_467 = arith.constant 0 : i32
      %lt3A_468 = arith.cmpi slt, %select_n3A_458, %lt3A_467 : i32
      %ne3A_469 = vector.broadcast %lt3A_468 : i1 to vector<16xi1>
      %ne3A_470 = vector.broadcast %ne3A_469 : vector<16xi1> to vector<16xi1>
      %ne3A_471 = arith.xori %lt3A_466, %ne3A_470 : vector<16xi1>
      %and3A_472 = arith.andi %ne3A_471, %ne3A_463 : vector<16xi1>
      %add3A_473 = vector.broadcast %select_n3A_458 : i32 to vector<16xi32>
      %add3A_474 = arith.addi %rem3A_460, %add3A_473 : vector<16xi32>
      %select_n3A_475 = arith.select %and3A_472, %add3A_474, %rem3A_460 : vector<16xi1>, vector<16xi32>
      %gather3A_476 = tpu.vector_load_idx %arg13[%select_n3A_475] : memref<544xi32, #tpu.memory_space<vmem>>[vector<16xi32>], vector<16xi32>,
      %jit3A_477 = arith.constant 65536 : i32
      %broadcast_in_dim3A_478 = vector.broadcast %jit3A_477 : i32 to vector<16xi32>
      %select_n3A_479 = arith.select %eq3A_84, %broadcast_in_dim3A_478, %gather3A_476 : vector<16xi32>
      %swap3A_480 = arith.constant 192 : index
      %swap3A_481 = tpu.vector_load %arg14[%swap3A_480] {strides = array<i32>} : memref<512xi32, #tpu.memory_space<vmem>>, vector<16xi32>,
      tpu.vector_store %arg14[%swap3A_480], %select_n3A_479 {strides = array<i32>} : memref<512xi32, #tpu.memory_space<vmem>>, vector<16xi32>,
      %add3A_482 = arith.constant 208 : i32
      %add3A_483 = vector.broadcast %add3A_482 : i32 to vector<16xi32>
      %add3A_484 = arith.addi %iota3A, %add3A_483 : vector<16xi32>
      %eq3A_485 = arith.constant 0 : i32
      %eq3A_486 = arith.cmpi eq, %max3A_92, %eq3A_485 : i32
      %jit3A_487 = arith.constant 1 : i32
      %select_n3A_488 = arith.select %eq3A_486, %jit3A_487, %max3A_92 : i32
      %rem3A_489 = vector.broadcast %select_n3A_488 : i32 to vector<16xi32>
      %rem3A_490 = arith.remsi %add3A_484, %rem3A_489 : vector<16xi32>
      %ne3A_491 = arith.constant 0 : i32
      %ne3A_492 = vector.broadcast %ne3A_491 : i32 to vector<16xi32>
      %ne3A_493 = arith.cmpi ne, %rem3A_490, %ne3A_492 : vector<16xi32>
      %lt3A_494 = arith.constant 0 : i32
      %lt3A_495 = vector.broadcast %lt3A_494 : i32 to vector<16xi32>
      %lt3A_496 = arith.cmpi slt, %rem3A_490, %lt3A_495 : vector<16xi32>
      %lt3A_497 = arith.constant 0 : i32
      %lt3A_498 = arith.cmpi slt, %select_n3A_488, %lt3A_497 : i32
      %ne3A_499 = vector.broadcast %lt3A_498 : i1 to vector<16xi1>
      %ne3A_500 = vector.broadcast %ne3A_499 : vector<16xi1> to vector<16xi1>
      %ne3A_501 = arith.xori %lt3A_496, %ne3A_500 : vector<16xi1>
      %and3A_502 = arith.andi %ne3A_501, %ne3A_493 : vector<16xi1>
      %add3A_503 = vector.broadcast %select_n3A_488 : i32 to vector<16xi32>
      %add3A_504 = arith.addi %rem3A_490, %add3A_503 : vector<16xi32>
      %select_n3A_505 = arith.select %and3A_502, %add3A_504, %rem3A_490 : vector<16xi1>, vector<16xi32>
      %gather3A_506 = tpu.vector_load_idx %arg13[%select_n3A_505] : memref<544xi32, #tpu.memory_space<vmem>>[vector<16xi32>], vector<16xi32>,
      %jit3A_507 = arith.constant 65536 : i32
      %broadcast_in_dim3A_508 = vector.broadcast %jit3A_507 : i32 to vector<16xi32>
      %select_n3A_509 = arith.select %eq3A_84, %broadcast_in_dim3A_508, %gather3A_506 : vector<16xi32>
      %swap3A_510 = arith.constant 208 : index
      %swap3A_511 = tpu.vector_load %arg14[%swap3A_510] {strides = array<i32>} : memref<512xi32, #tpu.memory_space<vmem>>, vector<16xi32>,
      tpu.vector_store %arg14[%swap3A_510], %select_n3A_509 {strides = array<i32>} : memref<512xi32, #tpu.memory_space<vmem>>, vector<16xi32>,
      %add3A_512 = arith.constant 224 : i32
      %add3A_513 = vector.broadcast %add3A_512 : i32 to vector<16xi32>
      %add3A_514 = arith.addi %iota3A, %add3A_513 : vector<16xi32>
      %eq3A_515 = arith.constant 0 : i32
      %eq3A_516 = arith.cmpi eq, %max3A_92, %eq3A_515 : i32
      %jit3A_517 = arith.constant 1 : i32
      %select_n3A_518 = arith.select %eq3A_516, %jit3A_517, %max3A_92 : i32
      %rem3A_519 = vector.broadcast %select_n3A_518 : i32 to vector<16xi32>
      %rem3A_520 = arith.remsi %add3A_514, %rem3A_519 : vector<16xi32>
      %ne3A_521 = arith.constant 0 : i32
      %ne3A_522 = vector.broadcast %ne3A_521 : i32 to vector<16xi32>
      %ne3A_523 = arith.cmpi ne, %rem3A_520, %ne3A_522 : vector<16xi32>
      %lt3A_524 = arith.constant 0 : i32
      %lt3A_525 = vector.broadcast %lt3A_524 : i32 to vector<16xi32>
      %lt3A_526 = arith.cmpi slt, %rem3A_520, %lt3A_525 : vector<16xi32>
      %lt3A_527 = arith.constant 0 : i32
      %lt3A_528 = arith.cmpi slt, %select_n3A_518, %lt3A_527 : i32
      %ne3A_529 = vector.broadcast %lt3A_528 : i1 to vector<16xi1>
      %ne3A_530 = vector.broadcast %ne3A_529 : vector<16xi1> to vector<16xi1>
      %ne3A_531 = arith.xori %lt3A_526, %ne3A_530 : vector<16xi1>
      %and3A_532 = arith.andi %ne3A_531, %ne3A_523 : vector<16xi1>
      %add3A_533 = vector.broadcast %select_n3A_518 : i32 to vector<16xi32>
      %add3A_534 = arith.addi %rem3A_520, %add3A_533 : vector<16xi32>
      %select_n3A_535 = arith.select %and3A_532, %add3A_534, %rem3A_520 : vector<16xi1>, vector<16xi32>
      %gather3A_536 = tpu.vector_load_idx %arg13[%select_n3A_535] : memref<544xi32, #tpu.memory_space<vmem>>[vector<16xi32>], vector<16xi32>,
      %jit3A_537 = arith.constant 65536 : i32
      %broadcast_in_dim3A_538 = vector.broadcast %jit3A_537 : i32 to vector<16xi32>
      %select_n3A_539 = arith.select %eq3A_84, %broadcast_in_dim3A_538, %gather3A_536 : vector<16xi32>
      %swap3A_540 = arith.constant 224 : index
      %swap3A_541 = tpu.vector_load %arg14[%swap3A_540] {strides = array<i32>} : memref<512xi32, #tpu.memory_space<vmem>>, vector<16xi32>,
      tpu.vector_store %arg14[%swap3A_540], %select_n3A_539 {strides = array<i32>} : memref<512xi32, #tpu.memory_space<vmem>>, vector<16xi32>,
      %add3A_542 = arith.constant 240 : i32
      %add3A_543 = vector.broadcast %add3A_542 : i32 to vector<16xi32>
      %add3A_544 = arith.addi %iota3A, %add3A_543 : vector<16xi32>
      %eq3A_545 = arith.constant 0 : i32
      %eq3A_546 = arith.cmpi eq, %max3A_92, %eq3A_545 : i32
      %jit3A_547 = arith.constant 1 : i32
      %select_n3A_548 = arith.select %eq3A_546, %jit3A_547, %max3A_92 : i32
      %rem3A_549 = vector.broadcast %select_n3A_548 : i32 to vector<16xi32>
      %rem3A_550 = arith.remsi %add3A_544, %rem3A_549 : vector<16xi32>
      %ne3A_551 = arith.constant 0 : i32
      %ne3A_552 = vector.broadcast %ne3A_551 : i32 to vector<16xi32>
      %ne3A_553 = arith.cmpi ne, %rem3A_550, %ne3A_552 : vector<16xi32>
      %lt3A_554 = arith.constant 0 : i32
      %lt3A_555 = vector.broadcast %lt3A_554 : i32 to vector<16xi32>
      %lt3A_556 = arith.cmpi slt, %rem3A_550, %lt3A_555 : vector<16xi32>
      %lt3A_557 = arith.constant 0 : i32
      %lt3A_558 = arith.cmpi slt, %select_n3A_548, %lt3A_557 : i32
      %ne3A_559 = vector.broadcast %lt3A_558 : i1 to vector<16xi1>
      %ne3A_560 = vector.broadcast %ne3A_559 : vector<16xi1> to vector<16xi1>
      %ne3A_561 = arith.xori %lt3A_556, %ne3A_560 : vector<16xi1>
      %and3A_562 = arith.andi %ne3A_561, %ne3A_553 : vector<16xi1>
      %add3A_563 = vector.broadcast %select_n3A_548 : i32 to vector<16xi32>
      %add3A_564 = arith.addi %rem3A_550, %add3A_563 : vector<16xi32>
      %select_n3A_565 = arith.select %and3A_562, %add3A_564, %rem3A_550 : vector<16xi1>, vector<16xi32>
      %gather3A_566 = tpu.vector_load_idx %arg13[%select_n3A_565] : memref<544xi32, #tpu.memory_space<vmem>>[vector<16xi32>], vector<16xi32>,
      %jit3A_567 = arith.constant 65536 : i32
      %broadcast_in_dim3A_568 = vector.broadcast %jit3A_567 : i32 to vector<16xi32>
      %select_n3A_569 = arith.select %eq3A_84, %broadcast_in_dim3A_568, %gather3A_566 : vector<16xi32>
      %swap3A_570 = arith.constant 240 : index
      %swap3A_571 = tpu.vector_load %arg14[%swap3A_570] {strides = array<i32>} : memref<512xi32, #tpu.memory_space<vmem>>, vector<16xi32>,
      tpu.vector_store %arg14[%swap3A_570], %select_n3A_569 {strides = array<i32>} : memref<512xi32, #tpu.memory_space<vmem>>, vector<16xi32>,
      %add3A_572 = arith.constant 256 : i32
      %add3A_573 = vector.broadcast %add3A_572 : i32 to vector<16xi32>
      %add3A_574 = arith.addi %iota3A, %add3A_573 : vector<16xi32>
      %eq3A_575 = arith.constant 0 : i32
      %eq3A_576 = arith.cmpi eq, %max3A_92, %eq3A_575 : i32
      %jit3A_577 = arith.constant 1 : i32
      %select_n3A_578 = arith.select %eq3A_576, %jit3A_577, %max3A_92 : i32
      %rem3A_579 = vector.broadcast %select_n3A_578 : i32 to vector<16xi32>
      %rem3A_580 = arith.remsi %add3A_574, %rem3A_579 : vector<16xi32>
      %ne3A_581 = arith.constant 0 : i32
      %ne3A_582 = vector.broadcast %ne3A_581 : i32 to vector<16xi32>
      %ne3A_583 = arith.cmpi ne, %rem3A_580, %ne3A_582 : vector<16xi32>
      %lt3A_584 = arith.constant 0 : i32
      %lt3A_585 = vector.broadcast %lt3A_584 : i32 to vector<16xi32>
      %lt3A_586 = arith.cmpi slt, %rem3A_580, %lt3A_585 : vector<16xi32>
      %lt3A_587 = arith.constant 0 : i32
      %lt3A_588 = arith.cmpi slt, %select_n3A_578, %lt3A_587 : i32
      %ne3A_589 = vector.broadcast %lt3A_588 : i1 to vector<16xi1>
      %ne3A_590 = vector.broadcast %ne3A_589 : vector<16xi1> to vector<16xi1>
      %ne3A_591 = arith.xori %lt3A_586, %ne3A_590 : vector<16xi1>
      %and3A_592 = arith.andi %ne3A_591, %ne3A_583 : vector<16xi1>
      %add3A_593 = vector.broadcast %select_n3A_578 : i32 to vector<16xi32>
      %add3A_594 = arith.addi %rem3A_580, %add3A_593 : vector<16xi32>
      %select_n3A_595 = arith.select %and3A_592, %add3A_594, %rem3A_580 : vector<16xi1>, vector<16xi32>
      %gather3A_596 = tpu.vector_load_idx %arg13[%select_n3A_595] : memref<544xi32, #tpu.memory_space<vmem>>[vector<16xi32>], vector<16xi32>,
      %jit3A_597 = arith.constant 65536 : i32
      %broadcast_in_dim3A_598 = vector.broadcast %jit3A_597 : i32 to vector<16xi32>
      %select_n3A_599 = arith.select %eq3A_84, %broadcast_in_dim3A_598, %gather3A_596 : vector<16xi32>
      %swap3A_600 = arith.constant 256 : index
      %swap3A_601 = tpu.vector_load %arg14[%swap3A_600] {strides = array<i32>} : memref<512xi32, #tpu.memory_space<vmem>>, vector<16xi32>,
      tpu.vector_store %arg14[%swap3A_600], %select_n3A_599 {strides = array<i32>} : memref<512xi32, #tpu.memory_space<vmem>>, vector<16xi32>,
      %add3A_602 = arith.constant 272 : i32
      %add3A_603 = vector.broadcast %add3A_602 : i32 to vector<16xi32>
      %add3A_604 = arith.addi %iota3A, %add3A_603 : vector<16xi32>
      %eq3A_605 = arith.constant 0 : i32
      %eq3A_606 = arith.cmpi eq, %max3A_92, %eq3A_605 : i32
      %jit3A_607 = arith.constant 1 : i32
      %select_n3A_608 = arith.select %eq3A_606, %jit3A_607, %max3A_92 : i32
      %rem3A_609 = vector.broadcast %select_n3A_608 : i32 to vector<16xi32>
      %rem3A_610 = arith.remsi %add3A_604, %rem3A_609 : vector<16xi32>
      %ne3A_611 = arith.constant 0 : i32
      %ne3A_612 = vector.broadcast %ne3A_611 : i32 to vector<16xi32>
      %ne3A_613 = arith.cmpi ne, %rem3A_610, %ne3A_612 : vector<16xi32>
      %lt3A_614 = arith.constant 0 : i32
      %lt3A_615 = vector.broadcast %lt3A_614 : i32 to vector<16xi32>
      %lt3A_616 = arith.cmpi slt, %rem3A_610, %lt3A_615 : vector<16xi32>
      %lt3A_617 = arith.constant 0 : i32
      %lt3A_618 = arith.cmpi slt, %select_n3A_608, %lt3A_617 : i32
      %ne3A_619 = vector.broadcast %lt3A_618 : i1 to vector<16xi1>
      %ne3A_620 = vector.broadcast %ne3A_619 : vector<16xi1> to vector<16xi1>
      %ne3A_621 = arith.xori %lt3A_616, %ne3A_620 : vector<16xi1>
      %and3A_622 = arith.andi %ne3A_621, %ne3A_613 : vector<16xi1>
      %add3A_623 = vector.broadcast %select_n3A_608 : i32 to vector<16xi32>
      %add3A_624 = arith.addi %rem3A_610, %add3A_623 : vector<16xi32>
      %select_n3A_625 = arith.select %and3A_622, %add3A_624, %rem3A_610 : vector<16xi1>, vector<16xi32>
      %gather3A_626 = tpu.vector_load_idx %arg13[%select_n3A_625] : memref<544xi32, #tpu.memory_space<vmem>>[vector<16xi32>], vector<16xi32>,
      %jit3A_627 = arith.constant 65536 : i32
      %broadcast_in_dim3A_628 = vector.broadcast %jit3A_627 : i32 to vector<16xi32>
      %select_n3A_629 = arith.select %eq3A_84, %broadcast_in_dim3A_628, %gather3A_626 : vector<16xi32>
      %swap3A_630 = arith.constant 272 : index
      %swap3A_631 = tpu.vector_load %arg14[%swap3A_630] {strides = array<i32>} : memref<512xi32, #tpu.memory_space<vmem>>, vector<16xi32>,
      tpu.vector_store %arg14[%swap3A_630], %select_n3A_629 {strides = array<i32>} : memref<512xi32, #tpu.memory_space<vmem>>, vector<16xi32>,
      %add3A_632 = arith.constant 288 : i32
      %add3A_633 = vector.broadcast %add3A_632 : i32 to vector<16xi32>
      %add3A_634 = arith.addi %iota3A, %add3A_633 : vector<16xi32>
      %eq3A_635 = arith.constant 0 : i32
      %eq3A_636 = arith.cmpi eq, %max3A_92, %eq3A_635 : i32
      %jit3A_637 = arith.constant 1 : i32
      %select_n3A_638 = arith.select %eq3A_636, %jit3A_637, %max3A_92 : i32
      %rem3A_639 = vector.broadcast %select_n3A_638 : i32 to vector<16xi32>
      %rem3A_640 = arith.remsi %add3A_634, %rem3A_639 : vector<16xi32>
      %ne3A_641 = arith.constant 0 : i32
      %ne3A_642 = vector.broadcast %ne3A_641 : i32 to vector<16xi32>
      %ne3A_643 = arith.cmpi ne, %rem3A_640, %ne3A_642 : vector<16xi32>
      %lt3A_644 = arith.constant 0 : i32
      %lt3A_645 = vector.broadcast %lt3A_644 : i32 to vector<16xi32>
      %lt3A_646 = arith.cmpi slt, %rem3A_640, %lt3A_645 : vector<16xi32>
      %lt3A_647 = arith.constant 0 : i32
      %lt3A_648 = arith.cmpi slt, %select_n3A_638, %lt3A_647 : i32
      %ne3A_649 = vector.broadcast %lt3A_648 : i1 to vector<16xi1>
      %ne3A_650 = vector.broadcast %ne3A_649 : vector<16xi1> to vector<16xi1>
      %ne3A_651 = arith.xori %lt3A_646, %ne3A_650 : vector<16xi1>
      %and3A_652 = arith.andi %ne3A_651, %ne3A_643 : vector<16xi1>
      %add3A_653 = vector.broadcast %select_n3A_638 : i32 to vector<16xi32>
      %add3A_654 = arith.addi %rem3A_640, %add3A_653 : vector<16xi32>
      %select_n3A_655 = arith.select %and3A_652, %add3A_654, %rem3A_640 : vector<16xi1>, vector<16xi32>
      %gather3A_656 = tpu.vector_load_idx %arg13[%select_n3A_655] : memref<544xi32, #tpu.memory_space<vmem>>[vector<16xi32>], vector<16xi32>,
      %jit3A_657 = arith.constant 65536 : i32
      %broadcast_in_dim3A_658 = vector.broadcast %jit3A_657 : i32 to vector<16xi32>
      %select_n3A_659 = arith.select %eq3A_84, %broadcast_in_dim3A_658, %gather3A_656 : vector<16xi32>
      %swap3A_660 = arith.constant 288 : index
      %swap3A_661 = tpu.vector_load %arg14[%swap3A_660] {strides = array<i32>} : memref<512xi32, #tpu.memory_space<vmem>>, vector<16xi32>,
      tpu.vector_store %arg14[%swap3A_660], %select_n3A_659 {strides = array<i32>} : memref<512xi32, #tpu.memory_space<vmem>>, vector<16xi32>,
      %add3A_662 = arith.constant 304 : i32
      %add3A_663 = vector.broadcast %add3A_662 : i32 to vector<16xi32>
      %add3A_664 = arith.addi %iota3A, %add3A_663 : vector<16xi32>
      %eq3A_665 = arith.constant 0 : i32
      %eq3A_666 = arith.cmpi eq, %max3A_92, %eq3A_665 : i32
      %jit3A_667 = arith.constant 1 : i32
      %select_n3A_668 = arith.select %eq3A_666, %jit3A_667, %max3A_92 : i32
      %rem3A_669 = vector.broadcast %select_n3A_668 : i32 to vector<16xi32>
      %rem3A_670 = arith.remsi %add3A_664, %rem3A_669 : vector<16xi32>
      %ne3A_671 = arith.constant 0 : i32
      %ne3A_672 = vector.broadcast %ne3A_671 : i32 to vector<16xi32>
      %ne3A_673 = arith.cmpi ne, %rem3A_670, %ne3A_672 : vector<16xi32>
      %lt3A_674 = arith.constant 0 : i32
      %lt3A_675 = vector.broadcast %lt3A_674 : i32 to vector<16xi32>
      %lt3A_676 = arith.cmpi slt, %rem3A_670, %lt3A_675 : vector<16xi32>
      %lt3A_677 = arith.constant 0 : i32
      %lt3A_678 = arith.cmpi slt, %select_n3A_668, %lt3A_677 : i32
      %ne3A_679 = vector.broadcast %lt3A_678 : i1 to vector<16xi1>
      %ne3A_680 = vector.broadcast %ne3A_679 : vector<16xi1> to vector<16xi1>
      %ne3A_681 = arith.xori %lt3A_676, %ne3A_680 : vector<16xi1>
      %and3A_682 = arith.andi %ne3A_681, %ne3A_673 : vector<16xi1>
      %add3A_683 = vector.broadcast %select_n3A_668 : i32 to vector<16xi32>
      %add3A_684 = arith.addi %rem3A_670, %add3A_683 : vector<16xi32>
      %select_n3A_685 = arith.select %and3A_682, %add3A_684, %rem3A_670 : vector<16xi1>, vector<16xi32>
      %gather3A_686 = tpu.vector_load_idx %arg13[%select_n3A_685] : memref<544xi32, #tpu.memory_space<vmem>>[vector<16xi32>], vector<16xi32>,
      %jit3A_687 = arith.constant 65536 : i32
      %broadcast_in_dim3A_688 = vector.broadcast %jit3A_687 : i32 to vector<16xi32>
      %select_n3A_689 = arith.select %eq3A_84, %broadcast_in_dim3A_688, %gather3A_686 : vector<16xi32>
      %swap3A_690 = arith.constant 304 : index
      %swap3A_691 = tpu.vector_load %arg14[%swap3A_690] {strides = array<i32>} : memref<512xi32, #tpu.memory_space<vmem>>, vector<16xi32>,
      tpu.vector_store %arg14[%swap3A_690], %select_n3A_689 {strides = array<i32>} : memref<512xi32, #tpu.memory_space<vmem>>, vector<16xi32>,
      %add3A_692 = arith.constant 320 : i32
      %add3A_693 = vector.broadcast %add3A_692 : i32 to vector<16xi32>
      %add3A_694 = arith.addi %iota3A, %add3A_693 : vector<16xi32>
      %eq3A_695 = arith.constant 0 : i32
      %eq3A_696 = arith.cmpi eq, %max3A_92, %eq3A_695 : i32
      %jit3A_697 = arith.constant 1 : i32
      %select_n3A_698 = arith.select %eq3A_696, %jit3A_697, %max3A_92 : i32
      %rem3A_699 = vector.broadcast %select_n3A_698 : i32 to vector<16xi32>
      %rem3A_700 = arith.remsi %add3A_694, %rem3A_699 : vector<16xi32>
      %ne3A_701 = arith.constant 0 : i32
      %ne3A_702 = vector.broadcast %ne3A_701 : i32 to vector<16xi32>
      %ne3A_703 = arith.cmpi ne, %rem3A_700, %ne3A_702 : vector<16xi32>
      %lt3A_704 = arith.constant 0 : i32
      %lt3A_705 = vector.broadcast %lt3A_704 : i32 to vector<16xi32>
      %lt3A_706 = arith.cmpi slt, %rem3A_700, %lt3A_705 : vector<16xi32>
      %lt3A_707 = arith.constant 0 : i32
      %lt3A_708 = arith.cmpi slt, %select_n3A_698, %lt3A_707 : i32
      %ne3A_709 = vector.broadcast %lt3A_708 : i1 to vector<16xi1>
      %ne3A_710 = vector.broadcast %ne3A_709 : vector<16xi1> to vector<16xi1>
      %ne3A_711 = arith.xori %lt3A_706, %ne3A_710 : vector<16xi1>
      %and3A_712 = arith.andi %ne3A_711, %ne3A_703 : vector<16xi1>
      %add3A_713 = vector.broadcast %select_n3A_698 : i32 to vector<16xi32>
      %add3A_714 = arith.addi %rem3A_700, %add3A_713 : vector<16xi32>
      %select_n3A_715 = arith.select %and3A_712, %add3A_714, %rem3A_700 : vector<16xi1>, vector<16xi32>
      %gather3A_716 = tpu.vector_load_idx %arg13[%select_n3A_715] : memref<544xi32, #tpu.memory_space<vmem>>[vector<16xi32>], vector<16xi32>,
      %jit3A_717 = arith.constant 65536 : i32
      %broadcast_in_dim3A_718 = vector.broadcast %jit3A_717 : i32 to vector<16xi32>
      %select_n3A_719 = arith.select %eq3A_84, %broadcast_in_dim3A_718, %gather3A_716 : vector<16xi32>
      %swap3A_720 = arith.constant 320 : index
      %swap3A_721 = tpu.vector_load %arg14[%swap3A_720] {strides = array<i32>} : memref<512xi32, #tpu.memory_space<vmem>>, vector<16xi32>,
      tpu.vector_store %arg14[%swap3A_720], %select_n3A_719 {strides = array<i32>} : memref<512xi32, #tpu.memory_space<vmem>>, vector<16xi32>,
      %add3A_722 = arith.constant 336 : i32
      %add3A_723 = vector.broadcast %add3A_722 : i32 to vector<16xi32>
      %add3A_724 = arith.addi %iota3A, %add3A_723 : vector<16xi32>
      %eq3A_725 = arith.constant 0 : i32
      %eq3A_726 = arith.cmpi eq, %max3A_92, %eq3A_725 : i32
      %jit3A_727 = arith.constant 1 : i32
      %select_n3A_728 = arith.select %eq3A_726, %jit3A_727, %max3A_92 : i32
      %rem3A_729 = vector.broadcast %select_n3A_728 : i32 to vector<16xi32>
      %rem3A_730 = arith.remsi %add3A_724, %rem3A_729 : vector<16xi32>
      %ne3A_731 = arith.constant 0 : i32
      %ne3A_732 = vector.broadcast %ne3A_731 : i32 to vector<16xi32>
      %ne3A_733 = arith.cmpi ne, %rem3A_730, %ne3A_732 : vector<16xi32>
      %lt3A_734 = arith.constant 0 : i32
      %lt3A_735 = vector.broadcast %lt3A_734 : i32 to vector<16xi32>
      %lt3A_736 = arith.cmpi slt, %rem3A_730, %lt3A_735 : vector<16xi32>
      %lt3A_737 = arith.constant 0 : i32
      %lt3A_738 = arith.cmpi slt, %select_n3A_728, %lt3A_737 : i32
      %ne3A_739 = vector.broadcast %lt3A_738 : i1 to vector<16xi1>
      %ne3A_740 = vector.broadcast %ne3A_739 : vector<16xi1> to vector<16xi1>
      %ne3A_741 = arith.xori %lt3A_736, %ne3A_740 : vector<16xi1>
      %and3A_742 = arith.andi %ne3A_741, %ne3A_733 : vector<16xi1>
      %add3A_743 = vector.broadcast %select_n3A_728 : i32 to vector<16xi32>
      %add3A_744 = arith.addi %rem3A_730, %add3A_743 : vector<16xi32>
      %select_n3A_745 = arith.select %and3A_742, %add3A_744, %rem3A_730 : vector<16xi1>, vector<16xi32>
      %gather3A_746 = tpu.vector_load_idx %arg13[%select_n3A_745] : memref<544xi32, #tpu.memory_space<vmem>>[vector<16xi32>], vector<16xi32>,
      %jit3A_747 = arith.constant 65536 : i32
      %broadcast_in_dim3A_748 = vector.broadcast %jit3A_747 : i32 to vector<16xi32>
      %select_n3A_749 = arith.select %eq3A_84, %broadcast_in_dim3A_748, %gather3A_746 : vector<16xi32>
      %swap3A_750 = arith.constant 336 : index
      %swap3A_751 = tpu.vector_load %arg14[%swap3A_750] {strides = array<i32>} : memref<512xi32, #tpu.memory_space<vmem>>, vector<16xi32>,
      tpu.vector_store %arg14[%swap3A_750], %select_n3A_749 {strides = array<i32>} : memref<512xi32, #tpu.memory_space<vmem>>, vector<16xi32>,
      %add3A_752 = arith.constant 352 : i32
      %add3A_753 = vector.broadcast %add3A_752 : i32 to vector<16xi32>
      %add3A_754 = arith.addi %iota3A, %add3A_753 : vector<16xi32>
      %eq3A_755 = arith.constant 0 : i32
      %eq3A_756 = arith.cmpi eq, %max3A_92, %eq3A_755 : i32
      %jit3A_757 = arith.constant 1 : i32
      %select_n3A_758 = arith.select %eq3A_756, %jit3A_757, %max3A_92 : i32
      %rem3A_759 = vector.broadcast %select_n3A_758 : i32 to vector<16xi32>
      %rem3A_760 = arith.remsi %add3A_754, %rem3A_759 : vector<16xi32>
      %ne3A_761 = arith.constant 0 : i32
      %ne3A_762 = vector.broadcast %ne3A_761 : i32 to vector<16xi32>
      %ne3A_763 = arith.cmpi ne, %rem3A_760, %ne3A_762 : vector<16xi32>
      %lt3A_764 = arith.constant 0 : i32
      %lt3A_765 = vector.broadcast %lt3A_764 : i32 to vector<16xi32>
      %lt3A_766 = arith.cmpi slt, %rem3A_760, %lt3A_765 : vector<16xi32>
      %lt3A_767 = arith.constant 0 : i32
      %lt3A_768 = arith.cmpi slt, %select_n3A_758, %lt3A_767 : i32
      %ne3A_769 = vector.broadcast %lt3A_768 : i1 to vector<16xi1>
      %ne3A_770 = vector.broadcast %ne3A_769 : vector<16xi1> to vector<16xi1>
      %ne3A_771 = arith.xori %lt3A_766, %ne3A_770 : vector<16xi1>
      %and3A_772 = arith.andi %ne3A_771, %ne3A_763 : vector<16xi1>
      %add3A_773 = vector.broadcast %select_n3A_758 : i32 to vector<16xi32>
      %add3A_774 = arith.addi %rem3A_760, %add3A_773 : vector<16xi32>
      %select_n3A_775 = arith.select %and3A_772, %add3A_774, %rem3A_760 : vector<16xi1>, vector<16xi32>
      %gather3A_776 = tpu.vector_load_idx %arg13[%select_n3A_775] : memref<544xi32, #tpu.memory_space<vmem>>[vector<16xi32>], vector<16xi32>,
      %jit3A_777 = arith.constant 65536 : i32
      %broadcast_in_dim3A_778 = vector.broadcast %jit3A_777 : i32 to vector<16xi32>
      %select_n3A_779 = arith.select %eq3A_84, %broadcast_in_dim3A_778, %gather3A_776 : vector<16xi32>
      %swap3A_780 = arith.constant 352 : index
      %swap3A_781 = tpu.vector_load %arg14[%swap3A_780] {strides = array<i32>} : memref<512xi32, #tpu.memory_space<vmem>>, vector<16xi32>,
      tpu.vector_store %arg14[%swap3A_780], %select_n3A_779 {strides = array<i32>} : memref<512xi32, #tpu.memory_space<vmem>>, vector<16xi32>,
      %add3A_782 = arith.constant 368 : i32
      %add3A_783 = vector.broadcast %add3A_782 : i32 to vector<16xi32>
      %add3A_784 = arith.addi %iota3A, %add3A_783 : vector<16xi32>
      %eq3A_785 = arith.constant 0 : i32
      %eq3A_786 = arith.cmpi eq, %max3A_92, %eq3A_785 : i32
      %jit3A_787 = arith.constant 1 : i32
      %select_n3A_788 = arith.select %eq3A_786, %jit3A_787, %max3A_92 : i32
      %rem3A_789 = vector.broadcast %select_n3A_788 : i32 to vector<16xi32>
      %rem3A_790 = arith.remsi %add3A_784, %rem3A_789 : vector<16xi32>
      %ne3A_791 = arith.constant 0 : i32
      %ne3A_792 = vector.broadcast %ne3A_791 : i32 to vector<16xi32>
      %ne3A_793 = arith.cmpi ne, %rem3A_790, %ne3A_792 : vector<16xi32>
      %lt3A_794 = arith.constant 0 : i32
      %lt3A_795 = vector.broadcast %lt3A_794 : i32 to vector<16xi32>
      %lt3A_796 = arith.cmpi slt, %rem3A_790, %lt3A_795 : vector<16xi32>
      %lt3A_797 = arith.constant 0 : i32
      %lt3A_798 = arith.cmpi slt, %select_n3A_788, %lt3A_797 : i32
      %ne3A_799 = vector.broadcast %lt3A_798 : i1 to vector<16xi1>
      %ne3A_800 = vector.broadcast %ne3A_799 : vector<16xi1> to vector<16xi1>
      %ne3A_801 = arith.xori %lt3A_796, %ne3A_800 : vector<16xi1>
      %and3A_802 = arith.andi %ne3A_801, %ne3A_793 : vector<16xi1>
      %add3A_803 = vector.broadcast %select_n3A_788 : i32 to vector<16xi32>
      %add3A_804 = arith.addi %rem3A_790, %add3A_803 : vector<16xi32>
      %select_n3A_805 = arith.select %and3A_802, %add3A_804, %rem3A_790 : vector<16xi1>, vector<16xi32>
      %gather3A_806 = tpu.vector_load_idx %arg13[%select_n3A_805] : memref<544xi32, #tpu.memory_space<vmem>>[vector<16xi32>], vector<16xi32>,
      %jit3A_807 = arith.constant 65536 : i32
      %broadcast_in_dim3A_808 = vector.broadcast %jit3A_807 : i32 to vector<16xi32>
      %select_n3A_809 = arith.select %eq3A_84, %broadcast_in_dim3A_808, %gather3A_806 : vector<16xi32>
      %swap3A_810 = arith.constant 368 : index
      %swap3A_811 = tpu.vector_load %arg14[%swap3A_810] {strides = array<i32>} : memref<512xi32, #tpu.memory_space<vmem>>, vector<16xi32>,
      tpu.vector_store %arg14[%swap3A_810], %select_n3A_809 {strides = array<i32>} : memref<512xi32, #tpu.memory_space<vmem>>, vector<16xi32>,
      %add3A_812 = arith.constant 384 : i32
      %add3A_813 = vector.broadcast %add3A_812 : i32 to vector<16xi32>
      %add3A_814 = arith.addi %iota3A, %add3A_813 : vector<16xi32>
      %eq3A_815 = arith.constant 0 : i32
      %eq3A_816 = arith.cmpi eq, %max3A_92, %eq3A_815 : i32
      %jit3A_817 = arith.constant 1 : i32
      %select_n3A_818 = arith.select %eq3A_816, %jit3A_817, %max3A_92 : i32
      %rem3A_819 = vector.broadcast %select_n3A_818 : i32 to vector<16xi32>
      %rem3A_820 = arith.remsi %add3A_814, %rem3A_819 : vector<16xi32>
      %ne3A_821 = arith.constant 0 : i32
      %ne3A_822 = vector.broadcast %ne3A_821 : i32 to vector<16xi32>
      %ne3A_823 = arith.cmpi ne, %rem3A_820, %ne3A_822 : vector<16xi32>
      %lt3A_824 = arith.constant 0 : i32
      %lt3A_825 = vector.broadcast %lt3A_824 : i32 to vector<16xi32>
      %lt3A_826 = arith.cmpi slt, %rem3A_820, %lt3A_825 : vector<16xi32>
      %lt3A_827 = arith.constant 0 : i32
      %lt3A_828 = arith.cmpi slt, %select_n3A_818, %lt3A_827 : i32
      %ne3A_829 = vector.broadcast %lt3A_828 : i1 to vector<16xi1>
      %ne3A_830 = vector.broadcast %ne3A_829 : vector<16xi1> to vector<16xi1>
      %ne3A_831 = arith.xori %lt3A_826, %ne3A_830 : vector<16xi1>
      %and3A_832 = arith.andi %ne3A_831, %ne3A_823 : vector<16xi1>
      %add3A_833 = vector.broadcast %select_n3A_818 : i32 to vector<16xi32>
      %add3A_834 = arith.addi %rem3A_820, %add3A_833 : vector<16xi32>
      %select_n3A_835 = arith.select %and3A_832, %add3A_834, %rem3A_820 : vector<16xi1>, vector<16xi32>
      %gather3A_836 = tpu.vector_load_idx %arg13[%select_n3A_835] : memref<544xi32, #tpu.memory_space<vmem>>[vector<16xi32>], vector<16xi32>,
      %jit3A_837 = arith.constant 65536 : i32
      %broadcast_in_dim3A_838 = vector.broadcast %jit3A_837 : i32 to vector<16xi32>
      %select_n3A_839 = arith.select %eq3A_84, %broadcast_in_dim3A_838, %gather3A_836 : vector<16xi32>
      %swap3A_840 = arith.constant 384 : index
      %swap3A_841 = tpu.vector_load %arg14[%swap3A_840] {strides = array<i32>} : memref<512xi32, #tpu.memory_space<vmem>>, vector<16xi32>,
      tpu.vector_store %arg14[%swap3A_840], %select_n3A_839 {strides = array<i32>} : memref<512xi32, #tpu.memory_space<vmem>>, vector<16xi32>,
      %add3A_842 = arith.constant 400 : i32
      %add3A_843 = vector.broadcast %add3A_842 : i32 to vector<16xi32>
      %add3A_844 = arith.addi %iota3A, %add3A_843 : vector<16xi32>
      %eq3A_845 = arith.constant 0 : i32
      %eq3A_846 = arith.cmpi eq, %max3A_92, %eq3A_845 : i32
      %jit3A_847 = arith.constant 1 : i32
      %select_n3A_848 = arith.select %eq3A_846, %jit3A_847, %max3A_92 : i32
      %rem3A_849 = vector.broadcast %select_n3A_848 : i32 to vector<16xi32>
      %rem3A_850 = arith.remsi %add3A_844, %rem3A_849 : vector<16xi32>
      %ne3A_851 = arith.constant 0 : i32
      %ne3A_852 = vector.broadcast %ne3A_851 : i32 to vector<16xi32>
      %ne3A_853 = arith.cmpi ne, %rem3A_850, %ne3A_852 : vector<16xi32>
      %lt3A_854 = arith.constant 0 : i32
      %lt3A_855 = vector.broadcast %lt3A_854 : i32 to vector<16xi32>
      %lt3A_856 = arith.cmpi slt, %rem3A_850, %lt3A_855 : vector<16xi32>
      %lt3A_857 = arith.constant 0 : i32
      %lt3A_858 = arith.cmpi slt, %select_n3A_848, %lt3A_857 : i32
      %ne3A_859 = vector.broadcast %lt3A_858 : i1 to vector<16xi1>
      %ne3A_860 = vector.broadcast %ne3A_859 : vector<16xi1> to vector<16xi1>
      %ne3A_861 = arith.xori %lt3A_856, %ne3A_860 : vector<16xi1>
      %and3A_862 = arith.andi %ne3A_861, %ne3A_853 : vector<16xi1>
      %add3A_863 = vector.broadcast %select_n3A_848 : i32 to vector<16xi32>
      %add3A_864 = arith.addi %rem3A_850, %add3A_863 : vector<16xi32>
      %select_n3A_865 = arith.select %and3A_862, %add3A_864, %rem3A_850 : vector<16xi1>, vector<16xi32>
      %gather3A_866 = tpu.vector_load_idx %arg13[%select_n3A_865] : memref<544xi32, #tpu.memory_space<vmem>>[vector<16xi32>], vector<16xi32>,
      %jit3A_867 = arith.constant 65536 : i32
      %broadcast_in_dim3A_868 = vector.broadcast %jit3A_867 : i32 to vector<16xi32>
      %select_n3A_869 = arith.select %eq3A_84, %broadcast_in_dim3A_868, %gather3A_866 : vector<16xi32>
      %swap3A_870 = arith.constant 400 : index
      %swap3A_871 = tpu.vector_load %arg14[%swap3A_870] {strides = array<i32>} : memref<512xi32, #tpu.memory_space<vmem>>, vector<16xi32>,
      tpu.vector_store %arg14[%swap3A_870], %select_n3A_869 {strides = array<i32>} : memref<512xi32, #tpu.memory_space<vmem>>, vector<16xi32>,
      %add3A_872 = arith.constant 416 : i32
      %add3A_873 = vector.broadcast %add3A_872 : i32 to vector<16xi32>
      %add3A_874 = arith.addi %iota3A, %add3A_873 : vector<16xi32>
      %eq3A_875 = arith.constant 0 : i32
      %eq3A_876 = arith.cmpi eq, %max3A_92, %eq3A_875 : i32
      %jit3A_877 = arith.constant 1 : i32
      %select_n3A_878 = arith.select %eq3A_876, %jit3A_877, %max3A_92 : i32
      %rem3A_879 = vector.broadcast %select_n3A_878 : i32 to vector<16xi32>
      %rem3A_880 = arith.remsi %add3A_874, %rem3A_879 : vector<16xi32>
      %ne3A_881 = arith.constant 0 : i32
      %ne3A_882 = vector.broadcast %ne3A_881 : i32 to vector<16xi32>
      %ne3A_883 = arith.cmpi ne, %rem3A_880, %ne3A_882 : vector<16xi32>
      %lt3A_884 = arith.constant 0 : i32
      %lt3A_885 = vector.broadcast %lt3A_884 : i32 to vector<16xi32>
      %lt3A_886 = arith.cmpi slt, %rem3A_880, %lt3A_885 : vector<16xi32>
      %lt3A_887 = arith.constant 0 : i32
      %lt3A_888 = arith.cmpi slt, %select_n3A_878, %lt3A_887 : i32
      %ne3A_889 = vector.broadcast %lt3A_888 : i1 to vector<16xi1>
      %ne3A_890 = vector.broadcast %ne3A_889 : vector<16xi1> to vector<16xi1>
      %ne3A_891 = arith.xori %lt3A_886, %ne3A_890 : vector<16xi1>
      %and3A_892 = arith.andi %ne3A_891, %ne3A_883 : vector<16xi1>
      %add3A_893 = vector.broadcast %select_n3A_878 : i32 to vector<16xi32>
      %add3A_894 = arith.addi %rem3A_880, %add3A_893 : vector<16xi32>
      %select_n3A_895 = arith.select %and3A_892, %add3A_894, %rem3A_880 : vector<16xi1>, vector<16xi32>
      %gather3A_896 = tpu.vector_load_idx %arg13[%select_n3A_895] : memref<544xi32, #tpu.memory_space<vmem>>[vector<16xi32>], vector<16xi32>,
      %jit3A_897 = arith.constant 65536 : i32
      %broadcast_in_dim3A_898 = vector.broadcast %jit3A_897 : i32 to vector<16xi32>
      %select_n3A_899 = arith.select %eq3A_84, %broadcast_in_dim3A_898, %gather3A_896 : vector<16xi32>
      %swap3A_900 = arith.constant 416 : index
      %swap3A_901 = tpu.vector_load %arg14[%swap3A_900] {strides = array<i32>} : memref<512xi32, #tpu.memory_space<vmem>>, vector<16xi32>,
      tpu.vector_store %arg14[%swap3A_900], %select_n3A_899 {strides = array<i32>} : memref<512xi32, #tpu.memory_space<vmem>>, vector<16xi32>,
      %add3A_902 = arith.constant 432 : i32
      %add3A_903 = vector.broadcast %add3A_902 : i32 to vector<16xi32>
      %add3A_904 = arith.addi %iota3A, %add3A_903 : vector<16xi32>
      %eq3A_905 = arith.constant 0 : i32
      %eq3A_906 = arith.cmpi eq, %max3A_92, %eq3A_905 : i32
      %jit3A_907 = arith.constant 1 : i32
      %select_n3A_908 = arith.select %eq3A_906, %jit3A_907, %max3A_92 : i32
      %rem3A_909 = vector.broadcast %select_n3A_908 : i32 to vector<16xi32>
      %rem3A_910 = arith.remsi %add3A_904, %rem3A_909 : vector<16xi32>
      %ne3A_911 = arith.constant 0 : i32
      %ne3A_912 = vector.broadcast %ne3A_911 : i32 to vector<16xi32>
      %ne3A_913 = arith.cmpi ne, %rem3A_910, %ne3A_912 : vector<16xi32>
      %lt3A_914 = arith.constant 0 : i32
      %lt3A_915 = vector.broadcast %lt3A_914 : i32 to vector<16xi32>
      %lt3A_916 = arith.cmpi slt, %rem3A_910, %lt3A_915 : vector<16xi32>
      %lt3A_917 = arith.constant 0 : i32
      %lt3A_918 = arith.cmpi slt, %select_n3A_908, %lt3A_917 : i32
      %ne3A_919 = vector.broadcast %lt3A_918 : i1 to vector<16xi1>
      %ne3A_920 = vector.broadcast %ne3A_919 : vector<16xi1> to vector<16xi1>
      %ne3A_921 = arith.xori %lt3A_916, %ne3A_920 : vector<16xi1>
      %and3A_922 = arith.andi %ne3A_921, %ne3A_913 : vector<16xi1>
      %add3A_923 = vector.broadcast %select_n3A_908 : i32 to vector<16xi32>
      %add3A_924 = arith.addi %rem3A_910, %add3A_923 : vector<16xi32>
      %select_n3A_925 = arith.select %and3A_922, %add3A_924, %rem3A_910 : vector<16xi1>, vector<16xi32>
      %gather3A_926 = tpu.vector_load_idx %arg13[%select_n3A_925] : memref<544xi32, #tpu.memory_space<vmem>>[vector<16xi32>], vector<16xi32>,
      %jit3A_927 = arith.constant 65536 : i32
      %broadcast_in_dim3A_928 = vector.broadcast %jit3A_927 : i32 to vector<16xi32>
      %select_n3A_929 = arith.select %eq3A_84, %broadcast_in_dim3A_928, %gather3A_926 : vector<16xi32>
      %swap3A_930 = arith.constant 432 : index
      %swap3A_931 = tpu.vector_load %arg14[%swap3A_930] {strides = array<i32>} : memref<512xi32, #tpu.memory_space<vmem>>, vector<16xi32>,
      tpu.vector_store %arg14[%swap3A_930], %select_n3A_929 {strides = array<i32>} : memref<512xi32, #tpu.memory_space<vmem>>, vector<16xi32>,
      %add3A_932 = arith.constant 448 : i32
      %add3A_933 = vector.broadcast %add3A_932 : i32 to vector<16xi32>
      %add3A_934 = arith.addi %iota3A, %add3A_933 : vector<16xi32>
      %eq3A_935 = arith.constant 0 : i32
      %eq3A_936 = arith.cmpi eq, %max3A_92, %eq3A_935 : i32
      %jit3A_937 = arith.constant 1 : i32
      %select_n3A_938 = arith.select %eq3A_936, %jit3A_937, %max3A_92 : i32
      %rem3A_939 = vector.broadcast %select_n3A_938 : i32 to vector<16xi32>
      %rem3A_940 = arith.remsi %add3A_934, %rem3A_939 : vector<16xi32>
      %ne3A_941 = arith.constant 0 : i32
      %ne3A_942 = vector.broadcast %ne3A_941 : i32 to vector<16xi32>
      %ne3A_943 = arith.cmpi ne, %rem3A_940, %ne3A_942 : vector<16xi32>
      %lt3A_944 = arith.constant 0 : i32
      %lt3A_945 = vector.broadcast %lt3A_944 : i32 to vector<16xi32>
      %lt3A_946 = arith.cmpi slt, %rem3A_940, %lt3A_945 : vector<16xi32>
      %lt3A_947 = arith.constant 0 : i32
      %lt3A_948 = arith.cmpi slt, %select_n3A_938, %lt3A_947 : i32
      %ne3A_949 = vector.broadcast %lt3A_948 : i1 to vector<16xi1>
      %ne3A_950 = vector.broadcast %ne3A_949 : vector<16xi1> to vector<16xi1>
      %ne3A_951 = arith.xori %lt3A_946, %ne3A_950 : vector<16xi1>
      %and3A_952 = arith.andi %ne3A_951, %ne3A_943 : vector<16xi1>
      %add3A_953 = vector.broadcast %select_n3A_938 : i32 to vector<16xi32>
      %add3A_954 = arith.addi %rem3A_940, %add3A_953 : vector<16xi32>
      %select_n3A_955 = arith.select %and3A_952, %add3A_954, %rem3A_940 : vector<16xi1>, vector<16xi32>
      %gather3A_956 = tpu.vector_load_idx %arg13[%select_n3A_955] : memref<544xi32, #tpu.memory_space<vmem>>[vector<16xi32>], vector<16xi32>,
      %jit3A_957 = arith.constant 65536 : i32
      %broadcast_in_dim3A_958 = vector.broadcast %jit3A_957 : i32 to vector<16xi32>
      %select_n3A_959 = arith.select %eq3A_84, %broadcast_in_dim3A_958, %gather3A_956 : vector<16xi32>
      %swap3A_960 = arith.constant 448 : index
      %swap3A_961 = tpu.vector_load %arg14[%swap3A_960] {strides = array<i32>} : memref<512xi32, #tpu.memory_space<vmem>>, vector<16xi32>,
      tpu.vector_store %arg14[%swap3A_960], %select_n3A_959 {strides = array<i32>} : memref<512xi32, #tpu.memory_space<vmem>>, vector<16xi32>,
      %add3A_962 = arith.constant 464 : i32
      %add3A_963 = vector.broadcast %add3A_962 : i32 to vector<16xi32>
      %add3A_964 = arith.addi %iota3A, %add3A_963 : vector<16xi32>
      %eq3A_965 = arith.constant 0 : i32
      %eq3A_966 = arith.cmpi eq, %max3A_92, %eq3A_965 : i32
      %jit3A_967 = arith.constant 1 : i32
      %select_n3A_968 = arith.select %eq3A_966, %jit3A_967, %max3A_92 : i32
      %rem3A_969 = vector.broadcast %select_n3A_968 : i32 to vector<16xi32>
      %rem3A_970 = arith.remsi %add3A_964, %rem3A_969 : vector<16xi32>
      %ne3A_971 = arith.constant 0 : i32
      %ne3A_972 = vector.broadcast %ne3A_971 : i32 to vector<16xi32>
      %ne3A_973 = arith.cmpi ne, %rem3A_970, %ne3A_972 : vector<16xi32>
      %lt3A_974 = arith.constant 0 : i32
      %lt3A_975 = vector.broadcast %lt3A_974 : i32 to vector<16xi32>
      %lt3A_976 = arith.cmpi slt, %rem3A_970, %lt3A_975 : vector<16xi32>
      %lt3A_977 = arith.constant 0 : i32
      %lt3A_978 = arith.cmpi slt, %select_n3A_968, %lt3A_977 : i32
      %ne3A_979 = vector.broadcast %lt3A_978 : i1 to vector<16xi1>
      %ne3A_980 = vector.broadcast %ne3A_979 : vector<16xi1> to vector<16xi1>
      %ne3A_981 = arith.xori %lt3A_976, %ne3A_980 : vector<16xi1>
      %and3A_982 = arith.andi %ne3A_981, %ne3A_973 : vector<16xi1>
      %add3A_983 = vector.broadcast %select_n3A_968 : i32 to vector<16xi32>
      %add3A_984 = arith.addi %rem3A_970, %add3A_983 : vector<16xi32>
      %select_n3A_985 = arith.select %and3A_982, %add3A_984, %rem3A_970 : vector<16xi1>, vector<16xi32>
      %gather3A_986 = tpu.vector_load_idx %arg13[%select_n3A_985] : memref<544xi32, #tpu.memory_space<vmem>>[vector<16xi32>], vector<16xi32>,
      %jit3A_987 = arith.constant 65536 : i32
      %broadcast_in_dim3A_988 = vector.broadcast %jit3A_987 : i32 to vector<16xi32>
      %select_n3A_989 = arith.select %eq3A_84, %broadcast_in_dim3A_988, %gather3A_986 : vector<16xi32>
      %swap3A_990 = arith.constant 464 : index
      %swap3A_991 = tpu.vector_load %arg14[%swap3A_990] {strides = array<i32>} : memref<512xi32, #tpu.memory_space<vmem>>, vector<16xi32>,
      tpu.vector_store %arg14[%swap3A_990], %select_n3A_989 {strides = array<i32>} : memref<512xi32, #tpu.memory_space<vmem>>, vector<16xi32>,
      %add3A_992 = arith.constant 480 : i32
      %add3A_993 = vector.broadcast %add3A_992 : i32 to vector<16xi32>
      %add3A_994 = arith.addi %iota3A, %add3A_993 : vector<16xi32>
      %eq3A_995 = arith.constant 0 : i32
      %eq3A_996 = arith.cmpi eq, %max3A_92, %eq3A_995 : i32
      %jit3A_997 = arith.constant 1 : i32
      %select_n3A_998 = arith.select %eq3A_996, %jit3A_997, %max3A_92 : i32
      %rem3A_999 = vector.broadcast %select_n3A_998 : i32 to vector<16xi32>
      %rem3A_1000 = arith.remsi %add3A_994, %rem3A_999 : vector<16xi32>
      %ne3A_1001 = arith.constant 0 : i32
      %ne3A_1002 = vector.broadcast %ne3A_1001 : i32 to vector<16xi32>
      %ne3A_1003 = arith.cmpi ne, %rem3A_1000, %ne3A_1002 : vector<16xi32>
      %lt3A_1004 = arith.constant 0 : i32
      %lt3A_1005 = vector.broadcast %lt3A_1004 : i32 to vector<16xi32>
      %lt3A_1006 = arith.cmpi slt, %rem3A_1000, %lt3A_1005 : vector<16xi32>
      %lt3A_1007 = arith.constant 0 : i32
      %lt3A_1008 = arith.cmpi slt, %select_n3A_998, %lt3A_1007 : i32
      %ne3A_1009 = vector.broadcast %lt3A_1008 : i1 to vector<16xi1>
      %ne3A_1010 = vector.broadcast %ne3A_1009 : vector<16xi1> to vector<16xi1>
      %ne3A_1011 = arith.xori %lt3A_1006, %ne3A_1010 : vector<16xi1>
      %and3A_1012 = arith.andi %ne3A_1011, %ne3A_1003 : vector<16xi1>
      %add3A_1013 = vector.broadcast %select_n3A_998 : i32 to vector<16xi32>
      %add3A_1014 = arith.addi %rem3A_1000, %add3A_1013 : vector<16xi32>
      %select_n3A_1015 = arith.select %and3A_1012, %add3A_1014, %rem3A_1000 : vector<16xi1>, vector<16xi32>
      %gather3A_1016 = tpu.vector_load_idx %arg13[%select_n3A_1015] : memref<544xi32, #tpu.memory_space<vmem>>[vector<16xi32>], vector<16xi32>,
      %jit3A_1017 = arith.constant 65536 : i32
      %broadcast_in_dim3A_1018 = vector.broadcast %jit3A_1017 : i32 to vector<16xi32>
      %select_n3A_1019 = arith.select %eq3A_84, %broadcast_in_dim3A_1018, %gather3A_1016 : vector<16xi32>
      %swap3A_1020 = arith.constant 480 : index
      %swap3A_1021 = tpu.vector_load %arg14[%swap3A_1020] {strides = array<i32>} : memref<512xi32, #tpu.memory_space<vmem>>, vector<16xi32>,
      tpu.vector_store %arg14[%swap3A_1020], %select_n3A_1019 {strides = array<i32>} : memref<512xi32, #tpu.memory_space<vmem>>, vector<16xi32>,
      %add3A_1022 = arith.constant 496 : i32
      %add3A_1023 = vector.broadcast %add3A_1022 : i32 to vector<16xi32>
      %add3A_1024 = arith.addi %iota3A, %add3A_1023 : vector<16xi32>
      %eq3A_1025 = arith.constant 0 : i32
      %eq3A_1026 = arith.cmpi eq, %max3A_92, %eq3A_1025 : i32
      %jit3A_1027 = arith.constant 1 : i32
      %select_n3A_1028 = arith.select %eq3A_1026, %jit3A_1027, %max3A_92 : i32
      %rem3A_1029 = vector.broadcast %select_n3A_1028 : i32 to vector<16xi32>
      %rem3A_1030 = arith.remsi %add3A_1024, %rem3A_1029 : vector<16xi32>
      %ne3A_1031 = arith.constant 0 : i32
      %ne3A_1032 = vector.broadcast %ne3A_1031 : i32 to vector<16xi32>
      %ne3A_1033 = arith.cmpi ne, %rem3A_1030, %ne3A_1032 : vector<16xi32>
      %lt3A_1034 = arith.constant 0 : i32
      %lt3A_1035 = vector.broadcast %lt3A_1034 : i32 to vector<16xi32>
      %lt3A_1036 = arith.cmpi slt, %rem3A_1030, %lt3A_1035 : vector<16xi32>
      %lt3A_1037 = arith.constant 0 : i32
      %lt3A_1038 = arith.cmpi slt, %select_n3A_1028, %lt3A_1037 : i32
      %ne3A_1039 = vector.broadcast %lt3A_1038 : i1 to vector<16xi1>
      %ne3A_1040 = vector.broadcast %ne3A_1039 : vector<16xi1> to vector<16xi1>
      %ne3A_1041 = arith.xori %lt3A_1036, %ne3A_1040 : vector<16xi1>
      %and3A_1042 = arith.andi %ne3A_1041, %ne3A_1033 : vector<16xi1>
      %add3A_1043 = vector.broadcast %select_n3A_1028 : i32 to vector<16xi32>
      %add3A_1044 = arith.addi %rem3A_1030, %add3A_1043 : vector<16xi32>
      %select_n3A_1045 = arith.select %and3A_1042, %add3A_1044, %rem3A_1030 : vector<16xi1>, vector<16xi32>
      %gather3A_1046 = tpu.vector_load_idx %arg13[%select_n3A_1045] : memref<544xi32, #tpu.memory_space<vmem>>[vector<16xi32>], vector<16xi32>,
      %jit3A_1047 = arith.constant 65536 : i32
      %broadcast_in_dim3A_1048 = vector.broadcast %jit3A_1047 : i32 to vector<16xi32>
      %select_n3A_1049 = arith.select %eq3A_84, %broadcast_in_dim3A_1048, %gather3A_1046 : vector<16xi32>
      %swap3A_1050 = arith.constant 496 : index
      %swap3A_1051 = tpu.vector_load %arg14[%swap3A_1050] {strides = array<i32>} : memref<512xi32, #tpu.memory_space<vmem>>, vector<16xi32>,
      tpu.vector_store %arg14[%swap3A_1050], %select_n3A_1049 {strides = array<i32>} : memref<512xi32, #tpu.memory_space<vmem>>, vector<16xi32>,
      %lt3A_1052 = arith.constant 3 : i32
      %lt3A_1053 = vector.broadcast %lt3A_1052 : i32 to vector<16xi32>
      %lt3A_1054 = arith.cmpi slt, %iota3A, %lt3A_1053 : vector<16xi32>
      %dma_start3A = arith.constant 0 : i32
      %dma_start3A_1055 = tpu.memref_slice %arg14[%dma_start3A] : memref<512xi32, #tpu.memory_space<vmem>> -> memref<128xi32, #tpu.memory_space<vmem>>
      %dma_start3A_1056 = arith.constant 0 : i32
      %dma_start3A_1057 = arith.constant 0 : i32
      %dma_start3A_1058 = tpu.memref_slice %arg2[%dma_start3A_1056, %dma_start3A_1057] : memref<65537x144xf32, #tpu.memory_space<hbm>> -> memref<65537x144xf32, #tpu.memory_space<hbm>>
      tpu.enqueue_indirect_dma source(%dma_start3A_1058 : memref<65537x144xf32, #tpu.memory_space<hbm>>) target(%arg15 : memref<128x144xf32, #tpu.memory_space<vmem>>) offsets(%dma_start3A_1055 : memref<128xi32, #tpu.memory_space<vmem>>) semaphore(%arg20 : memref<!tpu.dma_semaphore, #tpu.memory_space<semaphore_mem>>)
      %dma_wait3A = arith.constant 0 : i32
      %dma_wait3A_1059 = tpu.memref_slice %arg14[%dma_wait3A] : memref<512xi32, #tpu.memory_space<vmem>> -> memref<128xi32, #tpu.memory_space<vmem>>
      %dma_wait3A_1060 = arith.constant 0 : i32
      %dma_wait3A_1061 = arith.constant 0 : i32
      %dma_wait3A_1062 = tpu.memref_slice %arg2[%dma_wait3A_1060, %dma_wait3A_1061] : memref<65537x144xf32, #tpu.memory_space<hbm>> -> memref<65537x144xf32, #tpu.memory_space<hbm>>
      tpu.wait_indirect_dma semaphore(%arg20 : memref<!tpu.dma_semaphore, #tpu.memory_space<semaphore_mem>>) src(%dma_wait3A_1062 : memref<65537x144xf32, #tpu.memory_space<hbm>>) dst(%arg15 : memref<128x144xf32, #tpu.memory_space<vmem>>)
      %dma_start3A_1063 = arith.constant 128 : i32
      %dma_start3A_1064 = tpu.memref_slice %arg14[%dma_start3A_1063] : memref<512xi32, #tpu.memory_space<vmem>> -> memref<128xi32, #tpu.memory_space<vmem>>
      %dma_start3A_1065 = arith.constant 0 : i32
      %dma_start3A_1066 = arith.constant 0 : i32
      %dma_start3A_1067 = tpu.memref_slice %arg2[%dma_start3A_1065, %dma_start3A_1066] : memref<65537x144xf32, #tpu.memory_space<hbm>> -> memref<65537x144xf32, #tpu.memory_space<hbm>>
      tpu.enqueue_indirect_dma source(%dma_start3A_1067 : memref<65537x144xf32, #tpu.memory_space<hbm>>) target(%arg16 : memref<128x144xf32, #tpu.memory_space<vmem>>) offsets(%dma_start3A_1064 : memref<128xi32, #tpu.memory_space<vmem>>) semaphore(%arg20 : memref<!tpu.dma_semaphore, #tpu.memory_space<semaphore_mem>>)
      %scan3A_1068 = arith.constant 0 : i32
      %scan3A_1069 = arith.constant 0 : i32
      %scan3A_1070 = arith.constant 128 : i32
      %scan3A_1071 = arith.addi %scan3A_1069, %scan3A_1070 : i32
      %scan3A_1072 = arith.constant 1 : i32
      scf.for %scan3A_1181 = %scan3A_1069 to %scan3A_1071 step %scan3A_1072  : i32 {
        %mul3A_1182 = arith.constant 0 : i32
        %mul3A_1183 = vector.broadcast %mul3A_1182 : i32 to vector<16xi32>
        %mul3A_1184 = arith.muli %iota3A, %mul3A_1183 : vector<16xi32>
        %add3A_1185 = vector.broadcast %scan3A_1181 : i32 to vector<16xi32>
        %add3A_1186 = arith.addi %mul3A_1184, %add3A_1185 : vector<16xi32>
        %get3A_1187 = arith.index_cast %scan3A_1181 : i32 to index
        %get3A_1188 = arith.constant 0 : index
        %get3A_1189 = tpu.vector_load %arg15[%get3A_1187, %get3A_1188] {strides = array<i32>} : memref<128x144xf32, #tpu.memory_space<vmem>>, vector<16xf32>,
        %add3A_1190 = arith.constant 0 : i32
        %add3A_1191 = vector.broadcast %add3A_1190 : i32 to vector<16xi32>
        %add3A_1192 = arith.addi %iota3A, %add3A_1191 : vector<16xi32>
        tpu.vector_store_idx %arg17[%add3A_1186, %add3A_1192], %get3A_1189 : memref<128x131xf32, #tpu.memory_space<vmem>>[vector<16xi32>, vector<16xi32>], vector<16xf32>,
        %get3A_1193 = arith.index_cast %scan3A_1181 : i32 to index
        %get3A_1194 = arith.constant 16 : index
        %get3A_1195 = tpu.vector_load %arg15[%get3A_1193, %get3A_1194] {strides = array<i32>} : memref<128x144xf32, #tpu.memory_space<vmem>>, vector<16xf32>,
        %add3A_1196 = arith.constant 16 : i32
        %add3A_1197 = vector.broadcast %add3A_1196 : i32 to vector<16xi32>
        %add3A_1198 = arith.addi %iota3A, %add3A_1197 : vector<16xi32>
        tpu.vector_store_idx %arg17[%add3A_1186, %add3A_1198], %get3A_1195 : memref<128x131xf32, #tpu.memory_space<vmem>>[vector<16xi32>, vector<16xi32>], vector<16xf32>,
        %get3A_1199 = arith.index_cast %scan3A_1181 : i32 to index
        %get3A_1200 = arith.constant 32 : index
        %get3A_1201 = tpu.vector_load %arg15[%get3A_1199, %get3A_1200] {strides = array<i32>} : memref<128x144xf32, #tpu.memory_space<vmem>>, vector<16xf32>,
        %add3A_1202 = arith.constant 32 : i32
        %add3A_1203 = vector.broadcast %add3A_1202 : i32 to vector<16xi32>
        %add3A_1204 = arith.addi %iota3A, %add3A_1203 : vector<16xi32>
        tpu.vector_store_idx %arg17[%add3A_1186, %add3A_1204], %get3A_1201 : memref<128x131xf32, #tpu.memory_space<vmem>>[vector<16xi32>, vector<16xi32>], vector<16xf32>,
        %get3A_1205 = arith.index_cast %scan3A_1181 : i32 to index
        %get3A_1206 = arith.constant 48 : index
        %get3A_1207 = tpu.vector_load %arg15[%get3A_1205, %get3A_1206] {strides = array<i32>} : memref<128x144xf32, #tpu.memory_space<vmem>>, vector<16xf32>,
        %add3A_1208 = arith.constant 48 : i32
        %add3A_1209 = vector.broadcast %add3A_1208 : i32 to vector<16xi32>
        %add3A_1210 = arith.addi %iota3A, %add3A_1209 : vector<16xi32>
        tpu.vector_store_idx %arg17[%add3A_1186, %add3A_1210], %get3A_1207 : memref<128x131xf32, #tpu.memory_space<vmem>>[vector<16xi32>, vector<16xi32>], vector<16xf32>,
        %get3A_1211 = arith.index_cast %scan3A_1181 : i32 to index
        %get3A_1212 = arith.constant 64 : index
        %get3A_1213 = tpu.vector_load %arg15[%get3A_1211, %get3A_1212] {strides = array<i32>} : memref<128x144xf32, #tpu.memory_space<vmem>>, vector<16xf32>,
        %add3A_1214 = arith.constant 64 : i32
        %add3A_1215 = vector.broadcast %add3A_1214 : i32 to vector<16xi32>
        %add3A_1216 = arith.addi %iota3A, %add3A_1215 : vector<16xi32>
        tpu.vector_store_idx %arg17[%add3A_1186, %add3A_1216], %get3A_1213 : memref<128x131xf32, #tpu.memory_space<vmem>>[vector<16xi32>, vector<16xi32>], vector<16xf32>,
        %get3A_1217 = arith.index_cast %scan3A_1181 : i32 to index
        %get3A_1218 = arith.constant 80 : index
        %get3A_1219 = tpu.vector_load %arg15[%get3A_1217, %get3A_1218] {strides = array<i32>} : memref<128x144xf32, #tpu.memory_space<vmem>>, vector<16xf32>,
        %add3A_1220 = arith.constant 80 : i32
        %add3A_1221 = vector.broadcast %add3A_1220 : i32 to vector<16xi32>
        %add3A_1222 = arith.addi %iota3A, %add3A_1221 : vector<16xi32>
        tpu.vector_store_idx %arg17[%add3A_1186, %add3A_1222], %get3A_1219 : memref<128x131xf32, #tpu.memory_space<vmem>>[vector<16xi32>, vector<16xi32>], vector<16xf32>,
        %get3A_1223 = arith.index_cast %scan3A_1181 : i32 to index
        %get3A_1224 = arith.constant 96 : index
        %get3A_1225 = tpu.vector_load %arg15[%get3A_1223, %get3A_1224] {strides = array<i32>} : memref<128x144xf32, #tpu.memory_space<vmem>>, vector<16xf32>,
        %add3A_1226 = arith.constant 96 : i32
        %add3A_1227 = vector.broadcast %add3A_1226 : i32 to vector<16xi32>
        %add3A_1228 = arith.addi %iota3A, %add3A_1227 : vector<16xi32>
        tpu.vector_store_idx %arg17[%add3A_1186, %add3A_1228], %get3A_1225 : memref<128x131xf32, #tpu.memory_space<vmem>>[vector<16xi32>, vector<16xi32>], vector<16xf32>,
        %get3A_1229 = arith.index_cast %scan3A_1181 : i32 to index
        %get3A_1230 = arith.constant 112 : index
        %get3A_1231 = tpu.vector_load %arg15[%get3A_1229, %get3A_1230] {strides = array<i32>} : memref<128x144xf32, #tpu.memory_space<vmem>>, vector<16xf32>,
        %add3A_1232 = arith.constant 112 : i32
        %add3A_1233 = vector.broadcast %add3A_1232 : i32 to vector<16xi32>
        %add3A_1234 = arith.addi %iota3A, %add3A_1233 : vector<16xi32>
        tpu.vector_store_idx %arg17[%add3A_1186, %add3A_1234], %get3A_1231 : memref<128x131xf32, #tpu.memory_space<vmem>>[vector<16xi32>, vector<16xi32>], vector<16xf32>,
        %get3A_1235 = arith.index_cast %scan3A_1181 : i32 to index
        %get3A_1236 = arith.constant 128 : index
        %get3A_1237 = tpu.vector_load %arg15[%get3A_1235, %get3A_1236] {strides = array<i32>} : memref<128x144xf32, #tpu.memory_space<vmem>>, vector<16xf32>,
        %add3A_1238 = arith.constant 128 : i32
        %add3A_1239 = vector.broadcast %add3A_1238 : i32 to vector<16xi32>
        %add3A_1240 = arith.addi %iota3A, %add3A_1239 : vector<16xi32>
        %min3A = arith.constant 130 : i32
        %min3A_1241 = vector.broadcast %min3A : i32 to vector<16xi32>
        %min3A_1242 = arith.minsi %add3A_1240, %min3A_1241 : vector<16xi32>
        tpu.vector_store_idx %arg17[%add3A_1186, %min3A_1242], %get3A_1237 masked %lt3A_1054 : memref<128x131xf32, #tpu.memory_space<vmem>>[vector<16xi32>, vector<16xi32>], vector<16xf32>, vector<16xi1>
      }
      %scan3A_1073 = arith.constant 128 : i32
      %dma_start3A_1074 = arith.constant 0 : i32
      %dma_start3A_1075 = arith.constant 0 : i32
      %dma_start3A_1076 = tpu.memref_slice %arg7[%select_n3A, %add3A_41, %dma_start3A_1074, %dma_start3A_1075] : memref<4x128x512x131xf32, #tpu.memory_space<hbm>> -> memref<1x1x128x131xf32, #tpu.memory_space<hbm>>
      %dma_start3A_1077 = tpu.memref_squeeze %dma_start3A_1076 : memref<1x1x128x131xf32, #tpu.memory_space<hbm>> -> memref<128x131xf32, #tpu.memory_space<hbm>>
      %dma_start3A_1078 = arith.constant 0 : i32
      %dma_start3A_1079 = arith.constant 0 : i32
      %dma_start3A_1080 = tpu.memref_slice %arg7[%select_n3A, %add3A_41, %dma_start3A_1078, %dma_start3A_1079] : memref<4x128x512x131xf32, #tpu.memory_space<hbm>> -> memref<1x1x128x131xf32, #tpu.memory_space<hbm>>
      %dma_start3A_1081 = tpu.memref_squeeze %dma_start3A_1080 : memref<1x1x128x131xf32, #tpu.memory_space<hbm>> -> memref<128x131xf32, #tpu.memory_space<hbm>>
      tpu.enqueue_dma source(%arg17 : memref<128x131xf32, #tpu.memory_space<vmem>>) target(%dma_start3A_1081 : memref<128x131xf32, #tpu.memory_space<hbm>>) target_semaphore(%arg21 : memref<!tpu.dma_semaphore, #tpu.memory_space<semaphore_mem>>)
      %dma_wait3A_1082 = arith.constant 128 : i32
      %dma_wait3A_1083 = tpu.memref_slice %arg14[%dma_wait3A_1082] : memref<512xi32, #tpu.memory_space<vmem>> -> memref<128xi32, #tpu.memory_space<vmem>>
      %dma_wait3A_1084 = arith.constant 0 : i32
      %dma_wait3A_1085 = arith.constant 0 : i32
      %dma_wait3A_1086 = tpu.memref_slice %arg2[%dma_wait3A_1084, %dma_wait3A_1085] : memref<65537x144xf32, #tpu.memory_space<hbm>> -> memref<65537x144xf32, #tpu.memory_space<hbm>>
      tpu.wait_indirect_dma semaphore(%arg20 : memref<!tpu.dma_semaphore, #tpu.memory_space<semaphore_mem>>) src(%dma_wait3A_1086 : memref<65537x144xf32, #tpu.memory_space<hbm>>) dst(%arg16 : memref<128x144xf32, #tpu.memory_space<vmem>>)
      %dma_start3A_1087 = arith.constant 256 : i32
      %dma_start3A_1088 = tpu.memref_slice %arg14[%dma_start3A_1087] : memref<512xi32, #tpu.memory_space<vmem>> -> memref<128xi32, #tpu.memory_space<vmem>>
      %dma_start3A_1089 = arith.constant 0 : i32
      %dma_start3A_1090 = arith.constant 0 : i32
      %dma_start3A_1091 = tpu.memref_slice %arg2[%dma_start3A_1089, %dma_start3A_1090] : memref<65537x144xf32, #tpu.memory_space<hbm>> -> memref<65537x144xf32, #tpu.memory_space<hbm>>
      tpu.enqueue_indirect_dma source(%dma_start3A_1091 : memref<65537x144xf32, #tpu.memory_space<hbm>>) target(%arg15 : memref<128x144xf32, #tpu.memory_space<vmem>>) offsets(%dma_start3A_1088 : memref<128xi32, #tpu.memory_space<vmem>>) semaphore(%arg20 : memref<!tpu.dma_semaphore, #tpu.memory_space<semaphore_mem>>)
      %scan3A_1092 = arith.constant 0 : i32
      %scan3A_1093 = arith.constant 0 : i32
      %scan3A_1094 = arith.constant 128 : i32
      %scan3A_1095 = arith.addi %scan3A_1093, %scan3A_1094 : i32
      %scan3A_1096 = arith.constant 1 : i32
      scf.for %scan3A_1181 = %scan3A_1093 to %scan3A_1095 step %scan3A_1096  : i32 {
        %mul3A_1182 = arith.constant 0 : i32
        %mul3A_1183 = vector.broadcast %mul3A_1182 : i32 to vector<16xi32>
        %mul3A_1184 = arith.muli %iota3A, %mul3A_1183 : vector<16xi32>
        %add3A_1185 = vector.broadcast %scan3A_1181 : i32 to vector<16xi32>
        %add3A_1186 = arith.addi %mul3A_1184, %add3A_1185 : vector<16xi32>
        %get3A_1187 = arith.index_cast %scan3A_1181 : i32 to index
        %get3A_1188 = arith.constant 0 : index
        %get3A_1189 = tpu.vector_load %arg16[%get3A_1187, %get3A_1188] {strides = array<i32>} : memref<128x144xf32, #tpu.memory_space<vmem>>, vector<16xf32>,
        %add3A_1190 = arith.constant 0 : i32
        %add3A_1191 = vector.broadcast %add3A_1190 : i32 to vector<16xi32>
        %add3A_1192 = arith.addi %iota3A, %add3A_1191 : vector<16xi32>
        tpu.vector_store_idx %arg18[%add3A_1186, %add3A_1192], %get3A_1189 : memref<128x131xf32, #tpu.memory_space<vmem>>[vector<16xi32>, vector<16xi32>], vector<16xf32>,
        %get3A_1193 = arith.index_cast %scan3A_1181 : i32 to index
        %get3A_1194 = arith.constant 16 : index
        %get3A_1195 = tpu.vector_load %arg16[%get3A_1193, %get3A_1194] {strides = array<i32>} : memref<128x144xf32, #tpu.memory_space<vmem>>, vector<16xf32>,
        %add3A_1196 = arith.constant 16 : i32
        %add3A_1197 = vector.broadcast %add3A_1196 : i32 to vector<16xi32>
        %add3A_1198 = arith.addi %iota3A, %add3A_1197 : vector<16xi32>
        tpu.vector_store_idx %arg18[%add3A_1186, %add3A_1198], %get3A_1195 : memref<128x131xf32, #tpu.memory_space<vmem>>[vector<16xi32>, vector<16xi32>], vector<16xf32>,
        %get3A_1199 = arith.index_cast %scan3A_1181 : i32 to index
        %get3A_1200 = arith.constant 32 : index
        %get3A_1201 = tpu.vector_load %arg16[%get3A_1199, %get3A_1200] {strides = array<i32>} : memref<128x144xf32, #tpu.memory_space<vmem>>, vector<16xf32>,
        %add3A_1202 = arith.constant 32 : i32
        %add3A_1203 = vector.broadcast %add3A_1202 : i32 to vector<16xi32>
        %add3A_1204 = arith.addi %iota3A, %add3A_1203 : vector<16xi32>
        tpu.vector_store_idx %arg18[%add3A_1186, %add3A_1204], %get3A_1201 : memref<128x131xf32, #tpu.memory_space<vmem>>[vector<16xi32>, vector<16xi32>], vector<16xf32>,
        %get3A_1205 = arith.index_cast %scan3A_1181 : i32 to index
        %get3A_1206 = arith.constant 48 : index
        %get3A_1207 = tpu.vector_load %arg16[%get3A_1205, %get3A_1206] {strides = array<i32>} : memref<128x144xf32, #tpu.memory_space<vmem>>, vector<16xf32>,
        %add3A_1208 = arith.constant 48 : i32
        %add3A_1209 = vector.broadcast %add3A_1208 : i32 to vector<16xi32>
        %add3A_1210 = arith.addi %iota3A, %add3A_1209 : vector<16xi32>
        tpu.vector_store_idx %arg18[%add3A_1186, %add3A_1210], %get3A_1207 : memref<128x131xf32, #tpu.memory_space<vmem>>[vector<16xi32>, vector<16xi32>], vector<16xf32>,
        %get3A_1211 = arith.index_cast %scan3A_1181 : i32 to index
        %get3A_1212 = arith.constant 64 : index
        %get3A_1213 = tpu.vector_load %arg16[%get3A_1211, %get3A_1212] {strides = array<i32>} : memref<128x144xf32, #tpu.memory_space<vmem>>, vector<16xf32>,
        %add3A_1214 = arith.constant 64 : i32
        %add3A_1215 = vector.broadcast %add3A_1214 : i32 to vector<16xi32>
        %add3A_1216 = arith.addi %iota3A, %add3A_1215 : vector<16xi32>
        tpu.vector_store_idx %arg18[%add3A_1186, %add3A_1216], %get3A_1213 : memref<128x131xf32, #tpu.memory_space<vmem>>[vector<16xi32>, vector<16xi32>], vector<16xf32>,
        %get3A_1217 = arith.index_cast %scan3A_1181 : i32 to index
        %get3A_1218 = arith.constant 80 : index
        %get3A_1219 = tpu.vector_load %arg16[%get3A_1217, %get3A_1218] {strides = array<i32>} : memref<128x144xf32, #tpu.memory_space<vmem>>, vector<16xf32>,
        %add3A_1220 = arith.constant 80 : i32
        %add3A_1221 = vector.broadcast %add3A_1220 : i32 to vector<16xi32>
        %add3A_1222 = arith.addi %iota3A, %add3A_1221 : vector<16xi32>
        tpu.vector_store_idx %arg18[%add3A_1186, %add3A_1222], %get3A_1219 : memref<128x131xf32, #tpu.memory_space<vmem>>[vector<16xi32>, vector<16xi32>], vector<16xf32>,
        %get3A_1223 = arith.index_cast %scan3A_1181 : i32 to index
        %get3A_1224 = arith.constant 96 : index
        %get3A_1225 = tpu.vector_load %arg16[%get3A_1223, %get3A_1224] {strides = array<i32>} : memref<128x144xf32, #tpu.memory_space<vmem>>, vector<16xf32>,
        %add3A_1226 = arith.constant 96 : i32
        %add3A_1227 = vector.broadcast %add3A_1226 : i32 to vector<16xi32>
        %add3A_1228 = arith.addi %iota3A, %add3A_1227 : vector<16xi32>
        tpu.vector_store_idx %arg18[%add3A_1186, %add3A_1228], %get3A_1225 : memref<128x131xf32, #tpu.memory_space<vmem>>[vector<16xi32>, vector<16xi32>], vector<16xf32>,
        %get3A_1229 = arith.index_cast %scan3A_1181 : i32 to index
        %get3A_1230 = arith.constant 112 : index
        %get3A_1231 = tpu.vector_load %arg16[%get3A_1229, %get3A_1230] {strides = array<i32>} : memref<128x144xf32, #tpu.memory_space<vmem>>, vector<16xf32>,
        %add3A_1232 = arith.constant 112 : i32
        %add3A_1233 = vector.broadcast %add3A_1232 : i32 to vector<16xi32>
        %add3A_1234 = arith.addi %iota3A, %add3A_1233 : vector<16xi32>
        tpu.vector_store_idx %arg18[%add3A_1186, %add3A_1234], %get3A_1231 : memref<128x131xf32, #tpu.memory_space<vmem>>[vector<16xi32>, vector<16xi32>], vector<16xf32>,
        %get3A_1235 = arith.index_cast %scan3A_1181 : i32 to index
        %get3A_1236 = arith.constant 128 : index
        %get3A_1237 = tpu.vector_load %arg16[%get3A_1235, %get3A_1236] {strides = array<i32>} : memref<128x144xf32, #tpu.memory_space<vmem>>, vector<16xf32>,
        %add3A_1238 = arith.constant 128 : i32
        %add3A_1239 = vector.broadcast %add3A_1238 : i32 to vector<16xi32>
        %add3A_1240 = arith.addi %iota3A, %add3A_1239 : vector<16xi32>
        %min3A = arith.constant 130 : i32
        %min3A_1241 = vector.broadcast %min3A : i32 to vector<16xi32>
        %min3A_1242 = arith.minsi %add3A_1240, %min3A_1241 : vector<16xi32>
        tpu.vector_store_idx %arg18[%add3A_1186, %min3A_1242], %get3A_1237 masked %lt3A_1054 : memref<128x131xf32, #tpu.memory_space<vmem>>[vector<16xi32>, vector<16xi32>], vector<16xf32>, vector<16xi1>
      }
      %scan3A_1097 = arith.constant 128 : i32
      %dma_start3A_1098 = arith.constant 128 : i32
      %dma_start3A_1099 = arith.constant 0 : i32
      %dma_start3A_1100 = tpu.memref_slice %arg7[%select_n3A, %add3A_41, %dma_start3A_1098, %dma_start3A_1099] : memref<4x128x512x131xf32, #tpu.memory_space<hbm>> -> memref<1x1x128x131xf32, #tpu.memory_space<hbm>>
      %dma_start3A_1101 = tpu.memref_squeeze %dma_start3A_1100 : memref<1x1x128x131xf32, #tpu.memory_space<hbm>> -> memref<128x131xf32, #tpu.memory_space<hbm>>
      %dma_start3A_1102 = arith.constant 128 : i32
      %dma_start3A_1103 = arith.constant 0 : i32
      %dma_start3A_1104 = tpu.memref_slice %arg7[%select_n3A, %add3A_41, %dma_start3A_1102, %dma_start3A_1103] : memref<4x128x512x131xf32, #tpu.memory_space<hbm>> -> memref<1x1x128x131xf32, #tpu.memory_space<hbm>>
      %dma_start3A_1105 = tpu.memref_squeeze %dma_start3A_1104 : memref<1x1x128x131xf32, #tpu.memory_space<hbm>> -> memref<128x131xf32, #tpu.memory_space<hbm>>
      tpu.enqueue_dma source(%arg18 : memref<128x131xf32, #tpu.memory_space<vmem>>) target(%dma_start3A_1105 : memref<128x131xf32, #tpu.memory_space<hbm>>) target_semaphore(%arg21 : memref<!tpu.dma_semaphore, #tpu.memory_space<semaphore_mem>>)
      %dma_wait3A_1106 = arith.constant 0 : i32
      %dma_wait3A_1107 = arith.constant 0 : i32
      %dma_wait3A_1108 = tpu.memref_slice %arg7[%select_n3A, %add3A_41, %dma_wait3A_1106, %dma_wait3A_1107] : memref<4x128x512x131xf32, #tpu.memory_space<hbm>> -> memref<1x1x128x131xf32, #tpu.memory_space<hbm>>
      %dma_wait3A_1109 = tpu.memref_squeeze %dma_wait3A_1108 : memref<1x1x128x131xf32, #tpu.memory_space<hbm>> -> memref<128x131xf32, #tpu.memory_space<hbm>>
      %dma_wait3A_1110 = arith.constant 0 : i32
      %dma_wait3A_1111 = arith.constant 0 : i32
      %dma_wait3A_1112 = tpu.memref_slice %arg7[%select_n3A, %add3A_41, %dma_wait3A_1110, %dma_wait3A_1111] : memref<4x128x512x131xf32, #tpu.memory_space<hbm>> -> memref<1x1x128x131xf32, #tpu.memory_space<hbm>>
      %dma_wait3A_1113 = tpu.memref_squeeze %dma_wait3A_1112 : memref<1x1x128x131xf32, #tpu.memory_space<hbm>> -> memref<128x131xf32, #tpu.memory_space<hbm>>
      tpu.wait_dma2 semaphore(%arg21 : memref<!tpu.dma_semaphore, #tpu.memory_space<semaphore_mem>>) src(%arg17 : memref<128x131xf32, #tpu.memory_space<vmem>>) dst(%dma_wait3A_1113 : memref<128x131xf32, #tpu.memory_space<hbm>>)
      %dma_wait3A_1114 = arith.constant 256 : i32
      %dma_wait3A_1115 = tpu.memref_slice %arg14[%dma_wait3A_1114] : memref<512xi32, #tpu.memory_space<vmem>> -> memref<128xi32, #tpu.memory_space<vmem>>
      %dma_wait3A_1116 = arith.constant 0 : i32
      %dma_wait3A_1117 = arith.constant 0 : i32
      %dma_wait3A_1118 = tpu.memref_slice %arg2[%dma_wait3A_1116, %dma_wait3A_1117] : memref<65537x144xf32, #tpu.memory_space<hbm>> -> memref<65537x144xf32, #tpu.memory_space<hbm>>
      tpu.wait_indirect_dma semaphore(%arg20 : memref<!tpu.dma_semaphore, #tpu.memory_space<semaphore_mem>>) src(%dma_wait3A_1118 : memref<65537x144xf32, #tpu.memory_space<hbm>>) dst(%arg15 : memref<128x144xf32, #tpu.memory_space<vmem>>)
      %dma_start3A_1119 = arith.constant 384 : i32
      %dma_start3A_1120 = tpu.memref_slice %arg14[%dma_start3A_1119] : memref<512xi32, #tpu.memory_space<vmem>> -> memref<128xi32, #tpu.memory_space<vmem>>
      %dma_start3A_1121 = arith.constant 0 : i32
      %dma_start3A_1122 = arith.constant 0 : i32
      %dma_start3A_1123 = tpu.memref_slice %arg2[%dma_start3A_1121, %dma_start3A_1122] : memref<65537x144xf32, #tpu.memory_space<hbm>> -> memref<65537x144xf32, #tpu.memory_space<hbm>>
      tpu.enqueue_indirect_dma source(%dma_start3A_1123 : memref<65537x144xf32, #tpu.memory_space<hbm>>) target(%arg16 : memref<128x144xf32, #tpu.memory_space<vmem>>) offsets(%dma_start3A_1120 : memref<128xi32, #tpu.memory_space<vmem>>) semaphore(%arg20 : memref<!tpu.dma_semaphore, #tpu.memory_space<semaphore_mem>>)
      %scan3A_1124 = arith.constant 0 : i32
      %scan3A_1125 = arith.constant 0 : i32
      %scan3A_1126 = arith.constant 128 : i32
      %scan3A_1127 = arith.addi %scan3A_1125, %scan3A_1126 : i32
      %scan3A_1128 = arith.constant 1 : i32
      scf.for %scan3A_1181 = %scan3A_1125 to %scan3A_1127 step %scan3A_1128  : i32 {
        %mul3A_1182 = arith.constant 0 : i32
        %mul3A_1183 = vector.broadcast %mul3A_1182 : i32 to vector<16xi32>
        %mul3A_1184 = arith.muli %iota3A, %mul3A_1183 : vector<16xi32>
        %add3A_1185 = vector.broadcast %scan3A_1181 : i32 to vector<16xi32>
        %add3A_1186 = arith.addi %mul3A_1184, %add3A_1185 : vector<16xi32>
        %get3A_1187 = arith.index_cast %scan3A_1181 : i32 to index
        %get3A_1188 = arith.constant 0 : index
        %get3A_1189 = tpu.vector_load %arg15[%get3A_1187, %get3A_1188] {strides = array<i32>} : memref<128x144xf32, #tpu.memory_space<vmem>>, vector<16xf32>,
        %add3A_1190 = arith.constant 0 : i32
        %add3A_1191 = vector.broadcast %add3A_1190 : i32 to vector<16xi32>
        %add3A_1192 = arith.addi %iota3A, %add3A_1191 : vector<16xi32>
        tpu.vector_store_idx %arg17[%add3A_1186, %add3A_1192], %get3A_1189 : memref<128x131xf32, #tpu.memory_space<vmem>>[vector<16xi32>, vector<16xi32>], vector<16xf32>,
        %get3A_1193 = arith.index_cast %scan3A_1181 : i32 to index
        %get3A_1194 = arith.constant 16 : index
        %get3A_1195 = tpu.vector_load %arg15[%get3A_1193, %get3A_1194] {strides = array<i32>} : memref<128x144xf32, #tpu.memory_space<vmem>>, vector<16xf32>,
        %add3A_1196 = arith.constant 16 : i32
        %add3A_1197 = vector.broadcast %add3A_1196 : i32 to vector<16xi32>
        %add3A_1198 = arith.addi %iota3A, %add3A_1197 : vector<16xi32>
        tpu.vector_store_idx %arg17[%add3A_1186, %add3A_1198], %get3A_1195 : memref<128x131xf32, #tpu.memory_space<vmem>>[vector<16xi32>, vector<16xi32>], vector<16xf32>,
        %get3A_1199 = arith.index_cast %scan3A_1181 : i32 to index
        %get3A_1200 = arith.constant 32 : index
        %get3A_1201 = tpu.vector_load %arg15[%get3A_1199, %get3A_1200] {strides = array<i32>} : memref<128x144xf32, #tpu.memory_space<vmem>>, vector<16xf32>,
        %add3A_1202 = arith.constant 32 : i32
        %add3A_1203 = vector.broadcast %add3A_1202 : i32 to vector<16xi32>
        %add3A_1204 = arith.addi %iota3A, %add3A_1203 : vector<16xi32>
        tpu.vector_store_idx %arg17[%add3A_1186, %add3A_1204], %get3A_1201 : memref<128x131xf32, #tpu.memory_space<vmem>>[vector<16xi32>, vector<16xi32>], vector<16xf32>,
        %get3A_1205 = arith.index_cast %scan3A_1181 : i32 to index
        %get3A_1206 = arith.constant 48 : index
        %get3A_1207 = tpu.vector_load %arg15[%get3A_1205, %get3A_1206] {strides = array<i32>} : memref<128x144xf32, #tpu.memory_space<vmem>>, vector<16xf32>,
        %add3A_1208 = arith.constant 48 : i32
        %add3A_1209 = vector.broadcast %add3A_1208 : i32 to vector<16xi32>
        %add3A_1210 = arith.addi %iota3A, %add3A_1209 : vector<16xi32>
        tpu.vector_store_idx %arg17[%add3A_1186, %add3A_1210], %get3A_1207 : memref<128x131xf32, #tpu.memory_space<vmem>>[vector<16xi32>, vector<16xi32>], vector<16xf32>,
        %get3A_1211 = arith.index_cast %scan3A_1181 : i32 to index
        %get3A_1212 = arith.constant 64 : index
        %get3A_1213 = tpu.vector_load %arg15[%get3A_1211, %get3A_1212] {strides = array<i32>} : memref<128x144xf32, #tpu.memory_space<vmem>>, vector<16xf32>,
        %add3A_1214 = arith.constant 64 : i32
        %add3A_1215 = vector.broadcast %add3A_1214 : i32 to vector<16xi32>
        %add3A_1216 = arith.addi %iota3A, %add3A_1215 : vector<16xi32>
        tpu.vector_store_idx %arg17[%add3A_1186, %add3A_1216], %get3A_1213 : memref<128x131xf32, #tpu.memory_space<vmem>>[vector<16xi32>, vector<16xi32>], vector<16xf32>,
        %get3A_1217 = arith.index_cast %scan3A_1181 : i32 to index
        %get3A_1218 = arith.constant 80 : index
        %get3A_1219 = tpu.vector_load %arg15[%get3A_1217, %get3A_1218] {strides = array<i32>} : memref<128x144xf32, #tpu.memory_space<vmem>>, vector<16xf32>,
        %add3A_1220 = arith.constant 80 : i32
        %add3A_1221 = vector.broadcast %add3A_1220 : i32 to vector<16xi32>
        %add3A_1222 = arith.addi %iota3A, %add3A_1221 : vector<16xi32>
        tpu.vector_store_idx %arg17[%add3A_1186, %add3A_1222], %get3A_1219 : memref<128x131xf32, #tpu.memory_space<vmem>>[vector<16xi32>, vector<16xi32>], vector<16xf32>,
        %get3A_1223 = arith.index_cast %scan3A_1181 : i32 to index
        %get3A_1224 = arith.constant 96 : index
        %get3A_1225 = tpu.vector_load %arg15[%get3A_1223, %get3A_1224] {strides = array<i32>} : memref<128x144xf32, #tpu.memory_space<vmem>>, vector<16xf32>,
        %add3A_1226 = arith.constant 96 : i32
        %add3A_1227 = vector.broadcast %add3A_1226 : i32 to vector<16xi32>
        %add3A_1228 = arith.addi %iota3A, %add3A_1227 : vector<16xi32>
        tpu.vector_store_idx %arg17[%add3A_1186, %add3A_1228], %get3A_1225 : memref<128x131xf32, #tpu.memory_space<vmem>>[vector<16xi32>, vector<16xi32>], vector<16xf32>,
        %get3A_1229 = arith.index_cast %scan3A_1181 : i32 to index
        %get3A_1230 = arith.constant 112 : index
        %get3A_1231 = tpu.vector_load %arg15[%get3A_1229, %get3A_1230] {strides = array<i32>} : memref<128x144xf32, #tpu.memory_space<vmem>>, vector<16xf32>,
        %add3A_1232 = arith.constant 112 : i32
        %add3A_1233 = vector.broadcast %add3A_1232 : i32 to vector<16xi32>
        %add3A_1234 = arith.addi %iota3A, %add3A_1233 : vector<16xi32>
        tpu.vector_store_idx %arg17[%add3A_1186, %add3A_1234], %get3A_1231 : memref<128x131xf32, #tpu.memory_space<vmem>>[vector<16xi32>, vector<16xi32>], vector<16xf32>,
        %get3A_1235 = arith.index_cast %scan3A_1181 : i32 to index
        %get3A_1236 = arith.constant 128 : index
        %get3A_1237 = tpu.vector_load %arg15[%get3A_1235, %get3A_1236] {strides = array<i32>} : memref<128x144xf32, #tpu.memory_space<vmem>>, vector<16xf32>,
        %add3A_1238 = arith.constant 128 : i32
        %add3A_1239 = vector.broadcast %add3A_1238 : i32 to vector<16xi32>
        %add3A_1240 = arith.addi %iota3A, %add3A_1239 : vector<16xi32>
        %min3A = arith.constant 130 : i32
        %min3A_1241 = vector.broadcast %min3A : i32 to vector<16xi32>
        %min3A_1242 = arith.minsi %add3A_1240, %min3A_1241 : vector<16xi32>
        tpu.vector_store_idx %arg17[%add3A_1186, %min3A_1242], %get3A_1237 masked %lt3A_1054 : memref<128x131xf32, #tpu.memory_space<vmem>>[vector<16xi32>, vector<16xi32>], vector<16xf32>, vector<16xi1>
      }
      %scan3A_1129 = arith.constant 128 : i32
      %dma_start3A_1130 = arith.constant 256 : i32
      %dma_start3A_1131 = arith.constant 0 : i32
      %dma_start3A_1132 = tpu.memref_slice %arg7[%select_n3A, %add3A_41, %dma_start3A_1130, %dma_start3A_1131] : memref<4x128x512x131xf32, #tpu.memory_space<hbm>> -> memref<1x1x128x131xf32, #tpu.memory_space<hbm>>
      %dma_start3A_1133 = tpu.memref_squeeze %dma_start3A_1132 : memref<1x1x128x131xf32, #tpu.memory_space<hbm>> -> memref<128x131xf32, #tpu.memory_space<hbm>>
      %dma_start3A_1134 = arith.constant 256 : i32
      %dma_start3A_1135 = arith.constant 0 : i32
      %dma_start3A_1136 = tpu.memref_slice %arg7[%select_n3A, %add3A_41, %dma_start3A_1134, %dma_start3A_1135] : memref<4x128x512x131xf32, #tpu.memory_space<hbm>> -> memref<1x1x128x131xf32, #tpu.memory_space<hbm>>
      %dma_start3A_1137 = tpu.memref_squeeze %dma_start3A_1136 : memref<1x1x128x131xf32, #tpu.memory_space<hbm>> -> memref<128x131xf32, #tpu.memory_space<hbm>>
      tpu.enqueue_dma source(%arg17 : memref<128x131xf32, #tpu.memory_space<vmem>>) target(%dma_start3A_1137 : memref<128x131xf32, #tpu.memory_space<hbm>>) target_semaphore(%arg21 : memref<!tpu.dma_semaphore, #tpu.memory_space<semaphore_mem>>)
      %dma_wait3A_1138 = arith.constant 128 : i32
      %dma_wait3A_1139 = arith.constant 0 : i32
      %dma_wait3A_1140 = tpu.memref_slice %arg7[%select_n3A, %add3A_41, %dma_wait3A_1138, %dma_wait3A_1139] : memref<4x128x512x131xf32, #tpu.memory_space<hbm>> -> memref<1x1x128x131xf32, #tpu.memory_space<hbm>>
      %dma_wait3A_1141 = tpu.memref_squeeze %dma_wait3A_1140 : memref<1x1x128x131xf32, #tpu.memory_space<hbm>> -> memref<128x131xf32, #tpu.memory_space<hbm>>
      %dma_wait3A_1142 = arith.constant 128 : i32
      %dma_wait3A_1143 = arith.constant 0 : i32
      %dma_wait3A_1144 = tpu.memref_slice %arg7[%select_n3A, %add3A_41, %dma_wait3A_1142, %dma_wait3A_1143] : memref<4x128x512x131xf32, #tpu.memory_space<hbm>> -> memref<1x1x128x131xf32, #tpu.memory_space<hbm>>
      %dma_wait3A_1145 = tpu.memref_squeeze %dma_wait3A_1144 : memref<1x1x128x131xf32, #tpu.memory_space<hbm>> -> memref<128x131xf32, #tpu.memory_space<hbm>>
      tpu.wait_dma2 semaphore(%arg21 : memref<!tpu.dma_semaphore, #tpu.memory_space<semaphore_mem>>) src(%arg18 : memref<128x131xf32, #tpu.memory_space<vmem>>) dst(%dma_wait3A_1145 : memref<128x131xf32, #tpu.memory_space<hbm>>)
      %dma_wait3A_1146 = arith.constant 384 : i32
      %dma_wait3A_1147 = tpu.memref_slice %arg14[%dma_wait3A_1146] : memref<512xi32, #tpu.memory_space<vmem>> -> memref<128xi32, #tpu.memory_space<vmem>>
      %dma_wait3A_1148 = arith.constant 0 : i32
      %dma_wait3A_1149 = arith.constant 0 : i32
      %dma_wait3A_1150 = tpu.memref_slice %arg2[%dma_wait3A_1148, %dma_wait3A_1149] : memref<65537x144xf32, #tpu.memory_space<hbm>> -> memref<65537x144xf32, #tpu.memory_space<hbm>>
      tpu.wait_indirect_dma semaphore(%arg20 : memref<!tpu.dma_semaphore, #tpu.memory_space<semaphore_mem>>) src(%dma_wait3A_1150 : memref<65537x144xf32, #tpu.memory_space<hbm>>) dst(%arg16 : memref<128x144xf32, #tpu.memory_space<vmem>>)
      %scan3A_1151 = arith.constant 0 : i32
      %scan3A_1152 = arith.constant 0 : i32
      %scan3A_1153 = arith.constant 128 : i32
      %scan3A_1154 = arith.addi %scan3A_1152, %scan3A_1153 : i32
      %scan3A_1155 = arith.constant 1 : i32
      scf.for %scan3A_1181 = %scan3A_1152 to %scan3A_1154 step %scan3A_1155  : i32 {
        %mul3A_1182 = arith.constant 0 : i32
        %mul3A_1183 = vector.broadcast %mul3A_1182 : i32 to vector<16xi32>
        %mul3A_1184 = arith.muli %iota3A, %mul3A_1183 : vector<16xi32>
        %add3A_1185 = vector.broadcast %scan3A_1181 : i32 to vector<16xi32>
        %add3A_1186 = arith.addi %mul3A_1184, %add3A_1185 : vector<16xi32>
        %get3A_1187 = arith.index_cast %scan3A_1181 : i32 to index
        %get3A_1188 = arith.constant 0 : index
        %get3A_1189 = tpu.vector_load %arg16[%get3A_1187, %get3A_1188] {strides = array<i32>} : memref<128x144xf32, #tpu.memory_space<vmem>>, vector<16xf32>,
        %add3A_1190 = arith.constant 0 : i32
        %add3A_1191 = vector.broadcast %add3A_1190 : i32 to vector<16xi32>
        %add3A_1192 = arith.addi %iota3A, %add3A_1191 : vector<16xi32>
        tpu.vector_store_idx %arg18[%add3A_1186, %add3A_1192], %get3A_1189 : memref<128x131xf32, #tpu.memory_space<vmem>>[vector<16xi32>, vector<16xi32>], vector<16xf32>,
        %get3A_1193 = arith.index_cast %scan3A_1181 : i32 to index
        %get3A_1194 = arith.constant 16 : index
        %get3A_1195 = tpu.vector_load %arg16[%get3A_1193, %get3A_1194] {strides = array<i32>} : memref<128x144xf32, #tpu.memory_space<vmem>>, vector<16xf32>,
        %add3A_1196 = arith.constant 16 : i32
        %add3A_1197 = vector.broadcast %add3A_1196 : i32 to vector<16xi32>
        %add3A_1198 = arith.addi %iota3A, %add3A_1197 : vector<16xi32>
        tpu.vector_store_idx %arg18[%add3A_1186, %add3A_1198], %get3A_1195 : memref<128x131xf32, #tpu.memory_space<vmem>>[vector<16xi32>, vector<16xi32>], vector<16xf32>,
        %get3A_1199 = arith.index_cast %scan3A_1181 : i32 to index
        %get3A_1200 = arith.constant 32 : index
        %get3A_1201 = tpu.vector_load %arg16[%get3A_1199, %get3A_1200] {strides = array<i32>} : memref<128x144xf32, #tpu.memory_space<vmem>>, vector<16xf32>,
        %add3A_1202 = arith.constant 32 : i32
        %add3A_1203 = vector.broadcast %add3A_1202 : i32 to vector<16xi32>
        %add3A_1204 = arith.addi %iota3A, %add3A_1203 : vector<16xi32>
        tpu.vector_store_idx %arg18[%add3A_1186, %add3A_1204], %get3A_1201 : memref<128x131xf32, #tpu.memory_space<vmem>>[vector<16xi32>, vector<16xi32>], vector<16xf32>,
        %get3A_1205 = arith.index_cast %scan3A_1181 : i32 to index
        %get3A_1206 = arith.constant 48 : index
        %get3A_1207 = tpu.vector_load %arg16[%get3A_1205, %get3A_1206] {strides = array<i32>} : memref<128x144xf32, #tpu.memory_space<vmem>>, vector<16xf32>,
        %add3A_1208 = arith.constant 48 : i32
        %add3A_1209 = vector.broadcast %add3A_1208 : i32 to vector<16xi32>
        %add3A_1210 = arith.addi %iota3A, %add3A_1209 : vector<16xi32>
        tpu.vector_store_idx %arg18[%add3A_1186, %add3A_1210], %get3A_1207 : memref<128x131xf32, #tpu.memory_space<vmem>>[vector<16xi32>, vector<16xi32>], vector<16xf32>,
        %get3A_1211 = arith.index_cast %scan3A_1181 : i32 to index
        %get3A_1212 = arith.constant 64 : index
        %get3A_1213 = tpu.vector_load %arg16[%get3A_1211, %get3A_1212] {strides = array<i32>} : memref<128x144xf32, #tpu.memory_space<vmem>>, vector<16xf32>,
        %add3A_1214 = arith.constant 64 : i32
        %add3A_1215 = vector.broadcast %add3A_1214 : i32 to vector<16xi32>
        %add3A_1216 = arith.addi %iota3A, %add3A_1215 : vector<16xi32>
        tpu.vector_store_idx %arg18[%add3A_1186, %add3A_1216], %get3A_1213 : memref<128x131xf32, #tpu.memory_space<vmem>>[vector<16xi32>, vector<16xi32>], vector<16xf32>,
        %get3A_1217 = arith.index_cast %scan3A_1181 : i32 to index
        %get3A_1218 = arith.constant 80 : index
        %get3A_1219 = tpu.vector_load %arg16[%get3A_1217, %get3A_1218] {strides = array<i32>} : memref<128x144xf32, #tpu.memory_space<vmem>>, vector<16xf32>,
        %add3A_1220 = arith.constant 80 : i32
        %add3A_1221 = vector.broadcast %add3A_1220 : i32 to vector<16xi32>
        %add3A_1222 = arith.addi %iota3A, %add3A_1221 : vector<16xi32>
        tpu.vector_store_idx %arg18[%add3A_1186, %add3A_1222], %get3A_1219 : memref<128x131xf32, #tpu.memory_space<vmem>>[vector<16xi32>, vector<16xi32>], vector<16xf32>,
        %get3A_1223 = arith.index_cast %scan3A_1181 : i32 to index
        %get3A_1224 = arith.constant 96 : index
        %get3A_1225 = tpu.vector_load %arg16[%get3A_1223, %get3A_1224] {strides = array<i32>} : memref<128x144xf32, #tpu.memory_space<vmem>>, vector<16xf32>,
        %add3A_1226 = arith.constant 96 : i32
        %add3A_1227 = vector.broadcast %add3A_1226 : i32 to vector<16xi32>
        %add3A_1228 = arith.addi %iota3A, %add3A_1227 : vector<16xi32>
        tpu.vector_store_idx %arg18[%add3A_1186, %add3A_1228], %get3A_1225 : memref<128x131xf32, #tpu.memory_space<vmem>>[vector<16xi32>, vector<16xi32>], vector<16xf32>,
        %get3A_1229 = arith.index_cast %scan3A_1181 : i32 to index
        %get3A_1230 = arith.constant 112 : index
        %get3A_1231 = tpu.vector_load %arg16[%get3A_1229, %get3A_1230] {strides = array<i32>} : memref<128x144xf32, #tpu.memory_space<vmem>>, vector<16xf32>,
        %add3A_1232 = arith.constant 112 : i32
        %add3A_1233 = vector.broadcast %add3A_1232 : i32 to vector<16xi32>
        %add3A_1234 = arith.addi %iota3A, %add3A_1233 : vector<16xi32>
        tpu.vector_store_idx %arg18[%add3A_1186, %add3A_1234], %get3A_1231 : memref<128x131xf32, #tpu.memory_space<vmem>>[vector<16xi32>, vector<16xi32>], vector<16xf32>,
        %get3A_1235 = arith.index_cast %scan3A_1181 : i32 to index
        %get3A_1236 = arith.constant 128 : index
        %get3A_1237 = tpu.vector_load %arg16[%get3A_1235, %get3A_1236] {strides = array<i32>} : memref<128x144xf32, #tpu.memory_space<vmem>>, vector<16xf32>,
        %add3A_1238 = arith.constant 128 : i32
        %add3A_1239 = vector.broadcast %add3A_1238 : i32 to vector<16xi32>
        %add3A_1240 = arith.addi %iota3A, %add3A_1239 : vector<16xi32>
        %min3A = arith.constant 130 : i32
        %min3A_1241 = vector.broadcast %min3A : i32 to vector<16xi32>
        %min3A_1242 = arith.minsi %add3A_1240, %min3A_1241 : vector<16xi32>
        tpu.vector_store_idx %arg18[%add3A_1186, %min3A_1242], %get3A_1237 masked %lt3A_1054 : memref<128x131xf32, #tpu.memory_space<vmem>>[vector<16xi32>, vector<16xi32>], vector<16xf32>, vector<16xi1>
      }
      %scan3A_1156 = arith.constant 128 : i32
      %dma_start3A_1157 = arith.constant 384 : i32
      %dma_start3A_1158 = arith.constant 0 : i32
      %dma_start3A_1159 = tpu.memref_slice %arg7[%select_n3A, %add3A_41, %dma_start3A_1157, %dma_start3A_1158] : memref<4x128x512x131xf32, #tpu.memory_space<hbm>> -> memref<1x1x128x131xf32, #tpu.memory_space<hbm>>
      %dma_start3A_1160 = tpu.memref_squeeze %dma_start3A_1159 : memref<1x1x128x131xf32, #tpu.memory_space<hbm>> -> memref<128x131xf32, #tpu.memory_space<hbm>>
      %dma_start3A_1161 = arith.constant 384 : i32
      %dma_start3A_1162 = arith.constant 0 : i32
      %dma_start3A_1163 = tpu.memref_slice %arg7[%select_n3A, %add3A_41, %dma_start3A_1161, %dma_start3A_1162] : memref<4x128x512x131xf32, #tpu.memory_space<hbm>> -> memref<1x1x128x131xf32, #tpu.memory_space<hbm>>
      %dma_start3A_1164 = tpu.memref_squeeze %dma_start3A_1163 : memref<1x1x128x131xf32, #tpu.memory_space<hbm>> -> memref<128x131xf32, #tpu.memory_space<hbm>>
      tpu.enqueue_dma source(%arg18 : memref<128x131xf32, #tpu.memory_space<vmem>>) target(%dma_start3A_1164 : memref<128x131xf32, #tpu.memory_space<hbm>>) target_semaphore(%arg21 : memref<!tpu.dma_semaphore, #tpu.memory_space<semaphore_mem>>)
      %dma_wait3A_1165 = arith.constant 256 : i32
      %dma_wait3A_1166 = arith.constant 0 : i32
      %dma_wait3A_1167 = tpu.memref_slice %arg7[%select_n3A, %add3A_41, %dma_wait3A_1165, %dma_wait3A_1166] : memref<4x128x512x131xf32, #tpu.memory_space<hbm>> -> memref<1x1x128x131xf32, #tpu.memory_space<hbm>>
      %dma_wait3A_1168 = tpu.memref_squeeze %dma_wait3A_1167 : memref<1x1x128x131xf32, #tpu.memory_space<hbm>> -> memref<128x131xf32, #tpu.memory_space<hbm>>
      %dma_wait3A_1169 = arith.constant 256 : i32
      %dma_wait3A_1170 = arith.constant 0 : i32
      %dma_wait3A_1171 = tpu.memref_slice %arg7[%select_n3A, %add3A_41, %dma_wait3A_1169, %dma_wait3A_1170] : memref<4x128x512x131xf32, #tpu.memory_space<hbm>> -> memref<1x1x128x131xf32, #tpu.memory_space<hbm>>
      %dma_wait3A_1172 = tpu.memref_squeeze %dma_wait3A_1171 : memref<1x1x128x131xf32, #tpu.memory_space<hbm>> -> memref<128x131xf32, #tpu.memory_space<hbm>>
      tpu.wait_dma2 semaphore(%arg21 : memref<!tpu.dma_semaphore, #tpu.memory_space<semaphore_mem>>) src(%arg17 : memref<128x131xf32, #tpu.memory_space<vmem>>) dst(%dma_wait3A_1172 : memref<128x131xf32, #tpu.memory_space<hbm>>)
      %dma_wait3A_1173 = arith.constant 384 : i32
      %dma_wait3A_1174 = arith.constant 0 : i32
      %dma_wait3A_1175 = tpu.memref_slice %arg7[%select_n3A, %add3A_41, %dma_wait3A_1173, %dma_wait3A_1174] : memref<4x128x512x131xf32, #tpu.memory_space<hbm>> -> memref<1x1x128x131xf32, #tpu.memory_space<hbm>>
      %dma_wait3A_1176 = tpu.memref_squeeze %dma_wait3A_1175 : memref<1x1x128x131xf32, #tpu.memory_space<hbm>> -> memref<128x131xf32, #tpu.memory_space<hbm>>
      %dma_wait3A_1177 = arith.constant 384 : i32
      %dma_wait3A_1178 = arith.constant 0 : i32
      %dma_wait3A_1179 = tpu.memref_slice %arg7[%select_n3A, %add3A_41, %dma_wait3A_1177, %dma_wait3A_1178] : memref<4x128x512x131xf32, #tpu.memory_space<hbm>> -> memref<1x1x128x131xf32, #tpu.memory_space<hbm>>
      %dma_wait3A_1180 = tpu.memref_squeeze %dma_wait3A_1179 : memref<1x1x128x131xf32, #tpu.memory_space<hbm>> -> memref<128x131xf32, #tpu.memory_space<hbm>>
      tpu.wait_dma2 semaphore(%arg21 : memref<!tpu.dma_semaphore, #tpu.memory_space<semaphore_mem>>) src(%arg18 : memref<128x131xf32, #tpu.memory_space<vmem>>) dst(%dma_wait3A_1180 : memref<128x131xf32, #tpu.memory_space<hbm>>)
    }
    %scan3A_39 = arith.constant 16 : i32
    "tpu.region"() ({
      %run_scoped3A = tpu.sem_alloc : memref<!tpu.dma_semaphore, #tpu.memory_space<semaphore_mem>>
      %dma_start3A = tpu.memref_slice %arg8[%select_n3A, %mul3A_32] : memref<4x128xi32, #tpu.memory_space<hbm>> -> memref<1x16xi32, #tpu.memory_space<hbm>>
      %dma_start3A_40 = tpu.memref_squeeze %dma_start3A : memref<1x16xi32, #tpu.memory_space<hbm>> -> memref<16xi32, #tpu.memory_space<hbm>>
      %dma_start3A_41 = tpu.memref_slice %arg8[%select_n3A, %mul3A_32] : memref<4x128xi32, #tpu.memory_space<hbm>> -> memref<1x16xi32, #tpu.memory_space<hbm>>
      %dma_start3A_42 = tpu.memref_squeeze %dma_start3A_41 : memref<1x16xi32, #tpu.memory_space<hbm>> -> memref<16xi32, #tpu.memory_space<hbm>>
      tpu.enqueue_dma source(%arg19 : memref<16xi32, #tpu.memory_space<vmem>>) target(%dma_start3A_42 : memref<16xi32, #tpu.memory_space<hbm>>) target_semaphore(%run_scoped3A : memref<!tpu.dma_semaphore, #tpu.memory_space<semaphore_mem>>)
      %dma_wait3A = tpu.memref_slice %arg8[%select_n3A, %mul3A_32] : memref<4x128xi32, #tpu.memory_space<hbm>> -> memref<1x16xi32, #tpu.memory_space<hbm>>
      %dma_wait3A_43 = tpu.memref_squeeze %dma_wait3A : memref<1x16xi32, #tpu.memory_space<hbm>> -> memref<16xi32, #tpu.memory_space<hbm>>
      %dma_wait3A_44 = tpu.memref_slice %arg8[%select_n3A, %mul3A_32] : memref<4x128xi32, #tpu.memory_space<hbm>> -> memref<1x16xi32, #tpu.memory_space<hbm>>
      %dma_wait3A_45 = tpu.memref_squeeze %dma_wait3A_44 : memref<1x16xi32, #tpu.memory_space<hbm>> -> memref<16xi32, #tpu.memory_space<hbm>>
      tpu.wait_dma2 semaphore(%run_scoped3A : memref<!tpu.dma_semaphore, #tpu.memory_space<semaphore_mem>>) src(%arg19 : memref<16xi32, #tpu.memory_space<vmem>>) dst(%dma_wait3A_45 : memref<16xi32, #tpu.memory_space<hbm>>)
      tpu.yield
    }) : () -> ()
    return
  }
}

</mosaic_0001>

<sc_bundles>
// kernel: kernel.3.cloned.1.call-start
scs
__scs_entry_jumppad:
0x0: {  	(pc) =	sbr.rel $0x88, $3  }
0x1: {  	(tag) =	ssettag $0x0;
	lr =	simm.s32 $0x1  }
0x2: {  	[smem:$0x3F9E] =	sst lr;
	_ =	strace $0xD0000000  }
0x3: {  	_ = 	snop  }
0x4: {  	_ = 	snop  }
0x5: {  	_ = 	snop  }
0x6: {  	_ = 	snop  }
0x7: {  	_ = 	snop  }
__scs_overlays_trampoline_lowered:
0x8: {  	[smem:$0x3FAD] =	sst s0  }
0x9: {  	[smem:$0x3FAE] =	sst s1  }
0xa: {  	[smem:$0x3FAF] =	sst s2  }
0xb: {  	[smem:$0x3FB0] =	sst s3  }
0xc: {  	[smem:$0x3FB1] =	sst s4  }
0xd: {  	[smem:$0x3FB2] =	sst s5  }
0xe: {  	[smem:$0x3FB3] =	sst s6  }
0xf: {  	[smem:$0x3FB4] =	sst s7  }
0x10: {  	[smem:$0x3FB5] =	sst s8  }
0x11: {  	[smem:$0x3FB6] =	sst s9;
	s0 =	simm.s32 @!p0 $0x0  }
0x12: {  	s1 =	sld [smem:$0x3F9C];
	s0 =	simm.s32 @p0 $0x1  }
0x13: {  	[smem:$0x3FB7] =	sst s0;
	s0 =	simm.s32 @!p1 $0x0  }
0x14: {  	s2 =	sld [smem:$0x3F9B];
	s0 =	simm.s32 @p1 $0x1  }
0x15: {  	[smem:$0x3FB8] =	sst s0;
	s0 =	simm.s32 @!p2 $0x0  }
0x16: {  	s3 =	sld [smem:$0x3FDB];
	s0 =	simm.s32 @p2 $0x1  }
0x17: {  	s4 =	simm.s32 $0x1BF5;
	[smem:$0x3FBA] =	sst s0  }
0x18: {  	s0 =	sld [smem:$0x3F9D];
	_ =	swait.ge [sflag:s4], $0x0  }
0x19: {  	s7 =	sld [smem:$0x3F9E]  }
0x1a: {  	s8 =	sadd.s32 $0xFFFFE003, lr  }
0x1b: {  	s9 =	sadd.s32 $0xFFFFFEF7, lr;
	s5 =	simm.s32 $0xFFFFFFFF;
	p2 =	slt.u32 s8, $0xFFFFF086  }
0x1c: {  	p1 =	slt.u32 s9, $0xF7A;
	s5 =	simm.s32 @!p2 $0x0  }
0x1d: {  	s5 =	simm.s32 @p1 $0x1;
	p0 =	seq.s32 s7, s2  }
0x1e: {  	s7 =	smul.u32 @!p0 $0xF7A, s2;
	p2 =	seq.s32 @!p0 s5, $0x0  }
0x1f: {  	s9 =	smul.u32 $0xF7A, s1;
	s8 =	simm.s32 @!p0 $0x1BF5;
	p2 =	por !p2, p0  }
0x20: {  	[sflag:s8] =	ssyncset.s32 @!p0 $0xFFFFF086;
	s6 =	sadd.s32 @!p0 s3, s7;
	s7 =	simm.s32 @!p0 $0x108  }
0x21: {  	s3 =	sadd.s32 s3, s9;
	s6 =	sadd.s32 @!p0 $0x88, s6;
	s7 =	simm.s32 @p2 $0x1082  }
0x22: {  	[simem:s7], [sflag:s8] =	dma.local @!p0 [hbm:s6], $0xF7A  }
0x23: {  	s9 =	sor.u32 $0xD0000000, s2;
	s6 =	simm.s32 $0x108;
	_ =	swait.ge @!p0 [sflag:s8], $0x0  }
0x24: {  	s3 =	sadd.s32 $0x88, s3;
	s6 =	simm.s32 @!p1 $0x1082;
	[sflag:s4] =	ssyncset.s32 $0xFFFFF086  }
0x25: {  	[simem:s6], [sflag:s4] =	dma.local [hbm:s3], $0xF7A  }
0x26: {  	[smem:$0x3F9E] =	sst s1;
	(tag) =	ssettag s2;
	_ =	strace s9  }
0x27: {  	s1 =	sld [smem:$0x3FAE]  }
0x28: {  	s2 =	sld [smem:$0x3FAF]  }
0x29: {  	s4 =	sld [smem:$0x3FB1]  }
0x2a: {  	p0 =	seq.s32 s5, $0x0;
	s5 =	sld [smem:$0x3FB2]  }
0x2b: {  	s6 =	sld [smem:$0x3FB3]  }
0x2c: {  	s7 =	sld [smem:$0x3FB4]  }
0x2d: {  	s3 =	simm.s32 $0x108;
	s8 =	sld [smem:$0x3FB5]  }
0x2e: {  	s3 =	simm.s32 @!p0 $0x1082;
	s9 =	sld [smem:$0x3FB6]  }
0x2f: {  	lr =	sadd.s32 s0, s3;
	s0 =	sld [smem:$0x3FAD]  }
0x30: {  	s3 =	sld [smem:$0x3FB0]  }
0x31: {  	[smem:$0x3FB9] =	sst s10  }
0x32: {  	s10 =	sld [smem:$0x3FB7];
	_ =	sdelay $0x3  }
0x33: {  	p0 =	seq.s32 s10, $0x1;
	s10 =	sld [smem:$0x3FB9];
	_ =	sdelay $0x3  }
0x34: {  	[smem:$0x3FB9] =	sst s10  }
0x35: {  	s10 =	sld [smem:$0x3FB8];
	_ =	sdelay $0x3  }
0x36: {  	p1 =	seq.s32 s10, $0x1;
	s10 =	sld [smem:$0x3FB9];
	_ =	sdelay $0x3  }
0x37: {  	[smem:$0x3FB9] =	sst s10  }
0x38: {  	s10 =	sld [smem:$0x3FBA]  }
0x39: {  	_ = 	snop;
	(pc) =	sbr.ind lr, $3  }
0x3a: {  	_ = 	snop  }
0x3b: {  	_ = 	snop  }
0x3c: {  	p2 =	seq.s32 s10, $0x1;
	s10 =	sld [smem:$0x3FB9]  }
0x3d: {  	_ =	shalt  }
0x3e: {  	_ =	shalt  }
0x3f: {  	_ =	shalt  }
0x40: {  	_ =	shalt  }
0x41: {  	_ =	shalt  }
0x42: {  	_ =	shalt  }
0x43: {  	_ =	shalt  }
0x44: {  	_ =	shalt  }
0x45: {  	_ =	shalt  }
0x46: {  	_ =	shalt  }
0x47: {  	_ =	shalt  }
0x48: {  	_ =	shalt  }
0x49: {  	_ =	shalt  }
0x4a: {  	_ =	shalt  }
0x4b: {  	_ =	shalt  }
0x4c: {  	_ =	shalt  }
0x4d: {  	_ =	shalt  }
0x4e: {  	_ =	shalt  }
0x4f: {  	_ =	shalt  }
0x50: {  	_ =	shalt  }
0x51: {  	_ =	shalt  }
0x52: {  	_ =	shalt  }
0x53: {  	_ =	shalt  }
0x54: {  	_ =	shalt  }
0x55: {  	_ =	shalt  }
0x56: {  	_ =	shalt  }
0x57: {  	_ =	shalt  }
0x58: {  	_ =	shalt  }
0x59: {  	_ =	shalt  }
0x5a: {  	_ =	shalt  }
0x5b: {  	_ =	shalt  }
0x5c: {  	_ =	shalt  }
0x5d: {  	_ =	shalt  }
0x5e: {  	_ =	shalt  }
0x5f: {  	_ =	shalt  }
0x60: {  	_ =	shalt  }
0x61: {  	_ =	shalt  }
0x62: {  	_ =	shalt  }
0x63: {  	_ =	shalt  }
0x64: {  	_ =	shalt  }
0x65: {  	_ =	shalt  }
0x66: {  	_ =	shalt  }
0x67: {  	_ =	shalt  }
0x68: {  	_ =	shalt  }
0x69: {  	_ =	shalt  }
0x6a: {  	_ =	shalt  }
0x6b: {  	_ =	shalt  }
0x6c: {  	_ =	shalt  }
0x6d: {  	_ =	shalt  }
0x6e: {  	_ =	shalt  }
0x6f: {  	_ =	shalt  }
0x70: {  	_ =	shalt  }
0x71: {  	_ =	shalt  }
0x72: {  	_ =	shalt  }
0x73: {  	_ =	shalt  }
0x74: {  	_ =	shalt  }
0x75: {  	_ =	shalt  }
0x76: {  	_ =	shalt  }
0x77: {  	_ =	shalt  }
0x78: {  	_ =	shalt  }
0x79: {  	_ =	shalt  }
0x7a: {  	_ =	shalt  }
0x7b: {  	_ =	shalt  }
0x7c: {  	_ =	shalt  }
0x7d: {  	_ =	shalt  }
0x7e: {  	_ =	shalt  }
0x7f: {  	_ =	shalt  }
0x80: {  	_ =	shalt  }
0x81: {  	_ =	shalt  }
0x82: {  	_ =	shalt  }
0x83: {  	_ =	shalt  }
0x84: {  	_ =	shalt  }
0x85: {  	_ =	shalt  }
0x86: {  	_ =	shalt  }
0x87: {  	_ =	shalt  }
.Lfunc_end0:
.L_simem_size_0:
called_computation.1_lowered:
.L_overlay_start_0:
0x88: {  	s2 =	sld [smem:$0x3FD9]  }
0x89: {  	s3 =	sld [smem:$0x3FFE];
	_ =	sdelay $0x1  }
0x8a: {  	s1 =	srdreg.scid  }
0x8b: {  	s0 =	sand.u32 $0x1, s1  }
0x8c: {  	s14 =	sshll.u32 s0, $0xA;
	s2 =	sadd.s32 s3, s2  }
0x8d: {  	s2 =	sadd.s32 s2, s14  }
0x8e: {  	[smem:$0x3FC5] =	sst s2  }
0x8f: {  	_ = 	snop  }
0x90: {  	s2 =	sld [smem:$0x3FD0];
	_ =	sdelay $0x2  }
0x91: {  	s15 =	simm.s32 $0xA;
	s4 =	simm.s32 $0x10  }
0x92: {  	[smem:s4], [sflag:s15] =	dma.local [hbm:s2], $0x1  }
0x93: {  	_ =	swait.eq [sflag:s15], $0x1  }
0x94: {  	[sflag:s15] =	ssyncset.done $0x0  }
0x95: {  	[sflag:s15] =	ssyncadd.s32 $0xFFFFFFFF  }
0x96: {  	s16 =	sld [smem:$0x11];
	(tm) =	ssettm $0x1  }
0x97: {  	s17 =	sld [smem:$0x3FFB];
	_ =	sdelay $0x3  }
0x98: {  	_ =	strace s17  }
0x99: {  	s3 =	sld [smem:$0x3FFC];
	_ =	sdelay $0x3  }
0x9a: {  	_ =	strace s3  }
0x9b: {  	s3 =	sld [smem:$0x3FFD];
	_ =	sdelay $0x3  }
0x9c: {  	_ =	strace s3  }
0x9d: {  	_ =	strace $0x8FFFFFFF  }
0x9e: {  	s18 =	sld [smem:$0x3FDB];
	_ =	sdelay $0x1  }
0x9f: {  	s19 =	simm.s32 $_scs_section_size  }
0xa0: {  	s5 =	simm.s32 $_size__tile_overlayer_lowered;
	s6 =	simm.s32 $_tile_overlayer_lowered  }
0xa1: {  	s22 =	simm.s32 $0x1BFF;
	s21 =	sshll.u32 s6, $0x1;
	s3 =	sadd.s32 s19, s18  }
0xa2: {  	s7 =	simm.s32 $0x0;
	s20 =	sshll.u32 s5, $0x1;
	s5 =	sadd.s32 s21, s3  }
0xa3: {  	[timem:s7], [sflag:s22] =	dma.local [hbm:s5], s20  }
0xa4: {  	_ =	swait.ge [sflag:s22], s20  }
0xa5: {  	s4 =	ssub.s32 $0x0, s20;
	[sflag:s22] =	ssyncset.done $0x0  }
0xa6: {  	[sflag:s22] =	ssyncadd.s32 s4;
	_ =	sdelay $0x1  }
0xa7: {  	s23 =	simm.s32 $0x1B8B  }
0xa8: {  	_ =	swait.ge [sflag:s23], $0x1  }
0xa9: {  	[sflag:s23] =	ssyncset.done $0x0  }
0xaa: {  	s25 =	simm.s32 $0x1B8E;
	s24 =	sld [smem:$0x3FFE];
	[sflag:s23] =	ssyncadd.s32 $0xFFFFFFFF  }
0xab: {  	s26 =	simm.s32 $execute0_lowered;
	[smem:$0x3FD2] =	sst s25  }
0xac: {  	s5 =	sshll.u32 s26, $0x1;
	_ =	strace $0x80000046;
	[dreg:$0x1] =	wrdreg $0xFFFFFFFF  }
0xad: {  	s28 =	simm.s32 $_size_execute0_lowered;
	s3 =	sadd.s32 s3, s5;
	[dreg:$0x0] =	wrdreg $0x0  }
0xae: {  	s5 =	sshll.u32 s28, $0x1;
	[dreg:$0x2] =	wrdreg s3  }
0xaf: {  	[dreg:$0x3] =	wrdreg s5  }
0xb0: {  	[dreg:$0x4] =	wrdreg $0xC0  }
0xb1: {  	_ =	task [dreg:s7], $0x5FFFF  }
0xb2: {  	[dreg:$0x1] =	wrdreg $0xFFFFFFFF  }
0xb3: {  	[dreg:$0x0] =	wrdreg $0x60  }
0xb4: {  	[dreg:$0x2] =	wrdreg s24  }
0xb5: {  	[dreg:$0x3] =	wrdreg s16  }
0xb6: {  	[dreg:$0x4] =	wrdreg $0x9  }
0xb7: {  	_ =	task.clear_ibuf [dreg:s7], $0x5FFFF;
	_ =	strace $0x90000046  }
0xb8: {  	s29 =	simm.s32 $0x9;
	_ =	strace $0x80000048  }
0xb9: {  	_ =	swait.ge [sflag:s29], $0x1  }
0xba: {  	[sflag:s29] =	ssyncadd.s32 $0xFFFFFFFF  }
0xbb: {  	_ =	strace $0x90000048  }
0xbc: {  	_ =	sfence  }
0xbd: {  	s30 =	sld [smem:$0x0];
	_ =	sdelay $0x2  }
0xbe: {  	s31 =	sshll.u32 s1, $0xD;
	s1 =	sshrl.u32 s1, $0x2  }
0xbf: {  	s3 =	sand.u32 $0x4000, s31;
	s1 =	sadd.s32 s1, s30  }
0xc0: {  	s0 =	sor.u32 s3, s0;
	s1 =	sshll.u32 s1, $0x11  }
0xc1: {  	s0 =	sor.u32 s1, s0  }
0xc2: {  	s0 =	sadd.s32 $0x8F2B, s0  }
0xc3: {  	[sflag:s0] =	ssyncadd.remote.s32 $0x1  }
0xc4: {  	_ =	sfence.sel $0xFFFF  }
0xc5: {  	[dreg:$0x0] =	wrdreg $0xFFFFFFFF;
	(pc) =	sbr.abs _section_cstart, $3  }
0xc6: {  	[dreg:$0x1] =	wrdreg $0xFFFFFFFF  }
0xc7: {  	_ =	task.clear_ibuf [dreg:s7], $0x2FFFF;
	_ =	strace $0x9FFFFFFF  }
0xc8: {  	(tm) =	ssettm $0x7FFFFFFF  }
0xc9: {  	_ =	shalt  }
tec
execute0_lowered:
.L_overlay_start_1:
0x0: {  	(tag) =	ssettag $0x1  }
0x1: {  	s0 =	rddreg [dreg:$0x0]  }
0x2: {  	s1 =	rddreg [dreg:$0x1];
	s8 =	simm.s32 $0x0  }
0x3: {  	s4 =	stileid.u32;
	s2 =	srdreg.scid;
	s28 =	simm.s32 $0xC100  }
0x4: {  	[smem:$0x7FF] =	sst s8;
	s3 =	sshrl.u32 s4, $0x2;
	s2 =	sand.u32 $0x1, s2  }
0x5: {  	s4 =	sshll.u32 s4, $0x1;
	s9 =	sadd.s32 $0x7400, s0;
	_ =	strace $0x80000047  }
0x6: {  	s5 =	sshll.u32 s3, $0xB;
	s4 =	sor.u32 s2, s4;
	s24 =	ssub.s32 $0x2, s2  }
0x7: {  	s7 =	sshll.u32 s3, $0xE;
	s25 =	sshll.u32 s3, $0x7;
	s3 =	smul.u32 $0x880000, s3  }
0x8: {  	[dreg:$0x3] =	wrdreg s9;
	s5 =	sadd.s32 s5, s0;
	s6 =	sshll.u32 s4, $0x5  }
0x9: {  	s6 =	sadd.s32 s6, s0;
	s0 =	sadd.s32 $0x127600, s0;
	[dreg:$0xa] =	wrdreg s3  }
0xa: {  	s2 =	sshrl.u32 s24, $0x1;
	s26 =	sadd.s32 $0x1400, s5;
	[dreg:$0x4] =	wrdreg s0  }
0xb: {  	s4 =	sshll.u32 s4, $0x4;
	s29 =	sadd.s32 $0x3400, s5;
	[dreg:$0x6] =	wrdreg s26  }
0xc: {  	v0 =	vlaneseq.u32;
	v2 =	vimm.s32 $0x0;
	vm0 =	vcmask $0x300;
	s4 =	sand.u32 $0x70, s4;
	s30 =	sadd.s32 $0x5400, s5;
	[dreg:$0x7] =	wrdreg s29  }
0xd: {  	vm1 =	vcmask $0x704;
	vm14 =	vcmask $0x3B38;
	v9 =	vimm.s32 $0x82;
	s0 =	ssub.s32 s24, s2;
	[dreg:$0x5] =	wrdreg s4;
	s2 =	sor.u32 s25, s4  }
0xe: {  	v1 =	vmul.u32 $0x400, v0;
	v3 =	vor.u32 $0x10, v0;
	v4 =	vor.u32 $0x20, v0;
	[dreg:$0x8] =	wrdreg s30;
	s31 =	sadd.s32 $0x1000, s6;
	s24 =	simm.s32 $0x15520  }
0xf: {  	v5 =	vor.u32 $0x30, v0;
	v6 =	vor.u32 $0x40, v0;
	v7 =	vor.u32 $0x50, v0;
	[dreg:$0x9] =	wrdreg s31;
	s2 =	sshrl.u32 s2, $0x3;
	s0 =	smax.u32 s0, $0x1  }
0x10: {  	v8 =	vor.u32 $0x60, v0;
	v11 =	vsel vm0, $0x80, v9;
	v9 =	vor.u32 $0x70, v0;
	s26 =	simm.s32 $0x19920;
	s1 =	sadd.s32 s1, s2;
	[dreg:$0xc] =	wrdreg s0  }
0x11: {  	v10 =	vor.u32 $0x80, v0;
	v11 =	vsel vm1, $0x81, v11;
	v1 =	vor.u32 s7, v1;
	s2 =	simm.s32 $0x0;
	[dreg:$0xb] =	wrdreg s1;
	s1 =	simm.s32 $0x3  }
.LBB2_1:
0x12: {  	[dreg:$0xd] =	wrdreg s2  }
0x13: {  	s0 =	rddreg [dreg:$0x6]  }
0x14: {  	[tilespmem:s8], [sflag:$0x3] =	stream.linear.gather [hbm4b:s0+s8], $0x4000, $0x38;
	[tilespmem:$0x1DD30] =	vst v63  }
0x15: {  	_ =	swait.ge [sflag:s1], $0x4000  }
0x16: {  	[sflag:s1] =	ssyncset.done $0x0  }
0x17: {  	s23 =	simm.s32 $0x4000;
	s22 =	rddreg [dreg:$0x7];
	[sflag:s1] =	ssyncadd.s32 $0xFFFFC000  }
0x18: {  	[tilespmem:s23], [sflag:$0x3] =	stream.linear.gather [hbm4b:s22+s8], $0x4000, $0x38;
	[tilespmem:$0x1DD30] =	vst v63  }
0x19: {  	_ =	swait.ge [sflag:s1], $0x4000  }
0x1a: {  	[sflag:s1] =	ssyncset.done $0x0  }
0x1b: {  	s29 =	simm.s32 $0x8000;
	s25 =	rddreg [dreg:$0x8];
	[sflag:s1] =	ssyncadd.s32 $0xFFFFC000  }
0x1c: {  	[tilespmem:s29], [sflag:$0x3] =	stream.linear.gather [hbm4b:s25+s8], $0x4000, $0x38;
	[tilespmem:$0x1DD30] =	vst v63  }
0x1d: {  	_ =	swait.ge [sflag:s1], $0x4000  }
0x1e: {  	[sflag:s1] =	ssyncset.done $0x0  }
0x1f: {  	s31 =	simm.s32 $0xC000;
	s30 =	rddreg [dreg:$0x9];
	[sflag:s1] =	ssyncadd.s32 $0xFFFFC000  }
0x20: {  	[tilespmem:s31], [sflag:$0x3] =	stream.linear.gather [hbm4b:s30+s8], $0x100, $0x38;
	[tilespmem:$0x1DD30] =	vst v63  }
0x21: {  	_ =	swait.ge [sflag:s1], $0x100  }
0x22: {  	[sflag:s1] =	ssyncset.done $0x0  }
0x23: {  	s7 =	simm.s32 $0x0;
	[sflag:s1] =	ssyncadd.s32 $0xFFFFFF00  }
.LBB2_2:
0x24: {  	s0 =	sshll.u32 s7, $0x4  }
0x25: {  	s0 =	sand.u32 $0x3FFFFFF0, s0  }
0x26: {  	v22 =	vld [tilespmem:s0+$0xC000];
	_ =	sdelay $0x4  }
0x27: {  	s1 =	simm.s32 $0x20;
	(v2sf) =	vpush v22, $0x3  }
0x28: {  	s3 =	simm.s32 $0x8020;
	v21 =	vld [tilespmem:s1+$0xFFFFFFE0];
	(v2sf) =	vpush v22, $0x4  }
0x29: {  	v23 =	vld [tilespmem:s3+$0x10];
	(v2sf) =	vpush v22, $0x7  }
0x2a: {  	s5 =	simm.s32 $0x4020;
	v24 =	vld [tilespmem:s1+$0x10]  }
0x2b: {  	v25 =	vld [tilespmem:s5+$0x10]  }
0x2c: {  	v26 =	vld [tilespmem:s3+$0x0]  }
0x2d: {  	v27 =	vld [tilespmem:s3+$0xFFFFFFF0]  }
0x2e: {  	v33 =	vld [tilespmem:s1+$0x0]  }
0x2f: {  	v34 =	vld [tilespmem:s1+$0xFFFFFFF0]  }
0x30: {  	v36 =	vld [tilespmem:s5+$0xFFFFFFF0];
	v12 =	vbroadcast v22, $0x2;
	v15 =	vbroadcast v22, $0x0  }
0x31: {  	v37 =	vld [tilespmem:s3+$0xFFFFFFE0];
	v14 =	vbroadcast v22, $0x5;
	v17 =	vbroadcast v22, $0x1  }
0x32: {  	v18 =	vbroadcast v22, $0x6;
	v28 =	vsub.f32 v21, v15;
	v30 =	vsub.f32 v23, v12  }
0x33: {  	v19 =	vbroadcast v22, $0x7;
	v24 =	vsub.f32 v24, v15;
	v25 =	vsub.f32 v25, v17  }
0x34: {  	v20 =	vbroadcast v22, $0x3;
	v26 =	vsub.f32 v26, v12;
	v27 =	vsub.f32 v27, v12  }
0x35: {  	v31 =	vld [tilespmem:s5+$0x0];
	v22 =	vbroadcast v22, $0x4;
	v57 =	vsub.f32 v33, v15;
	v58 =	vsub.f32 v34, v15  }
0x36: {  	v23 =	vimm.s32 $0x0;
	v60 =	vsub.f32 v36, v17;
	v37 =	vsub.f32 v37, v12;
	s30 =	spop (v2sf)  }
0x37: {  	v32 =	vmul.f32 v28, v18;
	v30 =	vand.u32 $0x7FFFFFFF, v30;
	v35 =	vmul.f32 v24, v18;
	s2 =	spop (v2sf)  }
0x38: {  	v24 =	vmul.f32 v24, v19;
	v26 =	vand.u32 $0x7FFFFFFF, v26;
	v28 =	vmul.f32 v28, v19;
	s4 =	spop (v2sf)  }
0x39: {  	v27 =	vand.u32 $0x7FFFFFFF, v27;
	v61 =	vmul.f32 v57, v18;
	v39 =	vmul.f32 v58, v18;
	s4 =	ssub.f32 $0.0e+00, s4  }
0x3a: {  	v29 =	vld [tilespmem:s5+$0xFFFFFFE0];
	v37 =	vand.u32 $0x7FFFFFFF, v37;
	vm15 =	vle.f32 v26, v14;
	v26 =	vsub.f32 v31, v17;
	s0 =	ssub.f32 $0.0e+00, s30  }
0x3b: {  	vm7 =	vle.f32 v27, v14;
	v27 =	vmul.f32 v57, v19;
	s31 =	ssub.f32 $0.0e+00, s2;
	v13 =	vmov s4  }
0x3c: {  	vm1 =	vle.f32 v37, v14;
	v38 =	vmul.f32 v25, v13;
	v25 =	vmul.f32 v25, v18  }
0x3d: {  	vm12 =	vle.f32 v30, v14;
	v16 =	vmov s0;
	v21 =	vmov s31  }
0x3e: {  	v59 =	vmul.f32 v26, v13;
	v40 =	vmul.f32 v60, v13;
	v25 =	vadd.f32 v25, v24  }
0x3f: {  	v26 =	vmul.f32 v26, v18;
	v24 =	vsub.f32 v29, v17;
	v35 =	vadd.f32 v38, v35  }
0x40: {  	v29 =	vmul.f32 v58, v19;
	v33 =	vadd.f32 v59, v61;
	v63 =	vadd.f32 v40, v39  }
0x41: {  	vm0 =	vgt.f32 v25, v21;
	v62 =	vmul.f32 v24, v13;
	v24 =	vmul.f32 v24, v18  }
0x42: {  	vm10 =	vgt.f32 v63, v16;
	vm2 =	vlt.f32 v35, v20;
	vm4 =	vlt.f32 v33, v20  }
0x43: {  	vm13 =	vgt.f32 v35, v16;
	vm11 =	vlt.f32 v63, v20;
	v32 =	vadd.f32 v62, v32  }
0x44: {  	vm10 =	vmand vm7, vm10;
	vm7 =	vmand vm12, vm13;
	v28 =	vadd.f32 v24, v28  }
0x45: {  	v24 =	vadd.f32 v26, v27;
	v26 =	vmul.f32 v60, v18;
	vm3 =	vgt.f32 v32, v16  }
0x46: {  	vm8 =	vlt.f32 v32, v20;
	vm6 =	vgt.f32 v28, v21;
	vm5 =	vlt.f32 v28, v22  }
0x47: {  	s1 =	simm.s32 $0x60;
	vm9 =	vmand vm1, vm3;
	vm3 =	vlt.f32 v25, v22;
	v25 =	vadd.f32 v26, v29  }
0x48: {  	s3 =	simm.s32 $0x8060;
	s2 =	simm.s32 $0x4060;
	s0 =	simm.s32 $0x0;
	vm1 =	vgt.f32 v24, v21;
	vm8 =	vmand vm8, vm9;
	vm9 =	vgt.f32 v33, v16  }
.LBB2_3:
0x49: {  	v26 =	vld [tilespmem:s1+$0xFFFFFFE0];
	s0 =	sadd.s32 $0x4, s0;
	vm10 =	vmand vm11, vm10;
	vm11 =	vlt.f32 v25, v22;
	vm9 =	vmand vm15, vm9  }
0x4a: {  	vm6 =	vmand vm6, vm8;
	vm8 =	vgt.f32 v25, v21;
	v27 =	vld [tilespmem:s3+$0x10];
	p0 =	slt.u32 s0, $0x3FC;
	vm4 =	vmand vm4, vm9  }
0x4b: {  	vm2 =	vmand vm2, vm7;
	vm5 =	vmand vm5, vm6;
	vm6 =	vmand vm8, vm10;
	v25 =	vld [tilespmem:s1+$0x10]  }
0x4c: {  	vm0 =	vmand vm0, vm2;
	v29 =	vsel vm5, $0x1, v2;
	vm5 =	vmand vm11, vm6;
	v28 =	vld [tilespmem:s2+$0x10]  }
0x4d: {  	vm0 =	vmand vm3, vm0;
	v23 =	vadd.s32 v29, v23;
	v29 =	vsel vm5, $0x1, v2;
	v30 =	vld [tilespmem:s3+$0x0]  }
0x4e: {  	vm2 =	vlt.f32 v24, v22;
	v24 =	vsel vm0, $0x1, v2;
	v26 =	vsub.f32 v26, v15;
	v31 =	vld [tilespmem:s3+$0xFFFFFFF0]  }
0x4f: {  	vm0 =	vmand vm1, vm4;
	v23 =	vadd.s32 v29, v23;
	v32 =	vld [tilespmem:s2+$0xFFFFFFE0];
	v27 =	vsub.f32 v27, v12  }
0x50: {  	vm0 =	vmand vm2, vm0;
	v29 =	vmul.f32 v26, v18;
	v33 =	vld [tilespmem:s2+$0x0];
	v25 =	vsub.f32 v25, v15  }
0x51: {  	v35 =	vsel vm0, $0x1, v2;
	v34 =	vld [tilespmem:s1+$0x0];
	v27 =	vand.u32 $0x7FFFFFFF, v27;
	v28 =	vsub.f32 v28, v17  }
0x52: {  	v23 =	vadd.s32 v35, v23;
	v36 =	vld [tilespmem:s1+$0xFFFFFFF0];
	v30 =	vsub.f32 v30, v12;
	v37 =	vmul.f32 v25, v18  }
0x53: {  	v23 =	vadd.s32 v24, v23;
	v25 =	vmul.f32 v25, v19;
	v35 =	vld [tilespmem:s2+$0xFFFFFFF0];
	v31 =	vsub.f32 v31, v12  }
0x54: {  	v38 =	vmul.f32 v28, v13;
	v28 =	vmul.f32 v28, v18;
	v24 =	vld [tilespmem:s3+$0xFFFFFFE0];
	v30 =	vand.u32 $0x7FFFFFFF, v30  }
0x55: {  	v26 =	vmul.f32 v26, v19;
	vm15 =	vle.f32 v30, v14;
	v30 =	vsub.f32 v33, v17  }
0x56: {  	v31 =	vand.u32 $0x7FFFFFFF, v31;
	v25 =	vadd.f32 v28, v25;
	v33 =	vsub.f32 v34, v15  }
0x57: {  	v28 =	vsub.f32 v32, v17;
	v32 =	vsub.f32 v36, v15;
	v34 =	vmul.f32 v30, v13  }
0x58: {  	v30 =	vmul.f32 v30, v18;
	v35 =	vsub.f32 v35, v17;
	v36 =	vmul.f32 v33, v18  }
0x59: {  	vm0 =	vgt.f32 v25, v21;
	v24 =	vsub.f32 v24, v12;
	v39 =	vmul.f32 v32, v18  }
0x5a: {  	v37 =	vadd.f32 v38, v37;
	v32 =	vmul.f32 v32, v19;
	v40 =	vmul.f32 v35, v13  }
0x5b: {  	v38 =	vmul.f32 v28, v13;
	v34 =	vadd.f32 v34, v36;
	v24 =	vand.u32 $0x7FFFFFFF, v24  }
0x5c: {  	vm1 =	vle.f32 v24, v14;
	v24 =	vmul.f32 v28, v18;
	v28 =	vadd.f32 v40, v39  }
0x5d: {  	vm7 =	vle.f32 v31, v14;
	v31 =	vmul.f32 v33, v19;
	v29 =	vadd.f32 v38, v29  }
0x5e: {  	vm2 =	vlt.f32 v37, v20;
	v26 =	vadd.f32 v24, v26;
	vm10 =	vgt.f32 v28, v16  }
0x5f: {  	vm3 =	vgt.f32 v29, v16;
	vm8 =	vlt.f32 v29, v20;
	v24 =	vadd.f32 v30, v31  }
.Ltmp0:
0x60: {  	v29 =	vmul.f32 v35, v18;
	vm4 =	vlt.f32 v34, v20;
	vm9 =	vmand vm1, vm3;
	(pc) =	sbr.rel @p0 .LBB2_3-.Ltmp0, $4  }
0x61: {  	vm6 =	vgt.f32 v26, v21;
	vm5 =	vlt.f32 v26, v22;
	vm1 =	vgt.f32 v24, v21  }
0x62: {  	vm12 =	vle.f32 v27, v14;
	vm13 =	vgt.f32 v37, v16;
	vm3 =	vlt.f32 v25, v22  }
0x63: {  	v25 =	vadd.f32 v29, v32;
	vm8 =	vmand vm8, vm9;
	vm9 =	vgt.f32 v34, v16  }
0x64: {  	s1 =	sadd.s32 $0x40, s1;
	s2 =	sadd.s32 $0x40, s2;
	s3 =	sadd.s32 $0x40, s3;
	vm11 =	vlt.f32 v28, v20;
	vm10 =	vmand vm7, vm10;
	vm7 =	vmand vm12, vm13  }
0x65: {  	vm10 =	vmand vm11, vm10;
	vm11 =	vlt.f32 v25, v22  }
0x66: {  	vm9 =	vmand vm15, vm9;
	vm6 =	vmand vm6, vm8;
	vm8 =	vgt.f32 v25, v21  }
0x67: {  	vm2 =	vmand vm2, vm7;
	vm4 =	vmand vm4, vm9;
	vm5 =	vmand vm5, vm6  }
0x68: {  	vm9 =	vmand vm8, vm10;
	vm0 =	vmand vm0, vm2;
	v25 =	vsel vm5, $0x1, v2  }
0x69: {  	vm10 =	vmand vm11, vm9;
	vm11 =	vlt.f32 v24, v22;
	vm1 =	vmand vm1, vm4  }
0x6a: {  	v23 =	vadd.s32 v25, v23;
	v24 =	vsel vm10, $0x1, v2;
	vm1 =	vmand vm11, vm1  }
0x6b: {  	vm0 =	vmand vm3, vm0;
	v23 =	vadd.s32 v24, v23;
	v24 =	vsel vm1, $0x1, v2  }
0x6c: {  	v25 =	vsel vm0, $0x1, v2;
	v23 =	vadd.s32 v24, v23  }
0x6d: {  	v24 =	vadd.s32 v25, v23  }
0x6e: {  	(xrf0) =	vadd.scan.msk.s32 $0xffff, v24;
	_ =	sdelay $0x5  }
0x6f: {  	[dreg:$0xe] =	wrdreg s7;
	s0 =	simm.s32 $0x0;
	v23, _, _ =	vpop (xrf0)  }
0x70: {  	s1 =	simm.s32 $0x4020;
	s2 =	simm.s32 $0x8020;
	s3 =	simm.s32 $0x20;
	v24 =	vsub.s32 v23, v24  }
.LBB2_5:
0x71: {  	v25 =	vld [tilespmem:s3+$0xFFFFFFE0]  }
0x72: {  	v26 =	vld [tilespmem:s1+$0xFFFFFFE0];
	_ =	sdelay $0x2  }
0x73: {  	v27 =	vld [tilespmem:s2+$0xFFFFFFE0];
	_ =	sdelay $0x1  }
0x74: {  	v25 =	vsub.f32 v25, v15;
	v26 =	vsub.f32 v26, v17;
	_ =	sdelay $0x1  }
0x75: {  	v28 =	vmul.f32 v25, v18;
	v29 =	vmul.f32 v26, v13  }
0x76: {  	v27 =	vsub.f32 v27, v12  }
0x77: {  	v25 =	vmul.f32 v25, v19;
	v26 =	vmul.f32 v26, v18;
	v28 =	vadd.f32 v29, v28  }
0x78: {  	v27 =	vand.u32 $0x7FFFFFFF, v27  }
0x79: {  	vm0 =	vle.f32 v27, v14;
	v25 =	vadd.f32 v26, v25;
	vm1 =	vgt.f32 v28, v16  }
0x7a: {  	vm4 =	vlt.f32 v28, v20;
	vm0 =	vmand vm0, vm1  }
0x7b: {  	vm5 =	vgt.f32 v25, v21;
	vm0 =	vmand vm4, vm0  }
0x7c: {  	vm6 =	vlt.f32 v25, v22;
	vm0 =	vmand vm5, vm0  }
0x7d: {  	vm7 =	vlt.s32 v24, $0x200;
	vm0 =	vmand vm6, vm0  }
0x7e: {  	vm1 =	vmand vm7, vm0;
	_ =	sdelay $0x4  }
0x7f: {  	v25 =	vor.u32 s0, v1  }
0x80: {  	[tilespmem:v24+s28+$0x0] =	vst.idx.msk vm1, v25  }
0x81: {  	v25 =	vld [tilespmem:s3+$0xFFFFFFF0]  }
0x82: {  	v26 =	vld [tilespmem:s1+$0xFFFFFFF0];
	_ =	sdelay $0x2  }
0x83: {  	v27 =	vld [tilespmem:s2+$0xFFFFFFF0];
	_ =	sdelay $0x1  }
0x84: {  	v25 =	vsub.f32 v25, v15;
	v26 =	vsub.f32 v26, v17;
	_ =	sdelay $0x1  }
0x85: {  	v58 =	vmul.f32 v25, v18;
	v59 =	vmul.f32 v26, v13  }
0x86: {  	v27 =	vsub.f32 v27, v12  }
0x87: {  	v25 =	vmul.f32 v25, v19;
	v26 =	vmul.f32 v26, v18;
	v28 =	vadd.f32 v59, v58  }
0x88: {  	v27 =	vand.u32 $0x7FFFFFFF, v27  }
0x89: {  	vm8 =	vle.f32 v27, v14;
	v25 =	vadd.f32 v26, v25;
	vm2 =	vgt.f32 v28, v16  }
0x8a: {  	vm9 =	vlt.f32 v28, v20;
	vm1 =	vmand vm8, vm2  }
0x8b: {  	v26 =	vsel vm0, $0x1, v2;
	vm11 =	vgt.f32 v25, v21;
	vm10 =	vmand vm9, vm1  }
0x8c: {  	v24 =	vadd.s32 v26, v24;
	vm4 =	vlt.f32 v25, v22;
	vm0 =	vmand vm11, vm10  }
0x8d: {  	vm5 =	vlt.s32 v24, $0x200;
	vm0 =	vmand vm4, vm0  }
0x8e: {  	vm1 =	vmand vm5, vm0;
	_ =	sdelay $0x3  }
0x8f: {  	s4 =	sadd.s32 $0x1, s0  }
0x90: {  	v25 =	vor.u32 s4, v1  }
0x91: {  	[tilespmem:v24+s28+$0x0] =	vst.idx.msk vm1, v25  }
0x92: {  	v25 =	vld [tilespmem:s3+$0x0]  }
0x93: {  	v26 =	vld [tilespmem:s1+$0x0];
	_ =	sdelay $0x2  }
0x94: {  	v27 =	vld [tilespmem:s2+$0x0];
	_ =	sdelay $0x1  }
0x95: {  	v25 =	vsub.f32 v25, v15;
	v26 =	vsub.f32 v26, v17;
	_ =	sdelay $0x1  }
0x96: {  	v60 =	vmul.f32 v25, v18;
	v61 =	vmul.f32 v26, v13  }
0x97: {  	v27 =	vsub.f32 v27, v12  }
0x98: {  	v25 =	vmul.f32 v25, v19;
	v26 =	vmul.f32 v26, v18;
	v28 =	vadd.f32 v61, v60  }
0x99: {  	v27 =	vand.u32 $0x7FFFFFFF, v27  }
0x9a: {  	vm6 =	vle.f32 v27, v14;
	v25 =	vadd.f32 v26, v25;
	vm7 =	vgt.f32 v28, v16  }
0x9b: {  	vm8 =	vlt.f32 v28, v20;
	vm1 =	vmand vm6, vm7  }
0x9c: {  	v26 =	vsel vm0, $0x1, v2;
	vm10 =	vgt.f32 v25, v21;
	vm9 =	vmand vm8, vm1  }
0x9d: {  	v24 =	vadd.s32 v26, v24;
	vm11 =	vlt.f32 v25, v22;
	vm0 =	vmand vm10, vm9  }
0x9e: {  	vm4 =	vlt.s32 v24, $0x200;
	vm0 =	vmand vm11, vm0  }
0x9f: {  	vm1 =	vmand vm4, vm0;
	_ =	sdelay $0x3  }
0xa0: {  	s30 =	sadd.s32 $0x2, s0  }
0xa1: {  	v25 =	vor.u32 s30, v1  }
0xa2: {  	[tilespmem:v24+s28+$0x0] =	vst.idx.msk vm1, v25  }
0xa3: {  	v25 =	vld [tilespmem:s3+$0x10]  }
0xa4: {  	v26 =	vld [tilespmem:s1+$0x10];
	_ =	sdelay $0x2  }
0xa5: {  	v27 =	vld [tilespmem:s2+$0x10];
	_ =	sdelay $0x1  }
0xa6: {  	v25 =	vsub.f32 v25, v15;
	v26 =	vsub.f32 v26, v17;
	_ =	sdelay $0x1  }
0xa7: {  	v62 =	vmul.f32 v25, v18;
	v63 =	vmul.f32 v26, v13  }
0xa8: {  	v27 =	vsub.f32 v27, v12  }
0xa9: {  	v25 =	vmul.f32 v25, v19;
	v26 =	vmul.f32 v26, v18;
	v28 =	vadd.f32 v63, v62  }
0xaa: {  	v27 =	vand.u32 $0x7FFFFFFF, v27  }
0xab: {  	vm5 =	vle.f32 v27, v14;
	v25 =	vadd.f32 v26, v25;
	vm6 =	vgt.f32 v28, v16  }
0xac: {  	vm7 =	vlt.f32 v28, v20;
	vm1 =	vmand vm5, vm6  }
0xad: {  	v26 =	vsel vm0, $0x1, v2;
	vm9 =	vgt.f32 v25, v21;
	vm8 =	vmand vm7, vm1  }
0xae: {  	v24 =	vadd.s32 v26, v24;
	vm10 =	vlt.f32 v25, v22;
	vm0 =	vmand vm9, vm8  }
0xaf: {  	vm11 =	vlt.s32 v24, $0x200;
	vm0 =	vmand vm10, vm0  }
0xb0: {  	vm1 =	vmand vm11, vm0  }
0xb1: {  	p0 =	slt.u32 s0, $0x3FC  }
.Ltmp1:
0xb2: {  	_ = 	snop;
	(pc) =	sbr.rel @p0 .LBB2_5-.Ltmp1, $4  }
0xb3: {  	_ = 	snop  }
0xb4: {  	s31 =	sadd.s32 $0x3, s0  }
0xb5: {  	s0 =	sadd.s32 $0x4, s0;
	v25 =	vor.u32 s31, v1;
	v26 =	vsel vm0, $0x1, v2  }
0xb6: {  	s1 =	sadd.s32 $0x40, s1;
	s2 =	sadd.s32 $0x40, s2;
	s3 =	sadd.s32 $0x40, s3;
	[tilespmem:v24+s28+$0x0] =	vst.idx.msk vm1, v25;
	v24 =	vadd.s32 v26, v24  }
0xb7: {  	(v2sf) =	vpush v23, $0xF;
	_ =	sdelay $0xe  }
0xb8: {  	s0 =	spop (v2sf)  }
0xb9: {  	p1 =	sgt.s32 s0, $0x1  }
0xba: {  	p0 =	seq.s32 s0, $0x0;
	s0 =	simm.s32 @!p1 $0x1  }
0xbb: {  	(v2sf) =	vpush v0, $0x0;
	v12 =	vmov s0  }
0xbc: {  	(v2sf) =	vpush v12, $0x0  }
0xbd: {  	(v2sf) =	vpush v0, $0xF  }
0xbe: {  	(v2sf) =	vpush v12, $0xF;
	_ =	sdelay $0xa  }
0xbf: {  	(v2sf) =	vpush v0, $0x1  }
0xc0: {  	s31 =	spop (v2sf);
	(v2sf) =	vpush v12, $0x1  }
0xc1: {  	s18 =	spop (v2sf);
	(v2sf) =	vpush v0, $0x2  }
0xc2: {  	s1 =	spop (v2sf);
	(v2sf) =	vpush v12, $0x2  }
0xc3: {  	(drf) =	srem.u32 s31, s18;
	s19 =	spop (v2sf);
	(v2sf) =	vpush v0, $0x3  }
0xc4: {  	(drf) =	srem.u32 s1, s19;
	(v2sf) =	vpush v12, $0x3  }
0xc5: {  	(v2sf) =	vpush v0, $0x4  }
0xc6: {  	(v2sf) =	vpush v12, $0x4  }
0xc7: {  	(v2sf) =	vpush v0, $0x5  }
0xc8: {  	(v2sf) =	vpush v12, $0x5  }
0xc9: {  	(v2sf) =	vpush v0, $0x6  }
0xca: {  	(v2sf) =	vpush v12, $0x6  }
0xcb: {  	(v2sf) =	vpush v0, $0x7  }
0xcc: {  	s0 =	spop (drf);
	(v2sf) =	vpush v12, $0x7  }
0xcd: {  	s2 =	spop (drf);
	(v2sf) =	vpush v0, $0x8  }
0xce: {  	[smem:$0x63B] =	sst s2;
	s2 =	spop (v2sf);
	(v2sf) =	vpush v12, $0x8  }
0xcf: {  	[smem:$0x63C] =	sst s0;
	s0 =	spop (v2sf);
	(v2sf) =	vpush v0, $0x9  }
0xd0: {  	s3 =	spop (v2sf);
	(v2sf) =	vpush v12, $0x9  }
0xd1: {  	s20 =	spop (v2sf)  }
0xd2: {  	(v2sf) =	vpush v0, $0xA;
	s4 =	spop (v2sf)  }
0xd3: {  	s1 =	spop (v2sf)  }
0xd4: {  	(v2sf) =	vpush v12, $0xA;
	s5 =	spop (v2sf)  }
0xd5: {  	s11 =	spop (v2sf)  }
0xd6: {  	s6 =	spop (v2sf)  }
0xd7: {  	s25 =	spop (v2sf)  }
0xd8: {  	s7 =	spop (v2sf)  }
0xd9: {  	(drf) =	srem.u32 s2, s0;
	s21 =	spop (v2sf)  }
0xda: {  	(drf) =	srem.u32 s3, s20;
	s3 =	spop (v2sf)  }
0xdb: {  	(drf) =	srem.u32 s4, s1;
	s22 =	spop (v2sf)  }
0xdc: {  	(drf) =	srem.u32 s5, s11;
	s5 =	spop (v2sf)  }
0xdd: {  	(drf) =	srem.u32 s6, s25;
	s29 =	spop (v2sf);
	(v2sf) =	vpush v0, $0xB  }
0xde: {  	(drf) =	srem.u32 s7, s21;
	s8 =	spop (v2sf);
	(v2sf) =	vpush v12, $0xB  }
0xdf: {  	(drf) =	srem.u32 s3, s22;
	s9 =	spop (v2sf);
	(v2sf) =	vpush v0, $0xC  }
0xe0: {  	(drf) =	srem.u32 s5, s29;
	(v2sf) =	vpush v12, $0xC  }
0xe1: {  	[smem:$0x6F0] =	sst s9;
	s10 =	spop (v2sf);
	(v2sf) =	vpush v0, $0xD  }
0xe2: {  	(drf) =	srem.u32 s8, s9;
	s9 =	spop (drf);
	(v2sf) =	vpush v12, $0xD  }
0xe3: {  	s12 =	spop (v2sf);
	(v2sf) =	vpush v0, $0xE  }
0xe4: {  	s2 =	spop (drf);
	(v2sf) =	vpush v12, $0xE  }
0xe5: {  	(drf) =	srem.u32 s10, s12;
	s10 =	spop (drf);
	(v2sf) =	vpush v3, $0x0  }
0xe6: {  	s8 =	spop (drf);
	(v2sf) =	vpush v3, $0xF  }
0xe7: {  	s7 =	spop (drf);
	(v2sf) =	vpush v3, $0x1  }
0xe8: {  	s6 =	spop (drf);
	(v2sf) =	vpush v3, $0x2  }
0xe9: {  	s5 =	spop (drf)  }
0xea: {  	[smem:$0x750] =	sst s18;
	s4 =	spop (drf)  }
0xeb: {  	[smem:$0x695] =	sst s19;
	(v2sf) =	vpush v3, $0x3;
	s3 =	spop (drf)  }
0xec: {  	[smem:$0x63D] =	sst s12;
	s12 =	spop (v2sf)  }
0xed: {  	[smem:$0x74C] =	sst s0;
	(v2sf) =	vpush v3, $0x4;
	s28 =	spop (v2sf)  }
0xee: {  	[smem:$0x74D] =	sst s20;
	s13 =	spop (v2sf)  }
0xef: {  	[smem:$0x6F3] =	sst s1;
	s30 =	spop (v2sf)  }
0xf0: {  	[smem:$0x63E] =	sst s11;
	s14 =	spop (v2sf)  }
0xf1: {  	(drf) =	srem.u32 s12, s28;
	s17 =	spop (v2sf)  }
0xf2: {  	(drf) =	srem.u32 s13, s30;
	s13 =	spop (v2sf)  }
0xf3: {  	(drf) =	srem.u32 s14, s17;
	s31 =	spop (v2sf)  }
0xf4: {  	(v2sf) =	vpush v3, $0x5;
	(drf) =	srem.u32 s13, s31;
	s15 =	spop (v2sf)  }
0xf5: {  	(drf) =	srem.u32 s15, s18;
	s16 =	spop (v2sf)  }
0xf6: {  	(v2sf) =	vpush v3, $0x6;
	(drf) =	srem.u32 s16, s19;
	s18 =	spop (v2sf)  }
0xf7: {  	(drf) =	srem.u32 s18, s0;
	s19 =	spop (v2sf)  }
0xf8: {  	s23 =	spop (drf);
	(v2sf) =	vpush v3, $0x7;
	(drf) =	srem.u32 s19, s20  }
0xf9: {  	(v2sf) =	vpush v3, $0x8  }
0xfa: {  	s20 =	spop (v2sf)  }
0xfb: {  	(v2sf) =	vpush v3, $0x9;
	s12 =	spop (drf)  }
0xfc: {  	(drf) =	srem.u32 s20, s1;
	s0 =	spop (v2sf);
	(v2sf) =	vpush v3, $0xA  }
0xfd: {  	s13 =	spop (drf);
	s1 =	sld [smem:$0x63B];
	(v2sf) =	vpush v3, $0xB  }
0xfe: {  	(drf) =	srem.u32 s0, s11;
	s14 =	spop (drf);
	(v2sf) =	vpush v3, $0xC  }
0xff: {  	s11 =	sld [smem:$0x63C];
	s15 =	spop (drf);
	(v2sf) =	vpush v3, $0xD  }
0x100: {  	s16 =	spop (drf);
	(v2sf) =	vpush v3, $0xE  }
0x101: {  	vm1 =	vcmask $0x300;
	v12 =	vmov s1;
	s18 =	spop (drf)  }
0x102: {  	vm2 =	vcmask $0x704;
	v12 =	vsel vm1, s11, v12;
	s19 =	spop (drf)  }
0x103: {  	v12 =	vsel vm2, s9, v12;
	s9 =	spop (v2sf);
	(v2sf) =	vpush v4, $0x0  }
0x104: {  	vm3 =	vcmask $0xB08;
	s20 =	spop (drf)  }
0x105: {  	v12 =	vsel vm3, s2, v12;
	s2 =	spop (v2sf)  }
0x106: {  	v13 =	vmov s18;
	s18 =	sld [smem:$0x6F0];
	s1 =	spop (drf)  }
0x107: {  	vm4 =	vcmask $0xF0C;
	s0 =	spop (drf);
	(drf) =	srem.u32 s9, s25  }
0x108: {  	v12 =	vsel vm4, s10, v12;
	s10 =	spop (v2sf);
	(drf) =	srem.u32 s2, s21  }
0x109: {  	s11 =	smov.u32 s25;
	(drf) =	srem.u32 s10, s22;
	s25 =	spop (v2sf)  }
0x10a: {  	vm5 =	vcmask $0x1310;
	s10 =	sld [smem:$0x63D];
	s2 =	spop (v2sf)  }
0x10b: {  	v12 =	vsel vm5, s8, v12;
	(drf) =	srem.u32 s25, s29;
	s8 =	spop (v2sf)  }
0x10c: {  	vm6 =	vcmask $0x1714;
	vm7 =	vcmask $0x1B18;
	v13 =	vsel vm1, s16, v13;
	(drf) =	srem.u32 s2, s18;
	s16 =	spop (v2sf)  }
0x10d: {  	(v2sf) =	vpush v4, $0xF;
	v13 =	vsel vm2, s19, v13;
	v12 =	vsel vm6, s7, v12;
	s7 =	smov.u32 s28;
	(drf) =	srem.u32 s8, s10;
	s19 =	spop (v2sf)  }
0x10e: {  	vm8 =	vcmask $0x1F1C;
	v12 =	vsel vm7, s6, v12;
	(drf) =	srem.u32 s16, s7;
	s25 =	spop (v2sf)  }
0x10f: {  	vm9 =	vcmask $0x2320;
	(v2sf) =	vpush v4, $0x1;
	s9 =	smov.u32 s29;
	v12 =	vsel vm8, s5, v12;
	(drf) =	srem.u32 s19, s30;
	s29 =	spop (v2sf)  }
0x110: {  	vm10 =	vcmask $0x2724;
	v12 =	vsel vm9, s4, v12;
	s2 =	spop (drf)  }
0x111: {  	v13 =	vsel vm3, s20, v13;
	v12 =	vsel vm10, s3, v12;
	s3 =	spop (drf)  }
0x112: {  	vm11 =	vcmask $0x2B28;
	vm12 =	vcmask $0x2F2C;
	v13 =	vsel vm4, s1, v13;
	s19 =	spop (v2sf)  }
0x113: {  	vm13 =	vcmask $0x3330;
	(v2sf) =	vpush v4, $0x2;
	v13 =	vsel vm5, s0, v13;
	s4 =	spop (drf)  }
0x114: {  	(v2sf) =	vpush v4, $0x3;
	v12 =	vsel vm11, s23, v12;
	(drf) =	srem.u32 s25, s17;
	v13 =	vsel vm6, s2, v13;
	s6 =	spop (drf)  }
0x115: {  	(v2sf) =	vpush v4, $0x4;
	v12 =	vsel vm12, s12, v12;
	v13 =	vsel vm7, s3, v13;
	s3 =	sld [smem:$0x750];
	s12 =	spop (drf)  }
0x116: {  	vm15 =	vcmask $0x3734;
	(v2sf) =	vpush v4, $0x5;
	v12 =	vsel vm13, s13, v12;
	(drf) =	srem.u32 s29, s31;
	s13 =	spop (drf)  }
0x117: {  	v12 =	vsel vm15, s14, v12;
	s14 =	spop (drf)  }
0x118: {  	(v2sf) =	vpush v4, $0x6;
	v12 =	vsel vm14, s15, v12;
	s15 =	spop (drf);
	(drf) =	srem.u32 s19, s3  }
0x119: {  	(v2sf) =	vpush v4, $0x7  }
0x11a: {  	(v2sf) =	vpush v4, $0x8;
	v13 =	vsel vm8, s4, v13;
	s4 =	sld [smem:$0x695]  }
0x11b: {  	(v2sf) =	vpush v4, $0x9;
	v13 =	vsel vm9, s6, v13  }
0x11c: {  	(v2sf) =	vpush v4, $0xA;
	s29 =	sld [smem:$0x74C];
	s20 =	spop (v2sf);
	v13 =	vsel vm10, s12, v13  }
0x11d: {  	v14 =	vld [tilespmem:$0x1DD20];
	v13 =	vsel vm11, s13, v13;
	s16 =	spop (drf);
	(drf) =	srem.u32 s20, s4  }
0x11e: {  	s25 =	spop (v2sf);
	v13 =	vsel vm12, s14, v13  }
0x11f: {  	s5 =	smov.u32 s17;
	s8 =	rddreg [dreg:$0xe];
	(v2sf) =	vpush v4, $0xB;
	v13 =	vsel vm13, s15, v13;
	s17 =	spop (drf)  }
0x120: {  	s1 =	simm.s32 $0x1;
	v15 =	vmov s8;
	v13 =	vsel vm15, s16, v13;
	(drf) =	srem.u32 s25, s29;
	s25 =	sld [smem:$0x6F3]  }
0x121: {  	s1 =	simm.s32 @!p0 $0x0;
	vm0 =	veq.s32 v15, v0;
	(v2sf) =	vpush v4, $0xC;
	v13 =	vsel vm14, s17, v13;
	s17 =	sld [smem:$0x74D];
	s23 =	spop (drf)  }
0x122: {  	v14 =	vsel vm0, s1, v14;
	s1 =	spop (v2sf);
	(v2sf) =	vpush v4, $0xD;
	[smem:$0x63F] =	sst s23  }
0x123: {  	s2 =	spop (v2sf);
	s23 =	sld [smem:$0x63E]  }
0x124: {  	s6 =	spop (v2sf);
	(drf) =	srem.u32 s1, s17  }
0x125: {  	(v2sf) =	vpush v4, $0xE;
	s8 =	spop (v2sf);
	(drf) =	srem.u32 s2, s25  }
0x126: {  	s13 =	spop (drf);
	(drf) =	srem.u32 s6, s23  }
0x127: {  	(v2sf) =	vpush v5, $0x0;
	s2 =	smov.u32 s11;
	(drf) =	srem.u32 s8, s11;
	s11 =	spop (v2sf)  }
0x128: {  	s12 =	spop (v2sf)  }
0x129: {  	(drf) =	srem.u32 s11, s21;
	s14 =	spop (v2sf)  }
0x12a: {  	(drf) =	srem.u32 s12, s22;
	s15 =	spop (v2sf)  }
0x12b: {  	(drf) =	srem.u32 s14, s9;
	s16 =	spop (v2sf)  }
0x12c: {  	s6 =	smov.u32 s18;
	(v2sf) =	vpush v5, $0xF;
	(drf) =	srem.u32 s15, s18;
	s18 =	spop (drf)  }
0x12d: {  	(v2sf) =	vpush v5, $0x1;
	s19 =	spop (drf)  }
0x12e: {  	(v2sf) =	vpush v5, $0x2;
	[smem:$0x640] =	sst s18;
	s12 =	spop (v2sf)  }
0x12f: {  	(drf) =	srem.u32 s16, s10;
	s20 =	spop (drf)  }
0x130: {  	(v2sf) =	vpush v5, $0x3;
	(drf) =	srem.u32 s12, s7;
	s18 =	spop (v2sf)  }
0x131: {  	(v2sf) =	vpush v5, $0x4;
	s12 =	smov.u32 s30;
	(drf) =	srem.u32 s18, s30;
	s30 =	spop (v2sf)  }
0x132: {  	s1 =	spop (drf)  }
0x133: {  	s11 =	spop (drf)  }
0x134: {  	[smem:$0x644] =	sst s1;
	s1 =	smov.u32 s7;
	s7 =	spop (v2sf)  }
0x135: {  	[smem:$0x642] =	sst s20;
	s20 =	spop (drf)  }
0x136: {  	s18 =	spop (v2sf)  }
0x137: {  	[smem:$0x641] =	sst s19;
	s19 =	spop (drf)  }
0x138: {  	(drf) =	srem.u32 s30, s5;
	s16 =	spop (drf)  }
0x139: {  	(v2sf) =	vpush v5, $0x5;
	[smem:$0x646] =	sst s11;
	s15 =	spop (drf)  }
0x13a: {  	(drf) =	srem.u32 s7, s31;
	s14 =	spop (drf)  }
0x13b: {  	(v2sf) =	vpush v5, $0x6;
	s30 =	smov.u32 s31;
	(drf) =	srem.u32 s18, s3;
	s31 =	spop (v2sf)  }
0x13c: {  	s11 =	smov.u32 s5;
	(drf) =	srem.u32 s31, s4;
	s5 =	spop (v2sf)  }
0x13d: {  	(v2sf) =	vpush v5, $0x7;
	(drf) =	srem.u32 s5, s29;
	s7 =	spop (v2sf)  }
0x13e: {  	(v2sf) =	vpush v5, $0x8;
	s5 =	spop (drf);
	(drf) =	srem.u32 s7, s17  }
0x13f: {  	(v2sf) =	vpush v5, $0x9;
	s18 =	smov.u32 s17;
	s17 =	spop (v2sf);
	[smem:$0x64D] =	sst s5  }
0x140: {  	(v2sf) =	vpush v5, $0xA;
	(drf) =	srem.u32 s17, s25;
	s31 =	spop (v2sf)  }
0x141: {  	(v2sf) =	vpush v5, $0xB;
	s17 =	spop (drf);
	(drf) =	srem.u32 s31, s23  }
0x142: {  	(v2sf) =	vpush v5, $0xC;
	s31 =	smov.u32 s23;
	[smem:$0x64F] =	sst s17;
	s23 =	spop (drf)  }
0x143: {  	s7 =	smov.u32 s25;
	(v2sf) =	vpush v5, $0xD;
	[smem:$0x651] =	sst s23;
	s25 =	spop (drf)  }
0x144: {  	(v2sf) =	vpush v5, $0xE;
	[smem:$0x654] =	sst s25;
	s5 =	spop (drf)  }
0x145: {  	[smem:$0x645] =	sst s5;
	s17 =	spop (drf)  }
0x146: {  	[smem:$0x643] =	sst s17;
	s23 =	spop (drf)  }
0x147: {  	[smem:$0x647] =	sst s23;
	s25 =	spop (drf)  }
0x148: {  	s23 =	spop (v2sf);
	[smem:$0x648] =	sst s25  }
0x149: {  	s5 =	spop (drf);
	(drf) =	srem.u32 s23, s2  }
0x14a: {  	s8 =	smov.u32 s21;
	(v2sf) =	vpush v6, $0x0;
	s25 =	spop (v2sf);
	[smem:$0x649] =	sst s5  }
0x14b: {  	s17 =	spop (drf);
	(drf) =	srem.u32 s25, s8  }
0x14c: {  	[smem:$0x64A] =	sst s17;
	s17 =	spop (v2sf)  }
0x14d: {  	(drf) =	srem.u32 s17, s22;
	s23 =	spop (v2sf)  }
0x14e: {  	(drf) =	srem.u32 s23, s9;
	s25 =	spop (v2sf)  }
0x14f: {  	(drf) =	srem.u32 s25, s6;
	s23 =	spop (v2sf)  }
0x150: {  	(v2sf) =	vpush v6, $0xF;
	(drf) =	srem.u32 s23, s10;
	s25 =	spop (v2sf)  }
0x151: {  	(v2sf) =	vpush v6, $0x1;
	(drf) =	srem.u32 s25, s1;
	s25 =	spop (v2sf)  }
0x152: {  	(v2sf) =	vpush v6, $0x2;
	(drf) =	srem.u32 s25, s12;
	s25 =	spop (v2sf)  }
0x153: {  	(v2sf) =	vpush v6, $0x3;
	(drf) =	srem.u32 s25, s11;
	s25 =	spop (v2sf)  }
0x154: {  	(v2sf) =	vpush v6, $0x4;
	(drf) =	srem.u32 s25, s30;
	s25 =	spop (drf)  }
0x155: {  	(v2sf) =	vpush v6, $0x5;
	[smem:$0x64B] =	sst s25;
	s25 =	spop (drf)  }
0x156: {  	(v2sf) =	vpush v6, $0x6;
	[smem:$0x64C] =	sst s25;
	s25 =	spop (drf)  }
0x157: {  	(v2sf) =	vpush v6, $0x7;
	[smem:$0x64E] =	sst s25;
	s25 =	spop (drf)  }
0x158: {  	(v2sf) =	vpush v6, $0x8;
	[smem:$0x650] =	sst s25;
	s25 =	spop (drf)  }
0x159: {  	s0 =	spop (v2sf);
	[smem:$0x652] =	sst s25  }
0x15a: {  	s25 =	spop (drf);
	(drf) =	srem.u32 s0, s3  }
0x15b: {  	[smem:$0x655] =	sst s25;
	s25 =	spop (drf)  }
0x15c: {  	[smem:$0x657] =	sst s25;
	s25 =	spop (drf)  }
0x15d: {  	[smem:$0x659] =	sst s25;
	s25 =	spop (drf)  }
0x15e: {  	[smem:$0x65B] =	sst s25;
	s25 =	spop (drf)  }
0x15f: {  	[smem:$0x65D] =	sst s25;
	s25 =	smov.u32 s3;
	s3 =	spop (v2sf)  }
0x160: {  	(drf) =	srem.u32 s3, s4;
	s3 =	spop (v2sf)  }
0x161: {  	(drf) =	srem.u32 s3, s29;
	s3 =	spop (v2sf)  }
0x162: {  	(drf) =	srem.u32 s3, s18;
	s3 =	spop (v2sf)  }
0x163: {  	(v2sf) =	vpush v6, $0x9;
	(drf) =	srem.u32 s3, s7;
	s3 =	spop (v2sf)  }
0x164: {  	(v2sf) =	vpush v6, $0xA;
	(drf) =	srem.u32 s3, s31;
	s3 =	spop (v2sf)  }
0x165: {  	(v2sf) =	vpush v6, $0xB;
	(drf) =	srem.u32 s3, s2;
	s3 =	spop (v2sf)  }
0x166: {  	(v2sf) =	vpush v6, $0xC;
	(drf) =	srem.u32 s3, s8;
	s3 =	smov.u32 s8;
	s8 =	spop (v2sf)  }
0x167: {  	(v2sf) =	vpush v6, $0xD;
	(drf) =	srem.u32 s8, s22;
	s8 =	spop (v2sf)  }
0x168: {  	(v2sf) =	vpush v6, $0xE;
	(drf) =	srem.u32 s8, s9;
	s8 =	spop (drf)  }
0x169: {  	s17 =	smov.u32 s9;
	(v2sf) =	vpush v7, $0x0;
	[smem:$0x656] =	sst s8;
	s9 =	spop (drf)  }
0x16a: {  	(v2sf) =	vpush v7, $0xF;
	[smem:$0x653] =	sst s9;
	s8 =	spop (drf)  }
0x16b: {  	(v2sf) =	vpush v7, $0x1;
	[smem:$0x658] =	sst s8;
	s9 =	spop (drf)  }
0x16c: {  	(v2sf) =	vpush v7, $0x2;
	[smem:$0x65A] =	sst s9;
	s8 =	spop (drf)  }
0x16d: {  	[smem:$0x65C] =	sst s8;
	s9 =	spop (drf)  }
0x16e: {  	[smem:$0x65E] =	sst s9;
	s8 =	spop (drf)  }
0x16f: {  	[smem:$0x65F] =	sst s8;
	s9 =	spop (drf)  }
0x170: {  	[smem:$0x661] =	sst s9;
	s8 =	spop (drf)  }
0x171: {  	[smem:$0x663] =	sst s8;
	s9 =	spop (drf)  }
0x172: {  	s8 =	spop (v2sf);
	[smem:$0x665] =	sst s9  }
0x173: {  	(drf) =	srem.u32 s8, s6;
	s9 =	spop (v2sf)  }
0x174: {  	(drf) =	srem.u32 s9, s10;
	s8 =	spop (v2sf)  }
0x175: {  	(drf) =	srem.u32 s8, s1;
	s9 =	spop (v2sf)  }
0x176: {  	(drf) =	srem.u32 s9, s12;
	s9 =	spop (v2sf)  }
0x177: {  	(v2sf) =	vpush v7, $0x3;
	(drf) =	srem.u32 s9, s11;
	s9 =	spop (v2sf)  }
0x178: {  	(v2sf) =	vpush v7, $0x4;
	(drf) =	srem.u32 s9, s30;
	s9 =	spop (v2sf)  }
0x179: {  	(v2sf) =	vpush v7, $0x5;
	(drf) =	srem.u32 s9, s25;
	s9 =	spop (v2sf)  }
0x17a: {  	(v2sf) =	vpush v7, $0x6;
	(drf) =	srem.u32 s9, s4;
	s9 =	spop (v2sf)  }
0x17b: {  	(v2sf) =	vpush v7, $0x7;
	(drf) =	srem.u32 s9, s29;
	s9 =	smov.u32 s29;
	s29 =	spop (v2sf)  }
0x17c: {  	(v2sf) =	vpush v7, $0x8;
	(drf) =	srem.u32 s29, s18;
	s29 =	spop (drf)  }
0x17d: {  	(v2sf) =	vpush v7, $0x9;
	[smem:$0x667] =	sst s29;
	s29 =	spop (drf)  }
0x17e: {  	(v2sf) =	vpush v7, $0xA;
	[smem:$0x669] =	sst s29;
	s29 =	spop (drf)  }
0x17f: {  	(v2sf) =	vpush v7, $0xB;
	[smem:$0x66D] =	sst s29;
	s29 =	spop (drf)  }
0x180: {  	(v2sf) =	vpush v7, $0xC;
	[smem:$0x670] =	sst s29;
	s29 =	spop (drf)  }
0x181: {  	[smem:$0x673] =	sst s29;
	s29 =	spop (drf)  }
0x182: {  	[smem:$0x676] =	sst s29;
	s29 =	spop (drf)  }
0x183: {  	[smem:$0x662] =	sst s29;
	s29 =	spop (drf)  }
0x184: {  	[smem:$0x660] =	sst s29;
	s29 =	spop (drf)  }
0x185: {  	[smem:$0x664] =	sst s29;
	s29 =	spop (drf)  }
0x186: {  	[smem:$0x666] =	sst s29;
	s29 =	spop (v2sf)  }
0x187: {  	(drf) =	srem.u32 s29, s7;
	s29 =	spop (v2sf)  }
0x188: {  	(drf) =	srem.u32 s29, s31;
	s29 =	spop (v2sf)  }
0x189: {  	(drf) =	srem.u32 s29, s2;
	s29 =	spop (v2sf)  }
0x18a: {  	(drf) =	srem.u32 s29, s3;
	s29 =	spop (v2sf)  }
0x18b: {  	(v2sf) =	vpush v7, $0xD;
	(drf) =	srem.u32 s29, s22;
	s29 =	spop (v2sf)  }
0x18c: {  	(v2sf) =	vpush v7, $0xE;
	(drf) =	srem.u32 s29, s17;
	s29 =	spop (v2sf)  }
0x18d: {  	(v2sf) =	vpush v8, $0x0;
	(drf) =	srem.u32 s29, s6;
	s29 =	spop (v2sf)  }
0x18e: {  	(v2sf) =	vpush v8, $0xF;
	(drf) =	srem.u32 s29, s10;
	s29 =	spop (v2sf)  }
0x18f: {  	(v2sf) =	vpush v8, $0x1;
	(drf) =	srem.u32 s29, s1;
	s29 =	spop (v2sf)  }
0x190: {  	(v2sf) =	vpush v8, $0x2;
	(drf) =	srem.u32 s29, s12;
	s0 =	spop (drf)  }
0x191: {  	(v2sf) =	vpush v8, $0x3;
	[smem:$0x668] =	sst s0;
	s0 =	spop (drf)  }
0x192: {  	(v2sf) =	vpush v8, $0x4;
	[smem:$0x66A] =	sst s0;
	s0 =	spop (drf)  }
0x193: {  	(v2sf) =	vpush v8, $0x5;
	[smem:$0x66B] =	sst s0;
	s0 =	spop (drf)  }
0x194: {  	(v2sf) =	vpush v8, $0x6;
	[smem:$0x66E] =	sst s0;
	s0 =	spop (drf)  }
0x195: {  	[smem:$0x671] =	sst s0;
	s0 =	spop (drf)  }
0x196: {  	[smem:$0x674] =	sst s0;
	s0 =	spop (drf)  }
0x197: {  	[smem:$0x677] =	sst s0;
	s0 =	spop (drf)  }
0x198: {  	[smem:$0x679] =	sst s0;
	s0 =	spop (drf)  }
0x199: {  	[smem:$0x67B] =	sst s0;
	s0 =	spop (drf)  }
0x19a: {  	[smem:$0x67D] =	sst s0;
	s0 =	spop (v2sf)  }
0x19b: {  	(drf) =	srem.u32 s0, s11;
	s0 =	spop (v2sf)  }
0x19c: {  	(drf) =	srem.u32 s0, s30;
	s0 =	spop (v2sf)  }
0x19d: {  	(drf) =	srem.u32 s0, s25;
	s0 =	spop (v2sf)  }
0x19e: {  	(drf) =	srem.u32 s0, s4;
	s0 =	spop (v2sf)  }
0x19f: {  	(v2sf) =	vpush v8, $0x7;
	(drf) =	srem.u32 s0, s9;
	s0 =	spop (v2sf)  }
0x1a0: {  	(v2sf) =	vpush v8, $0x8;
	(drf) =	srem.u32 s0, s18;
	s0 =	spop (v2sf)  }
0x1a1: {  	(v2sf) =	vpush v8, $0x9;
	(drf) =	srem.u32 s0, s7;
	s0 =	spop (v2sf)  }
0x1a2: {  	(v2sf) =	vpush v8, $0xA;
	(drf) =	srem.u32 s0, s31;
	s0 =	spop (v2sf)  }
0x1a3: {  	(v2sf) =	vpush v8, $0xB;
	(drf) =	srem.u32 s0, s2;
	s0 =	spop (v2sf)  }
0x1a4: {  	(v2sf) =	vpush v8, $0xC;
	(drf) =	srem.u32 s0, s3;
	s0 =	spop (drf)  }
0x1a5: {  	(v2sf) =	vpush v8, $0xD;
	[smem:$0x67F] =	sst s0;
	s0 =	spop (drf)  }
0x1a6: {  	(v2sf) =	vpush v8, $0xE;
	[smem:$0x681] =	sst s0;
	s0 =	spop (drf)  }
0x1a7: {  	(v2sf) =	vpush v9, $0x0;
	[smem:$0x66F] =	sst s0;
	s0 =	spop (drf)  }
0x1a8: {  	(v2sf) =	vpush v9, $0xF;
	[smem:$0x66C] =	sst s0;
	s0 =	spop (drf)  }
0x1a9: {  	[smem:$0x672] =	sst s0;
	s0 =	spop (drf)  }
0x1aa: {  	[smem:$0x675] =	sst s0;
	s0 =	spop (drf)  }
0x1ab: {  	[smem:$0x678] =	sst s0;
	s0 =	spop (drf)  }
0x1ac: {  	[smem:$0x67A] =	sst s0;
	s0 =	spop (drf)  }
0x1ad: {  	[smem:$0x67C] =	sst s0;
	s0 =	spop (drf)  }
0x1ae: {  	[smem:$0x67E] =	sst s0;
	s0 =	spop (v2sf)  }
0x1af: {  	(drf) =	srem.u32 s0, s22;
	s0 =	spop (v2sf)  }
0x1b0: {  	(drf) =	srem.u32 s0, s17;
	s0 =	spop (v2sf)  }
0x1b1: {  	(drf) =	srem.u32 s0, s6;
	s0 =	spop (v2sf)  }
0x1b2: {  	(drf) =	srem.u32 s0, s10;
	s0 =	spop (v2sf)  }
0x1b3: {  	s8 =	smov.u32 s1;
	(v2sf) =	vpush v9, $0x1;
	(drf) =	srem.u32 s0, s1;
	s1 =	spop (v2sf)  }
0x1b4: {  	(v2sf) =	vpush v9, $0x2;
	(drf) =	srem.u32 s1, s12;
	s1 =	spop (v2sf)  }
0x1b5: {  	(v2sf) =	vpush v9, $0x3;
	(drf) =	srem.u32 s1, s11;
	s1 =	spop (v2sf)  }
0x1b6: {  	(v2sf) =	vpush v9, $0x4;
	(drf) =	srem.u32 s1, s30;
	s1 =	spop (v2sf)  }
0x1b7: {  	(v2sf) =	vpush v9, $0x5;
	(drf) =	srem.u32 s1, s25;
	s1 =	spop (v2sf)  }
0x1b8: {  	(v2sf) =	vpush v9, $0x6;
	(drf) =	srem.u32 s1, s4;
	s1 =	spop (drf)  }
0x1b9: {  	(v2sf) =	vpush v9, $0x7;
	[smem:$0x680] =	sst s1;
	s1 =	spop (drf)  }
0x1ba: {  	(v2sf) =	vpush v9, $0x8;
	[smem:$0x682] =	sst s1;
	s1 =	spop (drf)  }
0x1bb: {  	s28 =	simm.s32 $0xC100;
	[tilespmem:$0x1DD20] =	vst v14;
	[smem:$0x683] =	sst s1;
	s1 =	spop (drf)  }
0x1bc: {  	v12 =	vld.idx.msk [tilespmem:v12+s28+$0x0], $0xffff;
	(v2sf) =	vpush v9, $0x9;
	[smem:$0x685] =	sst s1;
	s1 =	spop (drf)  }
0x1bd: {  	[smem:$0x687] =	sst s1;
	s1 =	spop (drf)  }
0x1be: {  	(v2sf) =	vpush v9, $0xA;
	[smem:$0x689] =	sst s1;
	s1 =	spop (drf)  }
0x1bf: {  	[smem:$0x68C] =	sst s1;
	s1 =	spop (drf)  }
0x1c0: {  	[smem:$0x68E] =	sst s1;
	s1 =	spop (drf)  }
0x1c1: {  	v12 =	vpsel p0, $0x10000, v12;
	[smem:$0x686] =	sst s1;
	s1 =	spop (drf)  }
0x1c2: {  	[tilespmem:$0xC320] =	vst v12;
	[smem:$0x684] =	sst s1;
	s1 =	spop (v2sf)  }
0x1c3: {  	v12 =	vld.idx.msk [tilespmem:v13+s28+$0x0], $0xffff;
	(drf) =	srem.u32 s1, s9;
	s1 =	spop (v2sf)  }
0x1c4: {  	(drf) =	srem.u32 s1, s18;
	s1 =	spop (v2sf)  }
0x1c5: {  	(drf) =	srem.u32 s1, s7;
	s1 =	spop (v2sf)  }
0x1c6: {  	(drf) =	srem.u32 s1, s31;
	s1 =	spop (v2sf)  }
0x1c7: {  	s5 =	smov.u32 s2;
	(v2sf) =	vpush v9, $0xB;
	(drf) =	srem.u32 s1, s2;
	s2 =	spop (v2sf)  }
0x1c8: {  	v12 =	vpsel p0, $0x10000, v12;
	(v2sf) =	vpush v9, $0xC;
	(drf) =	srem.u32 s2, s3;
	s1 =	spop (v2sf)  }
0x1c9: {  	[tilespmem:$0xC330] =	vst v12;
	(v2sf) =	vpush v9, $0xD;
	(drf) =	srem.u32 s1, s22;
	s2 =	spop (v2sf)  }
0x1ca: {  	(drf) =	srem.u32 s2, s17  }
0x1cb: {  	s0 =	spop (v2sf);
	s2 =	sld [smem:$0x63F]  }
0x1cc: {  	v12 =	vmov s13;
	(drf) =	srem.u32 s0, s6;
	s13 =	spop (drf)  }
0x1cd: {  	s21 =	smov.u32 s22;
	s22 =	spop (v2sf);
	[smem:$0x688] =	sst s13  }
0x1ce: {  	(drf) =	srem.u32 s22, s10;
	s22 =	sld [smem:$0x640]  }
0x1cf: {  	s1 =	spop (drf);
	s13 =	sld [smem:$0x642]  }
0x1d0: {  	[smem:$0x68A] =	sst s1  }
0x1d1: {  	s23 =	smov.u32 s10;
	v12 =	vsel vm1, s2, v12;
	s2 =	sld [smem:$0x641];
	s10 =	spop (drf)  }
0x1d2: {  	[smem:$0x68B] =	sst s10  }
0x1d3: {  	s10 =	sld [smem:$0x645]  }
0x1d4: {  	s1 =	spop (drf);
	v12 =	vsel vm2, s22, v12;
	s22 =	sld [smem:$0x643]  }
0x1d5: {  	[smem:$0x68D] =	sst s1  }
0x1d6: {  	s1 =	sld [smem:$0x647];
	v12 =	vsel vm3, s2, v12  }
0x1d7: {  	s2 =	sld [smem:$0x644];
	v12 =	vsel vm4, s13, v12;
	s13 =	spop (drf)  }
0x1d8: {  	[smem:$0x68F] =	sst s13  }
0x1d9: {  	v13 =	vmov s22;
	s22 =	sld [smem:$0x646]  }
0x1da: {  	v12 =	vsel vm5, s2, v12;
	v13 =	vsel vm1, s10, v13;
	s2 =	spop (drf);
	s10 =	sld [smem:$0x648]  }
0x1db: {  	[smem:$0x690] =	sst s2  }
0x1dc: {  	s13 =	spop (drf);
	s2 =	sld [smem:$0x64B]  }
0x1dd: {  	[smem:$0x691] =	sst s13  }
0x1de: {  	v12 =	vsel vm6, s22, v12;
	s22 =	sld [smem:$0x64A]  }
0x1df: {  	s13 =	sld [smem:$0x64C];
	v12 =	vsel vm7, s20, v12  }
0x1e0: {  	(v2sf) =	vpush v9, $0xE;
	s20 =	spop (drf);
	v12 =	vsel vm8, s19, v12;
	s19 =	sld [smem:$0x649]  }
0x1e1: {  	[smem:$0x692] =	sst s20  }
0x1e2: {  	(v2sf) =	vpush v10, $0x0;
	v13 =	vsel vm2, s1, v13;
	s1 =	spop (drf);
	s20 =	sld [smem:$0x64F]  }
0x1e3: {  	[smem:$0x693] =	sst s1  }
0x1e4: {  	v13 =	vsel vm3, s10, v13;
	v12 =	vsel vm9, s16, v12;
	s10 =	spop (drf);
	s16 =	sld [smem:$0x64E]  }
0x1e5: {  	(v2sf) =	vpush v10, $0xF;
	[smem:$0x694] =	sst s10  }
0x1e6: {  	v12 =	vsel vm10, s15, v12;
	s15 =	sld [smem:$0x64D]  }
0x1e7: {  	s10 =	sld [smem:$0x663];
	v13 =	vsel vm4, s19, v13;
	v12 =	vsel vm11, s14, v12;
	s14 =	spop (v2sf)  }
0x1e8: {  	(v2sf) =	vpush v10, $0x1;
	v13 =	vsel vm5, s22, v13;
	(drf) =	srem.u32 s14, s8;
	s22 =	sld [smem:$0x650]  }
0x1e9: {  	s1 =	smov.u32 s8;
	s19 =	spop (v2sf);
	s8 =	sld [smem:$0x651]  }
0x1ea: {  	s29 =	smov.u32 s12;
	(drf) =	srem.u32 s19, s12;
	s12 =	sld [smem:$0x652]  }
0x1eb: {  	v12 =	vsel vm12, s15, v12;
	s15 =	sld [smem:$0x654]  }
0x1ec: {  	(v2sf) =	vpush v10, $0x2;
	v13 =	vsel vm6, s2, v13;
	s19 =	sld [smem:$0x656]  }
0x1ed: {  	s2 =	spop (v2sf);
	v13 =	vsel vm7, s13, v13;
	s13 =	sld [smem:$0x653]  }
0x1ee: {  	(drf) =	srem.u32 s2, s11;
	s2 =	sld [smem:$0x658]  }
0x1ef: {  	v12 =	vsel vm13, s20, v12;
	s14 =	spop (v2sf);
	v13 =	vsel vm8, s16, v13;
	s16 =	sld [smem:$0x655]  }
0x1f0: {  	v12 =	vsel vm15, s8, v12;
	(drf) =	srem.u32 s14, s30;
	v13 =	vsel vm9, s22, v13;
	s22 =	sld [smem:$0x657]  }
0x1f1: {  	s20 =	spop (v2sf);
	v12 =	vsel vm14, s15, v12;
	s15 =	sld [smem:$0x65B]  }
0x1f2: {  	(drf) =	srem.u32 s20, s25;
	s20 =	sld [smem:$0x65D]  }
0x1f3: {  	v13 =	vsel vm10, s12, v13;
	s12 =	sld [smem:$0x659]  }
0x1f4: {  	s8 =	spop (v2sf);
	v14 =	vmov s13;
	s13 =	sld [smem:$0x65A]  }
0x1f5: {  	(drf) =	srem.u32 s8, s4;
	s4 =	sld [smem:$0x660]  }
0x1f6: {  	s8 =	sld [smem:$0x661]  }
0x1f7: {  	(v2sf) =	vpush v10, $0x3;
	s14 =	spop (v2sf);
	v13 =	vsel vm11, s16, v13;
	s16 =	sld [smem:$0x65C]  }
0x1f8: {  	(drf) =	srem.u32 s14, s9;
	s9 =	sld [smem:$0x662]  }
0x1f9: {  	(v2sf) =	vpush v10, $0x4;
	s14 =	sld [smem:$0x666]  }
0x1fa: {  	v14 =	vsel vm1, s19, v14;
	v13 =	vsel vm12, s22, v13;
	s22 =	sld [smem:$0x65E]  }
0x1fb: {  	s19 =	spop (v2sf);
	v14 =	vsel vm2, s2, v14;
	s2 =	sld [smem:$0x65F]  }
0x1fc: {  	(drf) =	srem.u32 s19, s18;
	s18 =	sld [smem:$0x669]  }
0x1fd: {  	s19 =	sld [smem:$0x66A]  }
0x1fe: {  	v13 =	vsel vm13, s12, v13;
	s12 =	sld [smem:$0x664]  }
0x1ff: {  	v14 =	vsel vm3, s13, v14;
	s13 =	sld [smem:$0x665]  }
0x200: {  	v15 =	vmov s4;
	s4 =	sld [smem:$0x66D]  }
0x201: {  	v13 =	vsel vm15, s15, v13;
	s15 =	sld [smem:$0x667]  }
0x202: {  	v14 =	vsel vm4, s16, v14;
	s16 =	sld [smem:$0x668]  }
0x203: {  	(v2sf) =	vpush v10, $0x5;
	v15 =	vsel vm1, s9, v15;
	s9 =	sld [smem:$0x66F]  }
0x204: {  	v13 =	vsel vm14, s20, v13;
	v14 =	vsel vm5, s22, v14;
	s20 =	sld [smem:$0x66B]  }
0x205: {  	v14 =	vsel vm6, s2, v14;
	s2 =	sld [smem:$0x66C]  }
0x206: {  	(v2sf) =	vpush v10, $0x6;
	s25 =	spop (v2sf);
	v15 =	vsel vm2, s12, v15;
	s12 =	sld [smem:$0x671]  }
0x207: {  	(drf) =	srem.u32 s25, s7;
	v14 =	vsel vm7, s8, v14;
	s8 =	sld [smem:$0x66E]  }
0x208: {  	(v2sf) =	vpush v10, $0x7;
	s7 =	spop (v2sf);
	v15 =	vsel vm3, s14, v15;
	v14 =	vsel vm8, s10, v14;
	s10 =	sld [smem:$0x670]  }
0x209: {  	(drf) =	srem.u32 s7, s31;
	v15 =	vsel vm4, s16, v15;
	s16 =	sld [smem:$0x672]  }
0x20a: {  	(v2sf) =	vpush v10, $0x8;
	v12 =	vld.idx.msk [tilespmem:v12+s28+$0x0], $0xffff;
	s7 =	spop (drf);
	v15 =	vsel vm5, s19, v15;
	s19 =	sld [smem:$0x674]  }
0x20b: {  	s25 =	spop (drf);
	v14 =	vsel vm9, s13, v14;
	v16 =	vmov s2;
	v15 =	vsel vm6, s20, v15;
	s20 =	sld [smem:$0x675]  }
0x20c: {  	(v2sf) =	vpush v10, $0x9;
	s22 =	spop (drf);
	v14 =	vsel vm10, s15, v14;
	v16 =	vsel vm1, s9, v16;
	s9 =	sld [smem:$0x678]  }
0x20d: {  	s13 =	spop (drf);
	v14 =	vsel vm11, s18, v14;
	s18 =	sld [smem:$0x673]  }
0x20e: {  	(v2sf) =	vpush v10, $0xA;
	s14 =	spop (drf);
	v15 =	vsel vm7, s8, v15;
	s8 =	sld [smem:$0x677]  }
0x20f: {  	v12 =	vpsel p0, $0x10000, v12;
	s2 =	spop (drf);
	v14 =	vsel vm12, s4, v14;
	s4 =	sld [smem:$0x676]  }
0x210: {  	[tilespmem:$0xC340] =	vst v12;
	s15 =	spop (drf);
	v12 =	vsel vm13, s10, v14;
	v14 =	vsel vm8, s12, v15;
	v15 =	vsel vm2, s16, v16;
	s10 =	sld [smem:$0x679]  }
0x211: {  	(v2sf) =	vpush v10, $0xB;
	s16 =	spop (drf);
	s12 =	sld [smem:$0x67A];
	v15 =	vsel vm3, s20, v15  }
0x212: {  	v12 =	vsel vm15, s18, v12;
	v14 =	vsel vm9, s19, v14;
	s18 =	spop (v2sf);
	v15 =	vsel vm4, s9, v15;
	s9 =	sld [smem:$0x67B]  }
0x213: {  	(v2sf) =	vpush v10, $0xC;
	v14 =	vsel vm10, s8, v14;
	s8 =	smov.u32 s5;
	(drf) =	srem.u32 s18, s5;
	s5 =	sld [smem:$0x67D]  }
0x214: {  	s19 =	spop (drf);
	v14 =	vsel vm11, s10, v14;
	s10 =	sld [smem:$0x67C]  }
0x215: {  	(v2sf) =	vpush v10, $0xD;
	v12 =	vsel vm14, s4, v12;
	s4 =	sld [smem:$0x680];
	v15 =	vsel vm5, s12, v15;
	s12 =	spop (v2sf)  }
0x216: {  	v13 =	vld.idx.msk [tilespmem:v13+s28+$0x0], $0xffff;
	(drf) =	srem.u32 s12, s3;
	v14 =	vsel vm12, s9, v14;
	s9 =	sld [smem:$0x67E]  }
0x217: {  	(v2sf) =	vpush v10, $0xE;
	s12 =	sld [smem:$0x67F];
	v15 =	vsel vm6, s10, v15;
	s10 =	spop (v2sf)  }
0x218: {  	s18 =	smov.u32 s3;
	s3 =	sld [smem:$0x68A];
	(drf) =	srem.u32 s10, s21  }
0x219: {  	v14 =	vsel vm13, s5, v14;
	s5 =	spop (v2sf);
	v15 =	vsel vm7, s9, v15;
	s9 =	sld [smem:$0x681]  }
0x21a: {  	s10 =	sld [smem:$0x682];
	(drf) =	srem.u32 s5, s17  }
0x21b: {  	v13 =	vpsel p0, $0x10000, v13;
	v14 =	vsel vm15, s12, v14;
	s12 =	spop (v2sf);
	v15 =	vsel vm8, s4, v15;
	s4 =	sld [smem:$0x684]  }
0x21c: {  	[tilespmem:$0xC350] =	vst v13;
	(drf) =	srem.u32 s12, s6;
	v13 =	vsel vm14, s9, v14;
	s9 =	smov.u32 s17;
	s17 =	sld [smem:$0x683]  }
0x21d: {  	s5 =	spop (v2sf);
	v14 =	vsel vm9, s10, v15;
	s10 =	sld [smem:$0x686]  }
0x21e: {  	(drf) =	srem.u32 s5, s23;
	s5 =	sld [smem:$0x688]  }
0x21f: {  	s20 =	spop (drf);
	v50 =	vmov s4;
	v14 =	vsel vm10, s17, v14;
	s17 =	smov.u32 s6;
	s6 =	sld [smem:$0x685]  }
0x220: {  	s12 =	spop (v2sf);
	s4 =	sld [smem:$0x687];
	v16 =	vsel vm1, s10, v50  }
0x221: {  	(drf) =	srem.u32 s12, s1;
	v16 =	vsel vm2, s5, v16;
	s5 =	sld [smem:$0x68B]  }
0x222: {  	v12 =	vld.idx.msk [tilespmem:v12+s28+$0x0], $0xffff;
	s10 =	sld [smem:$0x689];
	v14 =	vsel vm11, s6, v14;
	s6 =	spop (v2sf)  }
0x223: {  	v16 =	vsel vm3, s3, v16;
	s3 =	sld [smem:$0x68D];
	(drf) =	srem.u32 s6, s29  }
0x224: {  	v14 =	vsel vm12, s4, v14;
	s4 =	spop (v2sf);
	v16 =	vsel vm4, s5, v16;
	s5 =	sld [smem:$0x68F]  }
0x225: {  	v14 =	vsel vm13, s10, v14;
	(drf) =	srem.u32 s4, s11;
	s10 =	smov.u32 s11;
	s11 =	sld [smem:$0x68C]  }
0x226: {  	s6 =	spop (v2sf);
	s4 =	sld [smem:$0x68E]  }
0x227: {  	v51 =	vmov s2;
	v15 =	vor.u32 $0x90, v0;
	v12 =	vpsel p0, $0x10000, v12;
	(drf) =	srem.u32 s6, s30;
	s6 =	sld [smem:$0x690]  }
0x228: {  	(v2sf) =	vpush v15, $0x0;
	[tilespmem:$0xC360] =	vst v12;
	v16 =	vsel vm5, s3, v16;
	v14 =	vsel vm15, s11, v14;
	s11 =	sld [smem:$0x691]  }
0x229: {  	v13 =	vld.idx.msk [tilespmem:v13+s28+$0x0], $0xffff;
	v12 =	vsel vm14, s4, v14;
	v14 =	vsel vm6, s5, v16;
	v16 =	vsel vm1, s14, v51;
	s14 =	sld [smem:$0x692]  }
0x22a: {  	(v2sf) =	vpush v15, $0xF;
	v14 =	vsel vm7, s6, v14;
	v16 =	vsel vm2, s15, v16;
	s6 =	sld [smem:$0x693]  }
0x22b: {  	(v2sf) =	vpush v15, $0x1;
	v14 =	vsel vm8, s11, v14;
	v16 =	vsel vm3, s16, v16;
	s16 =	sld [smem:$0x694]  }
0x22c: {  	(v2sf) =	vpush v15, $0x2;
	v14 =	vsel vm9, s14, v14  }
0x22d: {  	(v2sf) =	vpush v15, $0x3;
	v14 =	vsel vm10, s6, v14  }
0x22e: {  	v13 =	vpsel p0, $0x10000, v13;
	v16 =	vsel vm4, s19, v16;
	v14 =	vsel vm11, s16, v14  }
0x22f: {  	s0 =	spop (drf);
	(v2sf) =	vpush v15, $0x4;
	[tilespmem:$0xC370] =	vst v13;
	v16 =	vsel vm5, s20, v16;
	v14 =	vsel vm12, s7, v14  }
0x230: {  	s12 =	smov.u32 s1;
	s1 =	spop (drf);
	(v2sf) =	vpush v15, $0x5;
	v12 =	vld.idx.msk [tilespmem:v12+s28+$0x0], $0xffff;
	v13 =	vsel vm13, s25, v14;
	v14 =	vsel vm6, s0, v16  }
0x231: {  	s2 =	spop (drf);
	(v2sf) =	vpush v15, $0x6;
	v13 =	vsel vm15, s22, v13;
	v14 =	vsel vm7, s1, v14  }
0x232: {  	s3 =	spop (drf);
	(v2sf) =	vpush v15, $0x7;
	v13 =	vsel vm14, s13, v13;
	v14 =	vsel vm8, s2, v14  }
0x233: {  	(v2sf) =	vpush v15, $0x8;
	s15 =	spop (drf);
	v14 =	vsel vm9, s3, v14  }
0x234: {  	s11 =	spop (drf);
	v14 =	vsel vm10, s15, v14  }
0x235: {  	(v2sf) =	vpush v15, $0x9;
	s19 =	spop (drf);
	v12 =	vpsel p0, $0x10000, v12;
	v14 =	vsel vm11, s11, v14  }
0x236: {  	s20 =	spop (drf);
	[tilespmem:$0xC380] =	vst v12;
	v12 =	vsel vm12, s19, v14  }
0x237: {  	(v2sf) =	vpush v15, $0xA;
	s0 =	spop (drf);
	s25 =	sld [smem:$0x750];
	v13 =	vld.idx.msk [tilespmem:v13+s28+$0x0], $0xffff;
	v12 =	vsel vm13, s20, v12  }
0x238: {  	s4 =	sld [smem:$0x695];
	s1 =	spop (drf);
	v12 =	vsel vm15, s0, v12  }
0x239: {  	s13 =	spop (v2sf);
	v12 =	vsel vm14, s1, v12  }
0x23a: {  	(drf) =	srem.u32 s13, s25;
	s14 =	spop (v2sf)  }
0x23b: {  	(drf) =	srem.u32 s14, s4;
	s15 =	spop (v2sf)  }
0x23c: {  	s11 =	sld [smem:$0x74C];
	s16 =	spop (v2sf);
	v13 =	vpsel p0, $0x10000, v13  }
0x23d: {  	s14 =	sld [smem:$0x74D];
	s19 =	spop (v2sf);
	[tilespmem:$0xC390] =	vst v13  }
0x23e: {  	s7 =	sld [smem:$0x6F3];
	(v2sf) =	vpush v15, $0xB;
	s20 =	spop (v2sf);
	v12 =	vld.idx.msk [tilespmem:v12+s28+$0x0], $0xffff  }
0x23f: {  	(drf) =	srem.u32 s15, s11;
	s22 =	spop (v2sf)  }
0x240: {  	(v2sf) =	vpush v15, $0xC;
	(drf) =	srem.u32 s16, s14;
	s1 =	spop (v2sf)  }
0x241: {  	(v2sf) =	vpush v15, $0xD;
	(drf) =	srem.u32 s19, s7;
	s2 =	spop (v2sf)  }
0x242: {  	(drf) =	srem.u32 s20, s31;
	s5 =	spop (v2sf)  }
0x243: {  	(v2sf) =	vpush v15, $0xE;
	(drf) =	srem.u32 s22, s8;
	s6 =	spop (drf);
	v12 =	vpsel p0, $0x10000, v12  }
0x244: {  	s22 =	spop (v2sf);
	[tilespmem:$0xC3A0] =	vst v12;
	v12 =	vor.u32 $0xA0, v0  }
0x245: {  	(drf) =	srem.u32 s1, s18;
	[dreg:$0x17] =	wrdreg s6;
	(v2sf) =	vpush v12, $0x0  }
0x246: {  	s1 =	spop (v2sf);
	(drf) =	srem.u32 s2, s21;
	(v2sf) =	vpush v12, $0xF  }
0x247: {  	s6 =	smov.u32 s9;
	(drf) =	srem.u32 s5, s9;
	s9 =	spop (drf)  }
0x248: {  	s13 =	spop (drf)  }
0x249: {  	s15 =	spop (drf)  }
0x24a: {  	[dreg:$0x1f] =	wrdreg s9;
	s20 =	spop (drf)  }
0x24b: {  	(drf) =	srem.u32 s22, s17;
	s19 =	spop (drf)  }
0x24c: {  	(drf) =	srem.u32 s1, s23;
	s16 =	spop (drf);
	(v2sf) =	vpush v12, $0x1  }
0x24d: {  	[dreg:$0x18] =	wrdreg s15;
	s2 =	spop (v2sf)  }
0x24e: {  	[smem:$0x696] =	sst s16;
	s15 =	spop (drf);
	(v2sf) =	vpush v12, $0x2  }
0x24f: {  	(drf) =	srem.u32 s2, s12;
	s5 =	spop (v2sf)  }
0x250: {  	(drf) =	srem.u32 s5, s29;
	s9 =	spop (v2sf)  }
0x251: {  	s16 =	spop (drf);
	(drf) =	srem.u32 s9, s10;
	(v2sf) =	vpush v12, $0x3  }
0x252: {  	[dreg:$0x1b] =	wrdreg s13;
	s22 =	spop (v2sf);
	(v2sf) =	vpush v12, $0x4  }
0x253: {  	s13 =	spop (drf);
	(drf) =	srem.u32 s22, s30;
	(v2sf) =	vpush v12, $0x5  }
0x254: {  	(v2sf) =	vpush v12, $0x6;
	s1 =	spop (v2sf)  }
0x255: {  	(v2sf) =	vpush v12, $0x7;
	(drf) =	srem.u32 s1, s25;
	s2 =	spop (v2sf)  }
0x256: {  	s9 =	spop (drf);
	(v2sf) =	vpush v12, $0x8;
	(drf) =	srem.u32 s2, s4  }
0x257: {  	[smem:$0x699] =	sst s9;
	s22 =	spop (drf);
	(v2sf) =	vpush v12, $0x9  }
0x258: {  	[smem:$0x69B] =	sst s22;
	s1 =	spop (drf)  }
0x259: {  	(v2sf) =	vpush v12, $0xA;
	[smem:$0x69D] =	sst s1;
	s2 =	spop (drf)  }
0x25a: {  	s5 =	smov.u32 s4;
	[smem:$0x69F] =	sst s2;
	s4 =	spop (drf)  }
0x25b: {  	s2 =	spop (v2sf);
	[smem:$0x6A1] =	sst s4  }
0x25c: {  	s9 =	spop (drf);
	(drf) =	srem.u32 s2, s11  }
0x25d: {  	s4 =	spop (v2sf);
	[smem:$0x6A3] =	sst s9  }
0x25e: {  	(drf) =	srem.u32 s4, s14;
	s22 =	spop (drf)  }
0x25f: {  	[smem:$0x698] =	sst s22;
	s1 =	spop (drf)  }
0x260: {  	s22 =	spop (v2sf);
	[smem:$0x697] =	sst s1  }
0x261: {  	(drf) =	srem.u32 s22, s7;
	s1 =	spop (v2sf)  }
0x262: {  	(v2sf) =	vpush v12, $0xB;
	(drf) =	srem.u32 s1, s31;
	s2 =	spop (v2sf)  }
0x263: {  	(drf) =	srem.u32 s2, s8;
	s22 =	spop (v2sf)  }
0x264: {  	(v2sf) =	vpush v12, $0xC;
	(drf) =	srem.u32 s22, s18;
	s1 =	spop (v2sf)  }
0x265: {  	(v2sf) =	vpush v12, $0xD;
	(drf) =	srem.u32 s1, s21;
	s2 =	spop (v2sf)  }
0x266: {  	(v2sf) =	vpush v12, $0xE;
	v12 =	vor.u32 $0xB0, v0;
	(drf) =	srem.u32 s2, s6;
	s22 =	spop (v2sf)  }
0x267: {  	(v2sf) =	vpush v12, $0x0;
	s2 =	spop (drf);
	(drf) =	srem.u32 s22, s17  }
0x268: {  	(v2sf) =	vpush v12, $0xF;
	s1 =	spop (v2sf);
	[smem:$0x69A] =	sst s2  }
0x269: {  	(v2sf) =	vpush v12, $0x1;
	s22 =	spop (drf);
	(drf) =	srem.u32 s1, s23  }
0x26a: {  	(v2sf) =	vpush v12, $0x2;
	[smem:$0x69C] =	sst s22;
	s1 =	spop (drf)  }
0x26b: {  	(v2sf) =	vpush v12, $0x3;
	[smem:$0x69E] =	sst s1;
	s2 =	spop (drf)  }
0x26c: {  	(v2sf) =	vpush v12, $0x4;
	[smem:$0x6A0] =	sst s2;
	s22 =	spop (drf)  }
0x26d: {  	[smem:$0x6A2] =	sst s22;
	s1 =	spop (drf)  }
0x26e: {  	[smem:$0x6A4] =	sst s1;
	s2 =	spop (drf)  }
0x26f: {  	[smem:$0x6A5] =	sst s2;
	s22 =	spop (drf)  }
0x270: {  	[smem:$0x6A6] =	sst s22;
	s1 =	spop (drf)  }
0x271: {  	s22 =	spop (v2sf);
	[smem:$0x6A8] =	sst s1  }
0x272: {  	s2 =	spop (drf);
	(drf) =	srem.u32 s22, s12  }
0x273: {  	s1 =	spop (v2sf);
	[smem:$0x6AA] =	sst s2  }
0x274: {  	(drf) =	srem.u32 s1, s29;
	s2 =	spop (v2sf)  }
0x275: {  	(v2sf) =	vpush v12, $0x5;
	(drf) =	srem.u32 s2, s10;
	s22 =	spop (v2sf)  }
0x276: {  	(drf) =	srem.u32 s22, s30;
	s1 =	spop (v2sf)  }
0x277: {  	(v2sf) =	vpush v12, $0x6;
	(drf) =	srem.u32 s1, s25;
	s2 =	spop (v2sf)  }
0x278: {  	(drf) =	srem.u32 s2, s5;
	s22 =	spop (v2sf)  }
0x279: {  	(v2sf) =	vpush v12, $0x7;
	(drf) =	srem.u32 s22, s11;
	s1 =	spop (v2sf)  }
0x27a: {  	(v2sf) =	vpush v12, $0x8;
	(drf) =	srem.u32 s1, s14;
	s2 =	spop (v2sf)  }
0x27b: {  	s4 =	smov.u32 s7;
	(v2sf) =	vpush v12, $0x9;
	(drf) =	srem.u32 s2, s7;
	s7 =	spop (v2sf)  }
0x27c: {  	(v2sf) =	vpush v12, $0xA;
	(drf) =	srem.u32 s7, s31;
	s22 =	spop (drf)  }
0x27d: {  	(v2sf) =	vpush v12, $0xB;
	[smem:$0x6B2] =	sst s22;
	s1 =	spop (drf)  }
0x27e: {  	(v2sf) =	vpush v12, $0xC;
	[smem:$0x6B5] =	sst s1;
	s2 =	spop (drf)  }
0x27f: {  	(v2sf) =	vpush v12, $0xD;
	[smem:$0x6B8] =	sst s2;
	s7 =	spop (drf)  }
0x280: {  	(v2sf) =	vpush v12, $0xE;
	[smem:$0x6BB] =	sst s7;
	s22 =	spop (drf)  }
0x281: {  	[smem:$0x6A9] =	sst s22;
	s1 =	spop (drf)  }
0x282: {  	[smem:$0x6A7] =	sst s1;
	s2 =	spop (drf)  }
0x283: {  	[smem:$0x6AB] =	sst s2;
	s7 =	spop (drf)  }
0x284: {  	s2 =	spop (v2sf);
	[smem:$0x6AC] =	sst s7  }
0x285: {  	s22 =	spop (drf);
	(drf) =	srem.u32 s2, s8  }
0x286: {  	s7 =	spop (v2sf);
	[smem:$0x6AE] =	sst s22  }
0x287: {  	s1 =	spop (drf);
	(drf) =	srem.u32 s7, s18  }
0x288: {  	s22 =	spop (v2sf);
	[smem:$0x6B0] =	sst s1  }
0x289: {  	(drf) =	srem.u32 s22, s21;
	s1 =	spop (v2sf)  }
0x28a: {  	v12 =	vor.u32 $0xC0, v0;
	(drf) =	srem.u32 s1, s6;
	s2 =	spop (v2sf)  }
0x28b: {  	(v2sf) =	vpush v12, $0x0;
	s22 =	smov.u32 s6;
	(drf) =	srem.u32 s2, s17;
	s6 =	spop (v2sf)  }
0x28c: {  	(v2sf) =	vpush v12, $0xF;
	(drf) =	srem.u32 s6, s23;
	s7 =	spop (v2sf)  }
0x28d: {  	(v2sf) =	vpush v12, $0x1;
	(drf) =	srem.u32 s7, s12;
	s1 =	spop (v2sf)  }
0x28e: {  	(v2sf) =	vpush v12, $0x2;
	(drf) =	srem.u32 s1, s29;
	s2 =	spop (v2sf)  }
0x28f: {  	(v2sf) =	vpush v12, $0x3;
	(drf) =	srem.u32 s2, s10;
	s1 =	spop (v2sf)  }
0x290: {  	(v2sf) =	vpush v12, $0x4;
	(drf) =	srem.u32 s1, s30;
	s2 =	spop (drf)  }
0x291: {  	(v2sf) =	vpush v12, $0x5;
	[smem:$0x6B3] =	sst s2;
	s1 =	spop (drf)  }
0x292: {  	(v2sf) =	vpush v12, $0x6;
	[smem:$0x6B6] =	sst s1;
	s2 =	spop (drf)  }
0x293: {  	(v2sf) =	vpush v12, $0x7;
	[smem:$0x6B9] =	sst s2;
	s1 =	spop (drf)  }
0x294: {  	(v2sf) =	vpush v12, $0x8;
	[smem:$0x6BC] =	sst s1;
	s2 =	spop (drf)  }
0x295: {  	[smem:$0x6BE] =	sst s2;
	s1 =	spop (drf)  }
0x296: {  	[smem:$0x6C0] =	sst s1;
	s2 =	spop (drf)  }
0x297: {  	[smem:$0x6C2] =	sst s2;
	s1 =	spop (drf)  }
0x298: {  	[smem:$0x6C4] =	sst s1;
	s2 =	spop (drf)  }
0x299: {  	[smem:$0x6C6] =	sst s2;
	s1 =	spop (drf)  }
0x29a: {  	s2 =	spop (v2sf);
	[smem:$0x6C8] =	sst s1  }
0x29b: {  	(drf) =	srem.u32 s2, s25;
	s1 =	spop (v2sf)  }
0x29c: {  	(drf) =	srem.u32 s1, s5;
	s2 =	spop (v2sf)  }
0x29d: {  	(drf) =	srem.u32 s2, s11;
	s1 =	spop (v2sf)  }
0x29e: {  	(drf) =	srem.u32 s1, s14;
	s2 =	spop (v2sf)  }
0x29f: {  	(drf) =	srem.u32 s2, s4;
	s1 =	spop (v2sf)  }
0x2a0: {  	(drf) =	srem.u32 s1, s31;
	s2 =	spop (v2sf)  }
0x2a1: {  	(drf) =	srem.u32 s2, s8;
	s1 =	spop (v2sf)  }
0x2a2: {  	(v2sf) =	vpush v12, $0x9;
	(drf) =	srem.u32 s1, s18;
	s2 =	spop (v2sf)  }
0x2a3: {  	s3 =	smov.u32 s8;
	(v2sf) =	vpush v12, $0xA;
	(drf) =	srem.u32 s2, s21;
	s8 =	spop (v2sf)  }
0x2a4: {  	(v2sf) =	vpush v12, $0xB;
	s2 =	smov.u32 s21;
	(drf) =	srem.u32 s8, s22;
	s21 =	spop (drf)  }
0x2a5: {  	(v2sf) =	vpush v12, $0xC;
	[smem:$0x6AF] =	sst s21;
	s1 =	spop (drf)  }
0x2a6: {  	(v2sf) =	vpush v12, $0xD;
	[smem:$0x6AD] =	sst s1;
	s8 =	spop (drf)  }
0x2a7: {  	(v2sf) =	vpush v12, $0xE;
	v12 =	vor.u32 $0xD0, v0;
	[smem:$0x6B1] =	sst s8;
	s21 =	spop (drf)  }
0x2a8: {  	(v2sf) =	vpush v12, $0x0;
	[smem:$0x6B4] =	sst s21;
	s1 =	spop (drf)  }
0x2a9: {  	(v2sf) =	vpush v12, $0xF;
	[smem:$0x6B7] =	sst s1;
	s8 =	spop (drf)  }
0x2aa: {  	(v2sf) =	vpush v12, $0x1;
	[smem:$0x6BA] =	sst s8;
	s21 =	spop (drf)  }
0x2ab: {  	(v2sf) =	vpush v12, $0x2;
	[smem:$0x6BD] =	sst s21;
	s1 =	spop (drf)  }
0x2ac: {  	[smem:$0x6BF] =	sst s1;
	s8 =	spop (drf)  }
0x2ad: {  	[smem:$0x6C1] =	sst s8  }
0x2ae: {  	s0 =	spop (drf);
	[smem:$0x6E9] =	sst s3  }
0x2af: {  	[smem:$0x6EB] =	sst s18  }
0x2b0: {  	[smem:$0x6ED] =	sst s2  }
0x2b1: {  	[smem:$0x6EF] =	sst s22;
	s21 =	spop (v2sf)  }
0x2b2: {  	(drf) =	srem.u32 s21, s17;
	s1 =	spop (v2sf)  }
0x2b3: {  	(v2sf) =	vpush v12, $0x3;
	(drf) =	srem.u32 s1, s23;
	s8 =	spop (v2sf)  }
0x2b4: {  	(drf) =	srem.u32 s8, s12;
	s21 =	spop (v2sf)  }
0x2b5: {  	s6 =	smov.u32 s29;
	(v2sf) =	vpush v12, $0x4;
	(drf) =	srem.u32 s21, s29;
	s29 =	spop (v2sf)  }
0x2b6: {  	(drf) =	srem.u32 s29, s10;
	s1 =	spop (v2sf)  }
0x2b7: {  	(v2sf) =	vpush v12, $0x5;
	(drf) =	srem.u32 s1, s30;
	s8 =	spop (v2sf)  }
0x2b8: {  	s7 =	smov.u32 s12;
	(drf) =	srem.u32 s8, s25;
	s12 =	spop (v2sf)  }
0x2b9: {  	[smem:$0x6C3] =	sst s0;
	(v2sf) =	vpush v12, $0x6;
	s21 =	spop (v2sf)  }
0x2ba: {  	(v2sf) =	vpush v12, $0x7;
	(drf) =	srem.u32 s12, s5;
	s29 =	spop (v2sf)  }
0x2bb: {  	(v2sf) =	vpush v12, $0x8;
	(drf) =	srem.u32 s21, s11;
	s1 =	spop (drf)  }
0x2bc: {  	(v2sf) =	vpush v12, $0x9;
	(drf) =	srem.u32 s29, s14;
	s8 =	spop (drf)  }
0x2bd: {  	s9 =	smov.u32 s14;
	(v2sf) =	vpush v12, $0xA;
	[smem:$0x6C5] =	sst s1;
	s14 =	spop (drf)  }
0x2be: {  	(v2sf) =	vpush v12, $0xB;
	[smem:$0x6C7] =	sst s8;
	s21 =	spop (drf)  }
0x2bf: {  	(v2sf) =	vpush v12, $0xC;
	[smem:$0x6C9] =	sst s14;
	s29 =	spop (drf)  }
0x2c0: {  	[smem:$0x6CB] =	sst s21;
	s1 =	spop (drf)  }
0x2c1: {  	[smem:$0x6CD] =	sst s29;
	s8 =	spop (drf)  }
0x2c2: {  	[smem:$0x6CF] =	sst s1;
	s1 =	spop (v2sf)  }
0x2c3: {  	[smem:$0x6CC] =	sst s8;
	s14 =	spop (drf)  }
0x2c4: {  	(drf) =	srem.u32 s1, s4;
	s8 =	spop (v2sf)  }
0x2c5: {  	[smem:$0x6CA] =	sst s14;
	s21 =	spop (drf)  }
0x2c6: {  	(drf) =	srem.u32 s8, s31;
	s14 =	spop (v2sf)  }
0x2c7: {  	s29 =	spop (drf);
	(drf) =	srem.u32 s14, s3  }
0x2c8: {  	(v2sf) =	vpush v12, $0xD;
	[smem:$0x6D0] =	sst s29;
	s29 =	spop (v2sf)  }
0x2c9: {  	(drf) =	srem.u32 s29, s18;
	s1 =	spop (v2sf)  }
0x2ca: {  	(drf) =	srem.u32 s1, s2;
	s8 =	spop (v2sf)  }
0x2cb: {  	(v2sf) =	vpush v12, $0xE;
	v12 =	vor.u32 $0xE0, v0;
	(drf) =	srem.u32 s8, s22;
	s14 =	spop (v2sf)  }
0x2cc: {  	(v2sf) =	vpush v12, $0x0;
	s29 =	smov.u32 s17;
	(drf) =	srem.u32 s14, s17;
	s17 =	spop (v2sf)  }
0x2cd: {  	(v2sf) =	vpush v12, $0xF;
	(drf) =	srem.u32 s17, s23;
	s1 =	spop (v2sf)  }
0x2ce: {  	(v2sf) =	vpush v12, $0x1;
	(drf) =	srem.u32 s1, s7;
	s14 =	spop (v2sf)  }
0x2cf: {  	(v2sf) =	vpush v12, $0x2;
	s17 =	spop (drf);
	(drf) =	srem.u32 s14, s6  }
0x2d0: {  	s8 =	smov.u32 s23;
	(v2sf) =	vpush v12, $0x3;
	[smem:$0x6D1] =	sst s17;
	s23 =	spop (drf)  }
0x2d1: {  	(v2sf) =	vpush v12, $0x4;
	[smem:$0x6D2] =	sst s23;
	s1 =	spop (drf)  }
0x2d2: {  	(v2sf) =	vpush v12, $0x5;
	[smem:$0x6D3] =	sst s1;
	s14 =	spop (drf)  }
0x2d3: {  	(v2sf) =	vpush v12, $0x6;
	[smem:$0x6D5] =	sst s14;
	s17 =	spop (drf)  }
0x2d4: {  	[smem:$0x6D7] =	sst s17;
	s23 =	spop (drf)  }
0x2d5: {  	[smem:$0x6D9] =	sst s23;
	s1 =	spop (drf)  }
0x2d6: {  	[smem:$0x6DB] =	sst s1;
	s14 =	spop (drf)  }
0x2d7: {  	s1 =	spop (v2sf);
	[smem:$0x6DD] =	sst s14  }
0x2d8: {  	s17 =	spop (drf);
	(drf) =	srem.u32 s1, s10  }
0x2d9: {  	[smem:$0x6DF] =	sst s17;
	s23 =	spop (drf)  }
0x2da: {  	s17 =	spop (v2sf);
	[smem:$0x6E1] =	sst s23  }
0x2db: {  	(drf) =	srem.u32 s17, s30;
	s23 =	spop (v2sf)  }
0x2dc: {  	(v2sf) =	vpush v12, $0x7;
	(drf) =	srem.u32 s23, s25;
	s1 =	spop (v2sf)  }
0x2dd: {  	s14 =	smov.u32 s10;
	(drf) =	srem.u32 s1, s5;
	s10 =	spop (v2sf)  }
0x2de: {  	(v2sf) =	vpush v12, $0x8;
	(drf) =	srem.u32 s10, s11;
	s17 =	spop (v2sf)  }
0x2df: {  	(drf) =	srem.u32 s17, s9;
	s23 =	spop (v2sf)  }
0x2e0: {  	(v2sf) =	vpush v12, $0x9;
	(drf) =	srem.u32 s23, s4;
	s1 =	spop (v2sf)  }
0x2e1: {  	(v2sf) =	vpush v12, $0xA;
	s10 =	smov.u32 s9;
	(drf) =	srem.u32 s1, s31;
	s9 =	spop (v2sf)  }
0x2e2: {  	s12 =	smov.u32 s11;
	(v2sf) =	vpush v12, $0xB;
	(drf) =	srem.u32 s9, s3;
	s11 =	spop (v2sf)  }
0x2e3: {  	(v2sf) =	vpush v12, $0xC;
	s23 =	smov.u32 s18;
	(drf) =	srem.u32 s11, s18;
	s18 =	spop (drf)  }
0x2e4: {  	[smem:$0x6CE] =	sst s21;
	(v2sf) =	vpush v12, $0xD;
	s1 =	spop (drf)  }
0x2e5: {  	s17 =	smov.u32 s3;
	(v2sf) =	vpush v12, $0xE;
	v12 =	vor.u32 $0xF0, v0;
	[smem:$0x6E3] =	sst s18;
	s3 =	spop (drf)  }
0x2e6: {  	(v2sf) =	vpush v12, $0x0;
	[smem:$0x6E5] =	sst s1;
	s11 =	spop (drf)  }
0x2e7: {  	[smem:$0x6D4] =	sst s3;
	s9 =	spop (drf)  }
0x2e8: {  	[smem:$0x6D6] =	sst s9;
	s18 =	spop (drf)  }
0x2e9: {  	(v2sf) =	vpush v12, $0xF;
	[smem:$0x6D8] =	sst s18;
	s1 =	spop (drf)  }
0x2ea: {  	[smem:$0x6DA] =	sst s1;
	s3 =	spop (drf)  }
0x2eb: {  	s1 =	spop (v2sf);
	[smem:$0x6DC] =	sst s3  }
0x2ec: {  	s9 =	spop (drf);
	(drf) =	srem.u32 s1, s2  }
0x2ed: {  	s3 =	spop (v2sf);
	[smem:$0x6DE] =	sst s9  }
0x2ee: {  	s18 =	spop (drf);
	(drf) =	srem.u32 s3, s22  }
0x2ef: {  	s9 =	spop (v2sf);
	[smem:$0x6E0] =	sst s18  }
0x2f0: {  	(drf) =	srem.u32 s9, s29;
	s18 =	spop (v2sf)  }
0x2f1: {  	s3 =	smov.u32 s29;
	(drf) =	srem.u32 s18, s8;
	s29 =	spop (v2sf)  }
0x2f2: {  	(v2sf) =	vpush v12, $0x1;
	(drf) =	srem.u32 s29, s7;
	s1 =	spop (v2sf)  }
0x2f3: {  	(drf) =	srem.u32 s1, s6;
	s9 =	spop (v2sf)  }
0x2f4: {  	(drf) =	srem.u32 s9, s14;
	s18 =	spop (v2sf)  }
0x2f5: {  	(drf) =	srem.u32 s18, s30;
	s29 =	spop (v2sf)  }
0x2f6: {  	(drf) =	srem.u32 s29, s25;
	s29 =	smov.u32 s25;
	s25 =	rddreg [dreg:$0x1f]  }
0x2f7: {  	s9 =	spop (drf);
	v13 =	vmov s25;
	s25 =	rddreg [dreg:$0x1b]  }
0x2f8: {  	(v2sf) =	vpush v12, $0x2;
	s1 =	spop (v2sf);
	[smem:$0x6E2] =	sst s9  }
0x2f9: {  	s18 =	spop (drf);
	s9 =	rddreg [dreg:$0x17]  }
0x2fa: {  	(v2sf) =	vpush v12, $0x3;
	(drf) =	srem.u32 s1, s5;
	[smem:$0x6E4] =	sst s18  }
0x2fb: {  	s1 =	spop (drf);
	v13 =	vsel vm1, s9, v13;
	s9 =	rddreg [dreg:$0x18]  }
0x2fc: {  	(v2sf) =	vpush v12, $0x4;
	[smem:$0x6E6] =	sst s1;
	s18 =	spop (drf)  }
0x2fd: {  	v13 =	vsel vm2, s25, v13;
	[smem:$0x6E7] =	sst s18  }
0x2fe: {  	(v2sf) =	vpush v12, $0x5;
	s1 =	spop (drf);
	v13 =	vsel vm3, s9, v13;
	s9 =	sld [smem:$0x696]  }
0x2ff: {  	[smem:$0x6E8] =	sst s1;
	s18 =	spop (drf)  }
0x300: {  	(v2sf) =	vpush v12, $0x6;
	v13 =	vsel vm4, s20, v13;
	s20 =	sld [smem:$0x698];
	s25 =	spop (drf)  }
0x301: {  	[smem:$0x6EA] =	sst s18;
	v13 =	vsel vm5, s19, v13;
	s19 =	spop (v2sf)  }
0x302: {  	(v2sf) =	vpush v12, $0x7;
	[smem:$0x6EC] =	sst s25;
	s1 =	spop (drf)  }
0x303: {  	v13 =	vsel vm6, s9, v13;
	(drf) =	srem.u32 s19, s12;
	s19 =	sld [smem:$0x69B]  }
0x304: {  	[smem:$0x6EE] =	sst s1;
	v13 =	vsel vm7, s15, v13  }
0x305: {  	(v2sf) =	vpush v12, $0x8;
	v13 =	vsel vm8, s16, v13;
	s16 =	sld [smem:$0x697]  }
0x306: {  	s15 =	sld [smem:$0x69A]  }
0x307: {  	s25 =	spop (v2sf);
	v13 =	vsel vm9, s13, v13;
	s13 =	sld [smem:$0x699]  }
0x308: {  	(v2sf) =	vpush v12, $0x9;
	(drf) =	srem.u32 s25, s10;
	s25 =	sld [smem:$0x69D];
	v14 =	vmov s16  }
0x309: {  	s21 =	smov.u32 s4;
	s16 =	spop (v2sf);
	v14 =	vsel vm1, s20, v14;
	s20 =	sld [smem:$0x69C]  }
0x30a: {  	v13 =	vsel vm10, s13, v13;
	(drf) =	srem.u32 s16, s21;
	s13 =	sld [smem:$0x69F]  }
0x30b: {  	s21 =	spop (v2sf);
	s16 =	sld [smem:$0x6A0]  }
0x30c: {  	v13 =	vsel vm11, s19, v13;
	s19 =	smov.u32 s4;
	s4 =	sld [smem:$0x69E];
	(drf) =	srem.u32 s21, s31  }
0x30d: {  	v14 =	vsel vm2, s15, v14;
	s15 =	smov.u32 s10;
	s10 =	spop (v2sf);
	s21 =	sld [smem:$0x6A2]  }
0x30e: {  	(drf) =	srem.u32 s10, s17;
	s10 =	sld [smem:$0x6A4]  }
0x30f: {  	s17 =	spop (v2sf);
	v14 =	vsel vm3, s20, v14;
	s20 =	sld [smem:$0x6A1]  }
0x310: {  	(drf) =	srem.u32 s17, s23;
	s23 =	sld [smem:$0x6A8]  }
0x311: {  	v13 =	vsel vm12, s25, v13;
	s25 =	spop (v2sf);
	v14 =	vsel vm4, s4, v14;
	s4 =	sld [smem:$0x6A3]  }
0x312: {  	(drf) =	srem.u32 s25, s2;
	s25 =	sld [smem:$0x6A9]  }
0x313: {  	s2 =	sld [smem:$0x6AA]  }
0x314: {  	(v2sf) =	vpush v12, $0xA;
	v13 =	vsel vm13, s13, v13;
	s13 =	spop (v2sf);
	v14 =	vsel vm5, s16, v14;
	s16 =	sld [smem:$0x6A5]  }
0x315: {  	(drf) =	srem.u32 s13, s22;
	s13 =	sld [smem:$0x6AD]  }
0x316: {  	s18 =	spop (drf);
	v13 =	vsel vm15, s20, v13;
	s20 =	sld [smem:$0x6A6]  }
0x317: {  	s17 =	spop (v2sf);
	v14 =	vsel vm6, s21, v14;
	s21 =	sld [smem:$0x6A7]  }
0x318: {  	(drf) =	srem.u32 s17, s3;
	s3 =	sld [smem:$0x6AB]  }
0x319: {  	s17 =	sld [smem:$0x6AF]  }
0x31a: {  	v14 =	vsel vm7, s10, v14;
	s10 =	sld [smem:$0x6AC]  }
0x31b: {  	v14 =	vsel vm8, s16, v14;
	s16 =	sld [smem:$0x6AE]  }
0x31c: {  	v52 =	vmov s13;
	s13 =	sld [smem:$0x6B5]  }
0x31d: {  	v14 =	vsel vm9, s20, v14;
	s20 =	sld [smem:$0x6B0]  }
0x31e: {  	v15 =	vmov s21;
	s21 =	sld [smem:$0x6B1]  }
0x31f: {  	v16 =	vsel vm1, s17, v52;
	s17 =	sld [smem:$0x6B7]  }
0x320: {  	v14 =	vsel vm10, s23, v14;
	s23 =	sld [smem:$0x6B2]  }
0x321: {  	v15 =	vsel vm1, s25, v15;
	s25 =	sld [smem:$0x6B3]  }
0x322: {  	s9 =	spop (drf);
	v14 =	vsel vm11, s2, v14;
	v15 =	vsel vm2, s3, v15;
	s2 =	sld [smem:$0x6B4]  }
0x323: {  	(v2sf) =	vpush v12, $0xB;
	s22 =	spop (v2sf);
	v15 =	vsel vm3, s10, v15;
	s10 =	sld [smem:$0x6D5]  }
0x324: {  	(drf) =	srem.u32 s22, s8;
	v15 =	vsel vm4, s16, v15;
	s16 =	sld [smem:$0x6B6]  }
0x325: {  	v13 =	vsel vm14, s4, v13;
	s4 =	spop (drf);
	v16 =	vsel vm2, s21, v16;
	v15 =	vsel vm5, s20, v15;
	s20 =	sld [smem:$0x6B8]  }
0x326: {  	(v2sf) =	vpush v12, $0xC;
	s22 =	spop (drf);
	v14 =	vsel vm12, s23, v14;
	v16 =	vsel vm3, s2, v16;
	s2 =	sld [smem:$0x6BA]  }
0x327: {  	s0 =	spop (drf);
	v14 =	vsel vm13, s13, v14;
	s13 =	sld [smem:$0x6BB]  }
0x328: {  	(v2sf) =	vpush v12, $0xD;
	s1 =	spop (drf);
	v15 =	vsel vm6, s25, v15;
	s25 =	sld [smem:$0x6B9]  }
0x329: {  	s3 =	spop (drf);
	v16 =	vsel vm4, s17, v16;
	s17 =	sld [smem:$0x6BD]  }
0x32a: {  	(v2sf) =	vpush v12, $0xE;
	s21 =	spop (drf);
	v15 =	vsel vm7, s16, v15;
	s16 =	sld [smem:$0x6BC]  }
0x32b: {  	v12 =	vor.u32 $0x100, v0;
	s23 =	spop (drf);
	v14 =	vsel vm15, s20, v14;
	v16 =	vsel vm5, s2, v16;
	s2 =	sld [smem:$0x6BE]  }
0x32c: {  	(v2sf) =	vpush v12, $0x0;
	v15 =	vsel vm8, s25, v15;
	s25 =	spop (drf);
	v14 =	vsel vm14, s13, v14;
	s13 =	sld [smem:$0x6BF]  }
0x32d: {  	v16 =	vsel vm6, s17, v16;
	s17 =	sld [smem:$0x6C0];
	s20 =	spop (drf)  }
0x32e: {  	(v2sf) =	vpush v12, $0xF;
	[smem:$0x6F1] =	sst s20  }
0x32f: {  	v15 =	vsel vm9, s16, v15;
	s16 =	spop (drf);
	s20 =	sld [smem:$0x6C1]  }
0x330: {  	(v2sf) =	vpush v12, $0x1;
	[smem:$0x6F2] =	sst s16  }
0x331: {  	v15 =	vsel vm10, s2, v15;
	s16 =	sld [smem:$0x6C2]  }
0x332: {  	(v2sf) =	vpush v12, $0x2;
	s2 =	spop (v2sf);
	v15 =	vsel vm11, s17, v15;
	s17 =	sld [smem:$0x6C3]  }
0x333: {  	(drf) =	srem.u32 s2, s7;
	s2 =	sld [smem:$0x6C4]  }
0x334: {  	v13 =	vld.idx.msk [tilespmem:v13+s28+$0x0], $0xffff;
	v16 =	vsel vm7, s13, v16;
	s13 =	sld [smem:$0x6CA]  }
0x335: {  	(v2sf) =	vpush v12, $0x3;
	v16 =	vsel vm8, s20, v16;
	s20 =	spop (v2sf);
	v15 =	vsel vm12, s16, v15;
	s16 =	sld [smem:$0x6C5]  }
0x336: {  	(drf) =	srem.u32 s20, s6;
	s20 =	sld [smem:$0x6C6]  }
0x337: {  	v16 =	vsel vm9, s17, v16;
	s17 =	spop (v2sf);
	v53 =	vmov s13;
	s13 =	sld [smem:$0x6CD]  }
0x338: {  	(v2sf) =	vpush v12, $0x4;
	(drf) =	srem.u32 s17, s14;
	s17 =	sld [smem:$0x6C8]  }
0x339: {  	v13 =	vpsel p0, $0x10000, v13;
	v15 =	vsel vm13, s2, v15;
	s2 =	sld [smem:$0x6C7];
	v16 =	vsel vm10, s16, v16;
	s16 =	spop (v2sf)  }
0x33a: {  	[tilespmem:$0xC3B0] =	vst v13;
	v13 =	vsel vm15, s20, v15;
	s20 =	sld [smem:$0x6C9];
	(drf) =	srem.u32 s16, s30  }
0x33b: {  	v13 =	vsel vm14, s17, v13;
	s16 =	spop (v2sf);
	s17 =	sld [smem:$0x6CB]  }
0x33c: {  	v15 =	vsel vm11, s2, v16;
	(drf) =	srem.u32 s16, s29;
	s16 =	sld [smem:$0x6CE]  }
0x33d: {  	s29 =	spop (v2sf);
	v15 =	vsel vm12, s20, v15;
	s20 =	sld [smem:$0x6CC]  }
0x33e: {  	(drf) =	srem.u32 s29, s5;
	s29 =	sld [smem:$0x6D0];
	v15 =	vsel vm13, s17, v15  }
0x33f: {  	s17 =	spop (v2sf);
	v15 =	vsel vm15, s13, v15;
	s13 =	sld [smem:$0x6D1]  }
0x340: {  	(drf) =	srem.u32 s17, s12;
	s17 =	sld [smem:$0x6D2]  }
0x341: {  	s12 =	spop (v2sf);
	v16 =	vsel vm1, s20, v53;
	s20 =	sld [smem:$0x6CF]  }
0x342: {  	(drf) =	srem.u32 s12, s15;
	s12 =	sld [smem:$0x6D6]  }
0x343: {  	s15 =	sld [smem:$0x6D8];
	v16 =	vsel vm2, s16, v16  }
0x344: {  	v14 =	vld.idx.msk [tilespmem:v14+s28+$0x0], $0xffff;
	s16 =	spop (v2sf);
	v16 =	vsel vm3, s29, v16;
	s29 =	sld [smem:$0x6D4]  }
0x345: {  	(drf) =	srem.u32 s16, s19;
	s16 =	sld [smem:$0x6D9]  }
0x346: {  	(v2sf) =	vpush v12, $0x5;
	v15 =	vsel vm14, s20, v15;
	s20 =	sld [smem:$0x6D3]  }
0x347: {  	(v2sf) =	vpush v12, $0x6;
	s19 =	spop (v2sf);
	v16 =	vsel vm4, s13, v16;
	s13 =	sld [smem:$0x6D7]  }
0x348: {  	v17 =	vmov s11;
	(v2sf) =	vpush v12, $0x7;
	(drf) =	srem.u32 s19, s31;
	s19 =	sld [smem:$0x6DB]  }
0x349: {  	v14 =	vpsel p0, $0x10000, v14;
	v16 =	vsel vm5, s17, v16;
	s17 =	sld [smem:$0x6DA];
	v54 =	vsel vm1, s29, v17  }
0x34a: {  	(v2sf) =	vpush v12, $0x8;
	[tilespmem:$0xC3C0] =	vst v14;
	s29 =	sld [smem:$0x6DD];
	v14 =	vsel vm6, s20, v16;
	v16 =	vsel vm2, s12, v54  }
0x34b: {  	(v2sf) =	vpush v12, $0x9;
	s20 =	sld [smem:$0x6DC];
	v14 =	vsel vm7, s10, v14;
	v16 =	vsel vm3, s15, v16  }
0x34c: {  	(v2sf) =	vpush v12, $0xA;
	v14 =	vsel vm8, s13, v14;
	v16 =	vsel vm4, s17, v16;
	s17 =	sld [smem:$0x6DF]  }
0x34d: {  	(v2sf) =	vpush v12, $0xB;
	v13 =	vld.idx.msk [tilespmem:v13+s28+$0x0], $0xffff;
	v14 =	vsel vm9, s16, v14;
	s16 =	sld [smem:$0x6DE]  }
0x34e: {  	(v2sf) =	vpush v12, $0xC;
	v16 =	vsel vm5, s20, v16;
	s20 =	sld [smem:$0x6E1]  }
0x34f: {  	(v2sf) =	vpush v12, $0xD;
	v14 =	vsel vm10, s19, v14;
	s19 =	sld [smem:$0x6E0]  }
0x350: {  	(v2sf) =	vpush v12, $0xE;
	v12 =	vsel vm11, s29, v14;
	s29 =	sld [smem:$0x6E2]  }
0x351: {  	v14 =	vsel vm6, s16, v16;
	v12 =	vsel vm12, s17, v12;
	s17 =	sld [smem:$0x6E3]  }
0x352: {  	v13 =	vpsel p0, $0x10000, v13;
	v14 =	vsel vm7, s19, v14  }
0x353: {  	[tilespmem:$0xC3D0] =	vst v13;
	v12 =	vsel vm13, s20, v12;
	v13 =	vsel vm8, s29, v14;
	s29 =	sld [smem:$0x6E4]  }
0x354: {  	v12 =	vsel vm15, s17, v12;
	s17 =	sld [smem:$0x6E5]  }
0x355: {  	s11 =	spop (drf)  }
0x356: {  	s10 =	spop (drf);
	v13 =	vsel vm9, s29, v13;
	s29 =	sld [smem:$0x6E6]  }
0x357: {  	s12 =	spop (drf);
	v12 =	vsel vm14, s17, v12;
	s17 =	sld [smem:$0x6E7]  }
0x358: {  	s13 =	spop (drf)  }
0x359: {  	s15 =	spop (drf);
	v13 =	vsel vm10, s29, v13  }
0x35a: {  	s16 =	spop (drf);
	v13 =	vsel vm11, s17, v13;
	s17 =	sld [smem:$0x6E8]  }
0x35b: {  	s19 =	spop (drf)  }
0x35c: {  	s20 =	spop (drf)  }
0x35d: {  	v14 =	vld.idx.msk [tilespmem:v15+s28+$0x0], $0xffff;
	v15 =	vmov s9;
	s9 =	spop (drf);
	v13 =	vsel vm12, s17, v13;
	s17 =	sld [smem:$0x6E9]  }
0x35e: {  	v15 =	vsel vm1, s18, v15;
	s18 =	spop (drf)  }
0x35f: {  	s29 =	spop (v2sf)  }
0x360: {  	(drf) =	srem.u32 s29, s17;
	s29 =	sld [smem:$0x6EA]  }
0x361: {  	_ = 	snop  }
0x362: {  	v15 =	vsel vm2, s4, v15  }
0x363: {  	v15 =	vsel vm3, s22, v15;
	v13 =	vsel vm13, s29, v13;
	s29 =	sld [smem:$0x6EB]  }
0x364: {  	v15 =	vsel vm4, s0, v15  }
0x365: {  	v14 =	vpsel p0, $0x10000, v14;
	v15 =	vsel vm5, s1, v15;
	s22 =	spop (v2sf)  }
0x366: {  	[tilespmem:$0xC3E0] =	vst v14;
	v14 =	vsel vm6, s3, v15;
	v15 =	vor.u32 $0x110, v0;
	(drf) =	srem.u32 s22, s29;
	s22 =	sld [smem:$0x6EC]  }
0x367: {  	(v2sf) =	vpush v15, $0x0;
	_ =	sdelay $0x1  }
0x368: {  	v13 =	vsel vm15, s22, v13;
	s22 =	sld [smem:$0x6EE]  }
0x369: {  	s2 =	sld [smem:$0x6ED]  }
0x36a: {  	(v2sf) =	vpush v15, $0xF  }
0x36b: {  	s4 =	spop (v2sf);
	v13 =	vsel vm14, s22, v13;
	s22 =	sld [smem:$0x6EF]  }
0x36c: {  	(drf) =	srem.u32 s4, s2;
	s4 =	spop (v2sf)  }
0x36d: {  	s1 =	spop (v2sf)  }
0x36e: {  	(drf) =	srem.u32 s4, s22;
	s4 =	sld [smem:$0x6F0]  }
0x36f: {  	v14 =	vsel vm7, s21, v14;
	s3 =	spop (v2sf)  }
0x370: {  	v55 =	vmov s16;
	v14 =	vsel vm8, s23, v14;
	s23 =	sld [smem:$0x6F1];
	v12 =	vld.idx.msk [tilespmem:v12+s28+$0x0], $0xffff;
	s16 =	spop (v2sf)  }
0x371: {  	v16 =	vsel vm1, s15, v55;
	(v2sf) =	vpush v15, $0x1;
	s21 =	spop (v2sf);
	(drf) =	srem.u32 s1, s4  }
0x372: {  	v16 =	vsel vm2, s19, v16;
	(v2sf) =	vpush v15, $0x2;
	(drf) =	srem.u32 s3, s8;
	s3 =	sld [smem:$0x6F2]  }
0x373: {  	v16 =	vsel vm3, s20, v16;
	v14 =	vsel vm9, s25, v14;
	(v2sf) =	vpush v15, $0x3;
	s25 =	spop (v2sf)  }
0x374: {  	v16 =	vsel vm4, s9, v16;
	v14 =	vsel vm10, s23, v14;
	s9 =	spop (v2sf);
	(drf) =	srem.u32 s16, s7  }
0x375: {  	v12 =	vpsel p0, $0x10000, v12;
	(v2sf) =	vpush v15, $0x4;
	(drf) =	srem.u32 s21, s6;
	v14 =	vsel vm11, s3, v14;
	s3 =	spop (v2sf)  }
0x376: {  	[tilespmem:$0xC3F0] =	vst v12;
	(drf) =	srem.u32 s25, s14;
	v12 =	vsel vm12, s11, v14;
	v14 =	vsel vm5, s18, v16;
	s11 =	spop (drf)  }
0x377: {  	(v2sf) =	vpush v15, $0x5;
	v14 =	vsel vm6, s11, v14;
	s15 =	spop (drf)  }
0x378: {  	(v2sf) =	vpush v15, $0x6;
	v13 =	vld.idx.msk [tilespmem:v13+s28+$0x0], $0xffff;
	(drf) =	srem.u32 s9, s30;
	v14 =	vsel vm7, s15, v14;
	s16 =	spop (drf)  }
0x379: {  	(v2sf) =	vpush v15, $0x7;
	s9 =	spop (v2sf);
	v14 =	vsel vm8, s16, v14;
	s16 =	sld [smem:$0x750]  }
0x37a: {  	(v2sf) =	vpush v15, $0x8;
	s18 =	spop (drf)  }
0x37b: {  	v12 =	vsel vm13, s10, v12;
	v14 =	vsel vm9, s18, v14;
	s19 =	spop (drf)  }
0x37c: {  	v12 =	vsel vm15, s12, v12;
	v14 =	vsel vm10, s19, v14;
	s20 =	spop (drf);
	(drf) =	srem.u32 s3, s16  }
0x37d: {  	v13 =	vpsel p0, $0x10000, v13;
	v12 =	vsel vm14, s13, v12;
	v14 =	vsel vm11, s20, v14;
	s21 =	spop (drf)  }
0x37e: {  	[tilespmem:$0xC400] =	vst v13;
	v13 =	vsel vm12, s21, v14;
	s23 =	spop (drf)  }
0x37f: {  	v13 =	vsel vm13, s23, v13;
	s25 =	spop (drf)  }
0x380: {  	(v2sf) =	vpush v15, $0x9;
	s10 =	spop (v2sf);
	v13 =	vsel vm15, s25, v13;
	s25 =	sld [smem:$0x74C]  }
0x381: {  	(v2sf) =	vpush v15, $0xA;
	s15 =	spop (v2sf);
	(drf) =	srem.u32 s9, s5  }
0x382: {  	(v2sf) =	vpush v15, $0xB;
	s18 =	spop (v2sf);
	s9 =	sld [smem:$0x74D];
	v12 =	vld.idx.msk [tilespmem:v12+s28+$0x0], $0xffff  }
0x383: {  	(v2sf) =	vpush v15, $0xC;
	s1 =	spop (drf);
	(drf) =	srem.u32 s10, s25  }
0x384: {  	s19 =	spop (v2sf);
	v13 =	vsel vm14, s1, v13  }
0x385: {  	(drf) =	srem.u32 s15, s9;
	s11 =	spop (drf)  }
0x386: {  	s20 =	spop (v2sf);
	[smem:$0x6F5] =	sst s11  }
0x387: {  	s21 =	spop (v2sf);
	v12 =	vpsel p0, $0x10000, v12;
	s11 =	sld [smem:$0x6F3]  }
0x388: {  	s23 =	spop (v2sf);
	[tilespmem:$0xC410] =	vst v12  }
0x389: {  	s1 =	spop (v2sf);
	v12 =	vld.idx.msk [tilespmem:v13+s28+$0x0], $0xffff  }
0x38a: {  	s12 =	spop (drf);
	(drf) =	srem.u32 s18, s11  }
0x38b: {  	(v2sf) =	vpush v15, $0xD;
	[smem:$0x6F4] =	sst s12;
	(drf) =	srem.u32 s19, s31  }
0x38c: {  	s13 =	spop (drf);
	(drf) =	srem.u32 s20, s17  }
0x38d: {  	(v2sf) =	vpush v15, $0xE;
	[dreg:$0x1e] =	wrdreg s13;
	(drf) =	srem.u32 s21, s29  }
0x38e: {  	v12 =	vpsel p0, $0x10000, v12;
	s0 =	spop (drf);
	(drf) =	srem.u32 s23, s2  }
0x38f: {  	s3 =	smov.u32 s2;
	[tilespmem:$0xC420] =	vst v12;
	v12 =	vor.u32 $0x120, v0;
	[smem:$0x6F6] =	sst s0;
	s2 =	spop (v2sf)  }
0x390: {  	(v2sf) =	vpush v12, $0x0;
	(drf) =	srem.u32 s1, s22;
	s10 =	spop (v2sf)  }
0x391: {  	(v2sf) =	vpush v12, $0xF;
	(drf) =	srem.u32 s2, s4;
	s12 =	spop (v2sf)  }
0x392: {  	(drf) =	srem.u32 s10, s8;
	s13 =	spop (v2sf)  }
0x393: {  	(v2sf) =	vpush v12, $0x1;
	(drf) =	srem.u32 s12, s7;
	s15 =	spop (drf)  }
0x394: {  	(v2sf) =	vpush v12, $0x2;
	[smem:$0x6F7] =	sst s15;
	s18 =	spop (drf)  }
0x395: {  	(v2sf) =	vpush v12, $0x3;
	[smem:$0x6F8] =	sst s18;
	s19 =	spop (drf)  }
0x396: {  	(v2sf) =	vpush v12, $0x4;
	[smem:$0x6FA] =	sst s19;
	s20 =	spop (drf)  }
0x397: {  	(v2sf) =	vpush v12, $0x5;
	[smem:$0x6FC] =	sst s20;
	s21 =	spop (drf)  }
0x398: {  	(drf) =	srem.u32 s13, s6;
	[smem:$0x6FE] =	sst s21  }
0x399: {  	s0 =	spop (drf)  }
0x39a: {  	s12 =	spop (v2sf)  }
0x39b: {  	s23 =	spop (drf)  }
0x39c: {  	(v2sf) =	vpush v12, $0x6;
	s13 =	spop (v2sf)  }
0x39d: {  	s1 =	spop (drf)  }
0x39e: {  	(drf) =	srem.u32 s12, s14;
	s2 =	spop (drf)  }
0x39f: {  	(v2sf) =	vpush v12, $0x7;
	(drf) =	srem.u32 s13, s30;
	s15 =	spop (v2sf)  }
0x3a0: {  	(drf) =	srem.u32 s15, s16;
	s18 =	spop (v2sf)  }
0x3a1: {  	(v2sf) =	vpush v12, $0x8;
	s10 =	spop (drf);
	(drf) =	srem.u32 s18, s5  }
0x3a2: {  	[smem:$0x702] =	sst s23;
	s19 =	spop (v2sf)  }
0x3a3: {  	(v2sf) =	vpush v12, $0x9;
	(drf) =	srem.u32 s19, s25;
	s20 =	spop (v2sf)  }
0x3a4: {  	(drf) =	srem.u32 s20, s9;
	s21 =	spop (v2sf)  }
0x3a5: {  	[smem:$0x704] =	sst s1;
	(v2sf) =	vpush v12, $0xA;
	s23 =	spop (v2sf)  }
0x3a6: {  	(v2sf) =	vpush v12, $0xB;
	(drf) =	srem.u32 s21, s11;
	s1 =	spop (v2sf)  }
0x3a7: {  	[smem:$0x706] =	sst s2;
	(v2sf) =	vpush v12, $0xC;
	s12 =	spop (drf)  }
0x3a8: {  	(v2sf) =	vpush v12, $0xD;
	(drf) =	srem.u32 s23, s31;
	s21 =	spop (drf)  }
0x3a9: {  	[smem:$0x708] =	sst s10;
	(v2sf) =	vpush v12, $0xE;
	s13 =	spop (drf)  }
0x3aa: {  	v12 =	vor.u32 $0x130, v0;
	(drf) =	srem.u32 s1, s17;
	s15 =	spop (drf)  }
0x3ab: {  	(v2sf) =	vpush v12, $0x0;
	[smem:$0x70A] =	sst s12;
	s10 =	spop (v2sf)  }
0x3ac: {  	[smem:$0x6FB] =	sst s13;
	s18 =	spop (drf)  }
0x3ad: {  	[smem:$0x6F9] =	sst s15;
	s19 =	spop (drf)  }
0x3ae: {  	(drf) =	srem.u32 s10, s29;
	s10 =	spop (v2sf)  }
0x3af: {  	[smem:$0x6FD] =	sst s18;
	s20 =	spop (drf)  }
0x3b0: {  	(v2sf) =	vpush v12, $0xF;
	[smem:$0x6FF] =	sst s19;
	s12 =	spop (v2sf)  }
0x3b1: {  	(drf) =	srem.u32 s10, s3;
	s23 =	spop (drf)  }
0x3b2: {  	[smem:$0x701] =	sst s20;
	s13 =	spop (v2sf)  }
0x3b3: {  	s2 =	smov.u32 s31;
	(v2sf) =	vpush v12, $0x1;
	(drf) =	srem.u32 s12, s22;
	s31 =	spop (drf)  }
0x3b4: {  	(drf) =	srem.u32 s13, s4;
	s15 =	spop (v2sf)  }
0x3b5: {  	(v2sf) =	vpush v12, $0x2;
	(drf) =	srem.u32 s15, s8;
	s18 =	spop (v2sf)  }
0x3b6: {  	[smem:$0x705] =	sst s31;
	s19 =	spop (v2sf)  }
0x3b7: {  	(v2sf) =	vpush v12, $0x3;
	(drf) =	srem.u32 s18, s7;
	s20 =	spop (v2sf)  }
0x3b8: {  	(v2sf) =	vpush v12, $0x4;
	(drf) =	srem.u32 s19, s6;
	s31 =	spop (v2sf)  }
0x3b9: {  	(v2sf) =	vpush v12, $0x5;
	(drf) =	srem.u32 s20, s14;
	s1 =	spop (drf)  }
0x3ba: {  	[smem:$0x707] =	sst s1;
	s1 =	spop (v2sf)  }
0x3bb: {  	[smem:$0x703] =	sst s23;
	(v2sf) =	vpush v12, $0x6;
	s13 =	spop (drf)  }
0x3bc: {  	(v2sf) =	vpush v12, $0x7;
	(drf) =	srem.u32 s31, s30;
	s15 =	spop (drf)  }
0x3bd: {  	(drf) =	srem.u32 s1, s16;
	s18 =	spop (drf)  }
0x3be: {  	(v2sf) =	vpush v12, $0x8;
	[smem:$0x709] =	sst s13;
	s19 =	spop (drf)  }
0x3bf: {  	[smem:$0x70B] =	sst s15;
	s12 =	spop (v2sf)  }
0x3c0: {  	(v2sf) =	vpush v12, $0x9;
	[smem:$0x70D] =	sst s18;
	s20 =	spop (drf)  }
0x3c1: {  	[smem:$0x70F] =	sst s19;
	s31 =	spop (drf)  }
0x3c2: {  	(drf) =	srem.u32 s12, s5;
	s15 =	spop (v2sf)  }
0x3c3: {  	s10 =	smov.u32 s30;
	[smem:$0x711] =	sst s20;
	s30 =	spop (drf)  }
0x3c4: {  	(v2sf) =	vpush v12, $0xA;
	(drf) =	srem.u32 s15, s25;
	s18 =	spop (v2sf)  }
0x3c5: {  	[smem:$0x713] =	sst s30;
	s1 =	spop (drf)  }
0x3c6: {  	(drf) =	srem.u32 s18, s9;
	s19 =	spop (v2sf)  }
0x3c7: {  	(v2sf) =	vpush v12, $0xB;
	[smem:$0x715] =	sst s1;
	s20 =	spop (v2sf)  }
0x3c8: {  	(drf) =	srem.u32 s19, s11;
	s30 =	spop (v2sf)  }
0x3c9: {  	(v2sf) =	vpush v12, $0xC;
	(drf) =	srem.u32 s20, s2;
	s12 =	spop (drf)  }
0x3ca: {  	(v2sf) =	vpush v12, $0xD;
	(drf) =	srem.u32 s30, s17;
	s1 =	spop (v2sf)  }
0x3cb: {  	(v2sf) =	vpush v12, $0xE;
	[smem:$0x70E] =	sst s12;
	s12 =	spop (v2sf)  }
0x3cc: {  	(drf) =	srem.u32 s1, s29;
	s13 =	spop (drf)  }
0x3cd: {  	s23 =	smov.u32 s3;
	v12 =	vor.u32 $0x140, v0;
	[smem:$0x70C] =	sst s13;
	s13 =	spop (v2sf)  }
0x3ce: {  	(v2sf) =	vpush v12, $0x0;
	(drf) =	srem.u32 s12, s23;
	s19 =	spop (drf)  }
0x3cf: {  	[smem:$0x7FC] =	sst s7;
	(v2sf) =	vpush v12, $0xF;
	s15 =	spop (v2sf)  }
0x3d0: {  	(drf) =	srem.u32 s13, s22;
	s30 =	spop (drf)  }
0x3d1: {  	(v2sf) =	vpush v12, $0x1;
	[smem:$0x710] =	sst s19;
	s20 =	spop (drf)  }
0x3d2: {  	(drf) =	srem.u32 s15, s4;
	s1 =	spop (drf)  }
0x3d3: {  	(v2sf) =	vpush v12, $0x2;
	[smem:$0x712] =	sst s20;
	s18 =	spop (v2sf)  }
0x3d4: {  	[smem:$0x714] =	sst s1;
	s12 =	spop (drf)  }
0x3d5: {  	(v2sf) =	vpush v12, $0x3;
	(drf) =	srem.u32 s18, s8;
	s13 =	spop (drf)  }
0x3d6: {  	[smem:$0x716] =	sst s12;
	s1 =	spop (v2sf)  }
0x3d7: {  	[smem:$0x717] =	sst s13;
	s15 =	spop (drf)  }
0x3d8: {  	(v2sf) =	vpush v12, $0x4;
	(drf) =	srem.u32 s1, s7;
	s12 =	spop (v2sf)  }
0x3d9: {  	(v2sf) =	vpush v12, $0x5;
	[smem:$0x719] =	sst s15;
	s13 =	spop (v2sf)  }
0x3da: {  	(drf) =	srem.u32 s12, s6;
	s15 =	spop (v2sf)  }
0x3db: {  	(v2sf) =	vpush v12, $0x6;
	(drf) =	srem.u32 s13, s14;
	s18 =	spop (drf)  }
0x3dc: {  	(drf) =	srem.u32 s15, s10;
	s19 =	spop (drf)  }
0x3dd: {  	(v2sf) =	vpush v12, $0x7;
	[smem:$0x71C] =	sst s18;
	s18 =	spop (v2sf)  }
0x3de: {  	(v2sf) =	vpush v12, $0x8;
	[smem:$0x71E] =	sst s19;
	s19 =	spop (v2sf)  }
0x3df: {  	(drf) =	srem.u32 s18, s16;
	s20 =	spop (drf)  }
0x3e0: {  	[smem:$0x720] =	sst s20;
	s20 =	spop (v2sf)  }
0x3e1: {  	(v2sf) =	vpush v12, $0x9;
	(drf) =	srem.u32 s19, s5;
	s13 =	spop (drf)  }
0x3e2: {  	(drf) =	srem.u32 s20, s25;
	s1 =	spop (v2sf)  }
0x3e3: {  	(v2sf) =	vpush v12, $0xA;
	[smem:$0x723] =	sst s13;
	s15 =	spop (drf)  }
0x3e4: {  	s12 =	smov.u32 s10;
	(drf) =	srem.u32 s1, s9;
	s10 =	spop (v2sf)  }
0x3e5: {  	(v2sf) =	vpush v12, $0xB;
	[smem:$0x726] =	sst s15;
	s18 =	spop (drf)  }
0x3e6: {  	s3 =	smov.u32 s14;
	(drf) =	srem.u32 s10, s11;
	s19 =	spop (drf)  }
0x3e7: {  	s14 =	smov.u32 s11;
	(v2sf) =	vpush v12, $0xC;
	[smem:$0x729] =	sst s18;
	s11 =	spop (v2sf)  }
0x3e8: {  	[smem:$0x72C] =	sst s19;
	s18 =	spop (v2sf)  }
0x3e9: {  	(v2sf) =	vpush v12, $0xD;
	(drf) =	srem.u32 s11, s2;
	s20 =	spop (drf)  }
0x3ea: {  	(drf) =	srem.u32 s18, s17;
	s19 =	spop (v2sf)  }
0x3eb: {  	[smem:$0x71A] =	sst s20;
	s1 =	spop (drf)  }
0x3ec: {  	(v2sf) =	vpush v12, $0xE;
	v12 =	vor.u32 $0x150, v0;
	(drf) =	srem.u32 s19, s29;
	s20 =	spop (v2sf)  }
0x3ed: {  	(v2sf) =	vpush v12, $0x0;
	[smem:$0x718] =	sst s1;
	s1 =	spop (v2sf)  }
0x3ee: {  	s10 =	smov.u32 s2;
	(drf) =	srem.u32 s20, s23;
	s2 =	spop (drf)  }
0x3ef: {  	(v2sf) =	vpush v12, $0xF;
	(drf) =	srem.u32 s1, s22;
	s11 =	spop (drf)  }
0x3f0: {  	[smem:$0x71B] =	sst s2;
	s2 =	spop (v2sf)  }
0x3f1: {  	(v2sf) =	vpush v12, $0x1;
	[smem:$0x71D] =	sst s11;
	s13 =	spop (drf)  }
0x3f2: {  	(v2sf) =	vpush v12, $0x2;
	(drf) =	srem.u32 s2, s4;
	s11 =	spop (v2sf)  }
0x3f3: {  	[smem:$0x71F] =	sst s13;
	s15 =	spop (drf)  }
0x3f4: {  	(drf) =	srem.u32 s11, s8;
	s13 =	spop (v2sf)  }
0x3f5: {  	(v2sf) =	vpush v12, $0x3;
	[smem:$0x721] =	sst s15;
	s20 =	spop (drf)  }
0x3f6: {  	(drf) =	srem.u32 s13, s7;
	s15 =	spop (v2sf)  }
0x3f7: {  	(v2sf) =	vpush v12, $0x4;
	[smem:$0x722] =	sst s20;
	s1 =	spop (drf)  }
0x3f8: {  	s18 =	smov.u32 s17;
	(drf) =	srem.u32 s15, s6;
	s17 =	spop (v2sf)  }
0x3f9: {  	(v2sf) =	vpush v12, $0x5;
	[smem:$0x724] =	sst s1;
	s2 =	spop (drf)  }
0x3fa: {  	s11 =	smov.u32 s6;
	(drf) =	srem.u32 s17, s3;
	s6 =	spop (drf)  }
0x3fb: {  	(v2sf) =	vpush v12, $0x6;
	[smem:$0x727] =	sst s2;
	s19 =	spop (v2sf)  }
0x3fc: {  	(v2sf) =	vpush v12, $0x7;
	[smem:$0x72A] =	sst s6;
	s2 =	spop (v2sf)  }
0x3fd: {  	(v2sf) =	vpush v12, $0x8;
	(drf) =	srem.u32 s19, s12;
	s13 =	spop (drf)  }
0x3fe: {  	(drf) =	srem.u32 s2, s16;
	s6 =	spop (v2sf)  }
0x3ff: {  	[smem:$0x72D] =	sst s13;
	s15 =	spop (drf)  }
0x400: {  	(drf) =	srem.u32 s6, s5;
	s13 =	spop (v2sf)  }
0x401: {  	[smem:$0x72F] =	sst s15;
	s15 =	spop (v2sf)  }
0x402: {  	(v2sf) =	vpush v12, $0x9;
	(drf) =	srem.u32 s13, s25;
	s17 =	spop (drf)  }
0x403: {  	(drf) =	srem.u32 s15, s9;
	s19 =	spop (drf)  }
0x404: {  	(v2sf) =	vpush v12, $0xA;
	[smem:$0x731] =	sst s17;
	s17 =	spop (v2sf)  }
0x405: {  	[smem:$0x733] =	sst s19;
	s20 =	spop (drf)  }
0x406: {  	(v2sf) =	vpush v12, $0xB;
	(drf) =	srem.u32 s17, s14;
	s19 =	spop (v2sf)  }
0x407: {  	[smem:$0x735] =	sst s20;
	s1 =	spop (drf)  }
0x408: {  	(v2sf) =	vpush v12, $0xC;
	(drf) =	srem.u32 s19, s10;
	s20 =	spop (v2sf)  }
0x409: {  	[smem:$0x737] =	sst s1;
	s13 =	spop (drf)  }
0x40a: {  	(v2sf) =	vpush v12, $0xD;
	(drf) =	srem.u32 s20, s18;
	s1 =	spop (v2sf)  }
0x40b: {  	s2 =	smov.u32 s5;
	(v2sf) =	vpush v12, $0xE;
	(drf) =	srem.u32 s1, s29;
	s5 =	spop (v2sf)  }
0x40c: {  	s6 =	smov.u32 s9;
	v12 =	vor.u32 $0x160, v0;
	(drf) =	srem.u32 s5, s23;
	s9 =	spop (v2sf)  }
0x40d: {  	(v2sf) =	vpush v12, $0x0;
	(drf) =	srem.u32 s9, s22;
	s9 =	spop (drf)  }
0x40e: {  	s17 =	smov.u32 s14;
	[smem:$0x725] =	sst s13;
	(v2sf) =	vpush v12, $0xF;
	s14 =	spop (drf)  }
0x40f: {  	(v2sf) =	vpush v12, $0x1;
	[smem:$0x728] =	sst s14;
	s15 =	spop (drf)  }
0x410: {  	[smem:$0x72B] =	sst s15;
	s19 =	spop (drf)  }
0x411: {  	(v2sf) =	vpush v12, $0x2;
	s15 =	spop (v2sf);
	[smem:$0x72E] =	sst s19  }
0x412: {  	s20 =	spop (drf);
	(drf) =	srem.u32 s15, s4  }
0x413: {  	s19 =	spop (v2sf);
	[smem:$0x730] =	sst s20  }
0x414: {  	s1 =	spop (drf);
	(drf) =	srem.u32 s19, s8  }
0x415: {  	s20 =	spop (v2sf);
	[smem:$0x732] =	sst s1  }
0x416: {  	s5 =	spop (drf);
	(drf) =	srem.u32 s20, s7  }
0x417: {  	(v2sf) =	vpush v12, $0x3;
	s1 =	spop (v2sf);
	[smem:$0x734] =	sst s5  }
0x418: {  	(v2sf) =	vpush v12, $0x4;
	s13 =	spop (drf);
	s5 =	smov.u32 s4;
	(drf) =	srem.u32 s1, s11  }
0x419: {  	s4 =	smov.u32 s8;
	s8 =	spop (v2sf);
	[smem:$0x736] =	sst s13  }
0x41a: {  	(drf) =	srem.u32 s8, s3;
	s13 =	spop (v2sf)  }
0x41b: {  	s14 =	spop (drf);
	(drf) =	srem.u32 s13, s12  }
0x41c: {  	(v2sf) =	vpush v12, $0x5;
	[smem:$0x738] =	sst s14;
	s14 =	spop (v2sf)  }
0x41d: {  	[smem:$0x700] =	sst s0;
	s15 =	spop (v2sf)  }
0x41e: {  	(v2sf) =	vpush v12, $0x6;
	(drf) =	srem.u32 s14, s16;
	s19 =	spop (v2sf)  }
0x41f: {  	(v2sf) =	vpush v12, $0x7;
	s14 =	smov.u32 s2;
	(drf) =	srem.u32 s15, s2;
	s2 =	spop (drf)  }
0x420: {  	(v2sf) =	vpush v12, $0x8;
	(drf) =	srem.u32 s19, s25;
	s1 =	spop (v2sf)  }
0x421: {  	[smem:$0x739] =	sst s2;
	s8 =	spop (drf)  }
0x422: {  	(v2sf) =	vpush v12, $0x9;
	(drf) =	srem.u32 s1, s6;
	s15 =	spop (drf)  }
0x423: {  	(v2sf) =	vpush v12, $0xA;
	[smem:$0x73A] =	sst s8;
	s19 =	spop (drf)  }
0x424: {  	(v2sf) =	vpush v12, $0xB;
	[smem:$0x73C] =	sst s15;
	s1 =	spop (drf)  }
0x425: {  	(v2sf) =	vpush v12, $0xC;
	[smem:$0x73E] =	sst s19;
	s2 =	spop (drf)  }
0x426: {  	[smem:$0x741] =	sst s1;
	s1 =	spop (v2sf)  }
0x427: {  	[smem:$0x743] =	sst s2;
	s2 =	spop (v2sf)  }
0x428: {  	(drf) =	srem.u32 s1, s17;
	s8 =	spop (drf)  }
0x429: {  	[smem:$0x73B] =	sst s8;
	s8 =	spop (drf)  }
0x42a: {  	(drf) =	srem.u32 s2, s10;
	s15 =	spop (drf)  }
0x42b: {  	[smem:$0x73D] =	sst s15;
	s15 =	spop (v2sf)  }
0x42c: {  	s19 =	spop (drf);
	(drf) =	srem.u32 s15, s18  }
0x42d: {  	s1 =	spop (v2sf);
	[smem:$0x73F] =	sst s19  }
0x42e: {  	s20 =	smov.u32 s12;
	(drf) =	srem.u32 s1, s29;
	s2 =	spop (v2sf)  }
0x42f: {  	s19 =	smov.u32 s10;
	(drf) =	srem.u32 s2, s23;
	s10 =	spop (v2sf)  }
0x430: {  	[smem:$0x74E] =	sst s20;
	(drf) =	srem.u32 s10, s22  }
0x431: {  	s15 =	spop (v2sf);
	s10 =	sld [smem:$0x6F4]  }
0x432: {  	(drf) =	srem.u32 s15, s5;
	s1 =	spop (v2sf)  }
0x433: {  	s2 =	smov.u32 s5;
	(drf) =	srem.u32 s1, s4;
	s5 =	spop (v2sf)  }
0x434: {  	(drf) =	srem.u32 s5, s7;
	s15 =	spop (v2sf)  }
0x435: {  	v13 =	vmov s10;
	s5 =	sld [smem:$0x6F5];
	s10 =	spop (drf)  }
0x436: {  	(drf) =	srem.u32 s15, s11;
	[smem:$0x740] =	sst s10  }
0x437: {  	s1 =	smov.u32 s11;
	s11 =	rddreg [dreg:$0x1e];
	s15 =	spop (drf)  }
0x438: {  	[smem:$0x742] =	sst s15  }
0x439: {  	v13 =	vsel vm1, s5, v13;
	s5 =	sld [smem:$0x6F6];
	s10 =	spop (drf)  }
0x43a: {  	[smem:$0x744] =	sst s10  }
0x43b: {  	v13 =	vsel vm2, s11, v13;
	s11 =	sld [smem:$0x6F7]  }
0x43c: {  	s15 =	spop (drf);
	s10 =	sld [smem:$0x6F9]  }
0x43d: {  	[smem:$0x745] =	sst s15  }
0x43e: {  	s15 =	sld [smem:$0x6FA];
	v13 =	vsel vm3, s5, v13  }
0x43f: {  	s5 =	sld [smem:$0x6F8];
	v13 =	vsel vm4, s11, v13;
	s11 =	spop (drf)  }
0x440: {  	[smem:$0x746] =	sst s11  }
0x441: {  	s11 =	sld [smem:$0x6FC]  }
0x442: {  	(v2sf) =	vpush v12, $0xD;
	v14 =	vmov s10;
	s10 =	spop (drf);
	v13 =	vsel vm5, s5, v13;
	s5 =	sld [smem:$0x6FB]  }
0x443: {  	[smem:$0x747] =	sst s10  }
0x444: {  	(v2sf) =	vpush v12, $0xE;
	s10 =	sld [smem:$0x6FE]  }
0x445: {  	v13 =	vsel vm6, s15, v13;
	s15 =	sld [smem:$0x6FD]  }
0x446: {  	v12 =	vor.u32 $0x170, v0;
	v13 =	vsel vm7, s11, v13;
	s11 =	sld [smem:$0x6FF]  }
0x447: {  	(v2sf) =	vpush v12, $0x0;
	v14 =	vsel vm1, s5, v14;
	s5 =	spop (drf);
	v13 =	vsel vm8, s10, v13;
	s10 =	sld [smem:$0x701]  }
0x448: {  	[smem:$0x748] =	sst s5  }
0x449: {  	v14 =	vsel vm2, s15, v14;
	s15 =	spop (drf);
	s5 =	sld [smem:$0x700]  }
0x44a: {  	[smem:$0x749] =	sst s15  }
0x44b: {  	(v2sf) =	vpush v12, $0xF;
	v14 =	vsel vm3, s11, v14;
	s11 =	spop (drf);
	s15 =	sld [smem:$0x702]  }
0x44c: {  	[smem:$0x74A] =	sst s11  }
0x44d: {  	(v2sf) =	vpush v12, $0x1;
	s11 =	sld [smem:$0x704]  }
0x44e: {  	v13 =	vsel vm9, s5, v13;
	s5 =	sld [smem:$0x703]  }
0x44f: {  	(v2sf) =	vpush v12, $0x2;
	v13 =	vsel vm10, s15, v13;
	s15 =	sld [smem:$0x705]  }
0x450: {  	v14 =	vsel vm4, s10, v14;
	s10 =	spop (drf);
	v13 =	vsel vm11, s11, v13;
	s11 =	sld [smem:$0x706]  }
0x451: {  	(v2sf) =	vpush v12, $0x3;
	[smem:$0x74B] =	sst s10;
	v14 =	vsel vm5, s5, v14;
	s5 =	spop (v2sf)  }
0x452: {  	v14 =	vsel vm6, s15, v14;
	s15 =	sld [smem:$0x707];
	(drf) =	srem.u32 s5, s3  }
0x453: {  	(v2sf) =	vpush v12, $0x4;
	s5 =	sld [smem:$0x708];
	v13 =	vsel vm12, s11, v13;
	s11 =	smov.u32 s3;
	s3 =	spop (v2sf)  }
0x454: {  	s0 =	smov.u32 s12;
	(drf) =	srem.u32 s3, s12;
	s12 =	sld [smem:$0x70B]  }
0x455: {  	v14 =	vsel vm7, s15, v14;
	s15 =	sld [smem:$0x709]  }
0x456: {  	(v2sf) =	vpush v12, $0x5;
	s20 =	spop (v2sf);
	v13 =	vsel vm13, s5, v13;
	s5 =	sld [smem:$0x70A]  }
0x457: {  	s13 =	smov.u32 s16;
	(drf) =	srem.u32 s20, s16;
	s16 =	sld [smem:$0x70F]  }
0x458: {  	(v2sf) =	vpush v12, $0x6;
	v14 =	vsel vm8, s15, v14;
	s15 =	sld [smem:$0x70C]  }
0x459: {  	v13 =	vsel vm15, s5, v13;
	s5 =	sld [smem:$0x70D]  }
0x45a: {  	s20 =	spop (v2sf);
	v14 =	vsel vm9, s12, v14;
	s12 =	sld [smem:$0x70E]  }
0x45b: {  	(drf) =	srem.u32 s20, s14;
	v13 =	vsel vm14, s21, v13;
	s21 =	sld [smem:$0x710]  }
0x45c: {  	v15 =	vmov s15;
	v14 =	vsel vm10, s5, v14;
	s15 =	spop (v2sf);
	s5 =	sld [smem:$0x711]  }
0x45d: {  	v15 =	vsel vm1, s12, v15;
	(drf) =	srem.u32 s15, s25;
	s12 =	sld [smem:$0x712]  }
0x45e: {  	s25 =	spop (v2sf);
	s15 =	sld [smem:$0x713]  }
0x45f: {  	v14 =	vsel vm11, s16, v14;
	s16 =	sld [smem:$0x714];
	(drf) =	srem.u32 s25, s6  }
0x460: {  	v15 =	vsel vm2, s21, v15;
	s6 =	spop (v2sf);
	s21 =	sld [smem:$0x716]  }
0x461: {  	v14 =	vsel vm12, s5, v14;
	(drf) =	srem.u32 s6, s17;
	s5 =	sld [smem:$0x717]  }
0x462: {  	s20 =	smov.u32 s14;
	s14 =	spop (v2sf);
	s6 =	sld [smem:$0x718]  }
0x463: {  	v15 =	vsel vm3, s30, v15;
	s30 =	smov.u32 s19;
	(drf) =	srem.u32 s14, s19;
	s19 =	sld [smem:$0x715]  }
0x464: {  	v15 =	vsel vm4, s12, v15;
	s12 =	sld [smem:$0x719]  }
0x465: {  	v14 =	vsel vm13, s31, v14;
	s31 =	smov.u32 s17;
	s17 =	spop (v2sf);
	s14 =	sld [smem:$0x71A]  }
0x466: {  	(v2sf) =	vpush v12, $0x7;
	v14 =	vsel vm15, s15, v14;
	(drf) =	srem.u32 s17, s18;
	s15 =	sld [smem:$0x71B]  }
0x467: {  	(v2sf) =	vpush v12, $0x8;
	v15 =	vsel vm5, s16, v15;
	s25 =	spop (v2sf);
	s16 =	sld [smem:$0x71C]  }
0x468: {  	(v2sf) =	vpush v12, $0x9;
	(drf) =	srem.u32 s25, s29;
	s25 =	smov.u32 s29;
	s29 =	sld [smem:$0x71E]  }
0x469: {  	(v2sf) =	vpush v12, $0xA;
	v15 =	vsel vm6, s21, v15;
	v56 =	vmov s6;
	s21 =	spop (drf);
	s6 =	sld [smem:$0x71F]  }
0x46a: {  	(v2sf) =	vpush v12, $0xB;
	v13 =	vld.idx.msk [tilespmem:v13+s28+$0x0], $0xffff;
	v14 =	vsel vm14, s19, v14;
	s17 =	spop (drf);
	s19 =	sld [smem:$0x71D]  }
0x46b: {  	(v2sf) =	vpush v12, $0xC;
	v15 =	vsel vm7, s5, v15;
	v16 =	vsel vm1, s14, v56;
	s14 =	sld [smem:$0x721];
	s10 =	spop (drf)  }
0x46c: {  	(v2sf) =	vpush v12, $0xD;
	v15 =	vsel vm8, s12, v15;
	v16 =	vsel vm2, s15, v16;
	s12 =	sld [smem:$0x720];
	s3 =	spop (drf)  }
0x46d: {  	v57 =	vmov s9;
	(v2sf) =	vpush v12, $0xE;
	s15 =	sld [smem:$0x722];
	v16 =	vsel vm3, s19, v16;
	s5 =	spop (drf)  }
0x46e: {  	v12 =	vor.u32 $0x180, v0;
	v15 =	vsel vm9, s16, v15;
	s16 =	sld [smem:$0x723];
	v16 =	vsel vm4, s6, v16;
	s6 =	spop (drf)  }
0x46f: {  	(v2sf) =	vpush v12, $0x0;
	v13 =	vpsel p0, $0x10000, v13;
	s19 =	sld [smem:$0x724];
	v16 =	vsel vm5, s14, v16;
	s9 =	spop (drf)  }
0x470: {  	(v2sf) =	vpush v12, $0xF;
	[tilespmem:$0xC430] =	vst v13;
	v15 =	vsel vm10, s29, v15;
	s29 =	sld [smem:$0x725];
	v16 =	vsel vm6, s15, v16;
	s15 =	spop (drf)  }
0x471: {  	s14 =	sld [smem:$0x726]  }
0x472: {  	v15 =	vsel vm11, s12, v15  }
0x473: {  	v15 =	vsel vm12, s16, v15;
	s16 =	sld [smem:$0x727]  }
0x474: {  	v13 =	vsel vm13, s14, v15;
	s14 =	sld [smem:$0x72A]  }
0x475: {  	v16 =	vsel vm7, s19, v16  }
0x476: {  	v17 =	vsel vm1, s29, v57;
	s29 =	sld [smem:$0x729];
	v15 =	vsel vm8, s16, v16  }
0x477: {  	v15 =	vsel vm9, s14, v15;
	s14 =	sld [smem:$0x72D]  }
0x478: {  	s19 =	sld [smem:$0x728]  }
0x479: {  	v13 =	vsel vm15, s29, v13;
	s29 =	sld [smem:$0x72C]  }
0x47a: {  	v15 =	vsel vm10, s14, v15;
	s14 =	sld [smem:$0x72F]  }
0x47b: {  	v58 =	vsel vm2, s19, v17;
	s19 =	sld [smem:$0x72B]  }
0x47c: {  	v13 =	vsel vm14, s29, v13;
	s29 =	sld [smem:$0x72E]  }
0x47d: {  	v15 =	vsel vm11, s14, v15;
	s14 =	sld [smem:$0x730]  }
0x47e: {  	v16 =	vsel vm3, s19, v58  }
0x47f: {  	v16 =	vsel vm4, s29, v16  }
0x480: {  	v16 =	vsel vm5, s14, v16;
	s14 =	sld [smem:$0x731];
	_ =	sdelay $0x2  }
0x481: {  	v15 =	vsel vm12, s14, v15;
	s14 =	sld [smem:$0x732];
	_ =	sdelay $0x2  }
0x482: {  	v16 =	vsel vm6, s14, v16;
	s14 =	sld [smem:$0x733];
	_ =	sdelay $0x2  }
0x483: {  	v15 =	vsel vm13, s14, v15;
	s14 =	sld [smem:$0x734];
	_ =	sdelay $0x2  }
0x484: {  	v16 =	vsel vm7, s14, v16;
	s14 =	sld [smem:$0x735]  }
0x485: {  	s29 =	spop (v2sf)  }
0x486: {  	(drf) =	srem.u32 s29, s23  }
0x487: {  	v14 =	vld.idx.msk [tilespmem:v14+s28+$0x0], $0xffff;
	s29 =	spop (v2sf);
	v15 =	vsel vm15, s14, v15;
	s14 =	sld [smem:$0x736]  }
0x488: {  	(drf) =	srem.u32 s29, s22;
	s29 =	spop (v2sf)  }
0x489: {  	(drf) =	srem.u32 s29, s2;
	s29 =	spop (v2sf)  }
0x48a: {  	(drf) =	srem.u32 s29, s4;
	v16 =	vsel vm8, s14, v16;
	s14 =	smov.u32 s4;
	s4 =	sld [smem:$0x737]  }
0x48b: {  	_ = 	snop  }
0x48c: {  	v14 =	vpsel p0, $0x10000, v14  }
0x48d: {  	[tilespmem:$0xC440] =	vst v14;
	s29 =	spop (v2sf);
	v14 =	vsel vm14, s4, v15;
	s4 =	sld [smem:$0x738]  }
0x48e: {  	(drf) =	srem.u32 s29, s7;
	s7 =	sld [smem:$0x739]  }
0x48f: {  	_ = 	snop  }
0x490: {  	s12 =	smov.u32 s2;
	s2 =	sld [smem:$0x73B];
	v15 =	vsel vm9, s4, v16  }
0x491: {  	v15 =	vsel vm10, s7, v15;
	s7 =	sld [smem:$0x73A]  }
0x492: {  	v59 =	vmov s8;
	s8 =	sld [smem:$0x742]  }
0x493: {  	s16 =	spop (drf);
	v16 =	vsel vm1, s2, v59;
	s2 =	sld [smem:$0x73D]  }
0x494: {  	s4 =	spop (v2sf);
	v15 =	vsel vm11, s7, v15;
	s7 =	sld [smem:$0x73C]  }
0x495: {  	(drf) =	srem.u32 s4, s1;
	s4 =	spop (v2sf)  }
0x496: {  	s29 =	smov.u32 s1;
	s1 =	sld [smem:$0x73F];
	(drf) =	srem.u32 s4, s11  }
0x497: {  	(v2sf) =	vpush v12, $0x1;
	s4 =	spop (v2sf);
	v15 =	vsel vm12, s7, v15;
	s7 =	sld [smem:$0x73E]  }
0x498: {  	(v2sf) =	vpush v12, $0x2;
	(drf) =	srem.u32 s4, s0;
	s4 =	spop (v2sf)  }
0x499: {  	v13 =	vld.idx.msk [tilespmem:v13+s28+$0x0], $0xffff;
	(v2sf) =	vpush v12, $0x3;
	(drf) =	srem.u32 s4, s13;
	s4 =	sld [smem:$0x740]  }
0x49a: {  	s19 =	spop (drf);
	(v2sf) =	vpush v12, $0x4;
	v16 =	vsel vm2, s2, v16;
	v15 =	vsel vm13, s7, v15;
	s7 =	sld [smem:$0x741]  }
0x49b: {  	(v2sf) =	vpush v12, $0x5;
	s0 =	spop (drf);
	v16 =	vsel vm3, s1, v16;
	s13 =	sld [smem:$0x743]  }
0x49c: {  	(v2sf) =	vpush v12, $0x6;
	s2 =	spop (v2sf);
	v16 =	vsel vm4, s4, v16;
	s4 =	sld [smem:$0x744]  }
0x49d: {  	v60 =	vmov s3;
	(v2sf) =	vpush v12, $0x7;
	(drf) =	srem.u32 s2, s20;
	v15 =	vsel vm15, s7, v15;
	s7 =	sld [smem:$0x745]  }
0x49e: {  	v13 =	vpsel p0, $0x10000, v13;
	(v2sf) =	vpush v12, $0x8;
	s1 =	spop (drf);
	v16 =	vsel vm5, s8, v16;
	s8 =	sld [smem:$0x746]  }
0x49f: {  	[tilespmem:$0xC450] =	vst v13;
	s2 =	spop (drf);
	v13 =	vsel vm14, s13, v15;
	v15 =	vsel vm6, s4, v16;
	v16 =	vsel vm1, s10, v60;
	s10 =	sld [smem:$0x747]  }
0x4a0: {  	v14 =	vld.idx.msk [tilespmem:v14+s28+$0x0], $0xffff;
	(v2sf) =	vpush v12, $0x9;
	s4 =	spop (drf);
	s13 =	sld [smem:$0x748];
	v16 =	vsel vm2, s5, v16;
	v15 =	vsel vm7, s7, v15  }
0x4a1: {  	(v2sf) =	vpush v12, $0xA;
	s3 =	spop (drf);
	v16 =	vsel vm3, s6, v16;
	s7 =	sld [smem:$0x749];
	v15 =	vsel vm8, s8, v15  }
0x4a2: {  	s8 =	spop (drf);
	v16 =	vsel vm4, s9, v16;
	v15 =	vsel vm9, s10, v15;
	s10 =	sld [smem:$0x74A]  }
0x4a3: {  	(v2sf) =	vpush v12, $0xB;
	s6 =	spop (drf);
	v16 =	vsel vm5, s15, v16;
	s15 =	sld [smem:$0x74B];
	v15 =	vsel vm10, s13, v15  }
0x4a4: {  	s5 =	spop (drf);
	v15 =	vsel vm11, s7, v15  }
0x4a5: {  	(v2sf) =	vpush v12, $0xC;
	v14 =	vpsel p0, $0x10000, v14;
	s13 =	spop (drf);
	v15 =	vsel vm12, s10, v15;
	s10 =	sld [smem:$0x74C]  }
0x4a6: {  	[tilespmem:$0xC460] =	vst v14;
	v14 =	vsel vm13, s15, v15;
	v15 =	vsel vm6, s16, v16;
	s16 =	spop (drf)  }
0x4a7: {  	(v2sf) =	vpush v12, $0xD;
	s15 =	sld [smem:$0x74D];
	v15 =	vsel vm7, s19, v15;
	s19 =	spop (v2sf)  }
0x4a8: {  	v14 =	vsel vm15, s21, v14;
	v15 =	vsel vm8, s0, v15;
	(drf) =	srem.u32 s19, s10;
	s21 =	spop (v2sf)  }
0x4a9: {  	(v2sf) =	vpush v12, $0xE;
	v15 =	vsel vm9, s1, v15;
	s1 =	spop (v2sf)  }
0x4aa: {  	v12 =	vor.u32 $0x190, v0;
	(drf) =	srem.u32 s21, s15;
	v15 =	vsel vm10, s2, v15;
	s2 =	spop (v2sf)  }
0x4ab: {  	(v2sf) =	vpush v12, $0x0;
	[dreg:$0xf] =	wrdreg s13;
	v15 =	vsel vm11, s4, v15;
	s4 =	spop (v2sf)  }
0x4ac: {  	(drf) =	srem.u32 s1, s31;
	s7 =	spop (v2sf)  }
0x4ad: {  	(v2sf) =	vpush v12, $0xF;
	(drf) =	srem.u32 s2, s30;
	s9 =	spop (v2sf)  }
0x4ae: {  	(drf) =	srem.u32 s4, s18;
	s13 =	spop (v2sf)  }
0x4af: {  	(v2sf) =	vpush v12, $0x1;
	(drf) =	srem.u32 s7, s25;
	s19 =	spop (v2sf)  }
0x4b0: {  	(drf) =	srem.u32 s9, s23;
	s21 =	spop (v2sf)  }
0x4b1: {  	v14 =	vsel vm14, s17, v14;
	s17 =	smov.u32 s30;
	(v2sf) =	vpush v12, $0x2;
	(drf) =	srem.u32 s13, s22;
	s30 =	spop (drf)  }
0x4b2: {  	(drf) =	srem.u32 s19, s12;
	s19 =	spop (v2sf)  }
0x4b3: {  	v13 =	vld.idx.msk [tilespmem:v13+s28+$0x0], $0xffff;
	[dreg:$0x10] =	wrdreg s16;
	s16 =	smov.u32 s31;
	(v2sf) =	vpush v12, $0x3;
	s31 =	spop (drf)  }
0x4b4: {  	[dreg:$0x1c] =	wrdreg s30;
	s30 =	spop (v2sf)  }
0x4b5: {  	(v2sf) =	vpush v12, $0x4;
	s1 =	spop (drf)  }
0x4b6: {  	(v2sf) =	vpush v12, $0x5;
	[dreg:$0x1d] =	wrdreg s31;
	s31 =	spop (v2sf)  }
0x4b7: {  	(v2sf) =	vpush v12, $0x6;
	s2 =	spop (drf)  }
0x4b8: {  	v13 =	vpsel p0, $0x10000, v13;
	(v2sf) =	vpush v12, $0x7;
	s9 =	spop (v2sf)  }
0x4b9: {  	[tilespmem:$0xC470] =	vst v13;
	v13 =	vsel vm12, s3, v15;
	(v2sf) =	vpush v12, $0x8;
	s3 =	spop (drf)  }
0x4ba: {  	(v2sf) =	vpush v12, $0x9;
	(drf) =	srem.u32 s21, s14;
	s0 =	spop (v2sf)  }
0x4bb: {  	v13 =	vsel vm13, s8, v13;
	(v2sf) =	vpush v12, $0xA;
	s4 =	spop (drf)  }
0x4bc: {  	v13 =	vsel vm15, s6, v13;
	(v2sf) =	vpush v12, $0xB;
	[dreg:$0x1a] =	wrdreg s1;
	s1 =	spop (v2sf)  }
0x4bd: {  	v13 =	vsel vm14, s5, v13;
	(v2sf) =	vpush v12, $0xC;
	s5 =	spop (drf)  }
0x4be: {  	(v2sf) =	vpush v12, $0xD;
	[dreg:$0x19] =	wrdreg s2;
	s2 =	spop (v2sf)  }
0x4bf: {  	(v2sf) =	vpush v12, $0xE;
	v12 =	vor.u32 $0x1A0, v0;
	s6 =	spop (drf)  }
0x4c0: {  	[dreg:$0x16] =	wrdreg s3;
	(v2sf) =	vpush v12, $0x0;
	s3 =	spop (v2sf)  }
0x4c1: {  	(v2sf) =	vpush v12, $0xF;
	s7 =	spop (drf)  }
0x4c2: {  	[dreg:$0x15] =	wrdreg s4;
	(v2sf) =	vpush v12, $0x1;
	s4 =	spop (v2sf)  }
0x4c3: {  	(v2sf) =	vpush v12, $0x2;
	s8 =	spop (drf)  }
0x4c4: {  	[dreg:$0x14] =	wrdreg s5;
	(v2sf) =	vpush v12, $0x3;
	s5 =	spop (v2sf)  }
0x4c5: {  	[smem:$0x74F] =	sst s9;
	(v2sf) =	vpush v12, $0x4;
	s9 =	spop (v2sf)  }
0x4c6: {  	(v2sf) =	vpush v12, $0x5;
	s13 =	spop (v2sf)  }
0x4c7: {  	(v2sf) =	vpush v12, $0x6;
	s21 =	spop (v2sf)  }
0x4c8: {  	[dreg:$0x12] =	wrdreg s7;
	(v2sf) =	vpush v12, $0x7;
	s7 =	spop (v2sf)  }
0x4c9: {  	[dreg:$0x11] =	wrdreg s8;
	(v2sf) =	vpush v12, $0x8;
	s8 =	spop (v2sf)  }
0x4ca: {  	[dreg:$0x13] =	wrdreg s6;
	(v2sf) =	vpush v12, $0x9;
	s6 =	spop (v2sf)  }
0x4cb: {  	[smem:$0x751] =	sst s13;
	(v2sf) =	vpush v12, $0xA;
	s13 =	spop (v2sf)  }
0x4cc: {  	[smem:$0x752] =	sst s21;
	(v2sf) =	vpush v12, $0xB;
	s21 =	spop (v2sf)  }
0x4cd: {  	[smem:$0x754] =	sst s8;
	(v2sf) =	vpush v12, $0xC;
	s8 =	spop (v2sf)  }
0x4ce: {  	[smem:$0x755] =	sst s13;
	(v2sf) =	vpush v12, $0xD;
	s13 =	spop (v2sf)  }
0x4cf: {  	[smem:$0x756] =	sst s21;
	(v2sf) =	vpush v12, $0xE;
	v12 =	vor.u32 $0x1B0, v0;
	s21 =	spop (v2sf)  }
0x4d0: {  	[smem:$0x757] =	sst s8;
	(v2sf) =	vpush v12, $0x0;
	s8 =	spop (v2sf)  }
0x4d1: {  	[smem:$0x758] =	sst s13;
	(v2sf) =	vpush v12, $0xF;
	s13 =	spop (v2sf)  }
0x4d2: {  	[smem:$0x753] =	sst s7;
	(v2sf) =	vpush v12, $0x1;
	s7 =	spop (v2sf)  }
0x4d3: {  	[smem:$0x759] =	sst s21;
	(v2sf) =	vpush v12, $0x2;
	s21 =	spop (v2sf)  }
0x4d4: {  	[smem:$0x75B] =	sst s13;
	(v2sf) =	vpush v12, $0x3;
	s13 =	spop (v2sf)  }
0x4d5: {  	[smem:$0x75C] =	sst s21;
	(v2sf) =	vpush v12, $0x4;
	s21 =	spop (v2sf)  }
0x4d6: {  	[smem:$0x75D] =	sst s13;
	(v2sf) =	vpush v12, $0x5;
	s13 =	spop (v2sf)  }
0x4d7: {  	[smem:$0x75E] =	sst s21;
	(v2sf) =	vpush v12, $0x6;
	s21 =	spop (v2sf)  }
0x4d8: {  	[smem:$0x75F] =	sst s13;
	(v2sf) =	vpush v12, $0x7;
	s13 =	spop (v2sf)  }
0x4d9: {  	[smem:$0x760] =	sst s21;
	(v2sf) =	vpush v12, $0x8;
	s21 =	spop (v2sf)  }
0x4da: {  	[smem:$0x762] =	sst s21;
	(v2sf) =	vpush v12, $0x9;
	s21 =	spop (v2sf)  }
0x4db: {  	[smem:$0x761] =	sst s13;
	(v2sf) =	vpush v12, $0xA;
	s13 =	spop (v2sf)  }
0x4dc: {  	[smem:$0x763] =	sst s13;
	(v2sf) =	vpush v12, $0xB;
	s13 =	spop (v2sf)  }
0x4dd: {  	[smem:$0x764] =	sst s13;
	(v2sf) =	vpush v12, $0xC;
	s13 =	spop (v2sf)  }
0x4de: {  	[smem:$0x765] =	sst s13;
	(v2sf) =	vpush v12, $0xD;
	s13 =	spop (v2sf)  }
0x4df: {  	[smem:$0x766] =	sst s13;
	(v2sf) =	vpush v12, $0xE;
	v12 =	vor.u32 $0x1C0, v0;
	s13 =	spop (v2sf)  }
0x4e0: {  	[smem:$0x767] =	sst s13;
	(v2sf) =	vpush v12, $0x0;
	s13 =	spop (v2sf)  }
0x4e1: {  	[smem:$0x768] =	sst s13;
	(v2sf) =	vpush v12, $0xF;
	s13 =	spop (v2sf)  }
0x4e2: {  	[smem:$0x769] =	sst s13;
	(v2sf) =	vpush v12, $0x1;
	s13 =	spop (v2sf)  }
0x4e3: {  	[smem:$0x76A] =	sst s13;
	(v2sf) =	vpush v12, $0x2;
	s13 =	spop (v2sf)  }
0x4e4: {  	[smem:$0x76B] =	sst s13;
	(v2sf) =	vpush v12, $0x3;
	s13 =	spop (v2sf)  }
0x4e5: {  	[smem:$0x76C] =	sst s13;
	(v2sf) =	vpush v12, $0x4;
	s13 =	spop (v2sf)  }
0x4e6: {  	[smem:$0x76D] =	sst s13;
	(v2sf) =	vpush v12, $0x5;
	s13 =	spop (v2sf)  }
0x4e7: {  	[smem:$0x76E] =	sst s13;
	(v2sf) =	vpush v12, $0x6;
	s13 =	spop (v2sf)  }
0x4e8: {  	[smem:$0x76F] =	sst s13;
	(v2sf) =	vpush v12, $0x7;
	s13 =	spop (v2sf)  }
0x4e9: {  	[smem:$0x770] =	sst s13;
	(v2sf) =	vpush v12, $0x8;
	s13 =	spop (v2sf)  }
0x4ea: {  	[smem:$0x771] =	sst s13;
	(v2sf) =	vpush v12, $0x9;
	s13 =	spop (v2sf)  }
0x4eb: {  	[smem:$0x772] =	sst s13;
	(v2sf) =	vpush v12, $0xA;
	s13 =	spop (v2sf)  }
0x4ec: {  	[smem:$0x773] =	sst s13;
	(v2sf) =	vpush v12, $0xB;
	s13 =	spop (v2sf)  }
0x4ed: {  	[smem:$0x774] =	sst s13;
	(v2sf) =	vpush v12, $0xC;
	s13 =	spop (v2sf)  }
0x4ee: {  	[smem:$0x775] =	sst s13;
	(v2sf) =	vpush v12, $0xD;
	s13 =	spop (v2sf)  }
0x4ef: {  	[smem:$0x776] =	sst s13;
	(v2sf) =	vpush v12, $0xE;
	v12 =	vor.u32 $0x1D0, v0;
	s13 =	spop (v2sf)  }
0x4f0: {  	[smem:$0x777] =	sst s13;
	(v2sf) =	vpush v12, $0x0;
	s13 =	spop (v2sf)  }
0x4f1: {  	[smem:$0x778] =	sst s13;
	(v2sf) =	vpush v12, $0xF;
	s13 =	spop (v2sf)  }
0x4f2: {  	[smem:$0x779] =	sst s13;
	(v2sf) =	vpush v12, $0x1;
	s13 =	spop (v2sf)  }
0x4f3: {  	[smem:$0x77A] =	sst s13;
	(v2sf) =	vpush v12, $0x2;
	s13 =	spop (v2sf)  }
0x4f4: {  	[smem:$0x77B] =	sst s13;
	(v2sf) =	vpush v12, $0x3;
	s13 =	spop (v2sf)  }
0x4f5: {  	[smem:$0x77C] =	sst s13;
	(v2sf) =	vpush v12, $0x4;
	s13 =	spop (v2sf)  }
0x4f6: {  	[smem:$0x77D] =	sst s13;
	(v2sf) =	vpush v12, $0x5;
	s13 =	spop (v2sf)  }
0x4f7: {  	[smem:$0x77E] =	sst s13;
	(v2sf) =	vpush v12, $0x6;
	s13 =	spop (v2sf)  }
0x4f8: {  	[smem:$0x77F] =	sst s13;
	(v2sf) =	vpush v12, $0x7;
	s13 =	spop (v2sf)  }
0x4f9: {  	[smem:$0x780] =	sst s13;
	(v2sf) =	vpush v12, $0x8;
	s13 =	spop (v2sf)  }
0x4fa: {  	[smem:$0x781] =	sst s13;
	(v2sf) =	vpush v12, $0x9;
	s13 =	spop (v2sf)  }
0x4fb: {  	[smem:$0x782] =	sst s13;
	(v2sf) =	vpush v12, $0xA;
	s13 =	spop (v2sf)  }
0x4fc: {  	[smem:$0x783] =	sst s13;
	(v2sf) =	vpush v12, $0xB;
	s13 =	spop (v2sf)  }
0x4fd: {  	[smem:$0x784] =	sst s13;
	(v2sf) =	vpush v12, $0xC;
	s13 =	spop (v2sf)  }
0x4fe: {  	[smem:$0x785] =	sst s13;
	(v2sf) =	vpush v12, $0xD;
	s13 =	spop (v2sf)  }
0x4ff: {  	[smem:$0x786] =	sst s13;
	(v2sf) =	vpush v12, $0xE;
	v12 =	vor.u32 $0x1E0, v0;
	s13 =	spop (v2sf)  }
0x500: {  	[smem:$0x787] =	sst s13;
	(v2sf) =	vpush v12, $0x0;
	s13 =	spop (v2sf)  }
0x501: {  	[smem:$0x788] =	sst s13;
	(v2sf) =	vpush v12, $0xF;
	s13 =	spop (v2sf)  }
0x502: {  	[smem:$0x789] =	sst s13;
	(v2sf) =	vpush v12, $0x1;
	s13 =	spop (v2sf)  }
0x503: {  	[smem:$0x78B] =	sst s13;
	(v2sf) =	vpush v12, $0x2;
	s13 =	spop (v2sf)  }
0x504: {  	[smem:$0x78D] =	sst s13;
	(v2sf) =	vpush v12, $0x3;
	s13 =	spop (v2sf)  }
0x505: {  	[smem:$0x78F] =	sst s13;
	(v2sf) =	vpush v12, $0x4;
	s13 =	spop (v2sf)  }
0x506: {  	[smem:$0x791] =	sst s13;
	(v2sf) =	vpush v12, $0x5;
	s13 =	spop (v2sf)  }
0x507: {  	[smem:$0x793] =	sst s13;
	(v2sf) =	vpush v12, $0x6;
	s13 =	spop (v2sf)  }
0x508: {  	[smem:$0x798] =	sst s13;
	(v2sf) =	vpush v12, $0x7;
	s13 =	spop (v2sf)  }
0x509: {  	[smem:$0x79B] =	sst s13;
	(v2sf) =	vpush v12, $0x8;
	s13 =	spop (v2sf)  }
0x50a: {  	[smem:$0x79E] =	sst s13;
	(v2sf) =	vpush v12, $0x9;
	s13 =	spop (v2sf)  }
0x50b: {  	[smem:$0x7A1] =	sst s13;
	(v2sf) =	vpush v12, $0xA;
	s13 =	spop (v2sf)  }
0x50c: {  	[smem:$0x7A4] =	sst s13;
	(v2sf) =	vpush v12, $0xB;
	s13 =	spop (v2sf)  }
0x50d: {  	[smem:$0x7A7] =	sst s13;
	(v2sf) =	vpush v12, $0xC;
	s13 =	spop (v2sf)  }
0x50e: {  	[smem:$0x7AA] =	sst s13;
	(v2sf) =	vpush v12, $0xD;
	s13 =	spop (v2sf)  }
0x50f: {  	[smem:$0x7AD] =	sst s13;
	s13 =	spop (v2sf)  }
0x510: {  	[smem:$0x7B0] =	sst s13;
	s13 =	spop (v2sf)  }
0x511: {  	[smem:$0x7B2] =	sst s13;
	s13 =	spop (v2sf)  }
0x512: {  	[smem:$0x7B5] =	sst s13;
	s13 =	spop (v2sf)  }
0x513: {  	(v2sf) =	vpush v12, $0xE;
	[smem:$0x7B8] =	sst s13;
	s13 =	spop (v2sf)  }
0x514: {  	v12 =	vor.u32 $0x1F0, v0;
	[smem:$0x7BB] =	sst s13;
	s13 =	spop (v2sf)  }
0x515: {  	(v2sf) =	vpush v12, $0x0;
	[smem:$0x7BE] =	sst s13;
	s13 =	spop (v2sf)  }
0x516: {  	(v2sf) =	vpush v12, $0xF;
	[smem:$0x7C1] =	sst s13;
	s13 =	spop (v2sf)  }
0x517: {  	[smem:$0x7C6] =	sst s13;
	s13 =	spop (v2sf)  }
0x518: {  	(v2sf) =	vpush v12, $0x1;
	[smem:$0x7C8] =	sst s13;
	s13 =	spop (v2sf)  }
0x519: {  	[smem:$0x7CA] =	sst s13;
	s13 =	spop (v2sf)  }
0x51a: {  	(v2sf) =	vpush v12, $0x2;
	[smem:$0x7CD] =	sst s13;
	s13 =	spop (v2sf)  }
0x51b: {  	[smem:$0x7D0] =	sst s13;
	s13 =	spop (v2sf)  }
0x51c: {  	(v2sf) =	vpush v12, $0x3;
	[smem:$0x7D3] =	sst s13;
	s13 =	spop (v2sf)  }
0x51d: {  	[smem:$0x7D7] =	sst s13;
	s13 =	spop (v2sf)  }
0x51e: {  	(v2sf) =	vpush v12, $0x4;
	[smem:$0x7DB] =	sst s13  }
0x51f: {  	s13 =	sld [smem:$0x7FC]  }
0x520: {  	(v2sf) =	vpush v12, $0x5  }
0x521: {  	[smem:$0x75A] =	sst s8  }
0x522: {  	(v2sf) =	vpush v12, $0x6;
	(drf) =	srem.u32 s19, s13;
	s19 =	spop (v2sf)  }
0x523: {  	[smem:$0x7DD] =	sst s19  }
0x524: {  	s19 =	spop (v2sf);
	(drf) =	srem.u32 s30, s29  }
0x525: {  	(v2sf) =	vpush v12, $0x7;
	[smem:$0x7DE] =	sst s19;
	s30 =	spop (v2sf)  }
0x526: {  	[smem:$0x7E0] =	sst s30  }
0x527: {  	s19 =	spop (v2sf);
	s30 =	sld [smem:$0x74F]  }
0x528: {  	(drf) =	srem.u32 s31, s11;
	[smem:$0x7E2] =	sst s19  }
0x529: {  	s19 =	sld [smem:$0x74E];
	s31 =	spop (v2sf)  }
0x52a: {  	[smem:$0x7E5] =	sst s31  }
0x52b: {  	s31 =	sld [smem:$0x750];
	s8 =	spop (v2sf)  }
0x52c: {  	[smem:$0x7E8] =	sst s8  }
0x52d: {  	(drf) =	srem.u32 s30, s19;
	s30 =	spop (v2sf)  }
0x52e: {  	(drf) =	srem.u32 s0, s31;
	[smem:$0x7EB] =	sst s30  }
0x52f: {  	(drf) =	srem.u32 s1, s20;
	s1 =	spop (v2sf)  }
0x530: {  	(drf) =	srem.u32 s2, s10;
	[smem:$0x7EF] =	sst s1  }
0x531: {  	s2 =	spop (v2sf);
	s1 =	sld [smem:$0x752]  }
0x532: {  	(drf) =	srem.u32 s3, s15;
	[smem:$0x7F1] =	sst s2  }
0x533: {  	s3 =	spop (drf);
	(drf) =	srem.u32 s4, s16  }
0x534: {  	[smem:$0x794] =	sst s3;
	s4 =	spop (v2sf)  }
0x535: {  	s3 =	sld [smem:$0x753];
	(drf) =	srem.u32 s5, s17  }
0x536: {  	[smem:$0x7F3] =	sst s4;
	s5 =	spop (drf)  }
0x537: {  	[smem:$0x796] =	sst s5  }
0x538: {  	(drf) =	srem.u32 s9, s18;
	s9 =	sld [smem:$0x751]  }
0x539: {  	v14 =	vld.idx.msk [tilespmem:v14+s28+$0x0], $0xffff;
	s30 =	spop (drf);
	s5 =	sld [smem:$0x754]  }
0x53a: {  	[smem:$0x799] =	sst s30  }
0x53b: {  	s30 =	sld [smem:$0x755];
	s2 =	spop (drf)  }
0x53c: {  	(drf) =	srem.u32 s9, s25;
	[smem:$0x79C] =	sst s2  }
0x53d: {  	s4 =	spop (drf);
	(drf) =	srem.u32 s1, s23  }
0x53e: {  	v14 =	vpsel p0, $0x10000, v14;
	[smem:$0x78A] =	sst s4;
	s2 =	spop (drf)  }
0x53f: {  	[tilespmem:$0xC480] =	vst v14;
	(drf) =	srem.u32 s3, s22;
	s9 =	spop (drf)  }
0x540: {  	v13 =	vld.idx.msk [tilespmem:v13+s28+$0x0], $0xffff;
	s3 =	sld [smem:$0x756];
	(drf) =	srem.u32 s5, s12  }
0x541: {  	(v2sf) =	vpush v12, $0x8;
	s4 =	smov.u32 s12;
	[smem:$0x78C] =	sst s9;
	s12 =	spop (drf)  }
0x542: {  	(drf) =	srem.u32 s6, s14;
	[smem:$0x78E] =	sst s12  }
0x543: {  	s1 =	spop (drf);
	s6 =	sld [smem:$0x757]  }
0x544: {  	(drf) =	srem.u32 s30, s13;
	[smem:$0x790] =	sst s1  }
0x545: {  	v13 =	vpsel p0, $0x10000, v13;
	s5 =	spop (drf);
	(drf) =	srem.u32 s3, s29  }
0x546: {  	[tilespmem:$0xC490] =	vst v13;
	[smem:$0x792] =	sst s5;
	(drf) =	srem.u32 s6, s11  }
0x547: {  	s0 =	spop (drf)  }
0x548: {  	s9 =	sld [smem:$0x758]  }
0x549: {  	s30 =	sld [smem:$0x759]  }
0x54a: {  	s12 =	spop (drf);
	s3 =	sld [smem:$0x75A]  }
0x54b: {  	s6 =	sld [smem:$0x75B];
	(drf) =	srem.u32 s9, s19  }
0x54c: {  	[smem:$0x797] =	sst s12;
	(drf) =	srem.u32 s30, s31  }
0x54d: {  	s1 =	smov.u32 s31;
	s31 =	spop (drf);
	s30 =	sld [smem:$0x75C]  }
0x54e: {  	[smem:$0x79A] =	sst s31  }
0x54f: {  	(drf) =	srem.u32 s3, s20;
	s5 =	spop (drf)  }
0x550: {  	s3 =	spop (v2sf);
	[smem:$0x79D] =	sst s5  }
0x551: {  	(drf) =	srem.u32 s6, s10;
	[smem:$0x7F5] =	sst s3  }
0x552: {  	s9 =	spop (drf);
	s5 =	sld [smem:$0x75D]  }
0x553: {  	[smem:$0x79F] =	sst s9;
	s12 =	spop (drf)  }
0x554: {  	(drf) =	srem.u32 s7, s15;
	[smem:$0x7A2] =	sst s12  }
0x555: {  	(drf) =	srem.u32 s30, s16;
	s12 =	sld [smem:$0x75E]  }
0x556: {  	s7 =	spop (drf);
	s30 =	sld [smem:$0x75F]  }
0x557: {  	(drf) =	srem.u32 s5, s17;
	[smem:$0x7A5] =	sst s7  }
0x558: {  	s9 =	smov.u32 s17;
	s17 =	spop (drf);
	s5 =	sld [smem:$0x760]  }
0x559: {  	[smem:$0x7A8] =	sst s17  }
0x55a: {  	s3 =	spop (drf);
	s17 =	sld [smem:$0x762]  }
0x55b: {  	[smem:$0x7AB] =	sst s3  }
0x55c: {  	(drf) =	srem.u32 s12, s18;
	s12 =	sld [smem:$0x761]  }
0x55d: {  	(drf) =	srem.u32 s30, s25;
	s7 =	spop (drf)  }
0x55e: {  	(drf) =	srem.u32 s5, s23;
	[smem:$0x7AE] =	sst s7  }
0x55f: {  	(drf) =	srem.u32 s12, s22;
	s12 =	spop (drf)  }
0x560: {  	s5 =	sld [smem:$0x763];
	s3 =	spop (drf)  }
0x561: {  	s7 =	smov.u32 s22;
	(drf) =	srem.u32 s17, s4;
	s22 =	spop (drf)  }
0x562: {  	(v2sf) =	vpush v12, $0x9;
	(drf) =	srem.u32 s21, s14;
	s21 =	sld [smem:$0x764]  }
0x563: {  	[smem:$0x7A0] =	sst s22;
	s30 =	spop (drf)  }
0x564: {  	(drf) =	srem.u32 s5, s13;
	[smem:$0x7A3] =	sst s30  }
0x565: {  	s17 =	smov.u32 s14;
	s14 =	spop (drf);
	s30 =	sld [smem:$0x765]  }
0x566: {  	[smem:$0x7A6] =	sst s14;
	(drf) =	srem.u32 s21, s29  }
0x567: {  	s22 =	spop (drf);
	s14 =	sld [smem:$0x766]  }
0x568: {  	[smem:$0x7A9] =	sst s22;
	s5 =	spop (drf)  }
0x569: {  	(drf) =	srem.u32 s30, s11;
	[smem:$0x7AC] =	sst s5  }
0x56a: {  	s22 =	spop (drf);
	s30 =	sld [smem:$0x767]  }
0x56b: {  	[smem:$0x7AF] =	sst s22  }
0x56c: {  	(drf) =	srem.u32 s14, s19;
	s14 =	sld [smem:$0x768]  }
0x56d: {  	s5 =	spop (drf);
	s22 =	sld [smem:$0x769]  }
0x56e: {  	[smem:$0x7B1] =	sst s5  }
0x56f: {  	s5 =	sld [smem:$0x76A];
	(drf) =	srem.u32 s30, s1  }
0x570: {  	s31 =	smov.u32 s20;
	(drf) =	srem.u32 s14, s20;
	s20 =	spop (drf)  }
0x571: {  	s14 =	spop (v2sf);
	[smem:$0x7B3] =	sst s20  }
0x572: {  	[smem:$0x7F7] =	sst s14  }
0x573: {  	(drf) =	srem.u32 s22, s10;
	s20 =	sld [smem:$0x76C]  }
0x574: {  	s30 =	spop (drf);
	s14 =	sld [smem:$0x76E]  }
0x575: {  	s8 =	smov.u32 s15;
	(drf) =	srem.u32 s5, s15;
	s15 =	sld [smem:$0x76B]  }
0x576: {  	[smem:$0x7B6] =	sst s30  }
0x577: {  	s30 =	sld [smem:$0x76D]  }
0x578: {  	s6 =	smov.u32 s16;
	(drf) =	srem.u32 s15, s16;
	s16 =	spop (drf)  }
0x579: {  	[smem:$0x7B9] =	sst s16  }
0x57a: {  	(drf) =	srem.u32 s20, s9;
	s22 =	spop (drf)  }
0x57b: {  	[smem:$0x7BC] =	sst s22;
	(drf) =	srem.u32 s30, s18  }
0x57c: {  	s16 =	smov.u32 s18;
	s5 =	spop (drf);
	s18 =	sld [smem:$0x76F]  }
0x57d: {  	[smem:$0x7BF] =	sst s5;
	(drf) =	srem.u32 s14, s25  }
0x57e: {  	s30 =	smov.u32 s25;
	s15 =	spop (drf);
	s25 =	sld [smem:$0x771]  }
0x57f: {  	[smem:$0x7C2] =	sst s15;
	s20 =	spop (drf)  }
0x580: {  	s22 =	smov.u32 s23;
	(drf) =	srem.u32 s18, s23;
	s23 =	sld [smem:$0x770]  }
0x581: {  	[smem:$0x7C4] =	sst s20;
	s18 =	spop (drf)  }
0x582: {  	s20 =	sld [smem:$0x772];
	s14 =	spop (drf)  }
0x583: {  	s5 =	spop (drf);
	(drf) =	srem.u32 s23, s7  }
0x584: {  	[smem:$0x7B4] =	sst s5;
	s23 =	spop (drf)  }
0x585: {  	[smem:$0x7B7] =	sst s23  }
0x586: {  	(v2sf) =	vpush v12, $0xA;
	(drf) =	srem.u32 s25, s4;
	s25 =	sld [smem:$0x773]  }
0x587: {  	s5 =	spop (drf);
	s23 =	sld [smem:$0x775]  }
0x588: {  	s15 =	smov.u32 s4;
	(drf) =	srem.u32 s20, s17;
	[smem:$0x7BA] =	sst s5  }
0x589: {  	s4 =	smov.u32 s17;
	s17 =	spop (drf);
	s5 =	sld [smem:$0x776]  }
0x58a: {  	[smem:$0x7BD] =	sst s17  }
0x58b: {  	s20 =	smov.u32 s13;
	(drf) =	srem.u32 s25, s13;
	s13 =	sld [smem:$0x774]  }
0x58c: {  	s17 =	sld [smem:$0x777];
	s25 =	spop (drf)  }
0x58d: {  	[smem:$0x7C0] =	sst s25  }
0x58e: {  	(drf) =	srem.u32 s13, s29;
	s13 =	spop (drf)  }
0x58f: {  	(drf) =	srem.u32 s23, s11;
	[smem:$0x7C3] =	sst s13  }
0x590: {  	s23 =	spop (drf);
	s13 =	sld [smem:$0x779]  }
0x591: {  	(drf) =	srem.u32 s5, s19;
	[smem:$0x7C5] =	sst s23  }
0x592: {  	s5 =	spop (drf);
	s23 =	sld [smem:$0x77A]  }
0x593: {  	s25 =	smov.u32 s1;
	(drf) =	srem.u32 s17, s1;
	s1 =	sld [smem:$0x778]  }
0x594: {  	[smem:$0x7C7] =	sst s5  }
0x595: {  	s17 =	spop (v2sf);
	s5 =	sld [smem:$0x77B]  }
0x596: {  	[smem:$0x7F9] =	sst s17  }
0x597: {  	s17 =	sld [smem:$0x77C]  }
0x598: {  	(drf) =	srem.u32 s1, s31;
	s1 =	spop (drf)  }
0x599: {  	(drf) =	srem.u32 s13, s10;
	[smem:$0x7C9] =	sst s1  }
0x59a: {  	s13 =	spop (drf);
	s1 =	sld [smem:$0x77D]  }
0x59b: {  	(drf) =	srem.u32 s23, s8;
	[smem:$0x7CB] =	sst s13  }
0x59c: {  	s23 =	spop (drf);
	s13 =	sld [smem:$0x77E]  }
0x59d: {  	(drf) =	srem.u32 s5, s6;
	[smem:$0x7CE] =	sst s23  }
0x59e: {  	s5 =	spop (drf);
	(drf) =	srem.u32 s17, s9  }
0x59f: {  	[smem:$0x7D1] =	sst s5;
	s17 =	spop (drf)  }
0x5a0: {  	s5 =	sld [smem:$0x780];
	(drf) =	srem.u32 s1, s16  }
0x5a1: {  	[smem:$0x7D4] =	sst s17;
	s1 =	spop (drf)  }
0x5a2: {  	s23 =	smov.u32 s30;
	(drf) =	srem.u32 s13, s30;
	s30 =	sld [smem:$0x77F]  }
0x5a3: {  	[smem:$0x7D8] =	sst s1  }
0x5a4: {  	s13 =	sld [smem:$0x781]  }
0x5a5: {  	(drf) =	srem.u32 s30, s22;
	s30 =	spop (drf)  }
0x5a6: {  	(drf) =	srem.u32 s5, s7;
	s5 =	rddreg [dreg:$0x10]  }
0x5a7: {  	s1 =	smov.u32 s15;
	(drf) =	srem.u32 s13, s15;
	s15 =	sld [smem:$0x782]  }
0x5a8: {  	s17 =	spop (drf);
	v13 =	vmov s5;
	s5 =	sld [smem:$0x783]  }
0x5a9: {  	s13 =	spop (drf)  }
0x5aa: {  	(drf) =	srem.u32 s15, s4;
	s15 =	spop (drf)  }
0x5ab: {  	(drf) =	srem.u32 s5, s20;
	s5 =	spop (drf)  }
0x5ac: {  	[smem:$0x7CC] =	sst s5  }
0x5ad: {  	s5 =	rddreg [dreg:$0xf]  }
0x5ae: {  	v13 =	vsel vm1, s5, v13;
	s5 =	sld [smem:$0x784];
	_ =	sdelay $0x2  }
0x5af: {  	(drf) =	srem.u32 s5, s29;
	s5 =	spop (drf)  }
0x5b0: {  	[smem:$0x7CF] =	sst s5  }
0x5b1: {  	(v2sf) =	vpush v12, $0xB;
	s5 =	rddreg [dreg:$0x1c]  }
0x5b2: {  	v13 =	vsel vm2, s5, v13;
	s5 =	sld [smem:$0x785];
	_ =	sdelay $0x2  }
0x5b3: {  	(drf) =	srem.u32 s5, s11  }
0x5b4: {  	s21 =	smov.u32 s11;
	s11 =	spop (drf);
	s5 =	rddreg [dreg:$0x1d]  }
0x5b5: {  	[smem:$0x7D2] =	sst s11  }
0x5b6: {  	v13 =	vsel vm3, s5, v13;
	s11 =	sld [smem:$0x786];
	s5 =	spop (drf)  }
0x5b7: {  	[smem:$0x7D5] =	sst s5  }
0x5b8: {  	s5 =	sld [smem:$0x787];
	_ =	sdelay $0x1  }
0x5b9: {  	v14 =	vmov s2;
	s2 =	sld [smem:$0x789];
	(drf) =	srem.u32 s11, s19  }
0x5ba: {  	s11 =	smov.u32 s19;
	s19 =	rddreg [dreg:$0x1a];
	(drf) =	srem.u32 s5, s25  }
0x5bb: {  	v13 =	vsel vm4, s19, v13;
	s19 =	spop (drf);
	s5 =	rddreg [dreg:$0x19]  }
0x5bc: {  	[smem:$0x7D9] =	sst s19  }
0x5bd: {  	v13 =	vsel vm5, s5, v13;
	s19 =	sld [smem:$0x788];
	s5 =	spop (v2sf)  }
0x5be: {  	[smem:$0x7FB] =	sst s5;
	s5 =	spop (drf)  }
0x5bf: {  	[smem:$0x7DC] =	sst s5  }
0x5c0: {  	s5 =	sld [smem:$0x78B]  }
0x5c1: {  	(drf) =	srem.u32 s19, s31;
	s19 =	rddreg [dreg:$0x16]  }
0x5c2: {  	v13 =	vsel vm6, s19, v13;
	(drf) =	srem.u32 s2, s10;
	s19 =	rddreg [dreg:$0x15]  }
0x5c3: {  	s2 =	sld [smem:$0x78A];
	(drf) =	srem.u32 s5, s8  }
0x5c4: {  	v13 =	vsel vm7, s19, v13;
	s19 =	spop (drf);
	s5 =	sld [smem:$0x78C]  }
0x5c5: {  	[smem:$0x7DF] =	sst s19  }
0x5c6: {  	s19 =	sld [smem:$0x78D]  }
0x5c7: {  	v14 =	vsel vm1, s2, v14;
	s2 =	rddreg [dreg:$0x14]  }
0x5c8: {  	v13 =	vsel vm8, s2, v13;
	v14 =	vsel vm2, s5, v14;
	s2 =	spop (drf);
	s5 =	rddreg [dreg:$0x13]  }
0x5c9: {  	[smem:$0x7E1] =	sst s2  }
0x5ca: {  	(drf) =	srem.u32 s19, s6;
	s19 =	sld [smem:$0x78E]  }
0x5cb: {  	v13 =	vsel vm9, s5, v13;
	s2 =	sld [smem:$0x78F];
	s5 =	spop (drf)  }
0x5cc: {  	[smem:$0x7E3] =	sst s5  }
0x5cd: {  	s5 =	sld [smem:$0x791]  }
0x5ce: {  	[smem:$0x795] =	sst s0  }
0x5cf: {  	v14 =	vsel vm3, s19, v14;
	(drf) =	srem.u32 s2, s9;
	s19 =	rddreg [dreg:$0x12]  }
0x5d0: {  	s2 =	sld [smem:$0x790];
	(drf) =	srem.u32 s5, s16  }
0x5d1: {  	v13 =	vsel vm10, s19, v13;
	s19 =	spop (drf);
	s5 =	sld [smem:$0x792]  }
0x5d2: {  	[smem:$0x7E6] =	sst s19  }
0x5d3: {  	s19 =	sld [smem:$0x793]  }
0x5d4: {  	v14 =	vsel vm4, s2, v14;
	s2 =	rddreg [dreg:$0x11]  }
0x5d5: {  	v13 =	vsel vm11, s2, v13;
	v14 =	vsel vm5, s5, v14;
	s2 =	spop (drf);
	s5 =	sld [smem:$0x794]  }
0x5d6: {  	(drf) =	srem.u32 s19, s23;
	[smem:$0x7E9] =	sst s2  }
0x5d7: {  	s19 =	sld [smem:$0x795];
	s2 =	spop (drf)  }
0x5d8: {  	[smem:$0x7EC] =	sst s2  }
0x5d9: {  	s2 =	sld [smem:$0x798]  }
0x5da: {  	v13 =	vsel vm12, s5, v13;
	s5 =	sld [smem:$0x796]  }
0x5db: {  	s0 =	sld [smem:$0x79C]  }
0x5dc: {  	v14 =	vsel vm6, s19, v14;
	s19 =	sld [smem:$0x797];
	(drf) =	srem.u32 s2, s22  }
0x5dd: {  	s2 =	sld [smem:$0x79A];
	v13 =	vsel vm13, s5, v13;
	s5 =	spop (drf)  }
0x5de: {  	[smem:$0x7DA] =	sst s5  }
0x5df: {  	s5 =	sld [smem:$0x79B]  }
0x5e0: {  	v14 =	vsel vm7, s19, v14;
	s19 =	sld [smem:$0x799]  }
0x5e1: {  	v15 =	vmov s3;
	s3 =	sld [smem:$0x79E]  }
0x5e2: {  	v14 =	vsel vm8, s2, v14;
	s2 =	sld [smem:$0x79D];
	(drf) =	srem.u32 s5, s7  }
0x5e3: {  	v13 =	vsel vm15, s19, v13;
	s19 =	spop (drf);
	s5 =	sld [smem:$0x79F]  }
0x5e4: {  	[smem:$0x7D6] =	sst s19  }
0x5e5: {  	s19 =	smov.u32 s1;
	(drf) =	srem.u32 s3, s1;
	s1 =	sld [smem:$0x7A1]  }
0x5e6: {  	v15 =	vsel vm1, s12, v15;
	s12 =	sld [smem:$0x7A0];
	v14 =	vsel vm9, s2, v14  }
0x5e7: {  	(v2sf) =	vpush v12, $0xC;
	v14 =	vsel vm10, s5, v14;
	s5 =	sld [smem:$0x7A2]  }
0x5e8: {  	v13 =	vsel vm14, s0, v13;
	s0 =	smov.u32 s4;
	(drf) =	srem.u32 s1, s4;
	s4 =	sld [smem:$0x7A4]  }
0x5e9: {  	v15 =	vsel vm2, s12, v15;
	s12 =	sld [smem:$0x7A3];
	s2 =	spop (drf)  }
0x5ea: {  	s3 =	spop (drf);
	v14 =	vsel vm11, s5, v14;
	s5 =	sld [smem:$0x7A5]  }
0x5eb: {  	s1 =	smov.u32 s20;
	(drf) =	srem.u32 s4, s20;
	s20 =	sld [smem:$0x7A6]  }
0x5ec: {  	_ = 	snop  }
0x5ed: {  	v15 =	vsel vm3, s12, v15;
	s12 =	spop (drf)  }
0x5ee: {  	v14 =	vsel vm12, s5, v14;
	s5 =	sld [smem:$0x7A7];
	v15 =	vsel vm4, s20, v15;
	s20 =	spop (drf)  }
0x5ef: {  	[smem:$0x7E4] =	sst s20  }
0x5f0: {  	s20 =	sld [smem:$0x7A9]  }
0x5f1: {  	v61 =	vmov s14;
	(drf) =	srem.u32 s5, s29;
	s5 =	sld [smem:$0x7A8]  }
0x5f2: {  	v16 =	vsel vm1, s18, v61;
	s18 =	sld [smem:$0x7B3]  }
0x5f3: {  	v62 =	vmov s17;
	s17 =	sld [smem:$0x7C5]  }
0x5f4: {  	v15 =	vsel vm5, s20, v15;
	s20 =	spop (drf);
	v14 =	vsel vm13, s5, v14;
	s5 =	sld [smem:$0x7AA]  }
0x5f5: {  	[smem:$0x7E7] =	sst s20  }
0x5f6: {  	s14 =	spop (v2sf);
	s20 =	sld [smem:$0x7AC]  }
0x5f7: {  	[smem:$0x7FD] =	sst s14  }
0x5f8: {  	s4 =	sld [smem:$0x7AD];
	(drf) =	srem.u32 s5, s21  }
0x5f9: {  	s5 =	sld [smem:$0x7AB];
	v15 =	vsel vm6, s20, v15;
	s20 =	spop (drf)  }
0x5fa: {  	[smem:$0x7EA] =	sst s20  }
0x5fb: {  	(drf) =	srem.u32 s4, s11;
	s20 =	sld [smem:$0x7AF]  }
0x5fc: {  	s4 =	sld [smem:$0x7B0];
	s14 =	spop (drf)  }
0x5fd: {  	[smem:$0x7ED] =	sst s14  }
0x5fe: {  	s14 =	spop (drf);
	v14 =	vsel vm15, s5, v14;
	s5 =	smov.u32 s11;
	s11 =	sld [smem:$0x7AE]  }
0x5ff: {  	[smem:$0x7EE] =	sst s14  }
0x600: {  	s14 =	spop (drf);
	v15 =	vsel vm7, s20, v15;
	s20 =	sld [smem:$0x7B1]  }
0x601: {  	(drf) =	srem.u32 s4, s25;
	s4 =	sld [smem:$0x7B2]  }
0x602: {  	[smem:$0x7F0] =	sst s14;
	s14 =	spop (drf)  }
0x603: {  	[smem:$0x7F2] =	sst s14  }
0x604: {  	v14 =	vsel vm14, s11, v14;
	s11 =	sld [smem:$0x7BB]  }
0x605: {  	v15 =	vsel vm8, s20, v15;
	s20 =	sld [smem:$0x7B4]  }
0x606: {  	(drf) =	srem.u32 s4, s31;
	s4 =	sld [smem:$0x7B5]  }
0x607: {  	v15 =	vsel vm9, s18, v15;
	s18 =	sld [smem:$0x7B6]  }
0x608: {  	s14 =	spop (drf);
	v16 =	vsel vm2, s20, v16;
	s20 =	sld [smem:$0x7B7]  }
0x609: {  	(drf) =	srem.u32 s4, s10;
	s4 =	sld [smem:$0x7B8]  }
0x60a: {  	[smem:$0x7F4] =	sst s14  }
0x60b: {  	v15 =	vsel vm10, s18, v15;
	s18 =	sld [smem:$0x7B9]  }
0x60c: {  	v16 =	vsel vm3, s20, v16;
	(drf) =	srem.u32 s4, s8;
	s20 =	sld [smem:$0x7BA]  }
0x60d: {  	(drf) =	srem.u32 s11, s6;
	s11 =	smov.u32 s6;
	s6 =	sld [smem:$0x7BE]  }
0x60e: {  	v15 =	vsel vm11, s18, v15;
	s18 =	sld [smem:$0x7BC]  }
0x60f: {  	s4 =	sld [smem:$0x7C1]  }
0x610: {  	v16 =	vsel vm4, s20, v16;
	s20 =	sld [smem:$0x7BD];
	(drf) =	srem.u32 s6, s9  }
0x611: {  	v15 =	vsel vm12, s18, v15;
	s6 =	smov.u32 s9;
	s18 =	sld [smem:$0x7BF];
	s9 =	spop (drf)  }
0x612: {  	v13 =	vld.idx.msk [tilespmem:v13+s28+$0x0], $0xffff;
	[smem:$0x7F6] =	sst s9  }
0x613: {  	s14 =	smov.u32 s16;
	(drf) =	srem.u32 s4, s16;
	s16 =	sld [smem:$0x7C2]  }
0x614: {  	s4 =	sld [smem:$0x7C8]  }
0x615: {  	s9 =	spop (drf);
	v16 =	vsel vm5, s20, v16;
	s20 =	sld [smem:$0x7C0]  }
0x616: {  	[smem:$0x7F8] =	sst s9  }
0x617: {  	v13 =	vpsel p0, $0x10000, v13;
	s9 =	sld [smem:$0x7C9]  }
0x618: {  	[tilespmem:$0xC4A0] =	vst v13;
	v13 =	vsel vm13, s18, v15;
	s18 =	sld [smem:$0x7C6]  }
0x619: {  	v13 =	vsel vm15, s16, v13;
	s16 =	sld [smem:$0x7C4]  }
0x61a: {  	v15 =	vsel vm6, s20, v16;
	s20 =	sld [smem:$0x7C3]  }
0x61b: {  	v16 =	vsel vm1, s30, v62;
	s30 =	sld [smem:$0x7C7]  }
0x61c: {  	(drf) =	srem.u32 s18, s23;
	s18 =	sld [smem:$0x7CC]  }
0x61d: {  	v13 =	vsel vm14, s16, v13;
	(drf) =	srem.u32 s4, s22;
	s16 =	sld [smem:$0x7CA]  }
0x61e: {  	s4 =	sld [smem:$0x7D3];
	v15 =	vsel vm7, s20, v15;
	s20 =	spop (drf)  }
0x61f: {  	[smem:$0x7FA] =	sst s20  }
0x620: {  	v15 =	vsel vm8, s17, v15;
	s17 =	sld [smem:$0x7CB]  }
0x621: {  	v16 =	vsel vm2, s13, v16;
	s13 =	spop (drf);
	s20 =	sld [smem:$0x7CD]  }
0x622: {  	v15 =	vsel vm9, s30, v15;
	(drf) =	srem.u32 s16, s7;
	s30 =	sld [smem:$0x7CE]  }
0x623: {  	v16 =	vsel vm3, s15, v16;
	s15 =	spop (drf);
	s16 =	sld [smem:$0x7D0]  }
0x624: {  	v14 =	vld.idx.msk [tilespmem:v14+s28+$0x0], $0xffff;
	v16 =	vsel vm4, s18, v16;
	v15 =	vsel vm10, s9, v15;
	s18 =	spop (drf);
	s9 =	sld [smem:$0x7CF]  }
0x625: {  	v15 =	vsel vm11, s17, v15;
	(drf) =	srem.u32 s20, s19;
	s17 =	sld [smem:$0x7D1]  }
0x626: {  	s20 =	spop (drf);
	v15 =	vsel vm12, s30, v15;
	s30 =	sld [smem:$0x7D2]  }
0x627: {  	(v2sf) =	vpush v12, $0xD;
	(drf) =	srem.u32 s16, s0;
	v16 =	vsel vm5, s9, v16;
	s9 =	sld [smem:$0x7D4]  }
0x628: {  	(drf) =	srem.u32 s4, s1;
	s1 =	sld [smem:$0x7D6]  }
0x629: {  	v14 =	vpsel p0, $0x10000, v14;
	s4 =	sld [smem:$0x7D7]  }
0x62a: {  	[tilespmem:$0xC4B0] =	vst v14;
	v14 =	vsel vm13, s17, v15;
	v15 =	vsel vm6, s30, v16;
	s30 =	sld [smem:$0x7D5]  }
0x62b: {  	v14 =	vsel vm15, s9, v14;
	s9 =	sld [smem:$0x7D8]  }
0x62c: {  	s17 =	spop (drf);
	v63 =	vmov s1;
	s1 =	sld [smem:$0x7D9]  }
0x62d: {  	(drf) =	srem.u32 s4, s29;
	s4 =	sld [smem:$0x7DA]  }
0x62e: {  	v15 =	vsel vm7, s30, v15;
	v14 =	vsel vm14, s9, v14;
	s9 =	sld [smem:$0x7DB]  }
0x62f: {  	v15 =	vsel vm8, s1, v15;
	s1 =	sld [smem:$0x7DC]  }
0x630: {  	v16 =	vsel vm1, s4, v63;
	s4 =	sld [smem:$0x7DD]  }
0x631: {  	s30 =	spop (drf);
	(drf) =	srem.u32 s9, s21  }
0x632: {  	s9 =	spop (drf);
	v15 =	vsel vm9, s1, v15;
	s1 =	sld [smem:$0x7DE]  }
0x633: {  	v16 =	vsel vm2, s2, v16;
	(drf) =	srem.u32 s4, s5;
	s4 =	smov.u32 s5;
	s5 =	sld [smem:$0x7DF]  }
0x634: {  	v16 =	vsel vm3, s3, v16;
	s3 =	sld [smem:$0x7E1]  }
0x635: {  	(drf) =	srem.u32 s1, s25;
	s25 =	sld [smem:$0x7E0]  }
0x636: {  	s16 =	smov.u32 s0;
	s0 =	spop (v2sf);
	v15 =	vsel vm10, s5, v15;
	s5 =	sld [smem:$0x7E2]  }
0x637: {  	(v2sf) =	vpush v12, $0xE;
	s2 =	spop (drf);
	v12 =	vsel vm11, s3, v15;
	v15 =	vsel vm4, s12, v16;
	s12 =	sld [smem:$0x7E3]  }
0x638: {  	(drf) =	srem.u32 s25, s31;
	s25 =	sld [smem:$0x7E4]  }
0x639: {  	v13 =	vld.idx.msk [tilespmem:v13+s28+$0x0], $0xffff;
	s3 =	spop (drf);
	s31 =	sld [smem:$0x7E5]  }
0x63a: {  	(drf) =	srem.u32 s5, s10;
	s5 =	sld [smem:$0x7E6]  }
0x63b: {  	s10 =	sld [smem:$0x7E8];
	v12 =	vsel vm12, s12, v12;
	s12 =	spop (drf)  }
0x63c: {  	(drf) =	srem.u32 s31, s8;
	s8 =	sld [smem:$0x7E7]  }
0x63d: {  	v15 =	vsel vm5, s25, v15;
	s25 =	sld [smem:$0x7EA]  }
0x63e: {  	v13 =	vpsel p0, $0x10000, v13;
	s31 =	sld [smem:$0x7EB]  }
0x63f: {  	[tilespmem:$0xC4C0] =	vst v13;
	v12 =	vsel vm13, s5, v12;
	s5 =	sld [smem:$0x7EC];
	v13 =	vsel vm6, s8, v15;
	s8 =	spop (drf)  }
0x640: {  	(drf) =	srem.u32 s10, s11;
	s11 =	sld [smem:$0x7E9]  }
0x641: {  	v15 =	vmov s15;
	s15 =	sld [smem:$0x7F0];
	s10 =	spop (drf)  }
0x642: {  	(drf) =	srem.u32 s31, s6;
	s6 =	sld [smem:$0x7ED]  }
0x643: {  	v15 =	vsel vm1, s13, v15;
	s13 =	sld [smem:$0x7EF]  }
0x644: {  	v13 =	vsel vm7, s25, v13;
	s25 =	sld [smem:$0x7F4]  }
0x645: {  	s31 =	sld [smem:$0x7F5]  }
0x646: {  	v12 =	vsel vm15, s11, v12;
	s11 =	sld [smem:$0x7EE]  }
0x647: {  	v15 =	vsel vm2, s18, v15;
	s18 =	sld [smem:$0x7F1];
	v12 =	vsel vm14, s5, v12;
	s5 =	spop (drf)  }
0x648: {  	v14 =	vld.idx.msk [tilespmem:v14+s28+$0x0], $0xffff;
	v15 =	vsel vm3, s20, v15;
	s20 =	sld [smem:$0x7F2];
	v13 =	vsel vm8, s6, v13;
	s6 =	spop (drf)  }
0x649: {  	(drf) =	srem.u32 s13, s14;
	v13 =	vsel vm9, s11, v13;
	s11 =	spop (drf)  }
0x64a: {  	(drf) =	srem.u32 s18, s23;
	s23 =	sld [smem:$0x7F3]  }
0x64b: {  	v15 =	vsel vm4, s17, v15;
	s17 =	sld [smem:$0x7F7];
	s13 =	spop (drf)  }
0x64c: {  	v15 =	vsel vm5, s30, v15;
	s18 =	sld [smem:$0x7F8];
	v13 =	vsel vm10, s15, v13;
	s30 =	spop (drf)  }
0x64d: {  	v14 =	vpsel p0, $0x10000, v14;
	v13 =	vsel vm11, s20, v13;
	s20 =	sld [smem:$0x7F9];
	(drf) =	srem.u32 s23, s22  }
0x64e: {  	[tilespmem:$0xC4D0] =	vst v14;
	v14 =	vsel vm6, s9, v15;
	(drf) =	srem.u32 s31, s7;
	s7 =	sld [smem:$0x7F6]  }
0x64f: {  	v14 =	vsel vm7, s2, v14;
	s15 =	spop (drf);
	s22 =	sld [smem:$0x7FA]  }
0x650: {  	v14 =	vsel vm8, s3, v14;
	v13 =	vsel vm12, s25, v13;
	s25 =	sld [smem:$0x7FB];
	v15 =	vmov s15  }
0x651: {  	v12 =	vld.idx.msk [tilespmem:v12+s28+$0x0], $0xffff;
	v14 =	vsel vm9, s12, v14;
	s12 =	spop (v2sf);
	v15 =	vsel vm1, s30, v15;
	s30 =	sld [smem:$0x7FC];
	v13 =	vsel vm13, s7, v13  }
0x652: {  	(drf) =	srem.u32 s17, s19;
	s7 =	sld [smem:$0x7FD];
	v13 =	vsel vm15, s18, v13  }
0x653: {  	s19 =	spop (drf);
	(drf) =	srem.u32 s20, s16;
	v13 =	vsel vm14, s22, v13  }
0x654: {  	s23 =	spop (drf);
	v15 =	vsel vm2, s19, v15;
	(drf) =	srem.u32 s25, s30  }
0x655: {  	v14 =	vsel vm10, s8, v14;
	s31 =	spop (drf);
	v15 =	vsel vm3, s23, v15;
	(drf) =	srem.u32 s7, s29  }
0x656: {  	v14 =	vsel vm11, s10, v14;
	s9 =	spop (drf);
	v12 =	vpsel p0, $0x10000, v12;
	v15 =	vsel vm4, s31, v15;
	(drf) =	srem.u32 s0, s21  }
0x657: {  	v14 =	vsel vm12, s5, v14;
	v15 =	vsel vm5, s9, v15;
	s14 =	spop (drf);
	[tilespmem:$0xC4E0] =	vst v12;
	(drf) =	srem.u32 s12, s4  }
0x658: {  	v12 =	vsel vm13, s6, v14;
	v14 =	vsel vm6, s14, v15;
	s15 =	spop (drf);
	v13 =	vld.idx.msk [tilespmem:v13+s28+$0x0], $0xffff  }
0x659: {  	v12 =	vsel vm15, s11, v12;
	v14 =	vsel vm7, s15, v14;
	s16 =	spop (drf)  }
0x65a: {  	v12 =	vsel vm14, s13, v12;
	s17 =	spop (drf);
	v14 =	vsel vm8, s16, v14  }
0x65b: {  	s18 =	spop (drf);
	v14 =	vsel vm9, s17, v14  }
0x65c: {  	s19 =	spop (drf);
	v14 =	vsel vm10, s18, v14  }
0x65d: {  	v14 =	vsel vm11, s19, v14;
	s20 =	spop (drf);
	v13 =	vpsel p0, $0x10000, v13  }
0x65e: {  	s21 =	spop (drf);
	[tilespmem:$0xC4F0] =	vst v13;
	v13 =	vsel vm12, s20, v14  }
0x65f: {  	s22 =	spop (drf);
	v12 =	vld.idx.msk [tilespmem:v12+s28+$0x0], $0xffff;
	v13 =	vsel vm13, s21, v13  }
0x660: {  	s23 =	spop (drf);
	v13 =	vsel vm15, s22, v13  }
0x661: {  	v13 =	vsel vm14, s23, v13;
	_ =	sdelay $0x2  }
0x662: {  	v12 =	vpsel p0, $0x10000, v12  }
0x663: {  	[tilespmem:$0xC500] =	vst v12  }
0x664: {  	v12 =	vld.idx.msk [tilespmem:v13+s28+$0x0], $0xffff;
	_ =	sdelay $0x4  }
0x665: {  	s2 =	simm.s32 $0xC520;
	s3 =	simm.s32 $0x1;
	s25 =	simm.s32 $0xC320;
	v12 =	vpsel p0, $0x10000, v12  }
0x666: {  	s9 =	rddreg [dreg:$0x3];
	s29 =	simm.s32 $0x0;
	s4 =	simm.s32 $0x80;
	[tilespmem:$0xC510] =	vst v12  }
0x667: {  	v12 =	vmov s29;
	[tilespmem:s2], [sflag:$0x1] =	stream.indirect.gather [hbm4b:s9+s4], $0x90, s25, s4, $0xb8;
	[tilespmem:$0x1DD30] =	vst v63  }
0x668: {  	v12 =	vmul.u32 $0x88, v12;
	_ =	swait.ge [sflag:s3], $0x4800  }
0x669: {  	s5 =	simm.s32 $0x10D20;
	[sflag:s3] =	ssyncset.done $0x0  }
0x66a: {  	s30 =	simm.s32 $0xC3A0;
	s0 =	simm.s32 $0xC560;
	v13 =	vbroadcast v12, $0x0;
	[sflag:s3] =	ssyncadd.s32 $0xFFFFB800  }
0x66b: {  	[tilespmem:s5], [sflag:$0x1] =	stream.indirect.gather [hbm4b:s9+s4], $0x90, s30, s4, $0xb8;
	[tilespmem:$0x1DD30] =	vst v63  }
0x66c: {  	v14 =	vadd.s32 v0, v13;
	v12 =	vld [tilespmem:s0+$0xFFFFFFC0];
	_ =	sdelay $0x4  }
0x66d: {  	[tilespmem:v14+s24+$0x0] =	vst.idx.msk $0xffff, v12  }
0x66e: {  	v14 =	vadd.s32 v3, v13;
	v12 =	vld [tilespmem:s0+$0xFFFFFFD0];
	_ =	sdelay $0x4  }
0x66f: {  	[tilespmem:v14+s24+$0x0] =	vst.idx.msk $0xffff, v12  }
0x670: {  	v14 =	vadd.s32 v4, v13;
	v12 =	vld [tilespmem:s0+$0xFFFFFFE0];
	_ =	sdelay $0x4  }
0x671: {  	[tilespmem:v14+s24+$0x0] =	vst.idx.msk $0xffff, v12  }
0x672: {  	v14 =	vadd.s32 v5, v13;
	v12 =	vld [tilespmem:s0+$0xFFFFFFF0];
	_ =	sdelay $0x4  }
0x673: {  	[tilespmem:v14+s24+$0x0] =	vst.idx.msk $0xffff, v12  }
0x674: {  	v14 =	vadd.s32 v6, v13;
	v12 =	vld [tilespmem:s0+$0x0];
	_ =	sdelay $0x4  }
0x675: {  	[tilespmem:v14+s24+$0x0] =	vst.idx.msk $0xffff, v12  }
0x676: {  	v14 =	vadd.s32 v7, v13;
	v12 =	vld [tilespmem:s0+$0x10];
	_ =	sdelay $0x4  }
0x677: {  	[tilespmem:v14+s24+$0x0] =	vst.idx.msk $0xffff, v12  }
0x678: {  	v14 =	vadd.s32 v8, v13;
	v12 =	vld [tilespmem:s0+$0x20];
	_ =	sdelay $0x4  }
0x679: {  	[tilespmem:v14+s24+$0x0] =	vst.idx.msk $0xffff, v12  }
0x67a: {  	v14 =	vadd.s32 v9, v13;
	v12 =	vld [tilespmem:s0+$0x30];
	_ =	sdelay $0x4  }
0x67b: {  	[tilespmem:v14+s24+$0x0] =	vst.idx.msk $0xffff, v12  }
0x67c: {  	s31 =	simm.s32 $0x1;
	v13 =	vadd.s32 v11, v13;
	v12 =	vld [tilespmem:s0+$0x40]  }
0x67d: {  	s1 =	simm.s32 $0x2;
	v14 =	vmov s31  }
.LBB2_7:
0x67e: {  	p0 =	sne.s32 s1, $0x7F;
	v14 =	vmul.u32 $0x88, v14;
	_ =	sdelay $0x1  }
0x67f: {  	v14 =	vbroadcast v14, $0x0  }
0x680: {  	s0 =	sadd.s32 $0x90, s0;
	[tilespmem:v13+s24+$0x0] =	vst.idx.msk $0x7, v12  }
0x681: {  	v12 =	vld [tilespmem:s0+$0xFFFFFFC0];
	v13 =	vadd.s32 v0, v14;
	_ =	sdelay $0x4  }
0x682: {  	[tilespmem:v13+s24+$0x0] =	vst.idx.msk $0xffff, v12  }
0x683: {  	v13 =	vadd.s32 v3, v14;
	v12 =	vld [tilespmem:s0+$0xFFFFFFD0];
	_ =	sdelay $0x4  }
0x684: {  	[tilespmem:v13+s24+$0x0] =	vst.idx.msk $0xffff, v12  }
0x685: {  	v13 =	vadd.s32 v4, v14;
	v12 =	vld [tilespmem:s0+$0xFFFFFFE0];
	_ =	sdelay $0x4  }
0x686: {  	[tilespmem:v13+s24+$0x0] =	vst.idx.msk $0xffff, v12  }
0x687: {  	v13 =	vadd.s32 v5, v14;
	v12 =	vld [tilespmem:s0+$0xFFFFFFF0];
	_ =	sdelay $0x4  }
0x688: {  	[tilespmem:v13+s24+$0x0] =	vst.idx.msk $0xffff, v12  }
0x689: {  	v13 =	vadd.s32 v6, v14;
	v12 =	vld [tilespmem:s0+$0x0];
	_ =	sdelay $0x4  }
0x68a: {  	[tilespmem:v13+s24+$0x0] =	vst.idx.msk $0xffff, v12  }
0x68b: {  	v13 =	vadd.s32 v7, v14;
	v12 =	vld [tilespmem:s0+$0x10];
	_ =	sdelay $0x4  }
0x68c: {  	[tilespmem:v13+s24+$0x0] =	vst.idx.msk $0xffff, v12  }
0x68d: {  	v13 =	vadd.s32 v8, v14;
	v12 =	vld [tilespmem:s0+$0x20];
	_ =	sdelay $0x4  }
0x68e: {  	[tilespmem:v13+s24+$0x0] =	vst.idx.msk $0xffff, v12  }
0x68f: {  	v13 =	vadd.s32 v9, v14;
	v12 =	vld [tilespmem:s0+$0x30];
	_ =	sdelay $0x2  }
.Ltmp2:
0x690: {  	(pc) =	sbr.rel @p0 .LBB2_7-.Ltmp2, $4  }
0x691: {  	_ = 	snop  }
0x692: {  	[tilespmem:v13+s24+$0x0] =	vst.idx.msk $0xffff, v12  }
0x693: {  	v13 =	vadd.s32 v11, v14;
	v12 =	vld [tilespmem:s0+$0x40]  }
0x694: {  	v14 =	vmov s1;
	s1 =	sadd.s32 $0x1, s1  }
0x695: {  	_ = 	snop  }
0x696: {  	v14 =	vmul.u32 $0x88, v14;
	_ =	sdelay $0x1  }
0x697: {  	v14 =	vbroadcast v14, $0x0  }
0x698: {  	s0 =	sadd.s32 $0x90, s0;
	[tilespmem:v13+s24+$0x0] =	vst.idx.msk $0x7, v12  }
0x699: {  	v12 =	vld [tilespmem:s0+$0xFFFFFFC0];
	v13 =	vadd.s32 v0, v14;
	_ =	sdelay $0x4  }
0x69a: {  	[tilespmem:v13+s24+$0x0] =	vst.idx.msk $0xffff, v12  }
0x69b: {  	v13 =	vadd.s32 v3, v14;
	v12 =	vld [tilespmem:s0+$0xFFFFFFD0];
	_ =	sdelay $0x4  }
0x69c: {  	[tilespmem:v13+s24+$0x0] =	vst.idx.msk $0xffff, v12  }
0x69d: {  	v13 =	vadd.s32 v4, v14;
	v12 =	vld [tilespmem:s0+$0xFFFFFFE0];
	_ =	sdelay $0x4  }
0x69e: {  	[tilespmem:v13+s24+$0x0] =	vst.idx.msk $0xffff, v12  }
0x69f: {  	v13 =	vadd.s32 v5, v14;
	v12 =	vld [tilespmem:s0+$0xFFFFFFF0];
	_ =	sdelay $0x4  }
0x6a0: {  	[tilespmem:v13+s24+$0x0] =	vst.idx.msk $0xffff, v12  }
0x6a1: {  	v13 =	vadd.s32 v6, v14;
	v12 =	vld [tilespmem:s0+$0x0];
	_ =	sdelay $0x4  }
0x6a2: {  	[tilespmem:v13+s24+$0x0] =	vst.idx.msk $0xffff, v12  }
0x6a3: {  	v13 =	vadd.s32 v7, v14;
	v12 =	vld [tilespmem:s0+$0x10];
	_ =	sdelay $0x4  }
0x6a4: {  	[tilespmem:v13+s24+$0x0] =	vst.idx.msk $0xffff, v12  }
0x6a5: {  	v13 =	vadd.s32 v8, v14;
	v12 =	vld [tilespmem:s0+$0x20];
	_ =	sdelay $0x4  }
0x6a6: {  	[tilespmem:v13+s24+$0x0] =	vst.idx.msk $0xffff, v12  }
0x6a7: {  	v13 =	vadd.s32 v9, v14;
	v12 =	vld [tilespmem:s0+$0x30];
	_ =	sdelay $0x3  }
0x6a8: {  	s23 =	rddreg [dreg:$0x5]  }
0x6a9: {  	s7 =	rddreg [dreg:$0xe];
	[tilespmem:v13+s24+$0x0] =	vst.idx.msk $0xffff, v12  }
0x6aa: {  	v13 =	vadd.s32 v11, v14;
	v12 =	vld [tilespmem:s0+$0x40];
	s0 =	sadd.s32 s23, s7  }
0x6ab: {  	s0 =	smul.u32 $0x11000, s0  }
0x6ac: {  	s1 =	rddreg [dreg:$0xa]  }
0x6ad: {  	s0 =	sadd.s32 s1, s0  }
0x6ae: {  	s25 =	rddreg [dreg:$0x4];
	s0 =	sshrl.u32 s0, $0x3  }
0x6af: {  	s29 =	simm.s32 $0x0;
	[tilespmem:v13+s24+$0x0] =	vst.idx.msk $0x7, v12;
	s1 =	sadd.s32 s25, s0  }
0x6b0: {  	v12 =	vmov s29;
	[hbm4b:s1+s29] =	stream.linear.scatter [tilespmem:s24], [sflag:$0x2], $0x4400, $0x38;
	[tilespmem:$0x1DD30] =	vst v63  }
0x6b1: {  	v12 =	vmul.u32 $0x88, v12;
	_ =	swait.ge [sflag:s3], $0x4800  }
0x6b2: {  	[sflag:s3] =	ssyncset.done $0x0  }
0x6b3: {  	s30 =	simm.s32 $0xC420;
	s0 =	simm.s32 $0x10D60;
	v13 =	vbroadcast v12, $0x0;
	[sflag:s3] =	ssyncadd.s32 $0xFFFFB800  }
0x6b4: {  	[tilespmem:s2], [sflag:$0x1] =	stream.indirect.gather [hbm4b:s9+s4], $0x90, s30, s4, $0xb8;
	[tilespmem:$0x1DD30] =	vst v63  }
0x6b5: {  	v14 =	vadd.s32 v0, v13;
	v12 =	vld [tilespmem:s0+$0xFFFFFFC0];
	_ =	sdelay $0x4  }
0x6b6: {  	[tilespmem:v14+s26+$0x0] =	vst.idx.msk $0xffff, v12  }
0x6b7: {  	v14 =	vadd.s32 v3, v13;
	v12 =	vld [tilespmem:s0+$0xFFFFFFD0];
	_ =	sdelay $0x4  }
0x6b8: {  	[tilespmem:v14+s26+$0x0] =	vst.idx.msk $0xffff, v12  }
0x6b9: {  	v14 =	vadd.s32 v4, v13;
	v12 =	vld [tilespmem:s0+$0xFFFFFFE0];
	_ =	sdelay $0x4  }
0x6ba: {  	[tilespmem:v14+s26+$0x0] =	vst.idx.msk $0xffff, v12  }
0x6bb: {  	v14 =	vadd.s32 v5, v13;
	v12 =	vld [tilespmem:s0+$0xFFFFFFF0];
	_ =	sdelay $0x4  }
0x6bc: {  	[tilespmem:v14+s26+$0x0] =	vst.idx.msk $0xffff, v12  }
0x6bd: {  	v14 =	vadd.s32 v6, v13;
	v12 =	vld [tilespmem:s0+$0x0];
	_ =	sdelay $0x4  }
0x6be: {  	[tilespmem:v14+s26+$0x0] =	vst.idx.msk $0xffff, v12  }
0x6bf: {  	v14 =	vadd.s32 v7, v13;
	v12 =	vld [tilespmem:s0+$0x10];
	_ =	sdelay $0x4  }
0x6c0: {  	[tilespmem:v14+s26+$0x0] =	vst.idx.msk $0xffff, v12  }
0x6c1: {  	v14 =	vadd.s32 v8, v13;
	v12 =	vld [tilespmem:s0+$0x20];
	_ =	sdelay $0x4  }
0x6c2: {  	[tilespmem:v14+s26+$0x0] =	vst.idx.msk $0xffff, v12  }
0x6c3: {  	v14 =	vadd.s32 v9, v13;
	v12 =	vld [tilespmem:s0+$0x30];
	_ =	sdelay $0x4  }
0x6c4: {  	[tilespmem:v14+s26+$0x0] =	vst.idx.msk $0xffff, v12  }
0x6c5: {  	s31 =	simm.s32 $0x1;
	v13 =	vadd.s32 v11, v13;
	v12 =	vld [tilespmem:s0+$0x40]  }
0x6c6: {  	s8 =	simm.s32 $0x0;
	s6 =	simm.s32 $0x2;
	s2 =	simm.s32 $0x2;
	v14 =	vmov s31  }
.LBB2_9:
0x6c7: {  	p0 =	sne.s32 s2, $0x7F;
	v14 =	vmul.u32 $0x88, v14;
	_ =	sdelay $0x1  }
0x6c8: {  	v14 =	vbroadcast v14, $0x0  }
0x6c9: {  	s0 =	sadd.s32 $0x90, s0;
	[tilespmem:v13+s26+$0x0] =	vst.idx.msk $0x7, v12  }
0x6ca: {  	v12 =	vld [tilespmem:s0+$0xFFFFFFC0];
	v13 =	vadd.s32 v0, v14;
	_ =	sdelay $0x4  }
0x6cb: {  	[tilespmem:v13+s26+$0x0] =	vst.idx.msk $0xffff, v12  }
0x6cc: {  	v13 =	vadd.s32 v3, v14;
	v12 =	vld [tilespmem:s0+$0xFFFFFFD0];
	_ =	sdelay $0x4  }
0x6cd: {  	[tilespmem:v13+s26+$0x0] =	vst.idx.msk $0xffff, v12  }
0x6ce: {  	v13 =	vadd.s32 v4, v14;
	v12 =	vld [tilespmem:s0+$0xFFFFFFE0];
	_ =	sdelay $0x4  }
0x6cf: {  	[tilespmem:v13+s26+$0x0] =	vst.idx.msk $0xffff, v12  }
0x6d0: {  	v13 =	vadd.s32 v5, v14;
	v12 =	vld [tilespmem:s0+$0xFFFFFFF0];
	_ =	sdelay $0x4  }
0x6d1: {  	[tilespmem:v13+s26+$0x0] =	vst.idx.msk $0xffff, v12  }
0x6d2: {  	v13 =	vadd.s32 v6, v14;
	v12 =	vld [tilespmem:s0+$0x0];
	_ =	sdelay $0x4  }
0x6d3: {  	[tilespmem:v13+s26+$0x0] =	vst.idx.msk $0xffff, v12  }
0x6d4: {  	v13 =	vadd.s32 v7, v14;
	v12 =	vld [tilespmem:s0+$0x10];
	_ =	sdelay $0x4  }
0x6d5: {  	[tilespmem:v13+s26+$0x0] =	vst.idx.msk $0xffff, v12  }
0x6d6: {  	v13 =	vadd.s32 v8, v14;
	v12 =	vld [tilespmem:s0+$0x20];
	_ =	sdelay $0x4  }
0x6d7: {  	[tilespmem:v13+s26+$0x0] =	vst.idx.msk $0xffff, v12  }
0x6d8: {  	v13 =	vadd.s32 v9, v14;
	v12 =	vld [tilespmem:s0+$0x30];
	_ =	sdelay $0x2  }
.Ltmp3:
0x6d9: {  	(pc) =	sbr.rel @p0 .LBB2_9-.Ltmp3, $4  }
0x6da: {  	_ = 	snop  }
0x6db: {  	[tilespmem:v13+s26+$0x0] =	vst.idx.msk $0xffff, v12  }
0x6dc: {  	v13 =	vadd.s32 v11, v14;
	v12 =	vld [tilespmem:s0+$0x40]  }
0x6dd: {  	v14 =	vmov s2;
	s2 =	sadd.s32 $0x1, s2  }
0x6de: {  	_ = 	snop  }
0x6df: {  	v14 =	vmul.u32 $0x88, v14;
	_ =	sdelay $0x1  }
0x6e0: {  	v14 =	vbroadcast v14, $0x0  }
0x6e1: {  	s0 =	sadd.s32 $0x90, s0;
	[tilespmem:v13+s26+$0x0] =	vst.idx.msk $0x7, v12  }
0x6e2: {  	v12 =	vld [tilespmem:s0+$0xFFFFFFC0];
	v13 =	vadd.s32 v0, v14;
	_ =	sdelay $0x4  }
0x6e3: {  	[tilespmem:v13+s26+$0x0] =	vst.idx.msk $0xffff, v12  }
0x6e4: {  	v13 =	vadd.s32 v3, v14;
	v12 =	vld [tilespmem:s0+$0xFFFFFFD0];
	_ =	sdelay $0x4  }
0x6e5: {  	[tilespmem:v13+s26+$0x0] =	vst.idx.msk $0xffff, v12  }
0x6e6: {  	v13 =	vadd.s32 v4, v14;
	v12 =	vld [tilespmem:s0+$0xFFFFFFE0];
	_ =	sdelay $0x4  }
0x6e7: {  	[tilespmem:v13+s26+$0x0] =	vst.idx.msk $0xffff, v12  }
0x6e8: {  	v13 =	vadd.s32 v5, v14;
	v12 =	vld [tilespmem:s0+$0xFFFFFFF0];
	_ =	sdelay $0x4  }
0x6e9: {  	[tilespmem:v13+s26+$0x0] =	vst.idx.msk $0xffff, v12  }
0x6ea: {  	v13 =	vadd.s32 v6, v14;
	v12 =	vld [tilespmem:s0+$0x0];
	_ =	sdelay $0x4  }
0x6eb: {  	[tilespmem:v13+s26+$0x0] =	vst.idx.msk $0xffff, v12  }
0x6ec: {  	v13 =	vadd.s32 v7, v14;
	v12 =	vld [tilespmem:s0+$0x10];
	_ =	sdelay $0x4  }
0x6ed: {  	[tilespmem:v13+s26+$0x0] =	vst.idx.msk $0xffff, v12  }
0x6ee: {  	v13 =	vadd.s32 v8, v14;
	v12 =	vld [tilespmem:s0+$0x20];
	_ =	sdelay $0x4  }
0x6ef: {  	[tilespmem:v13+s26+$0x0] =	vst.idx.msk $0xffff, v12  }
0x6f0: {  	v13 =	vadd.s32 v9, v14;
	v12 =	vld [tilespmem:s0+$0x30];
	_ =	sdelay $0x4  }
0x6f1: {  	[tilespmem:v13+s26+$0x0] =	vst.idx.msk $0xffff, v12  }
0x6f2: {  	v13 =	vadd.s32 v11, v14;
	v12 =	vld [tilespmem:s0+$0x40];
	_ =	sdelay $0x4  }
0x6f3: {  	s29 =	sadd.s32 $0x880, s1;
	s2 =	simm.s32 $0x0;
	[tilespmem:v13+s26+$0x0] =	vst.idx.msk $0x7, v12  }
0x6f4: {  	[hbm4b:s29+s2] =	stream.linear.scatter [tilespmem:s26], [sflag:$0x2], $0x4400, $0x38;
	[tilespmem:$0x1DD30] =	vst v63  }
0x6f5: {  	_ =	swait.ge [sflag:s6], $0x4400  }
0x6f6: {  	[sflag:s6] =	ssyncset.done $0x0  }
0x6f7: {  	v12 =	vmov s2;
	[sflag:s6] =	ssyncadd.s32 $0xFFFFBC00  }
0x6f8: {  	v12 =	vmul.u32 $0x88, v12;
	_ =	swait.ge [sflag:s3], $0x4800  }
0x6f9: {  	[sflag:s3] =	ssyncset.done $0x0  }
0x6fa: {  	s30 =	simm.s32 $0xC4A0;
	s0 =	simm.s32 $0xC560;
	v13 =	vbroadcast v12, $0x0;
	[sflag:s3] =	ssyncadd.s32 $0xFFFFB800  }
0x6fb: {  	[tilespmem:s5], [sflag:$0x1] =	stream.indirect.gather [hbm4b:s9+s4], $0x90, s30, s4, $0xb8;
	[tilespmem:$0x1DD30] =	vst v63  }
0x6fc: {  	v14 =	vadd.s32 v0, v13;
	v12 =	vld [tilespmem:s0+$0xFFFFFFC0];
	_ =	sdelay $0x4  }
0x6fd: {  	[tilespmem:v14+s24+$0x0] =	vst.idx.msk $0xffff, v12  }
0x6fe: {  	v14 =	vadd.s32 v3, v13;
	v12 =	vld [tilespmem:s0+$0xFFFFFFD0];
	_ =	sdelay $0x4  }
0x6ff: {  	[tilespmem:v14+s24+$0x0] =	vst.idx.msk $0xffff, v12  }
0x700: {  	v14 =	vadd.s32 v4, v13;
	v12 =	vld [tilespmem:s0+$0xFFFFFFE0];
	_ =	sdelay $0x4  }
0x701: {  	[tilespmem:v14+s24+$0x0] =	vst.idx.msk $0xffff, v12  }
0x702: {  	v14 =	vadd.s32 v5, v13;
	v12 =	vld [tilespmem:s0+$0xFFFFFFF0];
	_ =	sdelay $0x4  }
0x703: {  	[tilespmem:v14+s24+$0x0] =	vst.idx.msk $0xffff, v12  }
0x704: {  	v14 =	vadd.s32 v6, v13;
	v12 =	vld [tilespmem:s0+$0x0];
	_ =	sdelay $0x4  }
0x705: {  	[tilespmem:v14+s24+$0x0] =	vst.idx.msk $0xffff, v12  }
0x706: {  	v14 =	vadd.s32 v7, v13;
	v12 =	vld [tilespmem:s0+$0x10];
	_ =	sdelay $0x4  }
0x707: {  	[tilespmem:v14+s24+$0x0] =	vst.idx.msk $0xffff, v12  }
0x708: {  	v14 =	vadd.s32 v8, v13;
	v12 =	vld [tilespmem:s0+$0x20];
	_ =	sdelay $0x4  }
0x709: {  	[tilespmem:v14+s24+$0x0] =	vst.idx.msk $0xffff, v12  }
0x70a: {  	v14 =	vadd.s32 v9, v13;
	v12 =	vld [tilespmem:s0+$0x30];
	_ =	sdelay $0x4  }
0x70b: {  	[tilespmem:v14+s24+$0x0] =	vst.idx.msk $0xffff, v12  }
0x70c: {  	s31 =	simm.s32 $0x1;
	v13 =	vadd.s32 v11, v13;
	v12 =	vld [tilespmem:s0+$0x40]  }
0x70d: {  	s2 =	simm.s32 $0x2;
	v14 =	vmov s31  }
.LBB2_11:
0x70e: {  	p0 =	sne.s32 s2, $0x7F;
	v14 =	vmul.u32 $0x88, v14;
	_ =	sdelay $0x1  }
0x70f: {  	v14 =	vbroadcast v14, $0x0  }
0x710: {  	s0 =	sadd.s32 $0x90, s0;
	[tilespmem:v13+s24+$0x0] =	vst.idx.msk $0x7, v12  }
0x711: {  	v12 =	vld [tilespmem:s0+$0xFFFFFFC0];
	v13 =	vadd.s32 v0, v14;
	_ =	sdelay $0x4  }
0x712: {  	[tilespmem:v13+s24+$0x0] =	vst.idx.msk $0xffff, v12  }
0x713: {  	v13 =	vadd.s32 v3, v14;
	v12 =	vld [tilespmem:s0+$0xFFFFFFD0];
	_ =	sdelay $0x4  }
0x714: {  	[tilespmem:v13+s24+$0x0] =	vst.idx.msk $0xffff, v12  }
0x715: {  	v13 =	vadd.s32 v4, v14;
	v12 =	vld [tilespmem:s0+$0xFFFFFFE0];
	_ =	sdelay $0x4  }
0x716: {  	[tilespmem:v13+s24+$0x0] =	vst.idx.msk $0xffff, v12  }
0x717: {  	v13 =	vadd.s32 v5, v14;
	v12 =	vld [tilespmem:s0+$0xFFFFFFF0];
	_ =	sdelay $0x4  }
0x718: {  	[tilespmem:v13+s24+$0x0] =	vst.idx.msk $0xffff, v12  }
0x719: {  	v13 =	vadd.s32 v6, v14;
	v12 =	vld [tilespmem:s0+$0x0];
	_ =	sdelay $0x4  }
0x71a: {  	[tilespmem:v13+s24+$0x0] =	vst.idx.msk $0xffff, v12  }
0x71b: {  	v13 =	vadd.s32 v7, v14;
	v12 =	vld [tilespmem:s0+$0x10];
	_ =	sdelay $0x4  }
0x71c: {  	[tilespmem:v13+s24+$0x0] =	vst.idx.msk $0xffff, v12  }
0x71d: {  	v13 =	vadd.s32 v8, v14;
	v12 =	vld [tilespmem:s0+$0x20];
	_ =	sdelay $0x4  }
0x71e: {  	[tilespmem:v13+s24+$0x0] =	vst.idx.msk $0xffff, v12  }
0x71f: {  	v13 =	vadd.s32 v9, v14;
	v12 =	vld [tilespmem:s0+$0x30];
	_ =	sdelay $0x2  }
.Ltmp4:
0x720: {  	(pc) =	sbr.rel @p0 .LBB2_11-.Ltmp4, $4  }
0x721: {  	_ = 	snop  }
0x722: {  	[tilespmem:v13+s24+$0x0] =	vst.idx.msk $0xffff, v12  }
0x723: {  	v13 =	vadd.s32 v11, v14;
	v12 =	vld [tilespmem:s0+$0x40]  }
0x724: {  	v14 =	vmov s2;
	s2 =	sadd.s32 $0x1, s2  }
0x725: {  	_ = 	snop  }
0x726: {  	v14 =	vmul.u32 $0x88, v14;
	_ =	sdelay $0x1  }
0x727: {  	v14 =	vbroadcast v14, $0x0  }
0x728: {  	s0 =	sadd.s32 $0x90, s0;
	[tilespmem:v13+s24+$0x0] =	vst.idx.msk $0x7, v12  }
0x729: {  	v12 =	vld [tilespmem:s0+$0xFFFFFFC0];
	v13 =	vadd.s32 v0, v14;
	_ =	sdelay $0x4  }
0x72a: {  	[tilespmem:v13+s24+$0x0] =	vst.idx.msk $0xffff, v12  }
0x72b: {  	v13 =	vadd.s32 v3, v14;
	v12 =	vld [tilespmem:s0+$0xFFFFFFD0];
	_ =	sdelay $0x4  }
0x72c: {  	[tilespmem:v13+s24+$0x0] =	vst.idx.msk $0xffff, v12  }
0x72d: {  	v13 =	vadd.s32 v4, v14;
	v12 =	vld [tilespmem:s0+$0xFFFFFFE0];
	_ =	sdelay $0x4  }
0x72e: {  	[tilespmem:v13+s24+$0x0] =	vst.idx.msk $0xffff, v12  }
0x72f: {  	v13 =	vadd.s32 v5, v14;
	v12 =	vld [tilespmem:s0+$0xFFFFFFF0];
	_ =	sdelay $0x4  }
0x730: {  	[tilespmem:v13+s24+$0x0] =	vst.idx.msk $0xffff, v12  }
0x731: {  	v13 =	vadd.s32 v6, v14;
	v12 =	vld [tilespmem:s0+$0x0];
	_ =	sdelay $0x4  }
0x732: {  	[tilespmem:v13+s24+$0x0] =	vst.idx.msk $0xffff, v12  }
0x733: {  	v13 =	vadd.s32 v7, v14;
	v12 =	vld [tilespmem:s0+$0x10];
	_ =	sdelay $0x4  }
0x734: {  	[tilespmem:v13+s24+$0x0] =	vst.idx.msk $0xffff, v12  }
0x735: {  	v13 =	vadd.s32 v8, v14;
	v12 =	vld [tilespmem:s0+$0x20];
	_ =	sdelay $0x4  }
0x736: {  	[tilespmem:v13+s24+$0x0] =	vst.idx.msk $0xffff, v12  }
0x737: {  	v13 =	vadd.s32 v9, v14;
	v12 =	vld [tilespmem:s0+$0x30];
	_ =	sdelay $0x4  }
0x738: {  	[tilespmem:v13+s24+$0x0] =	vst.idx.msk $0xffff, v12  }
0x739: {  	v13 =	vadd.s32 v11, v14;
	v12 =	vld [tilespmem:s0+$0x40];
	_ =	sdelay $0x4  }
0x73a: {  	s30 =	sadd.s32 $0x1100, s1;
	s2 =	simm.s32 $0x0;
	[tilespmem:v13+s24+$0x0] =	vst.idx.msk $0x7, v12  }
0x73b: {  	[hbm4b:s30+s2] =	stream.linear.scatter [tilespmem:s24], [sflag:$0x2], $0x4400, $0x38;
	[tilespmem:$0x1DD30] =	vst v63  }
0x73c: {  	_ =	swait.ge [sflag:s6], $0x4400  }
0x73d: {  	v12 =	vmov s2;
	[sflag:s6] =	ssyncset.done $0x0  }
0x73e: {  	v12 =	vmul.u32 $0x88, v12;
	[sflag:s6] =	ssyncadd.s32 $0xFFFFBC00  }
0x73f: {  	_ =	swait.ge [sflag:s3], $0x4800  }
0x740: {  	v13 =	vbroadcast v12, $0x0;
	[sflag:s3] =	ssyncset.done $0x0  }
0x741: {  	s0 =	simm.s32 $0x10D60;
	[sflag:s3] =	ssyncadd.s32 $0xFFFFB800  }
0x742: {  	v14 =	vadd.s32 v0, v13;
	v12 =	vld [tilespmem:s0+$0xFFFFFFC0];
	_ =	sdelay $0x4  }
0x743: {  	[tilespmem:v14+s26+$0x0] =	vst.idx.msk $0xffff, v12  }
0x744: {  	v14 =	vadd.s32 v3, v13;
	v12 =	vld [tilespmem:s0+$0xFFFFFFD0];
	_ =	sdelay $0x4  }
0x745: {  	[tilespmem:v14+s26+$0x0] =	vst.idx.msk $0xffff, v12  }
0x746: {  	v14 =	vadd.s32 v4, v13;
	v12 =	vld [tilespmem:s0+$0xFFFFFFE0];
	_ =	sdelay $0x4  }
0x747: {  	[tilespmem:v14+s26+$0x0] =	vst.idx.msk $0xffff, v12  }
0x748: {  	v14 =	vadd.s32 v5, v13;
	v12 =	vld [tilespmem:s0+$0xFFFFFFF0];
	_ =	sdelay $0x4  }
0x749: {  	[tilespmem:v14+s26+$0x0] =	vst.idx.msk $0xffff, v12  }
0x74a: {  	v14 =	vadd.s32 v6, v13;
	v12 =	vld [tilespmem:s0+$0x0];
	_ =	sdelay $0x4  }
0x74b: {  	[tilespmem:v14+s26+$0x0] =	vst.idx.msk $0xffff, v12  }
0x74c: {  	v14 =	vadd.s32 v7, v13;
	v12 =	vld [tilespmem:s0+$0x10];
	_ =	sdelay $0x4  }
0x74d: {  	[tilespmem:v14+s26+$0x0] =	vst.idx.msk $0xffff, v12  }
0x74e: {  	v14 =	vadd.s32 v8, v13;
	v12 =	vld [tilespmem:s0+$0x20];
	_ =	sdelay $0x4  }
0x74f: {  	[tilespmem:v14+s26+$0x0] =	vst.idx.msk $0xffff, v12  }
0x750: {  	v14 =	vadd.s32 v9, v13;
	v12 =	vld [tilespmem:s0+$0x30];
	_ =	sdelay $0x4  }
0x751: {  	[tilespmem:v14+s26+$0x0] =	vst.idx.msk $0xffff, v12  }
0x752: {  	s31 =	simm.s32 $0x1;
	v13 =	vadd.s32 v11, v13;
	v12 =	vld [tilespmem:s0+$0x40]  }
0x753: {  	s2 =	simm.s32 $0x2;
	v14 =	vmov s31  }
.LBB2_13:
0x754: {  	p0 =	sne.s32 s2, $0x7F;
	v14 =	vmul.u32 $0x88, v14;
	_ =	sdelay $0x1  }
0x755: {  	v14 =	vbroadcast v14, $0x0  }
0x756: {  	s0 =	sadd.s32 $0x90, s0;
	[tilespmem:v13+s26+$0x0] =	vst.idx.msk $0x7, v12  }
0x757: {  	v12 =	vld [tilespmem:s0+$0xFFFFFFC0];
	v13 =	vadd.s32 v0, v14;
	_ =	sdelay $0x4  }
0x758: {  	[tilespmem:v13+s26+$0x0] =	vst.idx.msk $0xffff, v12  }
0x759: {  	v13 =	vadd.s32 v3, v14;
	v12 =	vld [tilespmem:s0+$0xFFFFFFD0];
	_ =	sdelay $0x4  }
0x75a: {  	[tilespmem:v13+s26+$0x0] =	vst.idx.msk $0xffff, v12  }
0x75b: {  	v13 =	vadd.s32 v4, v14;
	v12 =	vld [tilespmem:s0+$0xFFFFFFE0];
	_ =	sdelay $0x4  }
0x75c: {  	[tilespmem:v13+s26+$0x0] =	vst.idx.msk $0xffff, v12  }
0x75d: {  	v13 =	vadd.s32 v5, v14;
	v12 =	vld [tilespmem:s0+$0xFFFFFFF0];
	_ =	sdelay $0x4  }
0x75e: {  	[tilespmem:v13+s26+$0x0] =	vst.idx.msk $0xffff, v12  }
0x75f: {  	v13 =	vadd.s32 v6, v14;
	v12 =	vld [tilespmem:s0+$0x0];
	_ =	sdelay $0x4  }
0x760: {  	[tilespmem:v13+s26+$0x0] =	vst.idx.msk $0xffff, v12  }
0x761: {  	v13 =	vadd.s32 v7, v14;
	v12 =	vld [tilespmem:s0+$0x10];
	_ =	sdelay $0x4  }
0x762: {  	[tilespmem:v13+s26+$0x0] =	vst.idx.msk $0xffff, v12  }
0x763: {  	v13 =	vadd.s32 v8, v14;
	v12 =	vld [tilespmem:s0+$0x20];
	_ =	sdelay $0x4  }
0x764: {  	[tilespmem:v13+s26+$0x0] =	vst.idx.msk $0xffff, v12  }
0x765: {  	v13 =	vadd.s32 v9, v14;
	v12 =	vld [tilespmem:s0+$0x30];
	_ =	sdelay $0x2  }
.Ltmp5:
0x766: {  	(pc) =	sbr.rel @p0 .LBB2_13-.Ltmp5, $4  }
0x767: {  	_ = 	snop  }
0x768: {  	[tilespmem:v13+s26+$0x0] =	vst.idx.msk $0xffff, v12  }
0x769: {  	v13 =	vadd.s32 v11, v14;
	v12 =	vld [tilespmem:s0+$0x40]  }
0x76a: {  	v14 =	vmov s2;
	s2 =	sadd.s32 $0x1, s2  }
0x76b: {  	_ = 	snop  }
0x76c: {  	v14 =	vmul.u32 $0x88, v14;
	_ =	sdelay $0x1  }
0x76d: {  	v14 =	vbroadcast v14, $0x0  }
0x76e: {  	s0 =	sadd.s32 $0x90, s0;
	[tilespmem:v13+s26+$0x0] =	vst.idx.msk $0x7, v12  }
0x76f: {  	v12 =	vld [tilespmem:s0+$0xFFFFFFC0];
	v55 =	vadd.s32 v0, v14;
	_ =	sdelay $0x4  }
0x770: {  	[tilespmem:v55+s26+$0x0] =	vst.idx.msk $0xffff, v12  }
0x771: {  	v56 =	vadd.s32 v3, v14;
	v12 =	vld [tilespmem:s0+$0xFFFFFFD0];
	_ =	sdelay $0x4  }
0x772: {  	[tilespmem:v56+s26+$0x0] =	vst.idx.msk $0xffff, v12  }
0x773: {  	v57 =	vadd.s32 v4, v14;
	v12 =	vld [tilespmem:s0+$0xFFFFFFE0];
	_ =	sdelay $0x4  }
0x774: {  	[tilespmem:v57+s26+$0x0] =	vst.idx.msk $0xffff, v12  }
0x775: {  	v58 =	vadd.s32 v5, v14;
	v12 =	vld [tilespmem:s0+$0xFFFFFFF0];
	_ =	sdelay $0x4  }
0x776: {  	[tilespmem:v58+s26+$0x0] =	vst.idx.msk $0xffff, v12  }
0x777: {  	v59 =	vadd.s32 v6, v14;
	v12 =	vld [tilespmem:s0+$0x0];
	_ =	sdelay $0x4  }
0x778: {  	[tilespmem:v59+s26+$0x0] =	vst.idx.msk $0xffff, v12  }
0x779: {  	v60 =	vadd.s32 v7, v14;
	v12 =	vld [tilespmem:s0+$0x10];
	_ =	sdelay $0x4  }
0x77a: {  	[tilespmem:v60+s26+$0x0] =	vst.idx.msk $0xffff, v12  }
0x77b: {  	v61 =	vadd.s32 v8, v14;
	v12 =	vld [tilespmem:s0+$0x20];
	_ =	sdelay $0x4  }
0x77c: {  	[tilespmem:v61+s26+$0x0] =	vst.idx.msk $0xffff, v12  }
0x77d: {  	v62 =	vadd.s32 v9, v14;
	v12 =	vld [tilespmem:s0+$0x30];
	_ =	sdelay $0x4  }
0x77e: {  	[tilespmem:v62+s26+$0x0] =	vst.idx.msk $0xffff, v12  }
0x77f: {  	v63 =	vadd.s32 v11, v14;
	v12 =	vld [tilespmem:s0+$0x40];
	_ =	sdelay $0x4  }
0x780: {  	s31 =	sadd.s32 $0x1980, s1;
	s7 =	sadd.s32 $0x1, s7;
	[tilespmem:v63+s26+$0x0] =	vst.idx.msk $0x7, v12  }
0x781: {  	[hbm4b:s31+s8] =	stream.linear.scatter [tilespmem:s26], [sflag:$0x2], $0x4400, $0x38;
	[tilespmem:$0x1DD30] =	vst v63  }
0x782: {  	p0 =	sne.s32 s7, $0x10;
	_ =	swait.ge [sflag:s6], $0x4400  }
.Ltmp6:
0x783: {  	[sflag:s6] =	ssyncset.done $0x0;
	(pc) =	sbr.rel @p0 .LBB2_2-.Ltmp6, $4  }
0x784: {  	[sflag:s6] =	ssyncadd.s32 $0xFFFFBC00  }
0x785: {  	_ =	swait.ge [sflag:s6], $0x4400  }
0x786: {  	[sflag:s6] =	ssyncset.done $0x0  }
0x787: {  	[sflag:s6] =	ssyncadd.s32 $0xFFFFBC00  }
0x788: {  	s0 =	rddreg [dreg:$0xb];
	s1 =	simm.s32 $0x1DD20  }
0x789: {  	[hbm4b:s0+s8] =	stream.linear.scatter [tilespmem:s1], [sflag:$0x3], $0x10, $0x38;
	[tilespmem:$0x1DD30] =	vst v63  }
0x78a: {  	s1 =	simm.s32 $0x3  }
0x78b: {  	_ =	swait.ge [sflag:s1], $0x10  }
0x78c: {  	s2 =	rddreg [dreg:$0xd]  }
0x78d: {  	s31 =	rddreg [dreg:$0xc];
	s2 =	sadd.s32 $0x1, s2  }
0x78e: {  	p0 =	sne.s32 s2, s31  }
.Ltmp7:
0x78f: {  	_ = 	snop;
	(pc) =	sbr.rel @p0 .LBB2_1-.Ltmp7, $3  }
0x790: {  	_ =	sdelay $0x1  }
0x791: {  	[sflag:s1] =	ssyncset.done $0x0  }
0x792: {  	[sflag:s1] =	ssyncadd.s32 $0xFFFFFFF0  }
0x793: {  	_ =	sfence.sel $0x180000  }
0x794: {  	[bflag:$0x0] =	sbarrier.arrive $0xFFFF  }
0x795: {  	_ =	strace $0x90000047  }
0x796: {  	s0 =	stileid.u32;
	[bflag:$0x2] =	sbarrier.arrive $0xFFFF  }
0x797: {  	p0 =	sne.s32 s0, $0x0;
	s0 =	rddreg [dreg:$0x2]  }
0x798: {  	s0 =	sadd.s32 @!p0 $0x100000, s0  }
0x799: {  	[sflag:s0] =	ssyncadd.tile.s32 @!p0 $0x1;
	_ =	shalt  }
.Lfunc_end2:
_tile_overlayer_lowered:
.L_overlay_start_2:
0x79a: {  	(tag) =	ssettag $0x2  }
0x79b: {  	s0 =	rddreg [dreg:$0x0];
	s2 =	stileid.u32  }
0x79c: {  	s1 =	rddreg [dreg:$0x1];
	p0 =	sne.s32 s2, $0x0  }
0x79d: {  	s3 =	rddreg [dreg:$0x2];
	[bflag:$0x3] =	sbarrier.arrive $0xFFFF;
	s2 =	simm.s32 @!p0 $0x1C03  }
0x79e: {  	[timem:s3], [sflag:s2] =	dma.local @!p0 [hbm:s0], s1  }
0x79f: {  	s0 =	simm.s32 @!p0 $0x3  }
0x7a0: {  	_ =	swait.ge @!p0 [sflag:s0], s1  }
0x7a1: {  	s1 =	ssub.s32 @!p0 $0x0, s1;
	[sflag:s0] =	ssyncset.done @!p0 $0x0  }
0x7a2: {  	[sflag:s0] =	ssyncadd.s32 @!p0 s1  }
0x7a3: {  	[bflag:$0x3] =	sbarrier.arrive $0xFFFF  }
0x7a4: {  	_ =	shalt  }

// kernel: sparse-core-data-format-call.cloned.1.call-start
scs
called_computation_lowered:
.L_overlay_start_0:
0x0: {  	s2 =	sld [smem:$0x3FD9]  }
0x1: {  	s3 =	sld [smem:$0x3FFE];
	_ =	sdelay $0x1  }
0x2: {  	s1 =	srdreg.scid  }
0x3: {  	s0 =	sand.u32 $0x1, s1  }
0x4: {  	s15 =	sshll.u32 s0, $0xA;
	s2 =	sadd.s32 s3, s2  }
0x5: {  	s2 =	sadd.s32 s2, s15  }
0x6: {  	[smem:$0x3FC5] =	sst s2  }
0x7: {  	_ = 	snop  }
0x8: {  	s2 =	sld [smem:$0x3FD0];
	_ =	sdelay $0x2  }
0x9: {  	s16 =	simm.s32 $0xA;
	s4 =	simm.s32 $0x10  }
0xa: {  	[smem:s4], [sflag:s16] =	dma.local [hbm:s2], $0x1  }
0xb: {  	_ =	swait.eq [sflag:s16], $0x1  }
0xc: {  	[sflag:s16] =	ssyncset.done $0x0  }
0xd: {  	[sflag:s16] =	ssyncadd.s32 $0xFFFFFFFF  }
0xe: {  	s17 =	sld [smem:$0x10];
	(tm) =	ssettm $0x1  }
0xf: {  	s18 =	sld [smem:$0x3FFB];
	_ =	sdelay $0x3  }
0x10: {  	_ =	strace s18  }
0x11: {  	s3 =	sld [smem:$0x3FFC];
	_ =	sdelay $0x3  }
0x12: {  	_ =	strace s3  }
0x13: {  	s3 =	sld [smem:$0x3FFD];
	_ =	sdelay $0x3  }
0x14: {  	_ =	strace s3  }
0x15: {  	_ =	strace $0x8FFFFFFF  }
0x16: {  	s19 =	sld [smem:$0x3FDB];
	_ =	sdelay $0x1  }
0x17: {  	s20 =	simm.s32 $_scs_section_size  }
0x18: {  	s5 =	simm.s32 $_size__tile_overlayer_lowered;
	s6 =	simm.s32 $_tile_overlayer_lowered  }
0x19: {  	s23 =	simm.s32 $0x1BFF;
	s22 =	sshll.u32 s6, $0x1;
	s3 =	sadd.s32 s20, s19  }
0x1a: {  	s7 =	simm.s32 $0x0;
	s21 =	sshll.u32 s5, $0x1;
	s5 =	sadd.s32 s22, s3  }
0x1b: {  	[timem:s7], [sflag:s23] =	dma.local [hbm:s5], s21  }
0x1c: {  	_ =	swait.ge [sflag:s23], s21  }
0x1d: {  	s4 =	ssub.s32 $0x0, s21;
	[sflag:s23] =	ssyncset.done $0x0  }
0x1e: {  	[sflag:s23] =	ssyncadd.s32 s4;
	_ =	sdelay $0x1  }
0x1f: {  	s24 =	simm.s32 $0x1B8B  }
0x20: {  	_ =	swait.ge [sflag:s24], $0x1  }
0x21: {  	[sflag:s24] =	ssyncset.done $0x0  }
0x22: {  	s26 =	simm.s32 $0x1B8E;
	s25 =	sld [smem:$0x3FFE];
	[sflag:s24] =	ssyncadd.s32 $0xFFFFFFFF  }
0x23: {  	s27 =	simm.s32 $execute0_lowered;
	[smem:$0x3FD2] =	sst s26  }
0x24: {  	s5 =	sshll.u32 s27, $0x1;
	_ =	strace $0x80000049;
	[dreg:$0x1] =	wrdreg $0xFFFFFFFF  }
0x25: {  	s28 =	simm.s32 $_size_execute0_lowered;
	s3 =	sadd.s32 s3, s5;
	[dreg:$0x0] =	wrdreg $0x0  }
0x26: {  	s5 =	sshll.u32 s28, $0x1;
	[dreg:$0x2] =	wrdreg s3  }
0x27: {  	[dreg:$0x3] =	wrdreg s5  }
0x28: {  	[dreg:$0x4] =	wrdreg $0xC0  }
0x29: {  	_ =	task [dreg:s7], $0x5FFFF  }
0x2a: {  	[dreg:$0x1] =	wrdreg $0xFFFFFFFF  }
0x2b: {  	[dreg:$0x0] =	wrdreg $0x60  }
0x2c: {  	[dreg:$0x2] =	wrdreg s25  }
0x2d: {  	[dreg:$0x3] =	wrdreg s17  }
0x2e: {  	[dreg:$0x4] =	wrdreg $0x9  }
0x2f: {  	_ =	task.clear_ibuf [dreg:s7], $0x5FFFF;
	_ =	strace $0x90000049  }
0x30: {  	s29 =	simm.s32 $0x9;
	_ =	strace $0x8000004B  }
0x31: {  	_ =	swait.ge [sflag:s29], $0x1  }
0x32: {  	[sflag:s29] =	ssyncadd.s32 $0xFFFFFFFF  }
0x33: {  	_ =	strace $0x9000004B  }
0x34: {  	_ =	sfence  }
0x35: {  	s30 =	sld [smem:$0x0];
	_ =	sdelay $0x2  }
0x36: {  	s31 =	sshll.u32 s1, $0xD;
	s1 =	sshrl.u32 s1, $0x2  }
0x37: {  	s3 =	sand.u32 $0x4000, s31;
	s1 =	sadd.s32 s1, s30  }
0x38: {  	s0 =	sor.u32 s3, s0;
	s1 =	sshll.u32 s1, $0x11  }
0x39: {  	s0 =	sor.u32 s1, s0  }
0x3a: {  	s0 =	sadd.s32 $0x8F2B, s0  }
0x3b: {  	[sflag:s0] =	ssyncadd.remote.s32 $0x1  }
0x3c: {  	_ =	sfence.sel $0xFFFF  }
0x3d: {  	[dreg:$0x0] =	wrdreg $0xFFFFFFFF;
	(pc) =	sbr.abs _section_cstart, $3  }
0x3e: {  	[dreg:$0x1] =	wrdreg $0xFFFFFFFF  }
0x3f: {  	_ =	task.clear_ibuf [dreg:s7], $0x2FFFF;
	_ =	strace $0x9FFFFFFF  }
0x40: {  	(tm) =	ssettm $0x7FFFFFFF  }
0x41: {  	_ =	shalt  }
tec
execute0_lowered:
.L_overlay_start_1:
0x0: {  	(tag) =	ssettag $0x1  }
0x1: {  	s3 =	rddreg [dreg:$0x0]  }
0x2: {  	s2 =	rddreg [dreg:$0x1]  }
0x3: {  	s1 =	srdreg.scid;
	s0 =	rddreg [dreg:$0x2];
	_ =	strace $0x8000004A  }
0x4: {  	s7 =	simm.s32 $0x2;
	s19 =	simm.s32 $0x0;
	p0 =	por $0x0, $0x0  }
0x5: {  	s17 =	simm.s32 $0x0;
	s18 =	simm.s32 $0x0;
	s20 =	simm.s32 $0x0  }
0x6: {  	s8 =	simm.s32 $0x0;
	s9 =	simm.s32 $0x0;
	s11 =	simm.s32 $0x0  }
0x7: {  	s12 =	simm.s32 $0x0;
	s13 =	simm.s32 $0x0;
	s14 =	simm.s32 $0x0  }
.Ltmp0:
0x8: {  	s10 =	simm.s32 $0x0;
	s4 =	sshll.u32 s1, $0x4;
	(pc) =	sbr.rel .LBB1_1-.Ltmp0, $4  }
0x9: {  	s1 =	stileid.u32;
	s3 =	sadd.s32 $0x567600, s3;
	s4 =	sand.u32 $0x10, s4  }
0xa: {  	s5 =	sand.u32 $0x3, s1;
	s6 =	sor.u32 s1, s4;
	s4 =	simm.s32 $0x1  }
0xb: {  	s16 =	smov.u32 s5;
	[sflag:s4] =	ssyncpa.u1 $0x0;
	s6 =	sshrl.u32 s6, $0x2  }
0xc: {  	[sflag:s7] =	ssyncpa.u1 $0x0;
	s7 =	simm.s32 $0x10000;
	s15 =	smov.u32 s6  }
.LBB1_5:
0xd: {  	p1 =	slt.u32 s10, $0x2;
	s21 =	smov.u32 s20  }
0xe: {  	s24 =	smov.u32 s16;
	s10 =	sadd.s32 $0x1, s10;
	p2 =	sgt.s32 @!p1 s20, $0x3  }
0xf: {  	p0 =	por !p0, !p0;
	s22 =	sshra.s32 @!p1 s20, $0x1F;
	p2 =	por !p2, p1  }
0x10: {  	s23 =	sshra.s32 @!p1 s19, $0x1F;
	s20 =	sand.u32 @!p1 s22, s20;
	s21 =	simm.s32 @p2 $0x3  }
0x11: {  	s22 =	smov.u32 s19;
	p2 =	sgt.s32 @!p1 s19, $0x3;
	s20 =	ssub.s32 @!p1 s21, s20  }
0x12: {  	s19 =	sand.u32 @!p1 s23, s19;
	p2 =	por !p2, p1;
	s21 =	sadd.s32 @!p1 $0xFFFFFFFD, s20  }
0x13: {  	s22 =	simm.s32 @p2 $0x3;
	s20 =	ssub.s32 @!p1 $0x4, s20;
	p3 =	sgt.s32 @!p1 s21, $0x0  }
0x14: {  	s19 =	ssub.s32 @!p1 s22, s19;
	s22 =	sshra.s32 @!p1 s18, $0x1F;
	p2 =	por !p3, p1  }
0x15: {  	s21 =	sadd.s32 @!p1 $0xFFFFFFFD, s19;
	p3 =	sgt.s32 @!p1 s18, $0x7F;
	s19 =	ssub.s32 @!p1 $0x83, s19  }
0x16: {  	s20 =	simm.s32 @!p2 $0x0;
	p2 =	sgt.s32 @!p1 s21, $0x7F;
	p3 =	por !p3, p1  }
0x17: {  	s21 =	smov.u32 s18;
	s18 =	sand.u32 @!p1 s22, s18;
	s22 =	sshra.s32 @!p1 s17, $0x1F  }
0x18: {  	s21 =	simm.s32 @p3 $0x7F;
	p3 =	sgt.s32 @!p1 s17, $0x180;
	p2 =	por !p2, p1  }
0x19: {  	s18 =	ssub.s32 @!p1 s21, s18;
	p3 =	por !p3, p1;
	s21 =	smov.u32 s17  }
0x1a: {  	s17 =	sand.u32 @!p1 s22, s17;
	s22 =	sadd.s32 @!p1 $0xFFFFFF81, s18;
	s21 =	simm.s32 @p3 $0x180  }
0x1b: {  	s18 =	ssub.s32 @!p1 $0x80, s18;
	p3 =	sgt.s32 @!p1 s22, $0x0;
	s17 =	ssub.s32 @!p1 s21, s17  }
0x1c: {  	s22 =	smov.u32 s14;
	p3 =	por !p3, p1;
	s21 =	sadd.s32 @!p1 $0xFFFFFE80, s17  }
0x1d: {  	s17 =	ssub.s32 @!p1 $0x200, s17;
	s18 =	simm.s32 @!p3 $0x0;
	p3 =	sgt.s32 @!p1 s21, $0x7F  }
0x1e: {  	s21 =	sadd.s32 $0x80, s13;
	p3 =	por !p3, p1;
	s18 =	smul.u32 @!p1 s20, s18  }
0x1f: {  	s20 =	sadd.s32 $0x80, s14;
	s17 =	simm.s32 @!p3 $0x0;
	p3 =	sgt.s32 s21, $0x82  }
0x20: {  	s23 =	smov.u32 s15;
	s19 =	simm.s32 @!p2 $0x0;
	s22 =	smov.u32 @p3 s20  }
0x21: {  	s17 =	smul.u32 @!p1 s17, s18;
	s18 =	sadd.s32 $0x8, s15;
	p2 =	sgt.s32 s22, $0x1FF  }
0x22: {  	s25 =	simm.s32 @!p1 $0x2;
	s21 =	simm.s32 @p3 $0x0;
	s23 =	smov.u32 @p2 s18  }
0x23: {  	s20 =	smov.u32 s12;
	s18 =	sadd.s32 $0x4, s16;
	p3 =	sgt.s32 s23, $0x7F  }
0x24: {  	s12 =	smov.u32 s16;
	s17 =	smul.u32 @!p1 s19, s17;
	s24 =	smov.u32 @p3 s18  }
0x25: {  	s22 =	simm.s32 @p2 $0x0;
	s19 =	smov.u32 s8;
	p2 =	sgt.s32 s24, $0x3  }
0x26: {  	s8 =	smov.u32 s13;
	s24 =	smov.u32 @p2 s5;
	p2 =	sne.s32 s10, $0x82  }
.Ltmp1:
0x27: {  	s13 =	smov.u32 s21;
	s17 =	sand.u32 @!p1 $0x3FFFFFFF, s17;
	(pc) =	sbr.rel @!p2 .LBB1_6-.Ltmp1, $4  }
0x28: {  	s23 =	smov.u32 @p3 s6;
	s18 =	smov.u32 s11;
	s11 =	smov.u32 s15  }
0x29: {  	_ =	swait.ge @!p1 [sflag:s25], s17;
	s26 =	ssub.s32 @!p1 $0x0, s17;
	s17 =	smov.u32 s9  }
0x2a: {  	s9 =	smov.u32 s14;
	s14 =	smov.u32 s22;
	[sflag:s25] =	ssyncset.done @!p1 $0x0  }
0x2b: {  	s15 =	smov.u32 s23;
	[sflag:s25] =	ssyncadd.s32 @!p1 s26;
	s16 =	smov.u32 s24  }
.LBB1_1:
0x2c: {  	p1 =	sgt.u32 s10, $0x7F  }
0x2d: {  	s21 =	sxor.u32 @!p1 $0xFFFFFFFF, s10;
	s22 =	sand.u32 @!p1 $0x78, s13;
	s23 =	sshll.u32 @!p1 s14, $0x8  }
0x2e: {  	s24 =	sshll.u32 @!p1 s13, $0x3;
	s25 =	sshll.u32 @!p1 s14, $0x7;
	s21 =	sshll.u32 @!p1 s21, $0xE  }
0x2f: {  	s23 =	sand.u32 @!p1 $0x1F800, s23;
	s24 =	sand.u32 @!p1 $0x1FC00, s24;
	s21 =	sand.u32 @!p1 $0x4000, s21  }
0x30: {  	s23 =	sadd.s32 @!p1 s23, s24;
	s24 =	sand.u32 @!p1 $0x300, s25;
	s25 =	sand.u32 @!p1 $0x80, s25  }
0x31: {  	s23 =	sor.u32 @!p1 s24, s23;
	s22 =	sor.u32 @!p1 s22, s25;
	s24 =	sshll.u32 @!p1 s16, $0x15  }
0x32: {  	s25 =	sshll.u32 @!p1 s15, $0xE;
	s23 =	sshrl.u32 @!p1 s23, $0x3;
	s24 =	sadd.s32 @!p1 s3, s24  }
0x33: {  	s22 =	sshrl.u32 @!p1 s22, $0x3;
	s24 =	sadd.s32 @!p1 s25, s24;
	s25 =	sand.u32 @!p1 $0x7, s13  }
0x34: {  	s23 =	sand.u32 @!p1 $0x3FE0, s23;
	s22 =	sadd.s32 @!p1 s22, s24;
	s24 =	sshll.u32 @!p1 s25, $0x12  }
0x35: {  	s22 =	sadd.s32 @!p1 s23, s22;
	s23 =	sor.u32 @!p1 $0x400, s24;
	s24 =	simm.s32 @!p1 $0x800  }
0x36: {  	[tilespmem:s21], [sflag:$0x1] =	stream.strided.gather @!p1 [hbm4b:s22+s23], $0x4000, s24, s23, $0x38;
	[tilespmem:$0x10100] =	vst v63  }
0x37: {  	p1 =	seq.s32 s10, $0x0  }
0x38: {  	p2 =	seq.s32 @!p1 s10, $0x81  }
0x39: {  	p1 =	por p1, p2  }
.Ltmp2:
0x3a: {  	_ = 	snop;
	(pc) =	sbr.rel @p1 .LBB1_5-.Ltmp2, $1  }
0x3b: {  	_ =	sdelay $0x3  }
0x3c: {  	s21 =	simm.s32 $0x1  }
0x3d: {  	_ =	swait.ge [sflag:s4], $0x4000;
	s21 =	simm.s32 @!p0 $0x0  }
0x3e: {  	[sflag:s4] =	ssyncset.done $0x0;
	s22 =	sshll.u32 s21, $0xE  }
0x3f: {  	[sflag:s4] =	ssyncadd.s32 $0xFFFFC000;
	s22 =	sor.u32 $0x40, s22  }
0x40: {  	s21 =	smul.u32 $0x10200, s21;
	v0 =	vld [tilespmem:s22+$0x30]  }
0x41: {  	v1 =	vld [tilespmem:s22+$0xFFFFFFD0]  }
0x42: {  	s21 =	sshrl.u32 s21, $0x2;
	v5 =	vld [tilespmem:s22+$0xFFFFFFE0]  }
0x43: {  	v6 =	vld [tilespmem:s22+$0xFFFFFFF0];
	s24 =	sor.u32 $0x8000, s21  }
0x44: {  	s31 =	sand.u32 $0x1, s10;
	v4 =	vld [tilespmem:s22+$0x0];
	s23 =	sadd.s32 $0x0, s24  }
0x45: {  	v3 =	vld [tilespmem:s22+$0x10];
	s21 =	smul.u32 $0x10200, s31;
	[tilespmem:s23+$0x3870 ss:$0x81] =	vst.msk $0xffff, v0  }
0x46: {  	v2 =	vld [tilespmem:s22+$0x20];
	[tilespmem:s23+$0x810 ss:$0x81] =	vst.msk $0xffff, v1  }
0x47: {  	s21 =	sshrl.u32 s21, $0x2;
	v1 =	vld [tilespmem:s22+$0xFFFFFFC0];
	[tilespmem:s23+$0x1020 ss:$0x81] =	vst.msk $0xffff, v5;
	s22 =	sadd.s32 $0x80, s22  }
0x48: {  	s25 =	simm.s32 $0x4;
	s26 =	simm.s32 $0x8;
	s21 =	sor.u32 $0x8000, s21;
	[tilespmem:s23+$0x1830 ss:$0x81] =	vst.msk $0xffff, v6;
	v0 =	vld [tilespmem:s22+$0x30]  }
.LBB1_3:
0x49: {  	p1 =	sne.s32 s26, $0x1FC;
	v5 =	vld [tilespmem:s22+$0xFFFFFFD0];
	[tilespmem:s23+$0x2040 ss:$0x81] =	vst.msk $0xffff, v4  }
0x4a: {  	v6 =	vld [tilespmem:s22+$0xFFFFFFE0];
	[tilespmem:s23+$0x2850 ss:$0x81] =	vst.msk $0xffff, v3  }
0x4b: {  	s27 =	sshra.s32 s25, $0x2;
	s25 =	smov.u32 s26;
	v7 =	vld [tilespmem:s22+$0xFFFFFFF0];
	[tilespmem:s23+$0x3060 ss:$0x81] =	vst.msk $0xffff, v2  }
.Ltmp3:
0x4c: {  	v4 =	vld [tilespmem:s22+$0x0];
	[tilespmem:s23+$0x0 ss:$0x81] =	vst.msk $0xffff, v1;
	s23 =	sadd.s32 s27, s24;
	(pc) =	sbr.rel @p1 .LBB1_3-.Ltmp3, $4  }
0x4d: {  	v3 =	vld [tilespmem:s22+$0x10];
	[tilespmem:s23+$0x3870 ss:$0x81] =	vst.msk $0xffff, v0  }
0x4e: {  	[tilespmem:s23+$0x810 ss:$0x81] =	vst.msk $0xffff, v5;
	v2 =	vld [tilespmem:s22+$0x20]  }
0x4f: {  	v1 =	vld [tilespmem:s22+$0xFFFFFFC0];
	[tilespmem:s23+$0x1020 ss:$0x81] =	vst.msk $0xffff, v6;
	s22 =	sadd.s32 $0x80, s22  }
0x50: {  	s26 =	sadd.s32 $0x4, s26;
	v0 =	vld [tilespmem:s22+$0x30];
	[tilespmem:s23+$0x1830 ss:$0x81] =	vst.msk $0xffff, v7  }
0x51: {  	s26 =	sshll.u32 s11, $0x9  }
0x52: {  	s27 =	sshll.u32 s9, $0x3;
	s25 =	sshra.s32 s25, $0x2;
	p1 =	sgt.s32 s12, $0x3  }
0x53: {  	s28 =	sshra.s32 s12, $0x1F;
	s29 =	smov.u32 s11;
	s30 =	sshra.s32 s11, $0x1F  }
0x54: {  	p3 =	sgt.s32 s9, $0x180;
	s26 =	sand.u32 $0xF000, s26;
	s27 =	sand.u32 $0xFC00, s27  }
0x55: {  	s24 =	sadd.s32 s25, s24;
	s28 =	sand.u32 s28, s12;
	s31 =	sand.u32 s30, s11  }
0x56: {  	s25 =	sadd.s32 s26, s27;
	s26 =	smov.u32 s12;
	s27 =	sshll.u32 s11, $0x7  }
0x57: {  	s26 =	simm.s32 @!p1 $0x3;
	p1 =	sgt.s32 s11, $0x7F;
	s30 =	sand.u32 $0x200, s27  }
0x58: {  	s27 =	sand.u32 $0x180, s27;
	s26 =	ssub.s32 s26, s28;
	s29 =	simm.s32 @!p1 $0x7F  }
0x59: {  	s25 =	sor.u32 s30, s25;
	s28 =	ssub.s32 s29, s31;
	s31 =	sadd.s32 $0xFFFFFFFD, s26  }
0x5a: {  	s29 =	smov.u32 s9;
	s26 =	ssub.s32 $0x4, s26;
	s25 =	sshrl.u32 s25, $0x3  }
0x5b: {  	p2 =	sgt.s32 s31, $0x0;
	s30 =	sadd.s32 $0xFFFFFF81, s28;
	s31 =	sshra.s32 s9, $0x1F  }
0x5c: {  	s29 =	simm.s32 @!p3 $0x180;
	s28 =	ssub.s32 $0x80, s28;
	p1 =	sgt.s32 s30, $0x0  }
0x5d: {  	v5 =	vld [tilespmem:s22+$0xFFFFFFD0];
	[tilespmem:s23+$0x2040 ss:$0x81] =	vst.msk $0xffff, v4;
	s30 =	sand.u32 s31, s9;
	s26 =	simm.s32 @p2 $0x0;
	p2 =	sgt.s32 s8, $0x3  }
0x5e: {  	v58 =	vld [tilespmem:s22+$0xFFFFFFE0];
	[tilespmem:s23+$0x2850 ss:$0x81] =	vst.msk $0xffff, v3;
	s31 =	sshra.s32 s8, $0x1F;
	s29 =	ssub.s32 s29, s30;
	s28 =	simm.s32 @p1 $0x0  }
0x5f: {  	v59 =	vld [tilespmem:s22+$0xFFFFFFF0];
	[tilespmem:s23+$0x3060 ss:$0x81] =	vst.msk $0xffff, v2;
	s31 =	sand.u32 s31, s8;
	s30 =	sadd.s32 $0xFFFFFE80, s29;
	s26 =	smul.u32 s26, s28  }
0x60: {  	v60 =	vld [tilespmem:s22+$0x0];
	[tilespmem:s23+$0x0 ss:$0x81] =	vst.msk $0xffff, v1;
	s28 =	ssub.s32 $0x200, s29;
	p1 =	sgt.s32 s30, $0x7F;
	s30 =	smov.u32 s8  }
0x61: {  	v61 =	vld [tilespmem:s22+$0x10];
	[tilespmem:s24+$0x3870 ss:$0x81] =	vst.msk $0xffff, v0;
	s29 =	sshll.u32 s8, $0xD;
	s30 =	simm.s32 @!p2 $0x3;
	s28 =	simm.s32 @p1 $0x0  }
0x62: {  	v62 =	vld [tilespmem:s22+$0x20];
	[tilespmem:s24+$0x810 ss:$0x81] =	vst.msk $0xffff, v5;
	s23 =	ssub.s32 s30, s31;
	s30 =	sand.u32 $0x78, s9;
	s26 =	smul.u32 s28, s26  }
0x63: {  	v63 =	vld [tilespmem:s22+$0xFFFFFFC0];
	[tilespmem:s24+$0x1020 ss:$0x81] =	vst.msk $0xffff, v58;
	s28 =	smul.u32 $0x106000, s12;
	s31 =	sadd.s32 $0xFFFFFFFD, s23;
	s22 =	ssub.s32 $0x83, s23  }
0x64: {  	[tilespmem:s24+$0x1830 ss:$0x81] =	vst.msk $0xffff, v59;
	s27 =	sor.u32 s30, s27;
	s30 =	sand.u32 $0x7, s9;
	p1 =	sgt.s32 s31, $0x7F  }
.Ltmp4:
0x65: {  	[tilespmem:s24+$0x2040 ss:$0x81] =	vst.msk $0xffff, v60;
	s23 =	sadd.s32 s2, s28;
	s22 =	simm.s32 @p1 $0x0;
	(pc) =	sbr.rel .LBB1_5-.Ltmp4, $4  }
0x66: {  	[tilespmem:s24+$0x2850 ss:$0x81] =	vst.msk $0xffff, v61;
	s27 =	sshrl.u32 s27, $0x3;
	s23 =	sadd.s32 s29, s23;
	s22 =	smul.u32 s22, s26  }
0x67: {  	[tilespmem:s24+$0x3060 ss:$0x81] =	vst.msk $0xffff, v62;
	s25 =	sand.u32 $0x1FC0, s25;
	s23 =	sadd.s32 s27, s23;
	s26 =	sshll.u32 s30, $0x12  }
0x68: {  	[tilespmem:s24+$0x0 ss:$0x81] =	vst.msk $0xffff, v63;
	s23 =	sadd.s32 s25, s23;
	s31 =	sor.u32 $0x80, s26;
	s22 =	sand.u32 $0x3FFFFFFF, s22  }
0x69: {  	[hbm4b:s23+s31] =	stream.strided.scatter [tilespmem:s21], [sflag:$0x2], s22, s7, s31, $0x20;
	[tilespmem:$0x10100] =	vst v63  }
.LBB1_6:
0x6a: {  	_ =	sfence.sel $0x180000  }
0x6b: {  	s2 =	simm.s32 $0x1;
	[bflag:$0x0] =	sbarrier.arrive $0xFFFF  }
0x6c: {  	s31 =	simm.s32 $0x2;
	[sflag:s2] =	ssyncpa.u1 $0x1  }
0x6d: {  	[sflag:s31] =	ssyncpa.u1 $0x1  }
0x6e: {  	p0 =	sne.s32 s1, $0x0;
	_ =	strace $0x9000004A  }
0x6f: {  	s0 =	sadd.s32 @!p0 $0x100000, s0;
	[bflag:$0x2] =	sbarrier.arrive $0xFFFF  }
0x70: {  	[sflag:s0] =	ssyncadd.tile.s32 @!p0 $0x1;
	_ =	shalt  }
.Lfunc_end1:
_tile_overlayer_lowered:
.L_overlay_start_2:
0x71: {  	(tag) =	ssettag $0x2  }
0x72: {  	s0 =	rddreg [dreg:$0x0];
	s2 =	stileid.u32  }
0x73: {  	s1 =	rddreg [dreg:$0x1];
	p0 =	sne.s32 s2, $0x0  }
0x74: {  	s3 =	rddreg [dreg:$0x2];
	[bflag:$0x3] =	sbarrier.arrive $0xFFFF;
	s2 =	simm.s32 @!p0 $0x1C01  }
0x75: {  	[timem:s3], [sflag:s2] =	dma.local @!p0 [hbm:s0], s1  }
0x76: {  	s0 =	simm.s32 @!p0 $0x1  }
0x77: {  	_ =	swait.ge @!p0 [sflag:s0], s1  }
0x78: {  	s1 =	ssub.s32 @!p0 $0x0, s1;
	[sflag:s0] =	ssyncset.done @!p0 $0x0  }
0x79: {  	[sflag:s0] =	ssyncadd.s32 @!p0 s1  }
0x7a: {  	[bflag:$0x3] =	sbarrier.arrive $0xFFFF  }
0x7b: {  	_ =	shalt  }

</sc_bundles>
